<compile_context>
chip_gen: v7x
topology: tpu7x:2x2x1
jax: 0.10.2.dev20260603
libtpu: 0.0.44.dev20260713+nightly
codegen_flags: <defaults>
</compile_context>

<pallas_src>
import functools

import jax
import jax.numpy as jnp
from jax import lax
from jax.experimental import pallas as pl
from jax.experimental.pallas import tpu as pltpu
from jax.experimental.pallas import tpu_sc as plsc

N = 10000
E = 320000
D = 128
DOUT = 64

NC = 2
NS = 16
LW = 128
RPT = 80
EP_ROWS = NC * NS * RPT
EP = EP_ROWS * LW
NH = 10240
NPS = NH // NS
NPAD = NH - N

_mesh = plsc.VectorSubcoreMesh(
    core_axis_name="c", subcore_axis_name="s", num_cores=NC, num_subcores=NS
)


@functools.partial(
    pl.kernel,
    out_type=jax.ShapeDtypeStruct((NC, NH, D), jnp.float32),
    mesh=_mesh,
    scratch_types=[
        pltpu.VMEM((RPT // 2, LW), jnp.int32),
        pltpu.VMEM((RPT // 2, LW), jnp.int32),
        pltpu.VMEM((LW, D), jnp.float32),
        pltpu.VMEM((LW, D), jnp.float32),
        pltpu.VMEM_SHARED((NH, D), jnp.float32),
        pltpu.SemaphoreType.DMA,
        pltpu.SemaphoreType.DMA,
    ],
)
def _sc_aggregate(h_hbm, src2d, dst2d, zeros_hbm, out_hbm,
                  idx_s, idx_d, rows0, rows1, acc, sem0, sem1):
    c = lax.axis_index("c")
    s = lax.axis_index("s")
    hrpt = RPT // 2
    zcp = pltpu.async_copy(zeros_hbm, acc.at[pl.ds(s * NPS, NPS)], sem0)
    base = (c * NS + s) * RPT
    pltpu.sync_copy(src2d.at[pl.ds(base, hrpt)], idx_s)
    pltpu.sync_copy(dst2d.at[pl.ds(base, hrpt)], idx_d)
    zcp.wait()
    plsc.subcore_barrier()

    bufs = ((rows0, sem0), (rows1, sem1))
    for half in range(2):
        if half:
            pltpu.sync_copy(src2d.at[pl.ds(base + half * hrpt, hrpt)], idx_s)
            pltpu.sync_copy(dst2d.at[pl.ds(base + half * hrpt, hrpt)], idx_d)
        pltpu.async_copy(h_hbm.at[idx_s.at[0]], rows0, sem0)
        pltpu.async_copy(h_hbm.at[idx_s.at[1]], rows1, sem1)

        def body(k, carry):
            for b in range(2):
                i = 2 * k + b
                rows, sem = bufs[b]
                pltpu.make_async_copy(h_hbm.at[idx_s.at[i]], rows, sem).wait()
                pltpu.sync_copy(rows, acc.at[idx_d.at[i]], add=True)
                pltpu.async_copy(h_hbm.at[idx_s.at[i + 2]], rows, sem)
            return carry

        lax.fori_loop(0, hrpt // 2 - 1, body, 0)
        for b in range(2):
            i = hrpt - 2 + b
            rows, sem = bufs[b]
            pltpu.make_async_copy(h_hbm.at[idx_s.at[i]], rows, sem).wait()
            pltpu.sync_copy(rows, acc.at[idx_d.at[i]], add=True)

    plsc.subcore_barrier()
    pltpu.sync_copy(acc.at[pl.ds(s * NPS, NPS)],
                    out_hbm.at[c, pl.ds(s * NPS, NPS)])


def _tc_pre_body(feat_ref, dega_ref, degb_ref, w_ref, out_ref, nrm_ref):
    deg_i = dega_ref[0, :N, :1] + dega_ref[1, :N, :1]
    deg_o = degb_ref[0, :N, 64:65] + degb_ref[1, :N, 64:65]
    ns = lax.rsqrt(jnp.maximum(deg_o, 1.0))
    nd = lax.rsqrt(jnp.maximum(deg_i, 1.0))
    nrm_ref[...] = jnp.concatenate(
        [ns, nd, jnp.zeros((N, 6), jnp.float32)], axis=1)
    out_ref[:N, :] = jnp.dot(feat_ref[...] * ns, w_ref[...],
                             preferred_element_type=jnp.float32)
    out_ref[N:, :] = jnp.zeros((NPAD, D), jnp.float32)


def _tc_mid_body(aggp_ref, nrm_ref, b_ref, w_ref, out_ref):
    ns = nrm_ref[:, 0:1]
    nd = nrm_ref[:, 1:2]
    agg = aggp_ref[0, :N] + aggp_ref[1, :N]
    x = jnp.maximum(agg * nd + b_ref[...], 0.0)
    out_ref[:N, :] = jnp.dot(x * ns, w_ref[...],
                             preferred_element_type=jnp.float32)
    out_ref[N:, :] = jnp.zeros((NPAD, D), jnp.float32)


def _tc_fin_body(aggp_ref, nrm_ref, b_ref, wf_ref, bf_ref, out_ref):
    nd = nrm_ref[:, 1:2]
    agg = aggp_ref[0, :N] + aggp_ref[1, :N]
    x = jnp.maximum(agg * nd + b_ref[...], 0.0)
    ssum = jnp.sum(x, axis=0, keepdims=True)
    out_ref[...] = (jnp.dot(ssum, wf_ref[...],
                            preferred_element_type=jnp.float32)
                    * (1.0 / N) + bf_ref[...])


_tc_pre = pl.pallas_call(
    _tc_pre_body, out_shape=(jax.ShapeDtypeStruct((NH, D), jnp.float32),
                             jax.ShapeDtypeStruct((N, 8), jnp.float32)))
_tc_mid = pl.pallas_call(
    _tc_mid_body, out_shape=jax.ShapeDtypeStruct((NH, D), jnp.float32))
_tc_fin = pl.pallas_call(
    _tc_fin_body, out_shape=jax.ShapeDtypeStruct((1, DOUT), jnp.float32))


def kernel(features, edge_index, W1, b1, W2, b2, W3, b3, Wf, bf):
    pad_idx = (N + jnp.arange(EP - E, dtype=jnp.int32) % NPAD)
    src2d = jnp.concatenate([edge_index[0], pad_idx]).reshape(EP_ROWS, LW)
    dst2d = jnp.concatenate([edge_index[1], pad_idx]).reshape(EP_ROWS, LW)
    zerosD = jnp.zeros((NPS, D), jnp.float32)
    t_lo = jnp.concatenate(
        [jnp.ones((NH, 64), jnp.float32), jnp.zeros((NH, 64), jnp.float32)], 1)
    t_hi = jnp.concatenate(
        [jnp.zeros((NH, 64), jnp.float32), jnp.ones((NH, 64), jnp.float32)], 1)

    dega = _sc_aggregate(t_lo, src2d, dst2d, zerosD)
    degb = _sc_aggregate(t_hi, dst2d, src2d, zerosD)
    h, nrm = _tc_pre(features, dega, degb, W1)
    aggp = _sc_aggregate(h, src2d, dst2d, zerosD)
    h = _tc_mid(aggp, nrm, b1.reshape(1, D), W2)
    aggp = _sc_aggregate(h, src2d, dst2d, zerosD)
    h = _tc_mid(aggp, nrm, b2.reshape(1, D), W3)
    aggp = _sc_aggregate(h, src2d, dst2d, zerosD)
    out = _tc_fin(aggp, nrm, b3.reshape(1, D), Wf, bf.reshape(1, DOUT))
    return out.reshape(DOUT)

# --- scband reference (transcript-rebuilt; emitter-appended) ---
"""Pipeline reference for scband-gcn-29429115912786 (READ-ONLY COPY).

The authoritative reference and input builder live on the scoring server;
editing this copy changes nothing except your own understanding.
"""

import jax, jax.numpy as jnp
import numpy as np

N = 10000
E = 320000
D_IN = 128
H1 = 128
H2 = 128
H3 = 128
D_OUT = 64


def setup_inputs(seed: int = 0) -> dict:
    key = jax.random.key(seed)
    ks = jax.random.split(key, 12)
    features = jax.random.normal(ks[0], (N, D_IN), dtype=jnp.float32)
    edge_index = jax.random.randint(ks[1], (2, E), 0, N, dtype=jnp.int32)
    W1 = jax.random.normal(ks[2], (D_IN, H1), dtype=jnp.float32) * (1.0 / np.sqrt(D_IN))
    b1 = jnp.zeros((H1,), dtype=jnp.float32)
    W2 = jax.random.normal(ks[3], (H1, H2), dtype=jnp.float32) * (1.0 / np.sqrt(H1))
    b2 = jnp.zeros((H2,), dtype=jnp.float32)
    W3 = jax.random.normal(ks[4], (H2, H3), dtype=jnp.float32) * (1.0 / np.sqrt(H2))
    b3 = jnp.zeros((H3,), dtype=jnp.float32)
    Wf = jax.random.normal(ks[5], (H3, D_OUT), dtype=jnp.float32) * (1.0 / np.sqrt(H3))
    bf = jnp.zeros((D_OUT,), dtype=jnp.float32)
    return {"features": features, "edge_index": edge_index, "W1": W1, "b1": b1,
            "W2": W2, "b2": b2, "W3": W3, "b3": b3, "Wf": Wf, "bf": bf}


def _gcn_layer(x, W, b, src, dst):
    # GraphConv with symmetric ('both') normalization: D_out^{-1/2} A D_in^{-1/2} X W + b
    ones = jnp.ones((E,), dtype=x.dtype)
    deg_out = jax.ops.segment_sum(ones, src, num_segments=N)
    deg_in = jax.ops.segment_sum(ones, dst, num_segments=N)
    norm_src = jax.lax.rsqrt(jnp.clip(deg_out, 1.0))
    norm_dst = jax.lax.rsqrt(jnp.clip(deg_in, 1.0))
    h = x * norm_src[:, None]
    h = h @ W
    msgs = jnp.take(h, src, axis=0)
    agg = jax.ops.segment_sum(msgs, dst, num_segments=N)
    return agg * norm_dst[:, None] + b


def reference(features, edge_index, W1, b1, W2, b2, W3, b3, Wf, bf):
    src = edge_index[0]
    dst = edge_index[1]
    h = jax.nn.relu(_gcn_layer(features, W1, b1, src, dst))
    h = jax.nn.relu(_gcn_layer(h, W2, b2, src, dst))
    h = jax.nn.relu(_gcn_layer(h, W3, b3, src, dst))
    out = h @ Wf + bf
    return jnp.mean(out, axis=0)

if __name__ == "__main__":
    import jax
    _d = setup_inputs()
    print(jax.jit(kernel)(*tuple(_d.values())))

</pallas_src>

<mosaic_0001>
#map = affine_map<(d0, d1) -> (0, 0)>
#map1 = affine_map<(d0, d1) -> (0, 0, 0)>
module attributes {stable_mosaic.version = 14 : i64} {
  func.func @_sc_aggregate(%arg0: i32, %arg1: i32, %arg2: memref<10240x128xf32, #tpu.memory_space<hbm>>, %arg3: memref<2560x128xi32, #tpu.memory_space<hbm>>, %arg4: memref<2560x128xi32, #tpu.memory_space<hbm>>, %arg5: memref<640x128xf32, #tpu.memory_space<hbm>>, %arg6: memref<2x10240x128xf32, #tpu.memory_space<hbm>>, %arg7: memref<40x128xi32, #tpu.memory_space<vmem>>, %arg8: memref<40x128xi32, #tpu.memory_space<vmem>>, %arg9: memref<128x128xf32, #tpu.memory_space<vmem>>, %arg10: memref<128x128xf32, #tpu.memory_space<vmem>>, %arg11: memref<10240x128xf32, #tpu.memory_space<vmem_shared>>, %arg12: memref<!tpu.dma_semaphore, #tpu.memory_space<semaphore_mem>>, %arg13: memref<!tpu.dma_semaphore, #tpu.memory_space<semaphore_mem>>) attributes {dimension_semantics = [#tpu.dimension_semantics<core_parallel>, #tpu.dimension_semantics<subcore_parallel>], iteration_bounds = array<i64: 2, 16>, scalar_prefetch = 0 : i64, scratch_operands = 7 : i64, tpu.core_type = #tpu.core_type<sc_vector_subcore>, window_params = [{transform_indices = #map}, {transform_indices = #map}, {transform_indices = #map}, {transform_indices = #map}, {transform_indices = #map1}]} {
    %mul3A = arith.constant 640 : i32
    %mul3A_0 = arith.muli %arg1, %mul3A : i32
    %dma_start3A = arith.constant 0 : i32
    %dma_start3A_1 = tpu.memref_slice %arg11[%mul3A_0, %dma_start3A] : memref<10240x128xf32, #tpu.memory_space<vmem_shared>> -> memref<640x128xf32, #tpu.memory_space<vmem_shared>>
    tpu.enqueue_dma source(%arg5 : memref<640x128xf32, #tpu.memory_space<hbm>>) target(%dma_start3A_1 : memref<640x128xf32, #tpu.memory_space<vmem_shared>>) target_semaphore(%arg12 : memref<!tpu.dma_semaphore, #tpu.memory_space<semaphore_mem>>)
    %mul3A_2 = arith.constant 16 : i32
    %mul3A_3 = arith.muli %arg0, %mul3A_2 : i32
    %add3A = arith.addi %mul3A_3, %arg1 : i32
    %mul3A_4 = arith.constant 80 : i32
    %mul3A_5 = arith.muli %add3A, %mul3A_4 : i32
    "tpu.region"() ({
      %run_scoped3A_86 = tpu.sem_alloc : memref<!tpu.dma_semaphore, #tpu.memory_space<semaphore_mem>>
      %dma_start3A_87 = arith.constant 0 : i32
      %dma_start3A_88 = tpu.memref_slice %arg3[%mul3A_5, %dma_start3A_87] : memref<2560x128xi32, #tpu.memory_space<hbm>> -> memref<40x128xi32, #tpu.memory_space<hbm>>
      %dma_start3A_89 = arith.constant 0 : i32
      %dma_start3A_90 = tpu.memref_slice %arg3[%mul3A_5, %dma_start3A_89] : memref<2560x128xi32, #tpu.memory_space<hbm>> -> memref<40x128xi32, #tpu.memory_space<hbm>>
      tpu.enqueue_dma source(%dma_start3A_90 : memref<40x128xi32, #tpu.memory_space<hbm>>) target(%arg7 : memref<40x128xi32, #tpu.memory_space<vmem>>) target_semaphore(%run_scoped3A_86 : memref<!tpu.dma_semaphore, #tpu.memory_space<semaphore_mem>>)
      %dma_wait3A_91 = arith.constant 0 : i32
      %dma_wait3A_92 = tpu.memref_slice %arg3[%mul3A_5, %dma_wait3A_91] : memref<2560x128xi32, #tpu.memory_space<hbm>> -> memref<40x128xi32, #tpu.memory_space<hbm>>
      %dma_wait3A_93 = arith.constant 0 : i32
      %dma_wait3A_94 = tpu.memref_slice %arg3[%mul3A_5, %dma_wait3A_93] : memref<2560x128xi32, #tpu.memory_space<hbm>> -> memref<40x128xi32, #tpu.memory_space<hbm>>
      tpu.wait_dma2 semaphore(%run_scoped3A_86 : memref<!tpu.dma_semaphore, #tpu.memory_space<semaphore_mem>>) src(%dma_wait3A_94 : memref<40x128xi32, #tpu.memory_space<hbm>>) dst(%arg7 : memref<40x128xi32, #tpu.memory_space<vmem>>)
      tpu.yield
    }) : () -> ()
    "tpu.region"() ({
      %run_scoped3A_86 = tpu.sem_alloc : memref<!tpu.dma_semaphore, #tpu.memory_space<semaphore_mem>>
      %dma_start3A_87 = arith.constant 0 : i32
      %dma_start3A_88 = tpu.memref_slice %arg4[%mul3A_5, %dma_start3A_87] : memref<2560x128xi32, #tpu.memory_space<hbm>> -> memref<40x128xi32, #tpu.memory_space<hbm>>
      %dma_start3A_89 = arith.constant 0 : i32
      %dma_start3A_90 = tpu.memref_slice %arg4[%mul3A_5, %dma_start3A_89] : memref<2560x128xi32, #tpu.memory_space<hbm>> -> memref<40x128xi32, #tpu.memory_space<hbm>>
      tpu.enqueue_dma source(%dma_start3A_90 : memref<40x128xi32, #tpu.memory_space<hbm>>) target(%arg8 : memref<40x128xi32, #tpu.memory_space<vmem>>) target_semaphore(%run_scoped3A_86 : memref<!tpu.dma_semaphore, #tpu.memory_space<semaphore_mem>>)
      %dma_wait3A_91 = arith.constant 0 : i32
      %dma_wait3A_92 = tpu.memref_slice %arg4[%mul3A_5, %dma_wait3A_91] : memref<2560x128xi32, #tpu.memory_space<hbm>> -> memref<40x128xi32, #tpu.memory_space<hbm>>
      %dma_wait3A_93 = arith.constant 0 : i32
      %dma_wait3A_94 = tpu.memref_slice %arg4[%mul3A_5, %dma_wait3A_93] : memref<2560x128xi32, #tpu.memory_space<hbm>> -> memref<40x128xi32, #tpu.memory_space<hbm>>
      tpu.wait_dma2 semaphore(%run_scoped3A_86 : memref<!tpu.dma_semaphore, #tpu.memory_space<semaphore_mem>>) src(%dma_wait3A_94 : memref<40x128xi32, #tpu.memory_space<hbm>>) dst(%arg8 : memref<40x128xi32, #tpu.memory_space<vmem>>)
      tpu.yield
    }) : () -> ()
    %dma_wait3A = arith.constant 0 : i32
    %dma_wait3A_6 = tpu.memref_slice %arg11[%mul3A_0, %dma_wait3A] : memref<10240x128xf32, #tpu.memory_space<vmem_shared>> -> memref<640x128xf32, #tpu.memory_space<vmem_shared>>
    tpu.wait_dma2 semaphore(%arg12 : memref<!tpu.dma_semaphore, #tpu.memory_space<semaphore_mem>>) src(%arg5 : memref<640x128xf32, #tpu.memory_space<hbm>>) dst(%dma_wait3A_6 : memref<640x128xf32, #tpu.memory_space<vmem_shared>>)
    %barrier3A = arith.constant 0 : index
    tpu.barrier barrier_id(%barrier3A)
    %dma_start3A_7 = arith.constant 0 : i32
    %dma_start3A_8 = arith.constant 0 : i32
    %dma_start3A_9 = tpu.memref_slice %arg7[%dma_start3A_7, %dma_start3A_8] : memref<40x128xi32, #tpu.memory_space<vmem>> -> memref<1x128xi32, #tpu.memory_space<vmem>>
    %dma_start3A_10 = tpu.memref_squeeze %dma_start3A_9 : memref<1x128xi32, #tpu.memory_space<vmem>> -> memref<128xi32, #tpu.memory_space<vmem>>
    %dma_start3A_11 = arith.constant 0 : i32
    %dma_start3A_12 = arith.constant 0 : i32
    %dma_start3A_13 = tpu.memref_slice %arg2[%dma_start3A_11, %dma_start3A_12] : memref<10240x128xf32, #tpu.memory_space<hbm>> -> memref<10240x128xf32, #tpu.memory_space<hbm>>
    tpu.enqueue_indirect_dma source(%dma_start3A_13 : memref<10240x128xf32, #tpu.memory_space<hbm>>) target(%arg9 : memref<128x128xf32, #tpu.memory_space<vmem>>) offsets(%dma_start3A_10 : memref<128xi32, #tpu.memory_space<vmem>>) semaphore(%arg12 : memref<!tpu.dma_semaphore, #tpu.memory_space<semaphore_mem>>)
    %dma_start3A_14 = arith.constant 1 : i32
    %dma_start3A_15 = arith.constant 0 : i32
    %dma_start3A_16 = tpu.memref_slice %arg7[%dma_start3A_14, %dma_start3A_15] : memref<40x128xi32, #tpu.memory_space<vmem>> -> memref<1x128xi32, #tpu.memory_space<vmem>>
    %dma_start3A_17 = tpu.memref_squeeze %dma_start3A_16 : memref<1x128xi32, #tpu.memory_space<vmem>> -> memref<128xi32, #tpu.memory_space<vmem>>
    %dma_start3A_18 = arith.constant 0 : i32
    %dma_start3A_19 = arith.constant 0 : i32
    %dma_start3A_20 = tpu.memref_slice %arg2[%dma_start3A_18, %dma_start3A_19] : memref<10240x128xf32, #tpu.memory_space<hbm>> -> memref<10240x128xf32, #tpu.memory_space<hbm>>
    tpu.enqueue_indirect_dma source(%dma_start3A_20 : memref<10240x128xf32, #tpu.memory_space<hbm>>) target(%arg10 : memref<128x128xf32, #tpu.memory_space<vmem>>) offsets(%dma_start3A_17 : memref<128xi32, #tpu.memory_space<vmem>>) semaphore(%arg13 : memref<!tpu.dma_semaphore, #tpu.memory_space<semaphore_mem>>)
    %scan3A = arith.constant 0 : i32
    %scan3A_21 = arith.constant 0 : i32
    %scan3A_22 = arith.constant 19 : i32
    %scan3A_23 = arith.addi %scan3A_21, %scan3A_22 : i32
    %scan3A_24 = arith.constant 1 : i32
    scf.for %scan3A_86 = %scan3A_21 to %scan3A_23 step %scan3A_24  : i32 {
      %mul3A_87 = arith.constant 2 : i32
      %mul3A_88 = arith.muli %mul3A_87, %scan3A_86 : i32
      %add3A_89 = arith.constant 0 : i32
      %add3A_90 = arith.addi %mul3A_88, %add3A_89 : i32
      %dma_wait3A_91 = arith.constant 0 : i32
      %dma_wait3A_92 = tpu.memref_slice %arg7[%add3A_90, %dma_wait3A_91] : memref<40x128xi32, #tpu.memory_space<vmem>> -> memref<1x128xi32, #tpu.memory_space<vmem>>
      %dma_wait3A_93 = tpu.memref_squeeze %dma_wait3A_92 : memref<1x128xi32, #tpu.memory_space<vmem>> -> memref<128xi32, #tpu.memory_space<vmem>>
      %dma_wait3A_94 = arith.constant 0 : i32
      %dma_wait3A_95 = arith.constant 0 : i32
      %dma_wait3A_96 = tpu.memref_slice %arg2[%dma_wait3A_94, %dma_wait3A_95] : memref<10240x128xf32, #tpu.memory_space<hbm>> -> memref<10240x128xf32, #tpu.memory_space<hbm>>
      tpu.wait_indirect_dma semaphore(%arg12 : memref<!tpu.dma_semaphore, #tpu.memory_space<semaphore_mem>>) src(%dma_wait3A_96 : memref<10240x128xf32, #tpu.memory_space<hbm>>) dst(%arg9 : memref<128x128xf32, #tpu.memory_space<vmem>>)
      "tpu.region"() ({
        %run_scoped3A_123 = tpu.sem_alloc : memref<!tpu.dma_semaphore, #tpu.memory_space<semaphore_mem>>
        %dma_start3A_124 = arith.constant 0 : i32
        %dma_start3A_125 = tpu.memref_slice %arg8[%add3A_90, %dma_start3A_124] : memref<40x128xi32, #tpu.memory_space<vmem>> -> memref<1x128xi32, #tpu.memory_space<vmem>>
        %dma_start3A_126 = tpu.memref_squeeze %dma_start3A_125 : memref<1x128xi32, #tpu.memory_space<vmem>> -> memref<128xi32, #tpu.memory_space<vmem>>
        %dma_start3A_127 = arith.constant 0 : i32
        %dma_start3A_128 = arith.constant 0 : i32
        %dma_start3A_129 = tpu.memref_slice %arg11[%dma_start3A_127, %dma_start3A_128] : memref<10240x128xf32, #tpu.memory_space<vmem_shared>> -> memref<10240x128xf32, #tpu.memory_space<vmem_shared>>
        tpu.enqueue_indirect_dma source(%arg9 : memref<128x128xf32, #tpu.memory_space<vmem>>) target(%dma_start3A_129 : memref<10240x128xf32, #tpu.memory_space<vmem_shared>>) offsets(%dma_start3A_126 : memref<128xi32, #tpu.memory_space<vmem>>) semaphore(%run_scoped3A_123 : memref<!tpu.dma_semaphore, #tpu.memory_space<semaphore_mem>>) {add = true}
        %dma_wait3A_130 = arith.constant 0 : i32
        %dma_wait3A_131 = tpu.memref_slice %arg8[%add3A_90, %dma_wait3A_130] : memref<40x128xi32, #tpu.memory_space<vmem>> -> memref<1x128xi32, #tpu.memory_space<vmem>>
        %dma_wait3A_132 = tpu.memref_squeeze %dma_wait3A_131 : memref<1x128xi32, #tpu.memory_space<vmem>> -> memref<128xi32, #tpu.memory_space<vmem>>
        %dma_wait3A_133 = arith.constant 0 : i32
        %dma_wait3A_134 = arith.constant 0 : i32
        %dma_wait3A_135 = tpu.memref_slice %arg11[%dma_wait3A_133, %dma_wait3A_134] : memref<10240x128xf32, #tpu.memory_space<vmem_shared>> -> memref<10240x128xf32, #tpu.memory_space<vmem_shared>>
        tpu.wait_indirect_dma semaphore(%run_scoped3A_123 : memref<!tpu.dma_semaphore, #tpu.memory_space<semaphore_mem>>) src(%arg9 : memref<128x128xf32, #tpu.memory_space<vmem>>) dst(%dma_wait3A_135 : memref<10240x128xf32, #tpu.memory_space<vmem_shared>>)
        tpu.yield
      }) : () -> ()
      %add3A_97 = arith.constant 2 : i32
      %add3A_98 = arith.addi %add3A_90, %add3A_97 : i32
      %dma_start3A_99 = arith.constant 0 : i32
      %dma_start3A_100 = tpu.memref_slice %arg7[%add3A_98, %dma_start3A_99] : memref<40x128xi32, #tpu.memory_space<vmem>> -> memref<1x128xi32, #tpu.memory_space<vmem>>
      %dma_start3A_101 = tpu.memref_squeeze %dma_start3A_100 : memref<1x128xi32, #tpu.memory_space<vmem>> -> memref<128xi32, #tpu.memory_space<vmem>>
      %dma_start3A_102 = arith.constant 0 : i32
      %dma_start3A_103 = arith.constant 0 : i32
      %dma_start3A_104 = tpu.memref_slice %arg2[%dma_start3A_102, %dma_start3A_103] : memref<10240x128xf32, #tpu.memory_space<hbm>> -> memref<10240x128xf32, #tpu.memory_space<hbm>>
      tpu.enqueue_indirect_dma source(%dma_start3A_104 : memref<10240x128xf32, #tpu.memory_space<hbm>>) target(%arg9 : memref<128x128xf32, #tpu.memory_space<vmem>>) offsets(%dma_start3A_101 : memref<128xi32, #tpu.memory_space<vmem>>) semaphore(%arg12 : memref<!tpu.dma_semaphore, #tpu.memory_space<semaphore_mem>>)
      %mul3A_105 = arith.constant 2 : i32
      %mul3A_106 = arith.muli %mul3A_105, %scan3A_86 : i32
      %add3A_107 = arith.constant 1 : i32
      %add3A_108 = arith.addi %mul3A_106, %add3A_107 : i32
      %dma_wait3A_109 = arith.constant 0 : i32
      %dma_wait3A_110 = tpu.memref_slice %arg7[%add3A_108, %dma_wait3A_109] : memref<40x128xi32, #tpu.memory_space<vmem>> -> memref<1x128xi32, #tpu.memory_space<vmem>>
      %dma_wait3A_111 = tpu.memref_squeeze %dma_wait3A_110 : memref<1x128xi32, #tpu.memory_space<vmem>> -> memref<128xi32, #tpu.memory_space<vmem>>
      %dma_wait3A_112 = arith.constant 0 : i32
      %dma_wait3A_113 = arith.constant 0 : i32
      %dma_wait3A_114 = tpu.memref_slice %arg2[%dma_wait3A_112, %dma_wait3A_113] : memref<10240x128xf32, #tpu.memory_space<hbm>> -> memref<10240x128xf32, #tpu.memory_space<hbm>>
      tpu.wait_indirect_dma semaphore(%arg13 : memref<!tpu.dma_semaphore, #tpu.memory_space<semaphore_mem>>) src(%dma_wait3A_114 : memref<10240x128xf32, #tpu.memory_space<hbm>>) dst(%arg10 : memref<128x128xf32, #tpu.memory_space<vmem>>)
      "tpu.region"() ({
        %run_scoped3A_123 = tpu.sem_alloc : memref<!tpu.dma_semaphore, #tpu.memory_space<semaphore_mem>>
        %dma_start3A_124 = arith.constant 0 : i32
        %dma_start3A_125 = tpu.memref_slice %arg8[%add3A_108, %dma_start3A_124] : memref<40x128xi32, #tpu.memory_space<vmem>> -> memref<1x128xi32, #tpu.memory_space<vmem>>
        %dma_start3A_126 = tpu.memref_squeeze %dma_start3A_125 : memref<1x128xi32, #tpu.memory_space<vmem>> -> memref<128xi32, #tpu.memory_space<vmem>>
        %dma_start3A_127 = arith.constant 0 : i32
        %dma_start3A_128 = arith.constant 0 : i32
        %dma_start3A_129 = tpu.memref_slice %arg11[%dma_start3A_127, %dma_start3A_128] : memref<10240x128xf32, #tpu.memory_space<vmem_shared>> -> memref<10240x128xf32, #tpu.memory_space<vmem_shared>>
        tpu.enqueue_indirect_dma source(%arg10 : memref<128x128xf32, #tpu.memory_space<vmem>>) target(%dma_start3A_129 : memref<10240x128xf32, #tpu.memory_space<vmem_shared>>) offsets(%dma_start3A_126 : memref<128xi32, #tpu.memory_space<vmem>>) semaphore(%run_scoped3A_123 : memref<!tpu.dma_semaphore, #tpu.memory_space<semaphore_mem>>) {add = true}
        %dma_wait3A_130 = arith.constant 0 : i32
        %dma_wait3A_131 = tpu.memref_slice %arg8[%add3A_108, %dma_wait3A_130] : memref<40x128xi32, #tpu.memory_space<vmem>> -> memref<1x128xi32, #tpu.memory_space<vmem>>
        %dma_wait3A_132 = tpu.memref_squeeze %dma_wait3A_131 : memref<1x128xi32, #tpu.memory_space<vmem>> -> memref<128xi32, #tpu.memory_space<vmem>>
        %dma_wait3A_133 = arith.constant 0 : i32
        %dma_wait3A_134 = arith.constant 0 : i32
        %dma_wait3A_135 = tpu.memref_slice %arg11[%dma_wait3A_133, %dma_wait3A_134] : memref<10240x128xf32, #tpu.memory_space<vmem_shared>> -> memref<10240x128xf32, #tpu.memory_space<vmem_shared>>
        tpu.wait_indirect_dma semaphore(%run_scoped3A_123 : memref<!tpu.dma_semaphore, #tpu.memory_space<semaphore_mem>>) src(%arg10 : memref<128x128xf32, #tpu.memory_space<vmem>>) dst(%dma_wait3A_135 : memref<10240x128xf32, #tpu.memory_space<vmem_shared>>)
        tpu.yield
      }) : () -> ()
      %add3A_115 = arith.constant 2 : i32
      %add3A_116 = arith.addi %add3A_108, %add3A_115 : i32
      %dma_start3A_117 = arith.constant 0 : i32
      %dma_start3A_118 = tpu.memref_slice %arg7[%add3A_116, %dma_start3A_117] : memref<40x128xi32, #tpu.memory_space<vmem>> -> memref<1x128xi32, #tpu.memory_space<vmem>>
      %dma_start3A_119 = tpu.memref_squeeze %dma_start3A_118 : memref<1x128xi32, #tpu.memory_space<vmem>> -> memref<128xi32, #tpu.memory_space<vmem>>
      %dma_start3A_120 = arith.constant 0 : i32
      %dma_start3A_121 = arith.constant 0 : i32
      %dma_start3A_122 = tpu.memref_slice %arg2[%dma_start3A_120, %dma_start3A_121] : memref<10240x128xf32, #tpu.memory_space<hbm>> -> memref<10240x128xf32, #tpu.memory_space<hbm>>
      tpu.enqueue_indirect_dma source(%dma_start3A_122 : memref<10240x128xf32, #tpu.memory_space<hbm>>) target(%arg10 : memref<128x128xf32, #tpu.memory_space<vmem>>) offsets(%dma_start3A_119 : memref<128xi32, #tpu.memory_space<vmem>>) semaphore(%arg13 : memref<!tpu.dma_semaphore, #tpu.memory_space<semaphore_mem>>)
    }
    %scan3A_25 = arith.constant 19 : i32
    %dma_wait3A_26 = arith.constant 38 : i32
    %dma_wait3A_27 = arith.constant 0 : i32
    %dma_wait3A_28 = tpu.memref_slice %arg7[%dma_wait3A_26, %dma_wait3A_27] : memref<40x128xi32, #tpu.memory_space<vmem>> -> memref<1x128xi32, #tpu.memory_space<vmem>>
    %dma_wait3A_29 = tpu.memref_squeeze %dma_wait3A_28 : memref<1x128xi32, #tpu.memory_space<vmem>> -> memref<128xi32, #tpu.memory_space<vmem>>
    %dma_wait3A_30 = arith.constant 0 : i32
    %dma_wait3A_31 = arith.constant 0 : i32
    %dma_wait3A_32 = tpu.memref_slice %arg2[%dma_wait3A_30, %dma_wait3A_31] : memref<10240x128xf32, #tpu.memory_space<hbm>> -> memref<10240x128xf32, #tpu.memory_space<hbm>>
    tpu.wait_indirect_dma semaphore(%arg12 : memref<!tpu.dma_semaphore, #tpu.memory_space<semaphore_mem>>) src(%dma_wait3A_32 : memref<10240x128xf32, #tpu.memory_space<hbm>>) dst(%arg9 : memref<128x128xf32, #tpu.memory_space<vmem>>)
    %run_scoped3A = arith.constant 38 : i32
    "tpu.region"() ({
      %run_scoped3A_86 = tpu.sem_alloc : memref<!tpu.dma_semaphore, #tpu.memory_space<semaphore_mem>>
      %dma_start3A_87 = arith.constant 0 : i32
      %dma_start3A_88 = tpu.memref_slice %arg8[%run_scoped3A, %dma_start3A_87] : memref<40x128xi32, #tpu.memory_space<vmem>> -> memref<1x128xi32, #tpu.memory_space<vmem>>
      %dma_start3A_89 = tpu.memref_squeeze %dma_start3A_88 : memref<1x128xi32, #tpu.memory_space<vmem>> -> memref<128xi32, #tpu.memory_space<vmem>>
      %dma_start3A_90 = arith.constant 0 : i32
      %dma_start3A_91 = arith.constant 0 : i32
      %dma_start3A_92 = tpu.memref_slice %arg11[%dma_start3A_90, %dma_start3A_91] : memref<10240x128xf32, #tpu.memory_space<vmem_shared>> -> memref<10240x128xf32, #tpu.memory_space<vmem_shared>>
      tpu.enqueue_indirect_dma source(%arg9 : memref<128x128xf32, #tpu.memory_space<vmem>>) target(%dma_start3A_92 : memref<10240x128xf32, #tpu.memory_space<vmem_shared>>) offsets(%dma_start3A_89 : memref<128xi32, #tpu.memory_space<vmem>>) semaphore(%run_scoped3A_86 : memref<!tpu.dma_semaphore, #tpu.memory_space<semaphore_mem>>) {add = true}
      %dma_wait3A_93 = arith.constant 0 : i32
      %dma_wait3A_94 = tpu.memref_slice %arg8[%run_scoped3A, %dma_wait3A_93] : memref<40x128xi32, #tpu.memory_space<vmem>> -> memref<1x128xi32, #tpu.memory_space<vmem>>
      %dma_wait3A_95 = tpu.memref_squeeze %dma_wait3A_94 : memref<1x128xi32, #tpu.memory_space<vmem>> -> memref<128xi32, #tpu.memory_space<vmem>>
      %dma_wait3A_96 = arith.constant 0 : i32
      %dma_wait3A_97 = arith.constant 0 : i32
      %dma_wait3A_98 = tpu.memref_slice %arg11[%dma_wait3A_96, %dma_wait3A_97] : memref<10240x128xf32, #tpu.memory_space<vmem_shared>> -> memref<10240x128xf32, #tpu.memory_space<vmem_shared>>
      tpu.wait_indirect_dma semaphore(%run_scoped3A_86 : memref<!tpu.dma_semaphore, #tpu.memory_space<semaphore_mem>>) src(%arg9 : memref<128x128xf32, #tpu.memory_space<vmem>>) dst(%dma_wait3A_98 : memref<10240x128xf32, #tpu.memory_space<vmem_shared>>)
      tpu.yield
    }) : () -> ()
    %dma_wait3A_33 = arith.constant 39 : i32
    %dma_wait3A_34 = arith.constant 0 : i32
    %dma_wait3A_35 = tpu.memref_slice %arg7[%dma_wait3A_33, %dma_wait3A_34] : memref<40x128xi32, #tpu.memory_space<vmem>> -> memref<1x128xi32, #tpu.memory_space<vmem>>
    %dma_wait3A_36 = tpu.memref_squeeze %dma_wait3A_35 : memref<1x128xi32, #tpu.memory_space<vmem>> -> memref<128xi32, #tpu.memory_space<vmem>>
    %dma_wait3A_37 = arith.constant 0 : i32
    %dma_wait3A_38 = arith.constant 0 : i32
    %dma_wait3A_39 = tpu.memref_slice %arg2[%dma_wait3A_37, %dma_wait3A_38] : memref<10240x128xf32, #tpu.memory_space<hbm>> -> memref<10240x128xf32, #tpu.memory_space<hbm>>
    tpu.wait_indirect_dma semaphore(%arg13 : memref<!tpu.dma_semaphore, #tpu.memory_space<semaphore_mem>>) src(%dma_wait3A_39 : memref<10240x128xf32, #tpu.memory_space<hbm>>) dst(%arg10 : memref<128x128xf32, #tpu.memory_space<vmem>>)
    %run_scoped3A_40 = arith.constant 39 : i32
    "tpu.region"() ({
      %run_scoped3A_86 = tpu.sem_alloc : memref<!tpu.dma_semaphore, #tpu.memory_space<semaphore_mem>>
      %dma_start3A_87 = arith.constant 0 : i32
      %dma_start3A_88 = tpu.memref_slice %arg8[%run_scoped3A_40, %dma_start3A_87] : memref<40x128xi32, #tpu.memory_space<vmem>> -> memref<1x128xi32, #tpu.memory_space<vmem>>
      %dma_start3A_89 = tpu.memref_squeeze %dma_start3A_88 : memref<1x128xi32, #tpu.memory_space<vmem>> -> memref<128xi32, #tpu.memory_space<vmem>>
      %dma_start3A_90 = arith.constant 0 : i32
      %dma_start3A_91 = arith.constant 0 : i32
      %dma_start3A_92 = tpu.memref_slice %arg11[%dma_start3A_90, %dma_start3A_91] : memref<10240x128xf32, #tpu.memory_space<vmem_shared>> -> memref<10240x128xf32, #tpu.memory_space<vmem_shared>>
      tpu.enqueue_indirect_dma source(%arg10 : memref<128x128xf32, #tpu.memory_space<vmem>>) target(%dma_start3A_92 : memref<10240x128xf32, #tpu.memory_space<vmem_shared>>) offsets(%dma_start3A_89 : memref<128xi32, #tpu.memory_space<vmem>>) semaphore(%run_scoped3A_86 : memref<!tpu.dma_semaphore, #tpu.memory_space<semaphore_mem>>) {add = true}
      %dma_wait3A_93 = arith.constant 0 : i32
      %dma_wait3A_94 = tpu.memref_slice %arg8[%run_scoped3A_40, %dma_wait3A_93] : memref<40x128xi32, #tpu.memory_space<vmem>> -> memref<1x128xi32, #tpu.memory_space<vmem>>
      %dma_wait3A_95 = tpu.memref_squeeze %dma_wait3A_94 : memref<1x128xi32, #tpu.memory_space<vmem>> -> memref<128xi32, #tpu.memory_space<vmem>>
      %dma_wait3A_96 = arith.constant 0 : i32
      %dma_wait3A_97 = arith.constant 0 : i32
      %dma_wait3A_98 = tpu.memref_slice %arg11[%dma_wait3A_96, %dma_wait3A_97] : memref<10240x128xf32, #tpu.memory_space<vmem_shared>> -> memref<10240x128xf32, #tpu.memory_space<vmem_shared>>
      tpu.wait_indirect_dma semaphore(%run_scoped3A_86 : memref<!tpu.dma_semaphore, #tpu.memory_space<semaphore_mem>>) src(%arg10 : memref<128x128xf32, #tpu.memory_space<vmem>>) dst(%dma_wait3A_98 : memref<10240x128xf32, #tpu.memory_space<vmem_shared>>)
      tpu.yield
    }) : () -> ()
    %add3A_41 = arith.constant 40 : i32
    %add3A_42 = arith.addi %mul3A_5, %add3A_41 : i32
    "tpu.region"() ({
      %run_scoped3A_86 = tpu.sem_alloc : memref<!tpu.dma_semaphore, #tpu.memory_space<semaphore_mem>>
      %dma_start3A_87 = arith.constant 0 : i32
      %dma_start3A_88 = tpu.memref_slice %arg3[%add3A_42, %dma_start3A_87] : memref<2560x128xi32, #tpu.memory_space<hbm>> -> memref<40x128xi32, #tpu.memory_space<hbm>>
      %dma_start3A_89 = arith.constant 0 : i32
      %dma_start3A_90 = tpu.memref_slice %arg3[%add3A_42, %dma_start3A_89] : memref<2560x128xi32, #tpu.memory_space<hbm>> -> memref<40x128xi32, #tpu.memory_space<hbm>>
      tpu.enqueue_dma source(%dma_start3A_90 : memref<40x128xi32, #tpu.memory_space<hbm>>) target(%arg7 : memref<40x128xi32, #tpu.memory_space<vmem>>) target_semaphore(%run_scoped3A_86 : memref<!tpu.dma_semaphore, #tpu.memory_space<semaphore_mem>>)
      %dma_wait3A_91 = arith.constant 0 : i32
      %dma_wait3A_92 = tpu.memref_slice %arg3[%add3A_42, %dma_wait3A_91] : memref<2560x128xi32, #tpu.memory_space<hbm>> -> memref<40x128xi32, #tpu.memory_space<hbm>>
      %dma_wait3A_93 = arith.constant 0 : i32
      %dma_wait3A_94 = tpu.memref_slice %arg3[%add3A_42, %dma_wait3A_93] : memref<2560x128xi32, #tpu.memory_space<hbm>> -> memref<40x128xi32, #tpu.memory_space<hbm>>
      tpu.wait_dma2 semaphore(%run_scoped3A_86 : memref<!tpu.dma_semaphore, #tpu.memory_space<semaphore_mem>>) src(%dma_wait3A_94 : memref<40x128xi32, #tpu.memory_space<hbm>>) dst(%arg7 : memref<40x128xi32, #tpu.memory_space<vmem>>)
      tpu.yield
    }) : () -> ()
    %add3A_43 = arith.constant 40 : i32
    %add3A_44 = arith.addi %mul3A_5, %add3A_43 : i32
    "tpu.region"() ({
      %run_scoped3A_86 = tpu.sem_alloc : memref<!tpu.dma_semaphore, #tpu.memory_space<semaphore_mem>>
      %dma_start3A_87 = arith.constant 0 : i32
      %dma_start3A_88 = tpu.memref_slice %arg4[%add3A_44, %dma_start3A_87] : memref<2560x128xi32, #tpu.memory_space<hbm>> -> memref<40x128xi32, #tpu.memory_space<hbm>>
      %dma_start3A_89 = arith.constant 0 : i32
      %dma_start3A_90 = tpu.memref_slice %arg4[%add3A_44, %dma_start3A_89] : memref<2560x128xi32, #tpu.memory_space<hbm>> -> memref<40x128xi32, #tpu.memory_space<hbm>>
      tpu.enqueue_dma source(%dma_start3A_90 : memref<40x128xi32, #tpu.memory_space<hbm>>) target(%arg8 : memref<40x128xi32, #tpu.memory_space<vmem>>) target_semaphore(%run_scoped3A_86 : memref<!tpu.dma_semaphore, #tpu.memory_space<semaphore_mem>>)
      %dma_wait3A_91 = arith.constant 0 : i32
      %dma_wait3A_92 = tpu.memref_slice %arg4[%add3A_44, %dma_wait3A_91] : memref<2560x128xi32, #tpu.memory_space<hbm>> -> memref<40x128xi32, #tpu.memory_space<hbm>>
      %dma_wait3A_93 = arith.constant 0 : i32
      %dma_wait3A_94 = tpu.memref_slice %arg4[%add3A_44, %dma_wait3A_93] : memref<2560x128xi32, #tpu.memory_space<hbm>> -> memref<40x128xi32, #tpu.memory_space<hbm>>
      tpu.wait_dma2 semaphore(%run_scoped3A_86 : memref<!tpu.dma_semaphore, #tpu.memory_space<semaphore_mem>>) src(%dma_wait3A_94 : memref<40x128xi32, #tpu.memory_space<hbm>>) dst(%arg8 : memref<40x128xi32, #tpu.memory_space<vmem>>)
      tpu.yield
    }) : () -> ()
    %dma_start3A_45 = arith.constant 0 : i32
    %dma_start3A_46 = arith.constant 0 : i32
    %dma_start3A_47 = tpu.memref_slice %arg7[%dma_start3A_45, %dma_start3A_46] : memref<40x128xi32, #tpu.memory_space<vmem>> -> memref<1x128xi32, #tpu.memory_space<vmem>>
    %dma_start3A_48 = tpu.memref_squeeze %dma_start3A_47 : memref<1x128xi32, #tpu.memory_space<vmem>> -> memref<128xi32, #tpu.memory_space<vmem>>
    %dma_start3A_49 = arith.constant 0 : i32
    %dma_start3A_50 = arith.constant 0 : i32
    %dma_start3A_51 = tpu.memref_slice %arg2[%dma_start3A_49, %dma_start3A_50] : memref<10240x128xf32, #tpu.memory_space<hbm>> -> memref<10240x128xf32, #tpu.memory_space<hbm>>
    tpu.enqueue_indirect_dma source(%dma_start3A_51 : memref<10240x128xf32, #tpu.memory_space<hbm>>) target(%arg9 : memref<128x128xf32, #tpu.memory_space<vmem>>) offsets(%dma_start3A_48 : memref<128xi32, #tpu.memory_space<vmem>>) semaphore(%arg12 : memref<!tpu.dma_semaphore, #tpu.memory_space<semaphore_mem>>)
    %dma_start3A_52 = arith.constant 1 : i32
    %dma_start3A_53 = arith.constant 0 : i32
    %dma_start3A_54 = tpu.memref_slice %arg7[%dma_start3A_52, %dma_start3A_53] : memref<40x128xi32, #tpu.memory_space<vmem>> -> memref<1x128xi32, #tpu.memory_space<vmem>>
    %dma_start3A_55 = tpu.memref_squeeze %dma_start3A_54 : memref<1x128xi32, #tpu.memory_space<vmem>> -> memref<128xi32, #tpu.memory_space<vmem>>
    %dma_start3A_56 = arith.constant 0 : i32
    %dma_start3A_57 = arith.constant 0 : i32
    %dma_start3A_58 = tpu.memref_slice %arg2[%dma_start3A_56, %dma_start3A_57] : memref<10240x128xf32, #tpu.memory_space<hbm>> -> memref<10240x128xf32, #tpu.memory_space<hbm>>
    tpu.enqueue_indirect_dma source(%dma_start3A_58 : memref<10240x128xf32, #tpu.memory_space<hbm>>) target(%arg10 : memref<128x128xf32, #tpu.memory_space<vmem>>) offsets(%dma_start3A_55 : memref<128xi32, #tpu.memory_space<vmem>>) semaphore(%arg13 : memref<!tpu.dma_semaphore, #tpu.memory_space<semaphore_mem>>)
    %scan3A_59 = arith.constant 0 : i32
    %scan3A_60 = arith.constant 0 : i32
    %scan3A_61 = arith.constant 19 : i32
    %scan3A_62 = arith.addi %scan3A_60, %scan3A_61 : i32
    %scan3A_63 = arith.constant 1 : i32
    scf.for %scan3A_86 = %scan3A_60 to %scan3A_62 step %scan3A_63  : i32 {
      %mul3A_87 = arith.constant 2 : i32
      %mul3A_88 = arith.muli %mul3A_87, %scan3A_86 : i32
      %add3A_89 = arith.constant 0 : i32
      %add3A_90 = arith.addi %mul3A_88, %add3A_89 : i32
      %dma_wait3A_91 = arith.constant 0 : i32
      %dma_wait3A_92 = tpu.memref_slice %arg7[%add3A_90, %dma_wait3A_91] : memref<40x128xi32, #tpu.memory_space<vmem>> -> memref<1x128xi32, #tpu.memory_space<vmem>>
      %dma_wait3A_93 = tpu.memref_squeeze %dma_wait3A_92 : memref<1x128xi32, #tpu.memory_space<vmem>> -> memref<128xi32, #tpu.memory_space<vmem>>
      %dma_wait3A_94 = arith.constant 0 : i32
      %dma_wait3A_95 = arith.constant 0 : i32
      %dma_wait3A_96 = tpu.memref_slice %arg2[%dma_wait3A_94, %dma_wait3A_95] : memref<10240x128xf32, #tpu.memory_space<hbm>> -> memref<10240x128xf32, #tpu.memory_space<hbm>>
      tpu.wait_indirect_dma semaphore(%arg12 : memref<!tpu.dma_semaphore, #tpu.memory_space<semaphore_mem>>) src(%dma_wait3A_96 : memref<10240x128xf32, #tpu.memory_space<hbm>>) dst(%arg9 : memref<128x128xf32, #tpu.memory_space<vmem>>)
      "tpu.region"() ({
        %run_scoped3A_123 = tpu.sem_alloc : memref<!tpu.dma_semaphore, #tpu.memory_space<semaphore_mem>>
        %dma_start3A_124 = arith.constant 0 : i32
        %dma_start3A_125 = tpu.memref_slice %arg8[%add3A_90, %dma_start3A_124] : memref<40x128xi32, #tpu.memory_space<vmem>> -> memref<1x128xi32, #tpu.memory_space<vmem>>
        %dma_start3A_126 = tpu.memref_squeeze %dma_start3A_125 : memref<1x128xi32, #tpu.memory_space<vmem>> -> memref<128xi32, #tpu.memory_space<vmem>>
        %dma_start3A_127 = arith.constant 0 : i32
        %dma_start3A_128 = arith.constant 0 : i32
        %dma_start3A_129 = tpu.memref_slice %arg11[%dma_start3A_127, %dma_start3A_128] : memref<10240x128xf32, #tpu.memory_space<vmem_shared>> -> memref<10240x128xf32, #tpu.memory_space<vmem_shared>>
        tpu.enqueue_indirect_dma source(%arg9 : memref<128x128xf32, #tpu.memory_space<vmem>>) target(%dma_start3A_129 : memref<10240x128xf32, #tpu.memory_space<vmem_shared>>) offsets(%dma_start3A_126 : memref<128xi32, #tpu.memory_space<vmem>>) semaphore(%run_scoped3A_123 : memref<!tpu.dma_semaphore, #tpu.memory_space<semaphore_mem>>) {add = true}
        %dma_wait3A_130 = arith.constant 0 : i32
        %dma_wait3A_131 = tpu.memref_slice %arg8[%add3A_90, %dma_wait3A_130] : memref<40x128xi32, #tpu.memory_space<vmem>> -> memref<1x128xi32, #tpu.memory_space<vmem>>
        %dma_wait3A_132 = tpu.memref_squeeze %dma_wait3A_131 : memref<1x128xi32, #tpu.memory_space<vmem>> -> memref<128xi32, #tpu.memory_space<vmem>>
        %dma_wait3A_133 = arith.constant 0 : i32
        %dma_wait3A_134 = arith.constant 0 : i32
        %dma_wait3A_135 = tpu.memref_slice %arg11[%dma_wait3A_133, %dma_wait3A_134] : memref<10240x128xf32, #tpu.memory_space<vmem_shared>> -> memref<10240x128xf32, #tpu.memory_space<vmem_shared>>
        tpu.wait_indirect_dma semaphore(%run_scoped3A_123 : memref<!tpu.dma_semaphore, #tpu.memory_space<semaphore_mem>>) src(%arg9 : memref<128x128xf32, #tpu.memory_space<vmem>>) dst(%dma_wait3A_135 : memref<10240x128xf32, #tpu.memory_space<vmem_shared>>)
        tpu.yield
      }) : () -> ()
      %add3A_97 = arith.constant 2 : i32
      %add3A_98 = arith.addi %add3A_90, %add3A_97 : i32
      %dma_start3A_99 = arith.constant 0 : i32
      %dma_start3A_100 = tpu.memref_slice %arg7[%add3A_98, %dma_start3A_99] : memref<40x128xi32, #tpu.memory_space<vmem>> -> memref<1x128xi32, #tpu.memory_space<vmem>>
      %dma_start3A_101 = tpu.memref_squeeze %dma_start3A_100 : memref<1x128xi32, #tpu.memory_space<vmem>> -> memref<128xi32, #tpu.memory_space<vmem>>
      %dma_start3A_102 = arith.constant 0 : i32
      %dma_start3A_103 = arith.constant 0 : i32
      %dma_start3A_104 = tpu.memref_slice %arg2[%dma_start3A_102, %dma_start3A_103] : memref<10240x128xf32, #tpu.memory_space<hbm>> -> memref<10240x128xf32, #tpu.memory_space<hbm>>
      tpu.enqueue_indirect_dma source(%dma_start3A_104 : memref<10240x128xf32, #tpu.memory_space<hbm>>) target(%arg9 : memref<128x128xf32, #tpu.memory_space<vmem>>) offsets(%dma_start3A_101 : memref<128xi32, #tpu.memory_space<vmem>>) semaphore(%arg12 : memref<!tpu.dma_semaphore, #tpu.memory_space<semaphore_mem>>)
      %mul3A_105 = arith.constant 2 : i32
      %mul3A_106 = arith.muli %mul3A_105, %scan3A_86 : i32
      %add3A_107 = arith.constant 1 : i32
      %add3A_108 = arith.addi %mul3A_106, %add3A_107 : i32
      %dma_wait3A_109 = arith.constant 0 : i32
      %dma_wait3A_110 = tpu.memref_slice %arg7[%add3A_108, %dma_wait3A_109] : memref<40x128xi32, #tpu.memory_space<vmem>> -> memref<1x128xi32, #tpu.memory_space<vmem>>
      %dma_wait3A_111 = tpu.memref_squeeze %dma_wait3A_110 : memref<1x128xi32, #tpu.memory_space<vmem>> -> memref<128xi32, #tpu.memory_space<vmem>>
      %dma_wait3A_112 = arith.constant 0 : i32
      %dma_wait3A_113 = arith.constant 0 : i32
      %dma_wait3A_114 = tpu.memref_slice %arg2[%dma_wait3A_112, %dma_wait3A_113] : memref<10240x128xf32, #tpu.memory_space<hbm>> -> memref<10240x128xf32, #tpu.memory_space<hbm>>
      tpu.wait_indirect_dma semaphore(%arg13 : memref<!tpu.dma_semaphore, #tpu.memory_space<semaphore_mem>>) src(%dma_wait3A_114 : memref<10240x128xf32, #tpu.memory_space<hbm>>) dst(%arg10 : memref<128x128xf32, #tpu.memory_space<vmem>>)
      "tpu.region"() ({
        %run_scoped3A_123 = tpu.sem_alloc : memref<!tpu.dma_semaphore, #tpu.memory_space<semaphore_mem>>
        %dma_start3A_124 = arith.constant 0 : i32
        %dma_start3A_125 = tpu.memref_slice %arg8[%add3A_108, %dma_start3A_124] : memref<40x128xi32, #tpu.memory_space<vmem>> -> memref<1x128xi32, #tpu.memory_space<vmem>>
        %dma_start3A_126 = tpu.memref_squeeze %dma_start3A_125 : memref<1x128xi32, #tpu.memory_space<vmem>> -> memref<128xi32, #tpu.memory_space<vmem>>
        %dma_start3A_127 = arith.constant 0 : i32
        %dma_start3A_128 = arith.constant 0 : i32
        %dma_start3A_129 = tpu.memref_slice %arg11[%dma_start3A_127, %dma_start3A_128] : memref<10240x128xf32, #tpu.memory_space<vmem_shared>> -> memref<10240x128xf32, #tpu.memory_space<vmem_shared>>
        tpu.enqueue_indirect_dma source(%arg10 : memref<128x128xf32, #tpu.memory_space<vmem>>) target(%dma_start3A_129 : memref<10240x128xf32, #tpu.memory_space<vmem_shared>>) offsets(%dma_start3A_126 : memref<128xi32, #tpu.memory_space<vmem>>) semaphore(%run_scoped3A_123 : memref<!tpu.dma_semaphore, #tpu.memory_space<semaphore_mem>>) {add = true}
        %dma_wait3A_130 = arith.constant 0 : i32
        %dma_wait3A_131 = tpu.memref_slice %arg8[%add3A_108, %dma_wait3A_130] : memref<40x128xi32, #tpu.memory_space<vmem>> -> memref<1x128xi32, #tpu.memory_space<vmem>>
        %dma_wait3A_132 = tpu.memref_squeeze %dma_wait3A_131 : memref<1x128xi32, #tpu.memory_space<vmem>> -> memref<128xi32, #tpu.memory_space<vmem>>
        %dma_wait3A_133 = arith.constant 0 : i32
        %dma_wait3A_134 = arith.constant 0 : i32
        %dma_wait3A_135 = tpu.memref_slice %arg11[%dma_wait3A_133, %dma_wait3A_134] : memref<10240x128xf32, #tpu.memory_space<vmem_shared>> -> memref<10240x128xf32, #tpu.memory_space<vmem_shared>>
        tpu.wait_indirect_dma semaphore(%run_scoped3A_123 : memref<!tpu.dma_semaphore, #tpu.memory_space<semaphore_mem>>) src(%arg10 : memref<128x128xf32, #tpu.memory_space<vmem>>) dst(%dma_wait3A_135 : memref<10240x128xf32, #tpu.memory_space<vmem_shared>>)
        tpu.yield
      }) : () -> ()
      %add3A_115 = arith.constant 2 : i32
      %add3A_116 = arith.addi %add3A_108, %add3A_115 : i32
      %dma_start3A_117 = arith.constant 0 : i32
      %dma_start3A_118 = tpu.memref_slice %arg7[%add3A_116, %dma_start3A_117] : memref<40x128xi32, #tpu.memory_space<vmem>> -> memref<1x128xi32, #tpu.memory_space<vmem>>
      %dma_start3A_119 = tpu.memref_squeeze %dma_start3A_118 : memref<1x128xi32, #tpu.memory_space<vmem>> -> memref<128xi32, #tpu.memory_space<vmem>>
      %dma_start3A_120 = arith.constant 0 : i32
      %dma_start3A_121 = arith.constant 0 : i32
      %dma_start3A_122 = tpu.memref_slice %arg2[%dma_start3A_120, %dma_start3A_121] : memref<10240x128xf32, #tpu.memory_space<hbm>> -> memref<10240x128xf32, #tpu.memory_space<hbm>>
      tpu.enqueue_indirect_dma source(%dma_start3A_122 : memref<10240x128xf32, #tpu.memory_space<hbm>>) target(%arg10 : memref<128x128xf32, #tpu.memory_space<vmem>>) offsets(%dma_start3A_119 : memref<128xi32, #tpu.memory_space<vmem>>) semaphore(%arg13 : memref<!tpu.dma_semaphore, #tpu.memory_space<semaphore_mem>>)
    }
    %scan3A_64 = arith.constant 19 : i32
    %dma_wait3A_65 = arith.constant 38 : i32
    %dma_wait3A_66 = arith.constant 0 : i32
    %dma_wait3A_67 = tpu.memref_slice %arg7[%dma_wait3A_65, %dma_wait3A_66] : memref<40x128xi32, #tpu.memory_space<vmem>> -> memref<1x128xi32, #tpu.memory_space<vmem>>
    %dma_wait3A_68 = tpu.memref_squeeze %dma_wait3A_67 : memref<1x128xi32, #tpu.memory_space<vmem>> -> memref<128xi32, #tpu.memory_space<vmem>>
    %dma_wait3A_69 = arith.constant 0 : i32
    %dma_wait3A_70 = arith.constant 0 : i32
    %dma_wait3A_71 = tpu.memref_slice %arg2[%dma_wait3A_69, %dma_wait3A_70] : memref<10240x128xf32, #tpu.memory_space<hbm>> -> memref<10240x128xf32, #tpu.memory_space<hbm>>
    tpu.wait_indirect_dma semaphore(%arg12 : memref<!tpu.dma_semaphore, #tpu.memory_space<semaphore_mem>>) src(%dma_wait3A_71 : memref<10240x128xf32, #tpu.memory_space<hbm>>) dst(%arg9 : memref<128x128xf32, #tpu.memory_space<vmem>>)
    %run_scoped3A_72 = arith.constant 38 : i32
    "tpu.region"() ({
      %run_scoped3A_86 = tpu.sem_alloc : memref<!tpu.dma_semaphore, #tpu.memory_space<semaphore_mem>>
      %dma_start3A_87 = arith.constant 0 : i32
      %dma_start3A_88 = tpu.memref_slice %arg8[%run_scoped3A_72, %dma_start3A_87] : memref<40x128xi32, #tpu.memory_space<vmem>> -> memref<1x128xi32, #tpu.memory_space<vmem>>
      %dma_start3A_89 = tpu.memref_squeeze %dma_start3A_88 : memref<1x128xi32, #tpu.memory_space<vmem>> -> memref<128xi32, #tpu.memory_space<vmem>>
      %dma_start3A_90 = arith.constant 0 : i32
      %dma_start3A_91 = arith.constant 0 : i32
      %dma_start3A_92 = tpu.memref_slice %arg11[%dma_start3A_90, %dma_start3A_91] : memref<10240x128xf32, #tpu.memory_space<vmem_shared>> -> memref<10240x128xf32, #tpu.memory_space<vmem_shared>>
      tpu.enqueue_indirect_dma source(%arg9 : memref<128x128xf32, #tpu.memory_space<vmem>>) target(%dma_start3A_92 : memref<10240x128xf32, #tpu.memory_space<vmem_shared>>) offsets(%dma_start3A_89 : memref<128xi32, #tpu.memory_space<vmem>>) semaphore(%run_scoped3A_86 : memref<!tpu.dma_semaphore, #tpu.memory_space<semaphore_mem>>) {add = true}
      %dma_wait3A_93 = arith.constant 0 : i32
      %dma_wait3A_94 = tpu.memref_slice %arg8[%run_scoped3A_72, %dma_wait3A_93] : memref<40x128xi32, #tpu.memory_space<vmem>> -> memref<1x128xi32, #tpu.memory_space<vmem>>
      %dma_wait3A_95 = tpu.memref_squeeze %dma_wait3A_94 : memref<1x128xi32, #tpu.memory_space<vmem>> -> memref<128xi32, #tpu.memory_space<vmem>>
      %dma_wait3A_96 = arith.constant 0 : i32
      %dma_wait3A_97 = arith.constant 0 : i32
      %dma_wait3A_98 = tpu.memref_slice %arg11[%dma_wait3A_96, %dma_wait3A_97] : memref<10240x128xf32, #tpu.memory_space<vmem_shared>> -> memref<10240x128xf32, #tpu.memory_space<vmem_shared>>
      tpu.wait_indirect_dma semaphore(%run_scoped3A_86 : memref<!tpu.dma_semaphore, #tpu.memory_space<semaphore_mem>>) src(%arg9 : memref<128x128xf32, #tpu.memory_space<vmem>>) dst(%dma_wait3A_98 : memref<10240x128xf32, #tpu.memory_space<vmem_shared>>)
      tpu.yield
    }) : () -> ()
    %dma_wait3A_73 = arith.constant 39 : i32
    %dma_wait3A_74 = arith.constant 0 : i32
    %dma_wait3A_75 = tpu.memref_slice %arg7[%dma_wait3A_73, %dma_wait3A_74] : memref<40x128xi32, #tpu.memory_space<vmem>> -> memref<1x128xi32, #tpu.memory_space<vmem>>
    %dma_wait3A_76 = tpu.memref_squeeze %dma_wait3A_75 : memref<1x128xi32, #tpu.memory_space<vmem>> -> memref<128xi32, #tpu.memory_space<vmem>>
    %dma_wait3A_77 = arith.constant 0 : i32
    %dma_wait3A_78 = arith.constant 0 : i32
    %dma_wait3A_79 = tpu.memref_slice %arg2[%dma_wait3A_77, %dma_wait3A_78] : memref<10240x128xf32, #tpu.memory_space<hbm>> -> memref<10240x128xf32, #tpu.memory_space<hbm>>
    tpu.wait_indirect_dma semaphore(%arg13 : memref<!tpu.dma_semaphore, #tpu.memory_space<semaphore_mem>>) src(%dma_wait3A_79 : memref<10240x128xf32, #tpu.memory_space<hbm>>) dst(%arg10 : memref<128x128xf32, #tpu.memory_space<vmem>>)
    %run_scoped3A_80 = arith.constant 39 : i32
    "tpu.region"() ({
      %run_scoped3A_86 = tpu.sem_alloc : memref<!tpu.dma_semaphore, #tpu.memory_space<semaphore_mem>>
      %dma_start3A_87 = arith.constant 0 : i32
      %dma_start3A_88 = tpu.memref_slice %arg8[%run_scoped3A_80, %dma_start3A_87] : memref<40x128xi32, #tpu.memory_space<vmem>> -> memref<1x128xi32, #tpu.memory_space<vmem>>
      %dma_start3A_89 = tpu.memref_squeeze %dma_start3A_88 : memref<1x128xi32, #tpu.memory_space<vmem>> -> memref<128xi32, #tpu.memory_space<vmem>>
      %dma_start3A_90 = arith.constant 0 : i32
      %dma_start3A_91 = arith.constant 0 : i32
      %dma_start3A_92 = tpu.memref_slice %arg11[%dma_start3A_90, %dma_start3A_91] : memref<10240x128xf32, #tpu.memory_space<vmem_shared>> -> memref<10240x128xf32, #tpu.memory_space<vmem_shared>>
      tpu.enqueue_indirect_dma source(%arg10 : memref<128x128xf32, #tpu.memory_space<vmem>>) target(%dma_start3A_92 : memref<10240x128xf32, #tpu.memory_space<vmem_shared>>) offsets(%dma_start3A_89 : memref<128xi32, #tpu.memory_space<vmem>>) semaphore(%run_scoped3A_86 : memref<!tpu.dma_semaphore, #tpu.memory_space<semaphore_mem>>) {add = true}
      %dma_wait3A_93 = arith.constant 0 : i32
      %dma_wait3A_94 = tpu.memref_slice %arg8[%run_scoped3A_80, %dma_wait3A_93] : memref<40x128xi32, #tpu.memory_space<vmem>> -> memref<1x128xi32, #tpu.memory_space<vmem>>
      %dma_wait3A_95 = tpu.memref_squeeze %dma_wait3A_94 : memref<1x128xi32, #tpu.memory_space<vmem>> -> memref<128xi32, #tpu.memory_space<vmem>>
      %dma_wait3A_96 = arith.constant 0 : i32
      %dma_wait3A_97 = arith.constant 0 : i32
      %dma_wait3A_98 = tpu.memref_slice %arg11[%dma_wait3A_96, %dma_wait3A_97] : memref<10240x128xf32, #tpu.memory_space<vmem_shared>> -> memref<10240x128xf32, #tpu.memory_space<vmem_shared>>
      tpu.wait_indirect_dma semaphore(%run_scoped3A_86 : memref<!tpu.dma_semaphore, #tpu.memory_space<semaphore_mem>>) src(%arg10 : memref<128x128xf32, #tpu.memory_space<vmem>>) dst(%dma_wait3A_98 : memref<10240x128xf32, #tpu.memory_space<vmem_shared>>)
      tpu.yield
    }) : () -> ()
    %barrier3A_81 = arith.constant 0 : index
    tpu.barrier barrier_id(%barrier3A_81)
    %mul3A_82 = arith.constant 640 : i32
    %mul3A_83 = arith.muli %arg1, %mul3A_82 : i32
    %mul3A_84 = arith.constant 640 : i32
    %mul3A_85 = arith.muli %arg1, %mul3A_84 : i32
    "tpu.region"() ({
      %run_scoped3A_86 = tpu.sem_alloc : memref<!tpu.dma_semaphore, #tpu.memory_space<semaphore_mem>>
      %dma_start3A_87 = arith.constant 0 : i32
      %dma_start3A_88 = tpu.memref_slice %arg6[%arg0, %mul3A_85, %dma_start3A_87] : memref<2x10240x128xf32, #tpu.memory_space<hbm>> -> memref<1x640x128xf32, #tpu.memory_space<hbm>>
      %dma_start3A_89 = tpu.memref_squeeze %dma_start3A_88 : memref<1x640x128xf32, #tpu.memory_space<hbm>> -> memref<640x128xf32, #tpu.memory_space<hbm>>
      %dma_start3A_90 = arith.constant 0 : i32
      %dma_start3A_91 = tpu.memref_slice %arg11[%mul3A_83, %dma_start3A_90] : memref<10240x128xf32, #tpu.memory_space<vmem_shared>> -> memref<640x128xf32, #tpu.memory_space<vmem_shared>>
      tpu.enqueue_dma source(%dma_start3A_91 : memref<640x128xf32, #tpu.memory_space<vmem_shared>>) target(%dma_start3A_89 : memref<640x128xf32, #tpu.memory_space<hbm>>) target_semaphore(%run_scoped3A_86 : memref<!tpu.dma_semaphore, #tpu.memory_space<semaphore_mem>>)
      %dma_wait3A_92 = arith.constant 0 : i32
      %dma_wait3A_93 = tpu.memref_slice %arg6[%arg0, %mul3A_85, %dma_wait3A_92] : memref<2x10240x128xf32, #tpu.memory_space<hbm>> -> memref<1x640x128xf32, #tpu.memory_space<hbm>>
      %dma_wait3A_94 = tpu.memref_squeeze %dma_wait3A_93 : memref<1x640x128xf32, #tpu.memory_space<hbm>> -> memref<640x128xf32, #tpu.memory_space<hbm>>
      %dma_wait3A_95 = arith.constant 0 : i32
      %dma_wait3A_96 = tpu.memref_slice %arg11[%mul3A_83, %dma_wait3A_95] : memref<10240x128xf32, #tpu.memory_space<vmem_shared>> -> memref<640x128xf32, #tpu.memory_space<vmem_shared>>
      tpu.wait_dma2 semaphore(%run_scoped3A_86 : memref<!tpu.dma_semaphore, #tpu.memory_space<semaphore_mem>>) src(%dma_wait3A_96 : memref<640x128xf32, #tpu.memory_space<vmem_shared>>) dst(%dma_wait3A_94 : memref<640x128xf32, #tpu.memory_space<hbm>>)
      tpu.yield
    }) : () -> ()
    return
  }
}

#map = affine_map<(d0, d1) -> (0, 0)>
#map1 = affine_map<(d0, d1) -> (0, 0, 0)>
module attributes {stable_mosaic.version = 14 : i64} {
  func.func @_sc_aggregate(%arg0: i32, %arg1: i32, %arg2: memref<10240x128xf32, #tpu.memory_space<hbm>>, %arg3: memref<2560x128xi32, #tpu.memory_space<hbm>>, %arg4: memref<2560x128xi32, #tpu.memory_space<hbm>>, %arg5: memref<640x128xf32, #tpu.memory_space<hbm>>, %arg6: memref<2x10240x128xf32, #tpu.memory_space<hbm>>, %arg7: memref<40x128xi32, #tpu.memory_space<vmem>>, %arg8: memref<40x128xi32, #tpu.memory_space<vmem>>, %arg9: memref<128x128xf32, #tpu.memory_space<vmem>>, %arg10: memref<128x128xf32, #tpu.memory_space<vmem>>, %arg11: memref<10240x128xf32, #tpu.memory_space<vmem_shared>>, %arg12: memref<!tpu.dma_semaphore, #tpu.memory_space<semaphore_mem>>, %arg13: memref<!tpu.dma_semaphore, #tpu.memory_space<semaphore_mem>>) attributes {dimension_semantics = [#tpu.dimension_semantics<core_parallel>, #tpu.dimension_semantics<subcore_parallel>], iteration_bounds = array<i64: 2, 16>, scalar_prefetch = 0 : i64, scratch_operands = 7 : i64, tpu.core_type = #tpu.core_type<sc_vector_subcore>, window_params = [{transform_indices = #map}, {transform_indices = #map}, {transform_indices = #map}, {transform_indices = #map}, {transform_indices = #map1}]} {
    %mul3A = arith.constant 640 : i32
    %mul3A_0 = arith.muli %arg1, %mul3A : i32
    %dma_start3A = arith.constant 0 : i32
    %dma_start3A_1 = tpu.memref_slice %arg11[%mul3A_0, %dma_start3A] : memref<10240x128xf32, #tpu.memory_space<vmem_shared>> -> memref<640x128xf32, #tpu.memory_space<vmem_shared>>
    tpu.enqueue_dma source(%arg5 : memref<640x128xf32, #tpu.memory_space<hbm>>) target(%dma_start3A_1 : memref<640x128xf32, #tpu.memory_space<vmem_shared>>) target_semaphore(%arg12 : memref<!tpu.dma_semaphore, #tpu.memory_space<semaphore_mem>>)
    %mul3A_2 = arith.constant 16 : i32
    %mul3A_3 = arith.muli %arg0, %mul3A_2 : i32
    %add3A = arith.addi %mul3A_3, %arg1 : i32
    %mul3A_4 = arith.constant 80 : i32
    %mul3A_5 = arith.muli %add3A, %mul3A_4 : i32
    "tpu.region"() ({
      %run_scoped3A_86 = tpu.sem_alloc : memref<!tpu.dma_semaphore, #tpu.memory_space<semaphore_mem>>
      %dma_start3A_87 = arith.constant 0 : i32
      %dma_start3A_88 = tpu.memref_slice %arg3[%mul3A_5, %dma_start3A_87] : memref<2560x128xi32, #tpu.memory_space<hbm>> -> memref<40x128xi32, #tpu.memory_space<hbm>>
      %dma_start3A_89 = arith.constant 0 : i32
      %dma_start3A_90 = tpu.memref_slice %arg3[%mul3A_5, %dma_start3A_89] : memref<2560x128xi32, #tpu.memory_space<hbm>> -> memref<40x128xi32, #tpu.memory_space<hbm>>
      tpu.enqueue_dma source(%dma_start3A_90 : memref<40x128xi32, #tpu.memory_space<hbm>>) target(%arg7 : memref<40x128xi32, #tpu.memory_space<vmem>>) target_semaphore(%run_scoped3A_86 : memref<!tpu.dma_semaphore, #tpu.memory_space<semaphore_mem>>)
      %dma_wait3A_91 = arith.constant 0 : i32
      %dma_wait3A_92 = tpu.memref_slice %arg3[%mul3A_5, %dma_wait3A_91] : memref<2560x128xi32, #tpu.memory_space<hbm>> -> memref<40x128xi32, #tpu.memory_space<hbm>>
      %dma_wait3A_93 = arith.constant 0 : i32
      %dma_wait3A_94 = tpu.memref_slice %arg3[%mul3A_5, %dma_wait3A_93] : memref<2560x128xi32, #tpu.memory_space<hbm>> -> memref<40x128xi32, #tpu.memory_space<hbm>>
      tpu.wait_dma2 semaphore(%run_scoped3A_86 : memref<!tpu.dma_semaphore, #tpu.memory_space<semaphore_mem>>) src(%dma_wait3A_94 : memref<40x128xi32, #tpu.memory_space<hbm>>) dst(%arg7 : memref<40x128xi32, #tpu.memory_space<vmem>>)
      tpu.yield
    }) : () -> ()
    "tpu.region"() ({
      %run_scoped3A_86 = tpu.sem_alloc : memref<!tpu.dma_semaphore, #tpu.memory_space<semaphore_mem>>
      %dma_start3A_87 = arith.constant 0 : i32
      %dma_start3A_88 = tpu.memref_slice %arg4[%mul3A_5, %dma_start3A_87] : memref<2560x128xi32, #tpu.memory_space<hbm>> -> memref<40x128xi32, #tpu.memory_space<hbm>>
      %dma_start3A_89 = arith.constant 0 : i32
      %dma_start3A_90 = tpu.memref_slice %arg4[%mul3A_5, %dma_start3A_89] : memref<2560x128xi32, #tpu.memory_space<hbm>> -> memref<40x128xi32, #tpu.memory_space<hbm>>
      tpu.enqueue_dma source(%dma_start3A_90 : memref<40x128xi32, #tpu.memory_space<hbm>>) target(%arg8 : memref<40x128xi32, #tpu.memory_space<vmem>>) target_semaphore(%run_scoped3A_86 : memref<!tpu.dma_semaphore, #tpu.memory_space<semaphore_mem>>)
      %dma_wait3A_91 = arith.constant 0 : i32
      %dma_wait3A_92 = tpu.memref_slice %arg4[%mul3A_5, %dma_wait3A_91] : memref<2560x128xi32, #tpu.memory_space<hbm>> -> memref<40x128xi32, #tpu.memory_space<hbm>>
      %dma_wait3A_93 = arith.constant 0 : i32
      %dma_wait3A_94 = tpu.memref_slice %arg4[%mul3A_5, %dma_wait3A_93] : memref<2560x128xi32, #tpu.memory_space<hbm>> -> memref<40x128xi32, #tpu.memory_space<hbm>>
      tpu.wait_dma2 semaphore(%run_scoped3A_86 : memref<!tpu.dma_semaphore, #tpu.memory_space<semaphore_mem>>) src(%dma_wait3A_94 : memref<40x128xi32, #tpu.memory_space<hbm>>) dst(%arg8 : memref<40x128xi32, #tpu.memory_space<vmem>>)
      tpu.yield
    }) : () -> ()
    %dma_wait3A = arith.constant 0 : i32
    %dma_wait3A_6 = tpu.memref_slice %arg11[%mul3A_0, %dma_wait3A] : memref<10240x128xf32, #tpu.memory_space<vmem_shared>> -> memref<640x128xf32, #tpu.memory_space<vmem_shared>>
    tpu.wait_dma2 semaphore(%arg12 : memref<!tpu.dma_semaphore, #tpu.memory_space<semaphore_mem>>) src(%arg5 : memref<640x128xf32, #tpu.memory_space<hbm>>) dst(%dma_wait3A_6 : memref<640x128xf32, #tpu.memory_space<vmem_shared>>)
    %barrier3A = arith.constant 0 : index
    tpu.barrier barrier_id(%barrier3A)
    %dma_start3A_7 = arith.constant 0 : i32
    %dma_start3A_8 = arith.constant 0 : i32
    %dma_start3A_9 = tpu.memref_slice %arg7[%dma_start3A_7, %dma_start3A_8] : memref<40x128xi32, #tpu.memory_space<vmem>> -> memref<1x128xi32, #tpu.memory_space<vmem>>
    %dma_start3A_10 = tpu.memref_squeeze %dma_start3A_9 : memref<1x128xi32, #tpu.memory_space<vmem>> -> memref<128xi32, #tpu.memory_space<vmem>>
    %dma_start3A_11 = arith.constant 0 : i32
    %dma_start3A_12 = arith.constant 0 : i32
    %dma_start3A_13 = tpu.memref_slice %arg2[%dma_start3A_11, %dma_start3A_12] : memref<10240x128xf32, #tpu.memory_space<hbm>> -> memref<10240x128xf32, #tpu.memory_space<hbm>>
    tpu.enqueue_indirect_dma source(%dma_start3A_13 : memref<10240x128xf32, #tpu.memory_space<hbm>>) target(%arg9 : memref<128x128xf32, #tpu.memory_space<vmem>>) offsets(%dma_start3A_10 : memref<128xi32, #tpu.memory_space<vmem>>) semaphore(%arg12 : memref<!tpu.dma_semaphore, #tpu.memory_space<semaphore_mem>>)
    %dma_start3A_14 = arith.constant 1 : i32
    %dma_start3A_15 = arith.constant 0 : i32
    %dma_start3A_16 = tpu.memref_slice %arg7[%dma_start3A_14, %dma_start3A_15] : memref<40x128xi32, #tpu.memory_space<vmem>> -> memref<1x128xi32, #tpu.memory_space<vmem>>
    %dma_start3A_17 = tpu.memref_squeeze %dma_start3A_16 : memref<1x128xi32, #tpu.memory_space<vmem>> -> memref<128xi32, #tpu.memory_space<vmem>>
    %dma_start3A_18 = arith.constant 0 : i32
    %dma_start3A_19 = arith.constant 0 : i32
    %dma_start3A_20 = tpu.memref_slice %arg2[%dma_start3A_18, %dma_start3A_19] : memref<10240x128xf32, #tpu.memory_space<hbm>> -> memref<10240x128xf32, #tpu.memory_space<hbm>>
    tpu.enqueue_indirect_dma source(%dma_start3A_20 : memref<10240x128xf32, #tpu.memory_space<hbm>>) target(%arg10 : memref<128x128xf32, #tpu.memory_space<vmem>>) offsets(%dma_start3A_17 : memref<128xi32, #tpu.memory_space<vmem>>) semaphore(%arg13 : memref<!tpu.dma_semaphore, #tpu.memory_space<semaphore_mem>>)
    %scan3A = arith.constant 0 : i32
    %scan3A_21 = arith.constant 0 : i32
    %scan3A_22 = arith.constant 19 : i32
    %scan3A_23 = arith.addi %scan3A_21, %scan3A_22 : i32
    %scan3A_24 = arith.constant 1 : i32
    scf.for %scan3A_86 = %scan3A_21 to %scan3A_23 step %scan3A_24  : i32 {
      %mul3A_87 = arith.constant 2 : i32
      %mul3A_88 = arith.muli %mul3A_87, %scan3A_86 : i32
      %add3A_89 = arith.constant 0 : i32
      %add3A_90 = arith.addi %mul3A_88, %add3A_89 : i32
      %dma_wait3A_91 = arith.constant 0 : i32
      %dma_wait3A_92 = tpu.memref_slice %arg7[%add3A_90, %dma_wait3A_91] : memref<40x128xi32, #tpu.memory_space<vmem>> -> memref<1x128xi32, #tpu.memory_space<vmem>>
      %dma_wait3A_93 = tpu.memref_squeeze %dma_wait3A_92 : memref<1x128xi32, #tpu.memory_space<vmem>> -> memref<128xi32, #tpu.memory_space<vmem>>
      %dma_wait3A_94 = arith.constant 0 : i32
      %dma_wait3A_95 = arith.constant 0 : i32
      %dma_wait3A_96 = tpu.memref_slice %arg2[%dma_wait3A_94, %dma_wait3A_95] : memref<10240x128xf32, #tpu.memory_space<hbm>> -> memref<10240x128xf32, #tpu.memory_space<hbm>>
      tpu.wait_indirect_dma semaphore(%arg12 : memref<!tpu.dma_semaphore, #tpu.memory_space<semaphore_mem>>) src(%dma_wait3A_96 : memref<10240x128xf32, #tpu.memory_space<hbm>>) dst(%arg9 : memref<128x128xf32, #tpu.memory_space<vmem>>)
      "tpu.region"() ({
        %run_scoped3A_123 = tpu.sem_alloc : memref<!tpu.dma_semaphore, #tpu.memory_space<semaphore_mem>>
        %dma_start3A_124 = arith.constant 0 : i32
        %dma_start3A_125 = tpu.memref_slice %arg8[%add3A_90, %dma_start3A_124] : memref<40x128xi32, #tpu.memory_space<vmem>> -> memref<1x128xi32, #tpu.memory_space<vmem>>
        %dma_start3A_126 = tpu.memref_squeeze %dma_start3A_125 : memref<1x128xi32, #tpu.memory_space<vmem>> -> memref<128xi32, #tpu.memory_space<vmem>>
        %dma_start3A_127 = arith.constant 0 : i32
        %dma_start3A_128 = arith.constant 0 : i32
        %dma_start3A_129 = tpu.memref_slice %arg11[%dma_start3A_127, %dma_start3A_128] : memref<10240x128xf32, #tpu.memory_space<vmem_shared>> -> memref<10240x128xf32, #tpu.memory_space<vmem_shared>>
        tpu.enqueue_indirect_dma source(%arg9 : memref<128x128xf32, #tpu.memory_space<vmem>>) target(%dma_start3A_129 : memref<10240x128xf32, #tpu.memory_space<vmem_shared>>) offsets(%dma_start3A_126 : memref<128xi32, #tpu.memory_space<vmem>>) semaphore(%run_scoped3A_123 : memref<!tpu.dma_semaphore, #tpu.memory_space<semaphore_mem>>) {add = true}
        %dma_wait3A_130 = arith.constant 0 : i32
        %dma_wait3A_131 = tpu.memref_slice %arg8[%add3A_90, %dma_wait3A_130] : memref<40x128xi32, #tpu.memory_space<vmem>> -> memref<1x128xi32, #tpu.memory_space<vmem>>
        %dma_wait3A_132 = tpu.memref_squeeze %dma_wait3A_131 : memref<1x128xi32, #tpu.memory_space<vmem>> -> memref<128xi32, #tpu.memory_space<vmem>>
        %dma_wait3A_133 = arith.constant 0 : i32
        %dma_wait3A_134 = arith.constant 0 : i32
        %dma_wait3A_135 = tpu.memref_slice %arg11[%dma_wait3A_133, %dma_wait3A_134] : memref<10240x128xf32, #tpu.memory_space<vmem_shared>> -> memref<10240x128xf32, #tpu.memory_space<vmem_shared>>
        tpu.wait_indirect_dma semaphore(%run_scoped3A_123 : memref<!tpu.dma_semaphore, #tpu.memory_space<semaphore_mem>>) src(%arg9 : memref<128x128xf32, #tpu.memory_space<vmem>>) dst(%dma_wait3A_135 : memref<10240x128xf32, #tpu.memory_space<vmem_shared>>)
        tpu.yield
      }) : () -> ()
      %add3A_97 = arith.constant 2 : i32
      %add3A_98 = arith.addi %add3A_90, %add3A_97 : i32
      %dma_start3A_99 = arith.constant 0 : i32
      %dma_start3A_100 = tpu.memref_slice %arg7[%add3A_98, %dma_start3A_99] : memref<40x128xi32, #tpu.memory_space<vmem>> -> memref<1x128xi32, #tpu.memory_space<vmem>>
      %dma_start3A_101 = tpu.memref_squeeze %dma_start3A_100 : memref<1x128xi32, #tpu.memory_space<vmem>> -> memref<128xi32, #tpu.memory_space<vmem>>
      %dma_start3A_102 = arith.constant 0 : i32
      %dma_start3A_103 = arith.constant 0 : i32
      %dma_start3A_104 = tpu.memref_slice %arg2[%dma_start3A_102, %dma_start3A_103] : memref<10240x128xf32, #tpu.memory_space<hbm>> -> memref<10240x128xf32, #tpu.memory_space<hbm>>
      tpu.enqueue_indirect_dma source(%dma_start3A_104 : memref<10240x128xf32, #tpu.memory_space<hbm>>) target(%arg9 : memref<128x128xf32, #tpu.memory_space<vmem>>) offsets(%dma_start3A_101 : memref<128xi32, #tpu.memory_space<vmem>>) semaphore(%arg12 : memref<!tpu.dma_semaphore, #tpu.memory_space<semaphore_mem>>)
      %mul3A_105 = arith.constant 2 : i32
      %mul3A_106 = arith.muli %mul3A_105, %scan3A_86 : i32
      %add3A_107 = arith.constant 1 : i32
      %add3A_108 = arith.addi %mul3A_106, %add3A_107 : i32
      %dma_wait3A_109 = arith.constant 0 : i32
      %dma_wait3A_110 = tpu.memref_slice %arg7[%add3A_108, %dma_wait3A_109] : memref<40x128xi32, #tpu.memory_space<vmem>> -> memref<1x128xi32, #tpu.memory_space<vmem>>
      %dma_wait3A_111 = tpu.memref_squeeze %dma_wait3A_110 : memref<1x128xi32, #tpu.memory_space<vmem>> -> memref<128xi32, #tpu.memory_space<vmem>>
      %dma_wait3A_112 = arith.constant 0 : i32
      %dma_wait3A_113 = arith.constant 0 : i32
      %dma_wait3A_114 = tpu.memref_slice %arg2[%dma_wait3A_112, %dma_wait3A_113] : memref<10240x128xf32, #tpu.memory_space<hbm>> -> memref<10240x128xf32, #tpu.memory_space<hbm>>
      tpu.wait_indirect_dma semaphore(%arg13 : memref<!tpu.dma_semaphore, #tpu.memory_space<semaphore_mem>>) src(%dma_wait3A_114 : memref<10240x128xf32, #tpu.memory_space<hbm>>) dst(%arg10 : memref<128x128xf32, #tpu.memory_space<vmem>>)
      "tpu.region"() ({
        %run_scoped3A_123 = tpu.sem_alloc : memref<!tpu.dma_semaphore, #tpu.memory_space<semaphore_mem>>
        %dma_start3A_124 = arith.constant 0 : i32
        %dma_start3A_125 = tpu.memref_slice %arg8[%add3A_108, %dma_start3A_124] : memref<40x128xi32, #tpu.memory_space<vmem>> -> memref<1x128xi32, #tpu.memory_space<vmem>>
        %dma_start3A_126 = tpu.memref_squeeze %dma_start3A_125 : memref<1x128xi32, #tpu.memory_space<vmem>> -> memref<128xi32, #tpu.memory_space<vmem>>
        %dma_start3A_127 = arith.constant 0 : i32
        %dma_start3A_128 = arith.constant 0 : i32
        %dma_start3A_129 = tpu.memref_slice %arg11[%dma_start3A_127, %dma_start3A_128] : memref<10240x128xf32, #tpu.memory_space<vmem_shared>> -> memref<10240x128xf32, #tpu.memory_space<vmem_shared>>
        tpu.enqueue_indirect_dma source(%arg10 : memref<128x128xf32, #tpu.memory_space<vmem>>) target(%dma_start3A_129 : memref<10240x128xf32, #tpu.memory_space<vmem_shared>>) offsets(%dma_start3A_126 : memref<128xi32, #tpu.memory_space<vmem>>) semaphore(%run_scoped3A_123 : memref<!tpu.dma_semaphore, #tpu.memory_space<semaphore_mem>>) {add = true}
        %dma_wait3A_130 = arith.constant 0 : i32
        %dma_wait3A_131 = tpu.memref_slice %arg8[%add3A_108, %dma_wait3A_130] : memref<40x128xi32, #tpu.memory_space<vmem>> -> memref<1x128xi32, #tpu.memory_space<vmem>>
        %dma_wait3A_132 = tpu.memref_squeeze %dma_wait3A_131 : memref<1x128xi32, #tpu.memory_space<vmem>> -> memref<128xi32, #tpu.memory_space<vmem>>
        %dma_wait3A_133 = arith.constant 0 : i32
        %dma_wait3A_134 = arith.constant 0 : i32
        %dma_wait3A_135 = tpu.memref_slice %arg11[%dma_wait3A_133, %dma_wait3A_134] : memref<10240x128xf32, #tpu.memory_space<vmem_shared>> -> memref<10240x128xf32, #tpu.memory_space<vmem_shared>>
        tpu.wait_indirect_dma semaphore(%run_scoped3A_123 : memref<!tpu.dma_semaphore, #tpu.memory_space<semaphore_mem>>) src(%arg10 : memref<128x128xf32, #tpu.memory_space<vmem>>) dst(%dma_wait3A_135 : memref<10240x128xf32, #tpu.memory_space<vmem_shared>>)
        tpu.yield
      }) : () -> ()
      %add3A_115 = arith.constant 2 : i32
      %add3A_116 = arith.addi %add3A_108, %add3A_115 : i32
      %dma_start3A_117 = arith.constant 0 : i32
      %dma_start3A_118 = tpu.memref_slice %arg7[%add3A_116, %dma_start3A_117] : memref<40x128xi32, #tpu.memory_space<vmem>> -> memref<1x128xi32, #tpu.memory_space<vmem>>
      %dma_start3A_119 = tpu.memref_squeeze %dma_start3A_118 : memref<1x128xi32, #tpu.memory_space<vmem>> -> memref<128xi32, #tpu.memory_space<vmem>>
      %dma_start3A_120 = arith.constant 0 : i32
      %dma_start3A_121 = arith.constant 0 : i32
      %dma_start3A_122 = tpu.memref_slice %arg2[%dma_start3A_120, %dma_start3A_121] : memref<10240x128xf32, #tpu.memory_space<hbm>> -> memref<10240x128xf32, #tpu.memory_space<hbm>>
      tpu.enqueue_indirect_dma source(%dma_start3A_122 : memref<10240x128xf32, #tpu.memory_space<hbm>>) target(%arg10 : memref<128x128xf32, #tpu.memory_space<vmem>>) offsets(%dma_start3A_119 : memref<128xi32, #tpu.memory_space<vmem>>) semaphore(%arg13 : memref<!tpu.dma_semaphore, #tpu.memory_space<semaphore_mem>>)
    }
    %scan3A_25 = arith.constant 19 : i32
    %dma_wait3A_26 = arith.constant 38 : i32
    %dma_wait3A_27 = arith.constant 0 : i32
    %dma_wait3A_28 = tpu.memref_slice %arg7[%dma_wait3A_26, %dma_wait3A_27] : memref<40x128xi32, #tpu.memory_space<vmem>> -> memref<1x128xi32, #tpu.memory_space<vmem>>
    %dma_wait3A_29 = tpu.memref_squeeze %dma_wait3A_28 : memref<1x128xi32, #tpu.memory_space<vmem>> -> memref<128xi32, #tpu.memory_space<vmem>>
    %dma_wait3A_30 = arith.constant 0 : i32
    %dma_wait3A_31 = arith.constant 0 : i32
    %dma_wait3A_32 = tpu.memref_slice %arg2[%dma_wait3A_30, %dma_wait3A_31] : memref<10240x128xf32, #tpu.memory_space<hbm>> -> memref<10240x128xf32, #tpu.memory_space<hbm>>
    tpu.wait_indirect_dma semaphore(%arg12 : memref<!tpu.dma_semaphore, #tpu.memory_space<semaphore_mem>>) src(%dma_wait3A_32 : memref<10240x128xf32, #tpu.memory_space<hbm>>) dst(%arg9 : memref<128x128xf32, #tpu.memory_space<vmem>>)
    %run_scoped3A = arith.constant 38 : i32
    "tpu.region"() ({
      %run_scoped3A_86 = tpu.sem_alloc : memref<!tpu.dma_semaphore, #tpu.memory_space<semaphore_mem>>
      %dma_start3A_87 = arith.constant 0 : i32
      %dma_start3A_88 = tpu.memref_slice %arg8[%run_scoped3A, %dma_start3A_87] : memref<40x128xi32, #tpu.memory_space<vmem>> -> memref<1x128xi32, #tpu.memory_space<vmem>>
      %dma_start3A_89 = tpu.memref_squeeze %dma_start3A_88 : memref<1x128xi32, #tpu.memory_space<vmem>> -> memref<128xi32, #tpu.memory_space<vmem>>
      %dma_start3A_90 = arith.constant 0 : i32
      %dma_start3A_91 = arith.constant 0 : i32
      %dma_start3A_92 = tpu.memref_slice %arg11[%dma_start3A_90, %dma_start3A_91] : memref<10240x128xf32, #tpu.memory_space<vmem_shared>> -> memref<10240x128xf32, #tpu.memory_space<vmem_shared>>
      tpu.enqueue_indirect_dma source(%arg9 : memref<128x128xf32, #tpu.memory_space<vmem>>) target(%dma_start3A_92 : memref<10240x128xf32, #tpu.memory_space<vmem_shared>>) offsets(%dma_start3A_89 : memref<128xi32, #tpu.memory_space<vmem>>) semaphore(%run_scoped3A_86 : memref<!tpu.dma_semaphore, #tpu.memory_space<semaphore_mem>>) {add = true}
      %dma_wait3A_93 = arith.constant 0 : i32
      %dma_wait3A_94 = tpu.memref_slice %arg8[%run_scoped3A, %dma_wait3A_93] : memref<40x128xi32, #tpu.memory_space<vmem>> -> memref<1x128xi32, #tpu.memory_space<vmem>>
      %dma_wait3A_95 = tpu.memref_squeeze %dma_wait3A_94 : memref<1x128xi32, #tpu.memory_space<vmem>> -> memref<128xi32, #tpu.memory_space<vmem>>
      %dma_wait3A_96 = arith.constant 0 : i32
      %dma_wait3A_97 = arith.constant 0 : i32
      %dma_wait3A_98 = tpu.memref_slice %arg11[%dma_wait3A_96, %dma_wait3A_97] : memref<10240x128xf32, #tpu.memory_space<vmem_shared>> -> memref<10240x128xf32, #tpu.memory_space<vmem_shared>>
      tpu.wait_indirect_dma semaphore(%run_scoped3A_86 : memref<!tpu.dma_semaphore, #tpu.memory_space<semaphore_mem>>) src(%arg9 : memref<128x128xf32, #tpu.memory_space<vmem>>) dst(%dma_wait3A_98 : memref<10240x128xf32, #tpu.memory_space<vmem_shared>>)
      tpu.yield
    }) : () -> ()
    %dma_wait3A_33 = arith.constant 39 : i32
    %dma_wait3A_34 = arith.constant 0 : i32
    %dma_wait3A_35 = tpu.memref_slice %arg7[%dma_wait3A_33, %dma_wait3A_34] : memref<40x128xi32, #tpu.memory_space<vmem>> -> memref<1x128xi32, #tpu.memory_space<vmem>>
    %dma_wait3A_36 = tpu.memref_squeeze %dma_wait3A_35 : memref<1x128xi32, #tpu.memory_space<vmem>> -> memref<128xi32, #tpu.memory_space<vmem>>
    %dma_wait3A_37 = arith.constant 0 : i32
    %dma_wait3A_38 = arith.constant 0 : i32
    %dma_wait3A_39 = tpu.memref_slice %arg2[%dma_wait3A_37, %dma_wait3A_38] : memref<10240x128xf32, #tpu.memory_space<hbm>> -> memref<10240x128xf32, #tpu.memory_space<hbm>>
    tpu.wait_indirect_dma semaphore(%arg13 : memref<!tpu.dma_semaphore, #tpu.memory_space<semaphore_mem>>) src(%dma_wait3A_39 : memref<10240x128xf32, #tpu.memory_space<hbm>>) dst(%arg10 : memref<128x128xf32, #tpu.memory_space<vmem>>)
    %run_scoped3A_40 = arith.constant 39 : i32
    "tpu.region"() ({
      %run_scoped3A_86 = tpu.sem_alloc : memref<!tpu.dma_semaphore, #tpu.memory_space<semaphore_mem>>
      %dma_start3A_87 = arith.constant 0 : i32
      %dma_start3A_88 = tpu.memref_slice %arg8[%run_scoped3A_40, %dma_start3A_87] : memref<40x128xi32, #tpu.memory_space<vmem>> -> memref<1x128xi32, #tpu.memory_space<vmem>>
      %dma_start3A_89 = tpu.memref_squeeze %dma_start3A_88 : memref<1x128xi32, #tpu.memory_space<vmem>> -> memref<128xi32, #tpu.memory_space<vmem>>
      %dma_start3A_90 = arith.constant 0 : i32
      %dma_start3A_91 = arith.constant 0 : i32
      %dma_start3A_92 = tpu.memref_slice %arg11[%dma_start3A_90, %dma_start3A_91] : memref<10240x128xf32, #tpu.memory_space<vmem_shared>> -> memref<10240x128xf32, #tpu.memory_space<vmem_shared>>
      tpu.enqueue_indirect_dma source(%arg10 : memref<128x128xf32, #tpu.memory_space<vmem>>) target(%dma_start3A_92 : memref<10240x128xf32, #tpu.memory_space<vmem_shared>>) offsets(%dma_start3A_89 : memref<128xi32, #tpu.memory_space<vmem>>) semaphore(%run_scoped3A_86 : memref<!tpu.dma_semaphore, #tpu.memory_space<semaphore_mem>>) {add = true}
      %dma_wait3A_93 = arith.constant 0 : i32
      %dma_wait3A_94 = tpu.memref_slice %arg8[%run_scoped3A_40, %dma_wait3A_93] : memref<40x128xi32, #tpu.memory_space<vmem>> -> memref<1x128xi32, #tpu.memory_space<vmem>>
      %dma_wait3A_95 = tpu.memref_squeeze %dma_wait3A_94 : memref<1x128xi32, #tpu.memory_space<vmem>> -> memref<128xi32, #tpu.memory_space<vmem>>
      %dma_wait3A_96 = arith.constant 0 : i32
      %dma_wait3A_97 = arith.constant 0 : i32
      %dma_wait3A_98 = tpu.memref_slice %arg11[%dma_wait3A_96, %dma_wait3A_97] : memref<10240x128xf32, #tpu.memory_space<vmem_shared>> -> memref<10240x128xf32, #tpu.memory_space<vmem_shared>>
      tpu.wait_indirect_dma semaphore(%run_scoped3A_86 : memref<!tpu.dma_semaphore, #tpu.memory_space<semaphore_mem>>) src(%arg10 : memref<128x128xf32, #tpu.memory_space<vmem>>) dst(%dma_wait3A_98 : memref<10240x128xf32, #tpu.memory_space<vmem_shared>>)
      tpu.yield
    }) : () -> ()
    %add3A_41 = arith.constant 40 : i32
    %add3A_42 = arith.addi %mul3A_5, %add3A_41 : i32
    "tpu.region"() ({
      %run_scoped3A_86 = tpu.sem_alloc : memref<!tpu.dma_semaphore, #tpu.memory_space<semaphore_mem>>
      %dma_start3A_87 = arith.constant 0 : i32
      %dma_start3A_88 = tpu.memref_slice %arg3[%add3A_42, %dma_start3A_87] : memref<2560x128xi32, #tpu.memory_space<hbm>> -> memref<40x128xi32, #tpu.memory_space<hbm>>
      %dma_start3A_89 = arith.constant 0 : i32
      %dma_start3A_90 = tpu.memref_slice %arg3[%add3A_42, %dma_start3A_89] : memref<2560x128xi32, #tpu.memory_space<hbm>> -> memref<40x128xi32, #tpu.memory_space<hbm>>
      tpu.enqueue_dma source(%dma_start3A_90 : memref<40x128xi32, #tpu.memory_space<hbm>>) target(%arg7 : memref<40x128xi32, #tpu.memory_space<vmem>>) target_semaphore(%run_scoped3A_86 : memref<!tpu.dma_semaphore, #tpu.memory_space<semaphore_mem>>)
      %dma_wait3A_91 = arith.constant 0 : i32
      %dma_wait3A_92 = tpu.memref_slice %arg3[%add3A_42, %dma_wait3A_91] : memref<2560x128xi32, #tpu.memory_space<hbm>> -> memref<40x128xi32, #tpu.memory_space<hbm>>
      %dma_wait3A_93 = arith.constant 0 : i32
      %dma_wait3A_94 = tpu.memref_slice %arg3[%add3A_42, %dma_wait3A_93] : memref<2560x128xi32, #tpu.memory_space<hbm>> -> memref<40x128xi32, #tpu.memory_space<hbm>>
      tpu.wait_dma2 semaphore(%run_scoped3A_86 : memref<!tpu.dma_semaphore, #tpu.memory_space<semaphore_mem>>) src(%dma_wait3A_94 : memref<40x128xi32, #tpu.memory_space<hbm>>) dst(%arg7 : memref<40x128xi32, #tpu.memory_space<vmem>>)
      tpu.yield
    }) : () -> ()
    %add3A_43 = arith.constant 40 : i32
    %add3A_44 = arith.addi %mul3A_5, %add3A_43 : i32
    "tpu.region"() ({
      %run_scoped3A_86 = tpu.sem_alloc : memref<!tpu.dma_semaphore, #tpu.memory_space<semaphore_mem>>
      %dma_start3A_87 = arith.constant 0 : i32
      %dma_start3A_88 = tpu.memref_slice %arg4[%add3A_44, %dma_start3A_87] : memref<2560x128xi32, #tpu.memory_space<hbm>> -> memref<40x128xi32, #tpu.memory_space<hbm>>
      %dma_start3A_89 = arith.constant 0 : i32
      %dma_start3A_90 = tpu.memref_slice %arg4[%add3A_44, %dma_start3A_89] : memref<2560x128xi32, #tpu.memory_space<hbm>> -> memref<40x128xi32, #tpu.memory_space<hbm>>
      tpu.enqueue_dma source(%dma_start3A_90 : memref<40x128xi32, #tpu.memory_space<hbm>>) target(%arg8 : memref<40x128xi32, #tpu.memory_space<vmem>>) target_semaphore(%run_scoped3A_86 : memref<!tpu.dma_semaphore, #tpu.memory_space<semaphore_mem>>)
      %dma_wait3A_91 = arith.constant 0 : i32
      %dma_wait3A_92 = tpu.memref_slice %arg4[%add3A_44, %dma_wait3A_91] : memref<2560x128xi32, #tpu.memory_space<hbm>> -> memref<40x128xi32, #tpu.memory_space<hbm>>
      %dma_wait3A_93 = arith.constant 0 : i32
      %dma_wait3A_94 = tpu.memref_slice %arg4[%add3A_44, %dma_wait3A_93] : memref<2560x128xi32, #tpu.memory_space<hbm>> -> memref<40x128xi32, #tpu.memory_space<hbm>>
      tpu.wait_dma2 semaphore(%run_scoped3A_86 : memref<!tpu.dma_semaphore, #tpu.memory_space<semaphore_mem>>) src(%dma_wait3A_94 : memref<40x128xi32, #tpu.memory_space<hbm>>) dst(%arg8 : memref<40x128xi32, #tpu.memory_space<vmem>>)
      tpu.yield
    }) : () -> ()
    %dma_start3A_45 = arith.constant 0 : i32
    %dma_start3A_46 = arith.constant 0 : i32
    %dma_start3A_47 = tpu.memref_slice %arg7[%dma_start3A_45, %dma_start3A_46] : memref<40x128xi32, #tpu.memory_space<vmem>> -> memref<1x128xi32, #tpu.memory_space<vmem>>
    %dma_start3A_48 = tpu.memref_squeeze %dma_start3A_47 : memref<1x128xi32, #tpu.memory_space<vmem>> -> memref<128xi32, #tpu.memory_space<vmem>>
    %dma_start3A_49 = arith.constant 0 : i32
    %dma_start3A_50 = arith.constant 0 : i32
    %dma_start3A_51 = tpu.memref_slice %arg2[%dma_start3A_49, %dma_start3A_50] : memref<10240x128xf32, #tpu.memory_space<hbm>> -> memref<10240x128xf32, #tpu.memory_space<hbm>>
    tpu.enqueue_indirect_dma source(%dma_start3A_51 : memref<10240x128xf32, #tpu.memory_space<hbm>>) target(%arg9 : memref<128x128xf32, #tpu.memory_space<vmem>>) offsets(%dma_start3A_48 : memref<128xi32, #tpu.memory_space<vmem>>) semaphore(%arg12 : memref<!tpu.dma_semaphore, #tpu.memory_space<semaphore_mem>>)
    %dma_start3A_52 = arith.constant 1 : i32
    %dma_start3A_53 = arith.constant 0 : i32
    %dma_start3A_54 = tpu.memref_slice %arg7[%dma_start3A_52, %dma_start3A_53] : memref<40x128xi32, #tpu.memory_space<vmem>> -> memref<1x128xi32, #tpu.memory_space<vmem>>
    %dma_start3A_55 = tpu.memref_squeeze %dma_start3A_54 : memref<1x128xi32, #tpu.memory_space<vmem>> -> memref<128xi32, #tpu.memory_space<vmem>>
    %dma_start3A_56 = arith.constant 0 : i32
    %dma_start3A_57 = arith.constant 0 : i32
    %dma_start3A_58 = tpu.memref_slice %arg2[%dma_start3A_56, %dma_start3A_57] : memref<10240x128xf32, #tpu.memory_space<hbm>> -> memref<10240x128xf32, #tpu.memory_space<hbm>>
    tpu.enqueue_indirect_dma source(%dma_start3A_58 : memref<10240x128xf32, #tpu.memory_space<hbm>>) target(%arg10 : memref<128x128xf32, #tpu.memory_space<vmem>>) offsets(%dma_start3A_55 : memref<128xi32, #tpu.memory_space<vmem>>) semaphore(%arg13 : memref<!tpu.dma_semaphore, #tpu.memory_space<semaphore_mem>>)
    %scan3A_59 = arith.constant 0 : i32
    %scan3A_60 = arith.constant 0 : i32
    %scan3A_61 = arith.constant 19 : i32
    %scan3A_62 = arith.addi %scan3A_60, %scan3A_61 : i32
    %scan3A_63 = arith.constant 1 : i32
    scf.for %scan3A_86 = %scan3A_60 to %scan3A_62 step %scan3A_63  : i32 {
      %mul3A_87 = arith.constant 2 : i32
      %mul3A_88 = arith.muli %mul3A_87, %scan3A_86 : i32
      %add3A_89 = arith.constant 0 : i32
      %add3A_90 = arith.addi %mul3A_88, %add3A_89 : i32
      %dma_wait3A_91 = arith.constant 0 : i32
      %dma_wait3A_92 = tpu.memref_slice %arg7[%add3A_90, %dma_wait3A_91] : memref<40x128xi32, #tpu.memory_space<vmem>> -> memref<1x128xi32, #tpu.memory_space<vmem>>
      %dma_wait3A_93 = tpu.memref_squeeze %dma_wait3A_92 : memref<1x128xi32, #tpu.memory_space<vmem>> -> memref<128xi32, #tpu.memory_space<vmem>>
      %dma_wait3A_94 = arith.constant 0 : i32
      %dma_wait3A_95 = arith.constant 0 : i32
      %dma_wait3A_96 = tpu.memref_slice %arg2[%dma_wait3A_94, %dma_wait3A_95] : memref<10240x128xf32, #tpu.memory_space<hbm>> -> memref<10240x128xf32, #tpu.memory_space<hbm>>
      tpu.wait_indirect_dma semaphore(%arg12 : memref<!tpu.dma_semaphore, #tpu.memory_space<semaphore_mem>>) src(%dma_wait3A_96 : memref<10240x128xf32, #tpu.memory_space<hbm>>) dst(%arg9 : memref<128x128xf32, #tpu.memory_space<vmem>>)
      "tpu.region"() ({
        %run_scoped3A_123 = tpu.sem_alloc : memref<!tpu.dma_semaphore, #tpu.memory_space<semaphore_mem>>
        %dma_start3A_124 = arith.constant 0 : i32
        %dma_start3A_125 = tpu.memref_slice %arg8[%add3A_90, %dma_start3A_124] : memref<40x128xi32, #tpu.memory_space<vmem>> -> memref<1x128xi32, #tpu.memory_space<vmem>>
        %dma_start3A_126 = tpu.memref_squeeze %dma_start3A_125 : memref<1x128xi32, #tpu.memory_space<vmem>> -> memref<128xi32, #tpu.memory_space<vmem>>
        %dma_start3A_127 = arith.constant 0 : i32
        %dma_start3A_128 = arith.constant 0 : i32
        %dma_start3A_129 = tpu.memref_slice %arg11[%dma_start3A_127, %dma_start3A_128] : memref<10240x128xf32, #tpu.memory_space<vmem_shared>> -> memref<10240x128xf32, #tpu.memory_space<vmem_shared>>
        tpu.enqueue_indirect_dma source(%arg9 : memref<128x128xf32, #tpu.memory_space<vmem>>) target(%dma_start3A_129 : memref<10240x128xf32, #tpu.memory_space<vmem_shared>>) offsets(%dma_start3A_126 : memref<128xi32, #tpu.memory_space<vmem>>) semaphore(%run_scoped3A_123 : memref<!tpu.dma_semaphore, #tpu.memory_space<semaphore_mem>>) {add = true}
        %dma_wait3A_130 = arith.constant 0 : i32
        %dma_wait3A_131 = tpu.memref_slice %arg8[%add3A_90, %dma_wait3A_130] : memref<40x128xi32, #tpu.memory_space<vmem>> -> memref<1x128xi32, #tpu.memory_space<vmem>>
        %dma_wait3A_132 = tpu.memref_squeeze %dma_wait3A_131 : memref<1x128xi32, #tpu.memory_space<vmem>> -> memref<128xi32, #tpu.memory_space<vmem>>
        %dma_wait3A_133 = arith.constant 0 : i32
        %dma_wait3A_134 = arith.constant 0 : i32
        %dma_wait3A_135 = tpu.memref_slice %arg11[%dma_wait3A_133, %dma_wait3A_134] : memref<10240x128xf32, #tpu.memory_space<vmem_shared>> -> memref<10240x128xf32, #tpu.memory_space<vmem_shared>>
        tpu.wait_indirect_dma semaphore(%run_scoped3A_123 : memref<!tpu.dma_semaphore, #tpu.memory_space<semaphore_mem>>) src(%arg9 : memref<128x128xf32, #tpu.memory_space<vmem>>) dst(%dma_wait3A_135 : memref<10240x128xf32, #tpu.memory_space<vmem_shared>>)
        tpu.yield
      }) : () -> ()
      %add3A_97 = arith.constant 2 : i32
      %add3A_98 = arith.addi %add3A_90, %add3A_97 : i32
      %dma_start3A_99 = arith.constant 0 : i32
      %dma_start3A_100 = tpu.memref_slice %arg7[%add3A_98, %dma_start3A_99] : memref<40x128xi32, #tpu.memory_space<vmem>> -> memref<1x128xi32, #tpu.memory_space<vmem>>
      %dma_start3A_101 = tpu.memref_squeeze %dma_start3A_100 : memref<1x128xi32, #tpu.memory_space<vmem>> -> memref<128xi32, #tpu.memory_space<vmem>>
      %dma_start3A_102 = arith.constant 0 : i32
      %dma_start3A_103 = arith.constant 0 : i32
      %dma_start3A_104 = tpu.memref_slice %arg2[%dma_start3A_102, %dma_start3A_103] : memref<10240x128xf32, #tpu.memory_space<hbm>> -> memref<10240x128xf32, #tpu.memory_space<hbm>>
      tpu.enqueue_indirect_dma source(%dma_start3A_104 : memref<10240x128xf32, #tpu.memory_space<hbm>>) target(%arg9 : memref<128x128xf32, #tpu.memory_space<vmem>>) offsets(%dma_start3A_101 : memref<128xi32, #tpu.memory_space<vmem>>) semaphore(%arg12 : memref<!tpu.dma_semaphore, #tpu.memory_space<semaphore_mem>>)
      %mul3A_105 = arith.constant 2 : i32
      %mul3A_106 = arith.muli %mul3A_105, %scan3A_86 : i32
      %add3A_107 = arith.constant 1 : i32
      %add3A_108 = arith.addi %mul3A_106, %add3A_107 : i32
      %dma_wait3A_109 = arith.constant 0 : i32
      %dma_wait3A_110 = tpu.memref_slice %arg7[%add3A_108, %dma_wait3A_109] : memref<40x128xi32, #tpu.memory_space<vmem>> -> memref<1x128xi32, #tpu.memory_space<vmem>>
      %dma_wait3A_111 = tpu.memref_squeeze %dma_wait3A_110 : memref<1x128xi32, #tpu.memory_space<vmem>> -> memref<128xi32, #tpu.memory_space<vmem>>
      %dma_wait3A_112 = arith.constant 0 : i32
      %dma_wait3A_113 = arith.constant 0 : i32
      %dma_wait3A_114 = tpu.memref_slice %arg2[%dma_wait3A_112, %dma_wait3A_113] : memref<10240x128xf32, #tpu.memory_space<hbm>> -> memref<10240x128xf32, #tpu.memory_space<hbm>>
      tpu.wait_indirect_dma semaphore(%arg13 : memref<!tpu.dma_semaphore, #tpu.memory_space<semaphore_mem>>) src(%dma_wait3A_114 : memref<10240x128xf32, #tpu.memory_space<hbm>>) dst(%arg10 : memref<128x128xf32, #tpu.memory_space<vmem>>)
      "tpu.region"() ({
        %run_scoped3A_123 = tpu.sem_alloc : memref<!tpu.dma_semaphore, #tpu.memory_space<semaphore_mem>>
        %dma_start3A_124 = arith.constant 0 : i32
        %dma_start3A_125 = tpu.memref_slice %arg8[%add3A_108, %dma_start3A_124] : memref<40x128xi32, #tpu.memory_space<vmem>> -> memref<1x128xi32, #tpu.memory_space<vmem>>
        %dma_start3A_126 = tpu.memref_squeeze %dma_start3A_125 : memref<1x128xi32, #tpu.memory_space<vmem>> -> memref<128xi32, #tpu.memory_space<vmem>>
        %dma_start3A_127 = arith.constant 0 : i32
        %dma_start3A_128 = arith.constant 0 : i32
        %dma_start3A_129 = tpu.memref_slice %arg11[%dma_start3A_127, %dma_start3A_128] : memref<10240x128xf32, #tpu.memory_space<vmem_shared>> -> memref<10240x128xf32, #tpu.memory_space<vmem_shared>>
        tpu.enqueue_indirect_dma source(%arg10 : memref<128x128xf32, #tpu.memory_space<vmem>>) target(%dma_start3A_129 : memref<10240x128xf32, #tpu.memory_space<vmem_shared>>) offsets(%dma_start3A_126 : memref<128xi32, #tpu.memory_space<vmem>>) semaphore(%run_scoped3A_123 : memref<!tpu.dma_semaphore, #tpu.memory_space<semaphore_mem>>) {add = true}
        %dma_wait3A_130 = arith.constant 0 : i32
        %dma_wait3A_131 = tpu.memref_slice %arg8[%add3A_108, %dma_wait3A_130] : memref<40x128xi32, #tpu.memory_space<vmem>> -> memref<1x128xi32, #tpu.memory_space<vmem>>
        %dma_wait3A_132 = tpu.memref_squeeze %dma_wait3A_131 : memref<1x128xi32, #tpu.memory_space<vmem>> -> memref<128xi32, #tpu.memory_space<vmem>>
        %dma_wait3A_133 = arith.constant 0 : i32
        %dma_wait3A_134 = arith.constant 0 : i32
        %dma_wait3A_135 = tpu.memref_slice %arg11[%dma_wait3A_133, %dma_wait3A_134] : memref<10240x128xf32, #tpu.memory_space<vmem_shared>> -> memref<10240x128xf32, #tpu.memory_space<vmem_shared>>
        tpu.wait_indirect_dma semaphore(%run_scoped3A_123 : memref<!tpu.dma_semaphore, #tpu.memory_space<semaphore_mem>>) src(%arg10 : memref<128x128xf32, #tpu.memory_space<vmem>>) dst(%dma_wait3A_135 : memref<10240x128xf32, #tpu.memory_space<vmem_shared>>)
        tpu.yield
      }) : () -> ()
      %add3A_115 = arith.constant 2 : i32
      %add3A_116 = arith.addi %add3A_108, %add3A_115 : i32
      %dma_start3A_117 = arith.constant 0 : i32
      %dma_start3A_118 = tpu.memref_slice %arg7[%add3A_116, %dma_start3A_117] : memref<40x128xi32, #tpu.memory_space<vmem>> -> memref<1x128xi32, #tpu.memory_space<vmem>>
      %dma_start3A_119 = tpu.memref_squeeze %dma_start3A_118 : memref<1x128xi32, #tpu.memory_space<vmem>> -> memref<128xi32, #tpu.memory_space<vmem>>
      %dma_start3A_120 = arith.constant 0 : i32
      %dma_start3A_121 = arith.constant 0 : i32
      %dma_start3A_122 = tpu.memref_slice %arg2[%dma_start3A_120, %dma_start3A_121] : memref<10240x128xf32, #tpu.memory_space<hbm>> -> memref<10240x128xf32, #tpu.memory_space<hbm>>
      tpu.enqueue_indirect_dma source(%dma_start3A_122 : memref<10240x128xf32, #tpu.memory_space<hbm>>) target(%arg10 : memref<128x128xf32, #tpu.memory_space<vmem>>) offsets(%dma_start3A_119 : memref<128xi32, #tpu.memory_space<vmem>>) semaphore(%arg13 : memref<!tpu.dma_semaphore, #tpu.memory_space<semaphore_mem>>)
    }
    %scan3A_64 = arith.constant 19 : i32
    %dma_wait3A_65 = arith.constant 38 : i32
    %dma_wait3A_66 = arith.constant 0 : i32
    %dma_wait3A_67 = tpu.memref_slice %arg7[%dma_wait3A_65, %dma_wait3A_66] : memref<40x128xi32, #tpu.memory_space<vmem>> -> memref<1x128xi32, #tpu.memory_space<vmem>>
    %dma_wait3A_68 = tpu.memref_squeeze %dma_wait3A_67 : memref<1x128xi32, #tpu.memory_space<vmem>> -> memref<128xi32, #tpu.memory_space<vmem>>
    %dma_wait3A_69 = arith.constant 0 : i32
    %dma_wait3A_70 = arith.constant 0 : i32
    %dma_wait3A_71 = tpu.memref_slice %arg2[%dma_wait3A_69, %dma_wait3A_70] : memref<10240x128xf32, #tpu.memory_space<hbm>> -> memref<10240x128xf32, #tpu.memory_space<hbm>>
    tpu.wait_indirect_dma semaphore(%arg12 : memref<!tpu.dma_semaphore, #tpu.memory_space<semaphore_mem>>) src(%dma_wait3A_71 : memref<10240x128xf32, #tpu.memory_space<hbm>>) dst(%arg9 : memref<128x128xf32, #tpu.memory_space<vmem>>)
    %run_scoped3A_72 = arith.constant 38 : i32
    "tpu.region"() ({
      %run_scoped3A_86 = tpu.sem_alloc : memref<!tpu.dma_semaphore, #tpu.memory_space<semaphore_mem>>
      %dma_start3A_87 = arith.constant 0 : i32
      %dma_start3A_88 = tpu.memref_slice %arg8[%run_scoped3A_72, %dma_start3A_87] : memref<40x128xi32, #tpu.memory_space<vmem>> -> memref<1x128xi32, #tpu.memory_space<vmem>>
      %dma_start3A_89 = tpu.memref_squeeze %dma_start3A_88 : memref<1x128xi32, #tpu.memory_space<vmem>> -> memref<128xi32, #tpu.memory_space<vmem>>
      %dma_start3A_90 = arith.constant 0 : i32
      %dma_start3A_91 = arith.constant 0 : i32
      %dma_start3A_92 = tpu.memref_slice %arg11[%dma_start3A_90, %dma_start3A_91] : memref<10240x128xf32, #tpu.memory_space<vmem_shared>> -> memref<10240x128xf32, #tpu.memory_space<vmem_shared>>
      tpu.enqueue_indirect_dma source(%arg9 : memref<128x128xf32, #tpu.memory_space<vmem>>) target(%dma_start3A_92 : memref<10240x128xf32, #tpu.memory_space<vmem_shared>>) offsets(%dma_start3A_89 : memref<128xi32, #tpu.memory_space<vmem>>) semaphore(%run_scoped3A_86 : memref<!tpu.dma_semaphore, #tpu.memory_space<semaphore_mem>>) {add = true}
      %dma_wait3A_93 = arith.constant 0 : i32
      %dma_wait3A_94 = tpu.memref_slice %arg8[%run_scoped3A_72, %dma_wait3A_93] : memref<40x128xi32, #tpu.memory_space<vmem>> -> memref<1x128xi32, #tpu.memory_space<vmem>>
      %dma_wait3A_95 = tpu.memref_squeeze %dma_wait3A_94 : memref<1x128xi32, #tpu.memory_space<vmem>> -> memref<128xi32, #tpu.memory_space<vmem>>
      %dma_wait3A_96 = arith.constant 0 : i32
      %dma_wait3A_97 = arith.constant 0 : i32
      %dma_wait3A_98 = tpu.memref_slice %arg11[%dma_wait3A_96, %dma_wait3A_97] : memref<10240x128xf32, #tpu.memory_space<vmem_shared>> -> memref<10240x128xf32, #tpu.memory_space<vmem_shared>>
      tpu.wait_indirect_dma semaphore(%run_scoped3A_86 : memref<!tpu.dma_semaphore, #tpu.memory_space<semaphore_mem>>) src(%arg9 : memref<128x128xf32, #tpu.memory_space<vmem>>) dst(%dma_wait3A_98 : memref<10240x128xf32, #tpu.memory_space<vmem_shared>>)
      tpu.yield
    }) : () -> ()
    %dma_wait3A_73 = arith.constant 39 : i32
    %dma_wait3A_74 = arith.constant 0 : i32
    %dma_wait3A_75 = tpu.memref_slice %arg7[%dma_wait3A_73, %dma_wait3A_74] : memref<40x128xi32, #tpu.memory_space<vmem>> -> memref<1x128xi32, #tpu.memory_space<vmem>>
    %dma_wait3A_76 = tpu.memref_squeeze %dma_wait3A_75 : memref<1x128xi32, #tpu.memory_space<vmem>> -> memref<128xi32, #tpu.memory_space<vmem>>
    %dma_wait3A_77 = arith.constant 0 : i32
    %dma_wait3A_78 = arith.constant 0 : i32
    %dma_wait3A_79 = tpu.memref_slice %arg2[%dma_wait3A_77, %dma_wait3A_78] : memref<10240x128xf32, #tpu.memory_space<hbm>> -> memref<10240x128xf32, #tpu.memory_space<hbm>>
    tpu.wait_indirect_dma semaphore(%arg13 : memref<!tpu.dma_semaphore, #tpu.memory_space<semaphore_mem>>) src(%dma_wait3A_79 : memref<10240x128xf32, #tpu.memory_space<hbm>>) dst(%arg10 : memref<128x128xf32, #tpu.memory_space<vmem>>)
    %run_scoped3A_80 = arith.constant 39 : i32
    "tpu.region"() ({
      %run_scoped3A_86 = tpu.sem_alloc : memref<!tpu.dma_semaphore, #tpu.memory_space<semaphore_mem>>
      %dma_start3A_87 = arith.constant 0 : i32
      %dma_start3A_88 = tpu.memref_slice %arg8[%run_scoped3A_80, %dma_start3A_87] : memref<40x128xi32, #tpu.memory_space<vmem>> -> memref<1x128xi32, #tpu.memory_space<vmem>>
      %dma_start3A_89 = tpu.memref_squeeze %dma_start3A_88 : memref<1x128xi32, #tpu.memory_space<vmem>> -> memref<128xi32, #tpu.memory_space<vmem>>
      %dma_start3A_90 = arith.constant 0 : i32
      %dma_start3A_91 = arith.constant 0 : i32
      %dma_start3A_92 = tpu.memref_slice %arg11[%dma_start3A_90, %dma_start3A_91] : memref<10240x128xf32, #tpu.memory_space<vmem_shared>> -> memref<10240x128xf32, #tpu.memory_space<vmem_shared>>
      tpu.enqueue_indirect_dma source(%arg10 : memref<128x128xf32, #tpu.memory_space<vmem>>) target(%dma_start3A_92 : memref<10240x128xf32, #tpu.memory_space<vmem_shared>>) offsets(%dma_start3A_89 : memref<128xi32, #tpu.memory_space<vmem>>) semaphore(%run_scoped3A_86 : memref<!tpu.dma_semaphore, #tpu.memory_space<semaphore_mem>>) {add = true}
      %dma_wait3A_93 = arith.constant 0 : i32
      %dma_wait3A_94 = tpu.memref_slice %arg8[%run_scoped3A_80, %dma_wait3A_93] : memref<40x128xi32, #tpu.memory_space<vmem>> -> memref<1x128xi32, #tpu.memory_space<vmem>>
      %dma_wait3A_95 = tpu.memref_squeeze %dma_wait3A_94 : memref<1x128xi32, #tpu.memory_space<vmem>> -> memref<128xi32, #tpu.memory_space<vmem>>
      %dma_wait3A_96 = arith.constant 0 : i32
      %dma_wait3A_97 = arith.constant 0 : i32
      %dma_wait3A_98 = tpu.memref_slice %arg11[%dma_wait3A_96, %dma_wait3A_97] : memref<10240x128xf32, #tpu.memory_space<vmem_shared>> -> memref<10240x128xf32, #tpu.memory_space<vmem_shared>>
      tpu.wait_indirect_dma semaphore(%run_scoped3A_86 : memref<!tpu.dma_semaphore, #tpu.memory_space<semaphore_mem>>) src(%arg10 : memref<128x128xf32, #tpu.memory_space<vmem>>) dst(%dma_wait3A_98 : memref<10240x128xf32, #tpu.memory_space<vmem_shared>>)
      tpu.yield
    }) : () -> ()
    %barrier3A_81 = arith.constant 0 : index
    tpu.barrier barrier_id(%barrier3A_81)
    %mul3A_82 = arith.constant 640 : i32
    %mul3A_83 = arith.muli %arg1, %mul3A_82 : i32
    %mul3A_84 = arith.constant 640 : i32
    %mul3A_85 = arith.muli %arg1, %mul3A_84 : i32
    "tpu.region"() ({
      %run_scoped3A_86 = tpu.sem_alloc : memref<!tpu.dma_semaphore, #tpu.memory_space<semaphore_mem>>
      %dma_start3A_87 = arith.constant 0 : i32
      %dma_start3A_88 = tpu.memref_slice %arg6[%arg0, %mul3A_85, %dma_start3A_87] : memref<2x10240x128xf32, #tpu.memory_space<hbm>> -> memref<1x640x128xf32, #tpu.memory_space<hbm>>
      %dma_start3A_89 = tpu.memref_squeeze %dma_start3A_88 : memref<1x640x128xf32, #tpu.memory_space<hbm>> -> memref<640x128xf32, #tpu.memory_space<hbm>>
      %dma_start3A_90 = arith.constant 0 : i32
      %dma_start3A_91 = tpu.memref_slice %arg11[%mul3A_83, %dma_start3A_90] : memref<10240x128xf32, #tpu.memory_space<vmem_shared>> -> memref<640x128xf32, #tpu.memory_space<vmem_shared>>
      tpu.enqueue_dma source(%dma_start3A_91 : memref<640x128xf32, #tpu.memory_space<vmem_shared>>) target(%dma_start3A_89 : memref<640x128xf32, #tpu.memory_space<hbm>>) target_semaphore(%run_scoped3A_86 : memref<!tpu.dma_semaphore, #tpu.memory_space<semaphore_mem>>)
      %dma_wait3A_92 = arith.constant 0 : i32
      %dma_wait3A_93 = tpu.memref_slice %arg6[%arg0, %mul3A_85, %dma_wait3A_92] : memref<2x10240x128xf32, #tpu.memory_space<hbm>> -> memref<1x640x128xf32, #tpu.memory_space<hbm>>
      %dma_wait3A_94 = tpu.memref_squeeze %dma_wait3A_93 : memref<1x640x128xf32, #tpu.memory_space<hbm>> -> memref<640x128xf32, #tpu.memory_space<hbm>>
      %dma_wait3A_95 = arith.constant 0 : i32
      %dma_wait3A_96 = tpu.memref_slice %arg11[%mul3A_83, %dma_wait3A_95] : memref<10240x128xf32, #tpu.memory_space<vmem_shared>> -> memref<640x128xf32, #tpu.memory_space<vmem_shared>>
      tpu.wait_dma2 semaphore(%run_scoped3A_86 : memref<!tpu.dma_semaphore, #tpu.memory_space<semaphore_mem>>) src(%dma_wait3A_96 : memref<640x128xf32, #tpu.memory_space<vmem_shared>>) dst(%dma_wait3A_94 : memref<640x128xf32, #tpu.memory_space<hbm>>)
      tpu.yield
    }) : () -> ()
    return
  }
}

#map = affine_map<(d0, d1) -> (0, 0)>
#map1 = affine_map<(d0, d1) -> (0, 0, 0)>
module attributes {stable_mosaic.version = 14 : i64} {
  func.func @_sc_aggregate(%arg0: i32, %arg1: i32, %arg2: memref<10240x128xf32, #tpu.memory_space<hbm>>, %arg3: memref<2560x128xi32, #tpu.memory_space<hbm>>, %arg4: memref<2560x128xi32, #tpu.memory_space<hbm>>, %arg5: memref<640x128xf32, #tpu.memory_space<hbm>>, %arg6: memref<2x10240x128xf32, #tpu.memory_space<hbm>>, %arg7: memref<40x128xi32, #tpu.memory_space<vmem>>, %arg8: memref<40x128xi32, #tpu.memory_space<vmem>>, %arg9: memref<128x128xf32, #tpu.memory_space<vmem>>, %arg10: memref<128x128xf32, #tpu.memory_space<vmem>>, %arg11: memref<10240x128xf32, #tpu.memory_space<vmem_shared>>, %arg12: memref<!tpu.dma_semaphore, #tpu.memory_space<semaphore_mem>>, %arg13: memref<!tpu.dma_semaphore, #tpu.memory_space<semaphore_mem>>) attributes {dimension_semantics = [#tpu.dimension_semantics<core_parallel>, #tpu.dimension_semantics<subcore_parallel>], iteration_bounds = array<i64: 2, 16>, scalar_prefetch = 0 : i64, scratch_operands = 7 : i64, tpu.core_type = #tpu.core_type<sc_vector_subcore>, window_params = [{transform_indices = #map}, {transform_indices = #map}, {transform_indices = #map}, {transform_indices = #map}, {transform_indices = #map1}]} {
    %mul3A = arith.constant 640 : i32
    %mul3A_0 = arith.muli %arg1, %mul3A : i32
    %dma_start3A = arith.constant 0 : i32
    %dma_start3A_1 = tpu.memref_slice %arg11[%mul3A_0, %dma_start3A] : memref<10240x128xf32, #tpu.memory_space<vmem_shared>> -> memref<640x128xf32, #tpu.memory_space<vmem_shared>>
    tpu.enqueue_dma source(%arg5 : memref<640x128xf32, #tpu.memory_space<hbm>>) target(%dma_start3A_1 : memref<640x128xf32, #tpu.memory_space<vmem_shared>>) target_semaphore(%arg12 : memref<!tpu.dma_semaphore, #tpu.memory_space<semaphore_mem>>)
    %mul3A_2 = arith.constant 16 : i32
    %mul3A_3 = arith.muli %arg0, %mul3A_2 : i32
    %add3A = arith.addi %mul3A_3, %arg1 : i32
    %mul3A_4 = arith.constant 80 : i32
    %mul3A_5 = arith.muli %add3A, %mul3A_4 : i32
    "tpu.region"() ({
      %run_scoped3A_86 = tpu.sem_alloc : memref<!tpu.dma_semaphore, #tpu.memory_space<semaphore_mem>>
      %dma_start3A_87 = arith.constant 0 : i32
      %dma_start3A_88 = tpu.memref_slice %arg3[%mul3A_5, %dma_start3A_87] : memref<2560x128xi32, #tpu.memory_space<hbm>> -> memref<40x128xi32, #tpu.memory_space<hbm>>
      %dma_start3A_89 = arith.constant 0 : i32
      %dma_start3A_90 = tpu.memref_slice %arg3[%mul3A_5, %dma_start3A_89] : memref<2560x128xi32, #tpu.memory_space<hbm>> -> memref<40x128xi32, #tpu.memory_space<hbm>>
      tpu.enqueue_dma source(%dma_start3A_90 : memref<40x128xi32, #tpu.memory_space<hbm>>) target(%arg7 : memref<40x128xi32, #tpu.memory_space<vmem>>) target_semaphore(%run_scoped3A_86 : memref<!tpu.dma_semaphore, #tpu.memory_space<semaphore_mem>>)
      %dma_wait3A_91 = arith.constant 0 : i32
      %dma_wait3A_92 = tpu.memref_slice %arg3[%mul3A_5, %dma_wait3A_91] : memref<2560x128xi32, #tpu.memory_space<hbm>> -> memref<40x128xi32, #tpu.memory_space<hbm>>
      %dma_wait3A_93 = arith.constant 0 : i32
      %dma_wait3A_94 = tpu.memref_slice %arg3[%mul3A_5, %dma_wait3A_93] : memref<2560x128xi32, #tpu.memory_space<hbm>> -> memref<40x128xi32, #tpu.memory_space<hbm>>
      tpu.wait_dma2 semaphore(%run_scoped3A_86 : memref<!tpu.dma_semaphore, #tpu.memory_space<semaphore_mem>>) src(%dma_wait3A_94 : memref<40x128xi32, #tpu.memory_space<hbm>>) dst(%arg7 : memref<40x128xi32, #tpu.memory_space<vmem>>)
      tpu.yield
    }) : () -> ()
    "tpu.region"() ({
      %run_scoped3A_86 = tpu.sem_alloc : memref<!tpu.dma_semaphore, #tpu.memory_space<semaphore_mem>>
      %dma_start3A_87 = arith.constant 0 : i32
      %dma_start3A_88 = tpu.memref_slice %arg4[%mul3A_5, %dma_start3A_87] : memref<2560x128xi32, #tpu.memory_space<hbm>> -> memref<40x128xi32, #tpu.memory_space<hbm>>
      %dma_start3A_89 = arith.constant 0 : i32
      %dma_start3A_90 = tpu.memref_slice %arg4[%mul3A_5, %dma_start3A_89] : memref<2560x128xi32, #tpu.memory_space<hbm>> -> memref<40x128xi32, #tpu.memory_space<hbm>>
      tpu.enqueue_dma source(%dma_start3A_90 : memref<40x128xi32, #tpu.memory_space<hbm>>) target(%arg8 : memref<40x128xi32, #tpu.memory_space<vmem>>) target_semaphore(%run_scoped3A_86 : memref<!tpu.dma_semaphore, #tpu.memory_space<semaphore_mem>>)
      %dma_wait3A_91 = arith.constant 0 : i32
      %dma_wait3A_92 = tpu.memref_slice %arg4[%mul3A_5, %dma_wait3A_91] : memref<2560x128xi32, #tpu.memory_space<hbm>> -> memref<40x128xi32, #tpu.memory_space<hbm>>
      %dma_wait3A_93 = arith.constant 0 : i32
      %dma_wait3A_94 = tpu.memref_slice %arg4[%mul3A_5, %dma_wait3A_93] : memref<2560x128xi32, #tpu.memory_space<hbm>> -> memref<40x128xi32, #tpu.memory_space<hbm>>
      tpu.wait_dma2 semaphore(%run_scoped3A_86 : memref<!tpu.dma_semaphore, #tpu.memory_space<semaphore_mem>>) src(%dma_wait3A_94 : memref<40x128xi32, #tpu.memory_space<hbm>>) dst(%arg8 : memref<40x128xi32, #tpu.memory_space<vmem>>)
      tpu.yield
    }) : () -> ()
    %dma_wait3A = arith.constant 0 : i32
    %dma_wait3A_6 = tpu.memref_slice %arg11[%mul3A_0, %dma_wait3A] : memref<10240x128xf32, #tpu.memory_space<vmem_shared>> -> memref<640x128xf32, #tpu.memory_space<vmem_shared>>
    tpu.wait_dma2 semaphore(%arg12 : memref<!tpu.dma_semaphore, #tpu.memory_space<semaphore_mem>>) src(%arg5 : memref<640x128xf32, #tpu.memory_space<hbm>>) dst(%dma_wait3A_6 : memref<640x128xf32, #tpu.memory_space<vmem_shared>>)
    %barrier3A = arith.constant 0 : index
    tpu.barrier barrier_id(%barrier3A)
    %dma_start3A_7 = arith.constant 0 : i32
    %dma_start3A_8 = arith.constant 0 : i32
    %dma_start3A_9 = tpu.memref_slice %arg7[%dma_start3A_7, %dma_start3A_8] : memref<40x128xi32, #tpu.memory_space<vmem>> -> memref<1x128xi32, #tpu.memory_space<vmem>>
    %dma_start3A_10 = tpu.memref_squeeze %dma_start3A_9 : memref<1x128xi32, #tpu.memory_space<vmem>> -> memref<128xi32, #tpu.memory_space<vmem>>
    %dma_start3A_11 = arith.constant 0 : i32
    %dma_start3A_12 = arith.constant 0 : i32
    %dma_start3A_13 = tpu.memref_slice %arg2[%dma_start3A_11, %dma_start3A_12] : memref<10240x128xf32, #tpu.memory_space<hbm>> -> memref<10240x128xf32, #tpu.memory_space<hbm>>
    tpu.enqueue_indirect_dma source(%dma_start3A_13 : memref<10240x128xf32, #tpu.memory_space<hbm>>) target(%arg9 : memref<128x128xf32, #tpu.memory_space<vmem>>) offsets(%dma_start3A_10 : memref<128xi32, #tpu.memory_space<vmem>>) semaphore(%arg12 : memref<!tpu.dma_semaphore, #tpu.memory_space<semaphore_mem>>)
    %dma_start3A_14 = arith.constant 1 : i32
    %dma_start3A_15 = arith.constant 0 : i32
    %dma_start3A_16 = tpu.memref_slice %arg7[%dma_start3A_14, %dma_start3A_15] : memref<40x128xi32, #tpu.memory_space<vmem>> -> memref<1x128xi32, #tpu.memory_space<vmem>>
    %dma_start3A_17 = tpu.memref_squeeze %dma_start3A_16 : memref<1x128xi32, #tpu.memory_space<vmem>> -> memref<128xi32, #tpu.memory_space<vmem>>
    %dma_start3A_18 = arith.constant 0 : i32
    %dma_start3A_19 = arith.constant 0 : i32
    %dma_start3A_20 = tpu.memref_slice %arg2[%dma_start3A_18, %dma_start3A_19] : memref<10240x128xf32, #tpu.memory_space<hbm>> -> memref<10240x128xf32, #tpu.memory_space<hbm>>
    tpu.enqueue_indirect_dma source(%dma_start3A_20 : memref<10240x128xf32, #tpu.memory_space<hbm>>) target(%arg10 : memref<128x128xf32, #tpu.memory_space<vmem>>) offsets(%dma_start3A_17 : memref<128xi32, #tpu.memory_space<vmem>>) semaphore(%arg13 : memref<!tpu.dma_semaphore, #tpu.memory_space<semaphore_mem>>)
    %scan3A = arith.constant 0 : i32
    %scan3A_21 = arith.constant 0 : i32
    %scan3A_22 = arith.constant 19 : i32
    %scan3A_23 = arith.addi %scan3A_21, %scan3A_22 : i32
    %scan3A_24 = arith.constant 1 : i32
    scf.for %scan3A_86 = %scan3A_21 to %scan3A_23 step %scan3A_24  : i32 {
      %mul3A_87 = arith.constant 2 : i32
      %mul3A_88 = arith.muli %mul3A_87, %scan3A_86 : i32
      %add3A_89 = arith.constant 0 : i32
      %add3A_90 = arith.addi %mul3A_88, %add3A_89 : i32
      %dma_wait3A_91 = arith.constant 0 : i32
      %dma_wait3A_92 = tpu.memref_slice %arg7[%add3A_90, %dma_wait3A_91] : memref<40x128xi32, #tpu.memory_space<vmem>> -> memref<1x128xi32, #tpu.memory_space<vmem>>
      %dma_wait3A_93 = tpu.memref_squeeze %dma_wait3A_92 : memref<1x128xi32, #tpu.memory_space<vmem>> -> memref<128xi32, #tpu.memory_space<vmem>>
      %dma_wait3A_94 = arith.constant 0 : i32
      %dma_wait3A_95 = arith.constant 0 : i32
      %dma_wait3A_96 = tpu.memref_slice %arg2[%dma_wait3A_94, %dma_wait3A_95] : memref<10240x128xf32, #tpu.memory_space<hbm>> -> memref<10240x128xf32, #tpu.memory_space<hbm>>
      tpu.wait_indirect_dma semaphore(%arg12 : memref<!tpu.dma_semaphore, #tpu.memory_space<semaphore_mem>>) src(%dma_wait3A_96 : memref<10240x128xf32, #tpu.memory_space<hbm>>) dst(%arg9 : memref<128x128xf32, #tpu.memory_space<vmem>>)
      "tpu.region"() ({
        %run_scoped3A_123 = tpu.sem_alloc : memref<!tpu.dma_semaphore, #tpu.memory_space<semaphore_mem>>
        %dma_start3A_124 = arith.constant 0 : i32
        %dma_start3A_125 = tpu.memref_slice %arg8[%add3A_90, %dma_start3A_124] : memref<40x128xi32, #tpu.memory_space<vmem>> -> memref<1x128xi32, #tpu.memory_space<vmem>>
        %dma_start3A_126 = tpu.memref_squeeze %dma_start3A_125 : memref<1x128xi32, #tpu.memory_space<vmem>> -> memref<128xi32, #tpu.memory_space<vmem>>
        %dma_start3A_127 = arith.constant 0 : i32
        %dma_start3A_128 = arith.constant 0 : i32
        %dma_start3A_129 = tpu.memref_slice %arg11[%dma_start3A_127, %dma_start3A_128] : memref<10240x128xf32, #tpu.memory_space<vmem_shared>> -> memref<10240x128xf32, #tpu.memory_space<vmem_shared>>
        tpu.enqueue_indirect_dma source(%arg9 : memref<128x128xf32, #tpu.memory_space<vmem>>) target(%dma_start3A_129 : memref<10240x128xf32, #tpu.memory_space<vmem_shared>>) offsets(%dma_start3A_126 : memref<128xi32, #tpu.memory_space<vmem>>) semaphore(%run_scoped3A_123 : memref<!tpu.dma_semaphore, #tpu.memory_space<semaphore_mem>>) {add = true}
        %dma_wait3A_130 = arith.constant 0 : i32
        %dma_wait3A_131 = tpu.memref_slice %arg8[%add3A_90, %dma_wait3A_130] : memref<40x128xi32, #tpu.memory_space<vmem>> -> memref<1x128xi32, #tpu.memory_space<vmem>>
        %dma_wait3A_132 = tpu.memref_squeeze %dma_wait3A_131 : memref<1x128xi32, #tpu.memory_space<vmem>> -> memref<128xi32, #tpu.memory_space<vmem>>
        %dma_wait3A_133 = arith.constant 0 : i32
        %dma_wait3A_134 = arith.constant 0 : i32
        %dma_wait3A_135 = tpu.memref_slice %arg11[%dma_wait3A_133, %dma_wait3A_134] : memref<10240x128xf32, #tpu.memory_space<vmem_shared>> -> memref<10240x128xf32, #tpu.memory_space<vmem_shared>>
        tpu.wait_indirect_dma semaphore(%run_scoped3A_123 : memref<!tpu.dma_semaphore, #tpu.memory_space<semaphore_mem>>) src(%arg9 : memref<128x128xf32, #tpu.memory_space<vmem>>) dst(%dma_wait3A_135 : memref<10240x128xf32, #tpu.memory_space<vmem_shared>>)
        tpu.yield
      }) : () -> ()
      %add3A_97 = arith.constant 2 : i32
      %add3A_98 = arith.addi %add3A_90, %add3A_97 : i32
      %dma_start3A_99 = arith.constant 0 : i32
      %dma_start3A_100 = tpu.memref_slice %arg7[%add3A_98, %dma_start3A_99] : memref<40x128xi32, #tpu.memory_space<vmem>> -> memref<1x128xi32, #tpu.memory_space<vmem>>
      %dma_start3A_101 = tpu.memref_squeeze %dma_start3A_100 : memref<1x128xi32, #tpu.memory_space<vmem>> -> memref<128xi32, #tpu.memory_space<vmem>>
      %dma_start3A_102 = arith.constant 0 : i32
      %dma_start3A_103 = arith.constant 0 : i32
      %dma_start3A_104 = tpu.memref_slice %arg2[%dma_start3A_102, %dma_start3A_103] : memref<10240x128xf32, #tpu.memory_space<hbm>> -> memref<10240x128xf32, #tpu.memory_space<hbm>>
      tpu.enqueue_indirect_dma source(%dma_start3A_104 : memref<10240x128xf32, #tpu.memory_space<hbm>>) target(%arg9 : memref<128x128xf32, #tpu.memory_space<vmem>>) offsets(%dma_start3A_101 : memref<128xi32, #tpu.memory_space<vmem>>) semaphore(%arg12 : memref<!tpu.dma_semaphore, #tpu.memory_space<semaphore_mem>>)
      %mul3A_105 = arith.constant 2 : i32
      %mul3A_106 = arith.muli %mul3A_105, %scan3A_86 : i32
      %add3A_107 = arith.constant 1 : i32
      %add3A_108 = arith.addi %mul3A_106, %add3A_107 : i32
      %dma_wait3A_109 = arith.constant 0 : i32
      %dma_wait3A_110 = tpu.memref_slice %arg7[%add3A_108, %dma_wait3A_109] : memref<40x128xi32, #tpu.memory_space<vmem>> -> memref<1x128xi32, #tpu.memory_space<vmem>>
      %dma_wait3A_111 = tpu.memref_squeeze %dma_wait3A_110 : memref<1x128xi32, #tpu.memory_space<vmem>> -> memref<128xi32, #tpu.memory_space<vmem>>
      %dma_wait3A_112 = arith.constant 0 : i32
      %dma_wait3A_113 = arith.constant 0 : i32
      %dma_wait3A_114 = tpu.memref_slice %arg2[%dma_wait3A_112, %dma_wait3A_113] : memref<10240x128xf32, #tpu.memory_space<hbm>> -> memref<10240x128xf32, #tpu.memory_space<hbm>>
      tpu.wait_indirect_dma semaphore(%arg13 : memref<!tpu.dma_semaphore, #tpu.memory_space<semaphore_mem>>) src(%dma_wait3A_114 : memref<10240x128xf32, #tpu.memory_space<hbm>>) dst(%arg10 : memref<128x128xf32, #tpu.memory_space<vmem>>)
      "tpu.region"() ({
        %run_scoped3A_123 = tpu.sem_alloc : memref<!tpu.dma_semaphore, #tpu.memory_space<semaphore_mem>>
        %dma_start3A_124 = arith.constant 0 : i32
        %dma_start3A_125 = tpu.memref_slice %arg8[%add3A_108, %dma_start3A_124] : memref<40x128xi32, #tpu.memory_space<vmem>> -> memref<1x128xi32, #tpu.memory_space<vmem>>
        %dma_start3A_126 = tpu.memref_squeeze %dma_start3A_125 : memref<1x128xi32, #tpu.memory_space<vmem>> -> memref<128xi32, #tpu.memory_space<vmem>>
        %dma_start3A_127 = arith.constant 0 : i32
        %dma_start3A_128 = arith.constant 0 : i32
        %dma_start3A_129 = tpu.memref_slice %arg11[%dma_start3A_127, %dma_start3A_128] : memref<10240x128xf32, #tpu.memory_space<vmem_shared>> -> memref<10240x128xf32, #tpu.memory_space<vmem_shared>>
        tpu.enqueue_indirect_dma source(%arg10 : memref<128x128xf32, #tpu.memory_space<vmem>>) target(%dma_start3A_129 : memref<10240x128xf32, #tpu.memory_space<vmem_shared>>) offsets(%dma_start3A_126 : memref<128xi32, #tpu.memory_space<vmem>>) semaphore(%run_scoped3A_123 : memref<!tpu.dma_semaphore, #tpu.memory_space<semaphore_mem>>) {add = true}
        %dma_wait3A_130 = arith.constant 0 : i32
        %dma_wait3A_131 = tpu.memref_slice %arg8[%add3A_108, %dma_wait3A_130] : memref<40x128xi32, #tpu.memory_space<vmem>> -> memref<1x128xi32, #tpu.memory_space<vmem>>
        %dma_wait3A_132 = tpu.memref_squeeze %dma_wait3A_131 : memref<1x128xi32, #tpu.memory_space<vmem>> -> memref<128xi32, #tpu.memory_space<vmem>>
        %dma_wait3A_133 = arith.constant 0 : i32
        %dma_wait3A_134 = arith.constant 0 : i32
        %dma_wait3A_135 = tpu.memref_slice %arg11[%dma_wait3A_133, %dma_wait3A_134] : memref<10240x128xf32, #tpu.memory_space<vmem_shared>> -> memref<10240x128xf32, #tpu.memory_space<vmem_shared>>
        tpu.wait_indirect_dma semaphore(%run_scoped3A_123 : memref<!tpu.dma_semaphore, #tpu.memory_space<semaphore_mem>>) src(%arg10 : memref<128x128xf32, #tpu.memory_space<vmem>>) dst(%dma_wait3A_135 : memref<10240x128xf32, #tpu.memory_space<vmem_shared>>)
        tpu.yield
      }) : () -> ()
      %add3A_115 = arith.constant 2 : i32
      %add3A_116 = arith.addi %add3A_108, %add3A_115 : i32
      %dma_start3A_117 = arith.constant 0 : i32
      %dma_start3A_118 = tpu.memref_slice %arg7[%add3A_116, %dma_start3A_117] : memref<40x128xi32, #tpu.memory_space<vmem>> -> memref<1x128xi32, #tpu.memory_space<vmem>>
      %dma_start3A_119 = tpu.memref_squeeze %dma_start3A_118 : memref<1x128xi32, #tpu.memory_space<vmem>> -> memref<128xi32, #tpu.memory_space<vmem>>
      %dma_start3A_120 = arith.constant 0 : i32
      %dma_start3A_121 = arith.constant 0 : i32
      %dma_start3A_122 = tpu.memref_slice %arg2[%dma_start3A_120, %dma_start3A_121] : memref<10240x128xf32, #tpu.memory_space<hbm>> -> memref<10240x128xf32, #tpu.memory_space<hbm>>
      tpu.enqueue_indirect_dma source(%dma_start3A_122 : memref<10240x128xf32, #tpu.memory_space<hbm>>) target(%arg10 : memref<128x128xf32, #tpu.memory_space<vmem>>) offsets(%dma_start3A_119 : memref<128xi32, #tpu.memory_space<vmem>>) semaphore(%arg13 : memref<!tpu.dma_semaphore, #tpu.memory_space<semaphore_mem>>)
    }
    %scan3A_25 = arith.constant 19 : i32
    %dma_wait3A_26 = arith.constant 38 : i32
    %dma_wait3A_27 = arith.constant 0 : i32
    %dma_wait3A_28 = tpu.memref_slice %arg7[%dma_wait3A_26, %dma_wait3A_27] : memref<40x128xi32, #tpu.memory_space<vmem>> -> memref<1x128xi32, #tpu.memory_space<vmem>>
    %dma_wait3A_29 = tpu.memref_squeeze %dma_wait3A_28 : memref<1x128xi32, #tpu.memory_space<vmem>> -> memref<128xi32, #tpu.memory_space<vmem>>
    %dma_wait3A_30 = arith.constant 0 : i32
    %dma_wait3A_31 = arith.constant 0 : i32
    %dma_wait3A_32 = tpu.memref_slice %arg2[%dma_wait3A_30, %dma_wait3A_31] : memref<10240x128xf32, #tpu.memory_space<hbm>> -> memref<10240x128xf32, #tpu.memory_space<hbm>>
    tpu.wait_indirect_dma semaphore(%arg12 : memref<!tpu.dma_semaphore, #tpu.memory_space<semaphore_mem>>) src(%dma_wait3A_32 : memref<10240x128xf32, #tpu.memory_space<hbm>>) dst(%arg9 : memref<128x128xf32, #tpu.memory_space<vmem>>)
    %run_scoped3A = arith.constant 38 : i32
    "tpu.region"() ({
      %run_scoped3A_86 = tpu.sem_alloc : memref<!tpu.dma_semaphore, #tpu.memory_space<semaphore_mem>>
      %dma_start3A_87 = arith.constant 0 : i32
      %dma_start3A_88 = tpu.memref_slice %arg8[%run_scoped3A, %dma_start3A_87] : memref<40x128xi32, #tpu.memory_space<vmem>> -> memref<1x128xi32, #tpu.memory_space<vmem>>
      %dma_start3A_89 = tpu.memref_squeeze %dma_start3A_88 : memref<1x128xi32, #tpu.memory_space<vmem>> -> memref<128xi32, #tpu.memory_space<vmem>>
      %dma_start3A_90 = arith.constant 0 : i32
      %dma_start3A_91 = arith.constant 0 : i32
      %dma_start3A_92 = tpu.memref_slice %arg11[%dma_start3A_90, %dma_start3A_91] : memref<10240x128xf32, #tpu.memory_space<vmem_shared>> -> memref<10240x128xf32, #tpu.memory_space<vmem_shared>>
      tpu.enqueue_indirect_dma source(%arg9 : memref<128x128xf32, #tpu.memory_space<vmem>>) target(%dma_start3A_92 : memref<10240x128xf32, #tpu.memory_space<vmem_shared>>) offsets(%dma_start3A_89 : memref<128xi32, #tpu.memory_space<vmem>>) semaphore(%run_scoped3A_86 : memref<!tpu.dma_semaphore, #tpu.memory_space<semaphore_mem>>) {add = true}
      %dma_wait3A_93 = arith.constant 0 : i32
      %dma_wait3A_94 = tpu.memref_slice %arg8[%run_scoped3A, %dma_wait3A_93] : memref<40x128xi32, #tpu.memory_space<vmem>> -> memref<1x128xi32, #tpu.memory_space<vmem>>
      %dma_wait3A_95 = tpu.memref_squeeze %dma_wait3A_94 : memref<1x128xi32, #tpu.memory_space<vmem>> -> memref<128xi32, #tpu.memory_space<vmem>>
      %dma_wait3A_96 = arith.constant 0 : i32
      %dma_wait3A_97 = arith.constant 0 : i32
      %dma_wait3A_98 = tpu.memref_slice %arg11[%dma_wait3A_96, %dma_wait3A_97] : memref<10240x128xf32, #tpu.memory_space<vmem_shared>> -> memref<10240x128xf32, #tpu.memory_space<vmem_shared>>
      tpu.wait_indirect_dma semaphore(%run_scoped3A_86 : memref<!tpu.dma_semaphore, #tpu.memory_space<semaphore_mem>>) src(%arg9 : memref<128x128xf32, #tpu.memory_space<vmem>>) dst(%dma_wait3A_98 : memref<10240x128xf32, #tpu.memory_space<vmem_shared>>)
      tpu.yield
    }) : () -> ()
    %dma_wait3A_33 = arith.constant 39 : i32
    %dma_wait3A_34 = arith.constant 0 : i32
    %dma_wait3A_35 = tpu.memref_slice %arg7[%dma_wait3A_33, %dma_wait3A_34] : memref<40x128xi32, #tpu.memory_space<vmem>> -> memref<1x128xi32, #tpu.memory_space<vmem>>
    %dma_wait3A_36 = tpu.memref_squeeze %dma_wait3A_35 : memref<1x128xi32, #tpu.memory_space<vmem>> -> memref<128xi32, #tpu.memory_space<vmem>>
    %dma_wait3A_37 = arith.constant 0 : i32
    %dma_wait3A_38 = arith.constant 0 : i32
    %dma_wait3A_39 = tpu.memref_slice %arg2[%dma_wait3A_37, %dma_wait3A_38] : memref<10240x128xf32, #tpu.memory_space<hbm>> -> memref<10240x128xf32, #tpu.memory_space<hbm>>
    tpu.wait_indirect_dma semaphore(%arg13 : memref<!tpu.dma_semaphore, #tpu.memory_space<semaphore_mem>>) src(%dma_wait3A_39 : memref<10240x128xf32, #tpu.memory_space<hbm>>) dst(%arg10 : memref<128x128xf32, #tpu.memory_space<vmem>>)
    %run_scoped3A_40 = arith.constant 39 : i32
    "tpu.region"() ({
      %run_scoped3A_86 = tpu.sem_alloc : memref<!tpu.dma_semaphore, #tpu.memory_space<semaphore_mem>>
      %dma_start3A_87 = arith.constant 0 : i32
      %dma_start3A_88 = tpu.memref_slice %arg8[%run_scoped3A_40, %dma_start3A_87] : memref<40x128xi32, #tpu.memory_space<vmem>> -> memref<1x128xi32, #tpu.memory_space<vmem>>
      %dma_start3A_89 = tpu.memref_squeeze %dma_start3A_88 : memref<1x128xi32, #tpu.memory_space<vmem>> -> memref<128xi32, #tpu.memory_space<vmem>>
      %dma_start3A_90 = arith.constant 0 : i32
      %dma_start3A_91 = arith.constant 0 : i32
      %dma_start3A_92 = tpu.memref_slice %arg11[%dma_start3A_90, %dma_start3A_91] : memref<10240x128xf32, #tpu.memory_space<vmem_shared>> -> memref<10240x128xf32, #tpu.memory_space<vmem_shared>>
      tpu.enqueue_indirect_dma source(%arg10 : memref<128x128xf32, #tpu.memory_space<vmem>>) target(%dma_start3A_92 : memref<10240x128xf32, #tpu.memory_space<vmem_shared>>) offsets(%dma_start3A_89 : memref<128xi32, #tpu.memory_space<vmem>>) semaphore(%run_scoped3A_86 : memref<!tpu.dma_semaphore, #tpu.memory_space<semaphore_mem>>) {add = true}
      %dma_wait3A_93 = arith.constant 0 : i32
      %dma_wait3A_94 = tpu.memref_slice %arg8[%run_scoped3A_40, %dma_wait3A_93] : memref<40x128xi32, #tpu.memory_space<vmem>> -> memref<1x128xi32, #tpu.memory_space<vmem>>
      %dma_wait3A_95 = tpu.memref_squeeze %dma_wait3A_94 : memref<1x128xi32, #tpu.memory_space<vmem>> -> memref<128xi32, #tpu.memory_space<vmem>>
      %dma_wait3A_96 = arith.constant 0 : i32
      %dma_wait3A_97 = arith.constant 0 : i32
      %dma_wait3A_98 = tpu.memref_slice %arg11[%dma_wait3A_96, %dma_wait3A_97] : memref<10240x128xf32, #tpu.memory_space<vmem_shared>> -> memref<10240x128xf32, #tpu.memory_space<vmem_shared>>
      tpu.wait_indirect_dma semaphore(%run_scoped3A_86 : memref<!tpu.dma_semaphore, #tpu.memory_space<semaphore_mem>>) src(%arg10 : memref<128x128xf32, #tpu.memory_space<vmem>>) dst(%dma_wait3A_98 : memref<10240x128xf32, #tpu.memory_space<vmem_shared>>)
      tpu.yield
    }) : () -> ()
    %add3A_41 = arith.constant 40 : i32
    %add3A_42 = arith.addi %mul3A_5, %add3A_41 : i32
    "tpu.region"() ({
      %run_scoped3A_86 = tpu.sem_alloc : memref<!tpu.dma_semaphore, #tpu.memory_space<semaphore_mem>>
      %dma_start3A_87 = arith.constant 0 : i32
      %dma_start3A_88 = tpu.memref_slice %arg3[%add3A_42, %dma_start3A_87] : memref<2560x128xi32, #tpu.memory_space<hbm>> -> memref<40x128xi32, #tpu.memory_space<hbm>>
      %dma_start3A_89 = arith.constant 0 : i32
      %dma_start3A_90 = tpu.memref_slice %arg3[%add3A_42, %dma_start3A_89] : memref<2560x128xi32, #tpu.memory_space<hbm>> -> memref<40x128xi32, #tpu.memory_space<hbm>>
      tpu.enqueue_dma source(%dma_start3A_90 : memref<40x128xi32, #tpu.memory_space<hbm>>) target(%arg7 : memref<40x128xi32, #tpu.memory_space<vmem>>) target_semaphore(%run_scoped3A_86 : memref<!tpu.dma_semaphore, #tpu.memory_space<semaphore_mem>>)
      %dma_wait3A_91 = arith.constant 0 : i32
      %dma_wait3A_92 = tpu.memref_slice %arg3[%add3A_42, %dma_wait3A_91] : memref<2560x128xi32, #tpu.memory_space<hbm>> -> memref<40x128xi32, #tpu.memory_space<hbm>>
      %dma_wait3A_93 = arith.constant 0 : i32
      %dma_wait3A_94 = tpu.memref_slice %arg3[%add3A_42, %dma_wait3A_93] : memref<2560x128xi32, #tpu.memory_space<hbm>> -> memref<40x128xi32, #tpu.memory_space<hbm>>
      tpu.wait_dma2 semaphore(%run_scoped3A_86 : memref<!tpu.dma_semaphore, #tpu.memory_space<semaphore_mem>>) src(%dma_wait3A_94 : memref<40x128xi32, #tpu.memory_space<hbm>>) dst(%arg7 : memref<40x128xi32, #tpu.memory_space<vmem>>)
      tpu.yield
    }) : () -> ()
    %add3A_43 = arith.constant 40 : i32
    %add3A_44 = arith.addi %mul3A_5, %add3A_43 : i32
    "tpu.region"() ({
      %run_scoped3A_86 = tpu.sem_alloc : memref<!tpu.dma_semaphore, #tpu.memory_space<semaphore_mem>>
      %dma_start3A_87 = arith.constant 0 : i32
      %dma_start3A_88 = tpu.memref_slice %arg4[%add3A_44, %dma_start3A_87] : memref<2560x128xi32, #tpu.memory_space<hbm>> -> memref<40x128xi32, #tpu.memory_space<hbm>>
      %dma_start3A_89 = arith.constant 0 : i32
      %dma_start3A_90 = tpu.memref_slice %arg4[%add3A_44, %dma_start3A_89] : memref<2560x128xi32, #tpu.memory_space<hbm>> -> memref<40x128xi32, #tpu.memory_space<hbm>>
      tpu.enqueue_dma source(%dma_start3A_90 : memref<40x128xi32, #tpu.memory_space<hbm>>) target(%arg8 : memref<40x128xi32, #tpu.memory_space<vmem>>) target_semaphore(%run_scoped3A_86 : memref<!tpu.dma_semaphore, #tpu.memory_space<semaphore_mem>>)
      %dma_wait3A_91 = arith.constant 0 : i32
      %dma_wait3A_92 = tpu.memref_slice %arg4[%add3A_44, %dma_wait3A_91] : memref<2560x128xi32, #tpu.memory_space<hbm>> -> memref<40x128xi32, #tpu.memory_space<hbm>>
      %dma_wait3A_93 = arith.constant 0 : i32
      %dma_wait3A_94 = tpu.memref_slice %arg4[%add3A_44, %dma_wait3A_93] : memref<2560x128xi32, #tpu.memory_space<hbm>> -> memref<40x128xi32, #tpu.memory_space<hbm>>
      tpu.wait_dma2 semaphore(%run_scoped3A_86 : memref<!tpu.dma_semaphore, #tpu.memory_space<semaphore_mem>>) src(%dma_wait3A_94 : memref<40x128xi32, #tpu.memory_space<hbm>>) dst(%arg8 : memref<40x128xi32, #tpu.memory_space<vmem>>)
      tpu.yield
    }) : () -> ()
    %dma_start3A_45 = arith.constant 0 : i32
    %dma_start3A_46 = arith.constant 0 : i32
    %dma_start3A_47 = tpu.memref_slice %arg7[%dma_start3A_45, %dma_start3A_46] : memref<40x128xi32, #tpu.memory_space<vmem>> -> memref<1x128xi32, #tpu.memory_space<vmem>>
    %dma_start3A_48 = tpu.memref_squeeze %dma_start3A_47 : memref<1x128xi32, #tpu.memory_space<vmem>> -> memref<128xi32, #tpu.memory_space<vmem>>
    %dma_start3A_49 = arith.constant 0 : i32
    %dma_start3A_50 = arith.constant 0 : i32
    %dma_start3A_51 = tpu.memref_slice %arg2[%dma_start3A_49, %dma_start3A_50] : memref<10240x128xf32, #tpu.memory_space<hbm>> -> memref<10240x128xf32, #tpu.memory_space<hbm>>
    tpu.enqueue_indirect_dma source(%dma_start3A_51 : memref<10240x128xf32, #tpu.memory_space<hbm>>) target(%arg9 : memref<128x128xf32, #tpu.memory_space<vmem>>) offsets(%dma_start3A_48 : memref<128xi32, #tpu.memory_space<vmem>>) semaphore(%arg12 : memref<!tpu.dma_semaphore, #tpu.memory_space<semaphore_mem>>)
    %dma_start3A_52 = arith.constant 1 : i32
    %dma_start3A_53 = arith.constant 0 : i32
    %dma_start3A_54 = tpu.memref_slice %arg7[%dma_start3A_52, %dma_start3A_53] : memref<40x128xi32, #tpu.memory_space<vmem>> -> memref<1x128xi32, #tpu.memory_space<vmem>>
    %dma_start3A_55 = tpu.memref_squeeze %dma_start3A_54 : memref<1x128xi32, #tpu.memory_space<vmem>> -> memref<128xi32, #tpu.memory_space<vmem>>
    %dma_start3A_56 = arith.constant 0 : i32
    %dma_start3A_57 = arith.constant 0 : i32
    %dma_start3A_58 = tpu.memref_slice %arg2[%dma_start3A_56, %dma_start3A_57] : memref<10240x128xf32, #tpu.memory_space<hbm>> -> memref<10240x128xf32, #tpu.memory_space<hbm>>
    tpu.enqueue_indirect_dma source(%dma_start3A_58 : memref<10240x128xf32, #tpu.memory_space<hbm>>) target(%arg10 : memref<128x128xf32, #tpu.memory_space<vmem>>) offsets(%dma_start3A_55 : memref<128xi32, #tpu.memory_space<vmem>>) semaphore(%arg13 : memref<!tpu.dma_semaphore, #tpu.memory_space<semaphore_mem>>)
    %scan3A_59 = arith.constant 0 : i32
    %scan3A_60 = arith.constant 0 : i32
    %scan3A_61 = arith.constant 19 : i32
    %scan3A_62 = arith.addi %scan3A_60, %scan3A_61 : i32
    %scan3A_63 = arith.constant 1 : i32
    scf.for %scan3A_86 = %scan3A_60 to %scan3A_62 step %scan3A_63  : i32 {
      %mul3A_87 = arith.constant 2 : i32
      %mul3A_88 = arith.muli %mul3A_87, %scan3A_86 : i32
      %add3A_89 = arith.constant 0 : i32
      %add3A_90 = arith.addi %mul3A_88, %add3A_89 : i32
      %dma_wait3A_91 = arith.constant 0 : i32
      %dma_wait3A_92 = tpu.memref_slice %arg7[%add3A_90, %dma_wait3A_91] : memref<40x128xi32, #tpu.memory_space<vmem>> -> memref<1x128xi32, #tpu.memory_space<vmem>>
      %dma_wait3A_93 = tpu.memref_squeeze %dma_wait3A_92 : memref<1x128xi32, #tpu.memory_space<vmem>> -> memref<128xi32, #tpu.memory_space<vmem>>
      %dma_wait3A_94 = arith.constant 0 : i32
      %dma_wait3A_95 = arith.constant 0 : i32
      %dma_wait3A_96 = tpu.memref_slice %arg2[%dma_wait3A_94, %dma_wait3A_95] : memref<10240x128xf32, #tpu.memory_space<hbm>> -> memref<10240x128xf32, #tpu.memory_space<hbm>>
      tpu.wait_indirect_dma semaphore(%arg12 : memref<!tpu.dma_semaphore, #tpu.memory_space<semaphore_mem>>) src(%dma_wait3A_96 : memref<10240x128xf32, #tpu.memory_space<hbm>>) dst(%arg9 : memref<128x128xf32, #tpu.memory_space<vmem>>)
      "tpu.region"() ({
        %run_scoped3A_123 = tpu.sem_alloc : memref<!tpu.dma_semaphore, #tpu.memory_space<semaphore_mem>>
        %dma_start3A_124 = arith.constant 0 : i32
        %dma_start3A_125 = tpu.memref_slice %arg8[%add3A_90, %dma_start3A_124] : memref<40x128xi32, #tpu.memory_space<vmem>> -> memref<1x128xi32, #tpu.memory_space<vmem>>
        %dma_start3A_126 = tpu.memref_squeeze %dma_start3A_125 : memref<1x128xi32, #tpu.memory_space<vmem>> -> memref<128xi32, #tpu.memory_space<vmem>>
        %dma_start3A_127 = arith.constant 0 : i32
        %dma_start3A_128 = arith.constant 0 : i32
        %dma_start3A_129 = tpu.memref_slice %arg11[%dma_start3A_127, %dma_start3A_128] : memref<10240x128xf32, #tpu.memory_space<vmem_shared>> -> memref<10240x128xf32, #tpu.memory_space<vmem_shared>>
        tpu.enqueue_indirect_dma source(%arg9 : memref<128x128xf32, #tpu.memory_space<vmem>>) target(%dma_start3A_129 : memref<10240x128xf32, #tpu.memory_space<vmem_shared>>) offsets(%dma_start3A_126 : memref<128xi32, #tpu.memory_space<vmem>>) semaphore(%run_scoped3A_123 : memref<!tpu.dma_semaphore, #tpu.memory_space<semaphore_mem>>) {add = true}
        %dma_wait3A_130 = arith.constant 0 : i32
        %dma_wait3A_131 = tpu.memref_slice %arg8[%add3A_90, %dma_wait3A_130] : memref<40x128xi32, #tpu.memory_space<vmem>> -> memref<1x128xi32, #tpu.memory_space<vmem>>
        %dma_wait3A_132 = tpu.memref_squeeze %dma_wait3A_131 : memref<1x128xi32, #tpu.memory_space<vmem>> -> memref<128xi32, #tpu.memory_space<vmem>>
        %dma_wait3A_133 = arith.constant 0 : i32
        %dma_wait3A_134 = arith.constant 0 : i32
        %dma_wait3A_135 = tpu.memref_slice %arg11[%dma_wait3A_133, %dma_wait3A_134] : memref<10240x128xf32, #tpu.memory_space<vmem_shared>> -> memref<10240x128xf32, #tpu.memory_space<vmem_shared>>
        tpu.wait_indirect_dma semaphore(%run_scoped3A_123 : memref<!tpu.dma_semaphore, #tpu.memory_space<semaphore_mem>>) src(%arg9 : memref<128x128xf32, #tpu.memory_space<vmem>>) dst(%dma_wait3A_135 : memref<10240x128xf32, #tpu.memory_space<vmem_shared>>)
        tpu.yield
      }) : () -> ()
      %add3A_97 = arith.constant 2 : i32
      %add3A_98 = arith.addi %add3A_90, %add3A_97 : i32
      %dma_start3A_99 = arith.constant 0 : i32
      %dma_start3A_100 = tpu.memref_slice %arg7[%add3A_98, %dma_start3A_99] : memref<40x128xi32, #tpu.memory_space<vmem>> -> memref<1x128xi32, #tpu.memory_space<vmem>>
      %dma_start3A_101 = tpu.memref_squeeze %dma_start3A_100 : memref<1x128xi32, #tpu.memory_space<vmem>> -> memref<128xi32, #tpu.memory_space<vmem>>
      %dma_start3A_102 = arith.constant 0 : i32
      %dma_start3A_103 = arith.constant 0 : i32
      %dma_start3A_104 = tpu.memref_slice %arg2[%dma_start3A_102, %dma_start3A_103] : memref<10240x128xf32, #tpu.memory_space<hbm>> -> memref<10240x128xf32, #tpu.memory_space<hbm>>
      tpu.enqueue_indirect_dma source(%dma_start3A_104 : memref<10240x128xf32, #tpu.memory_space<hbm>>) target(%arg9 : memref<128x128xf32, #tpu.memory_space<vmem>>) offsets(%dma_start3A_101 : memref<128xi32, #tpu.memory_space<vmem>>) semaphore(%arg12 : memref<!tpu.dma_semaphore, #tpu.memory_space<semaphore_mem>>)
      %mul3A_105 = arith.constant 2 : i32
      %mul3A_106 = arith.muli %mul3A_105, %scan3A_86 : i32
      %add3A_107 = arith.constant 1 : i32
      %add3A_108 = arith.addi %mul3A_106, %add3A_107 : i32
      %dma_wait3A_109 = arith.constant 0 : i32
      %dma_wait3A_110 = tpu.memref_slice %arg7[%add3A_108, %dma_wait3A_109] : memref<40x128xi32, #tpu.memory_space<vmem>> -> memref<1x128xi32, #tpu.memory_space<vmem>>
      %dma_wait3A_111 = tpu.memref_squeeze %dma_wait3A_110 : memref<1x128xi32, #tpu.memory_space<vmem>> -> memref<128xi32, #tpu.memory_space<vmem>>
      %dma_wait3A_112 = arith.constant 0 : i32
      %dma_wait3A_113 = arith.constant 0 : i32
      %dma_wait3A_114 = tpu.memref_slice %arg2[%dma_wait3A_112, %dma_wait3A_113] : memref<10240x128xf32, #tpu.memory_space<hbm>> -> memref<10240x128xf32, #tpu.memory_space<hbm>>
      tpu.wait_indirect_dma semaphore(%arg13 : memref<!tpu.dma_semaphore, #tpu.memory_space<semaphore_mem>>) src(%dma_wait3A_114 : memref<10240x128xf32, #tpu.memory_space<hbm>>) dst(%arg10 : memref<128x128xf32, #tpu.memory_space<vmem>>)
      "tpu.region"() ({
        %run_scoped3A_123 = tpu.sem_alloc : memref<!tpu.dma_semaphore, #tpu.memory_space<semaphore_mem>>
        %dma_start3A_124 = arith.constant 0 : i32
        %dma_start3A_125 = tpu.memref_slice %arg8[%add3A_108, %dma_start3A_124] : memref<40x128xi32, #tpu.memory_space<vmem>> -> memref<1x128xi32, #tpu.memory_space<vmem>>
        %dma_start3A_126 = tpu.memref_squeeze %dma_start3A_125 : memref<1x128xi32, #tpu.memory_space<vmem>> -> memref<128xi32, #tpu.memory_space<vmem>>
        %dma_start3A_127 = arith.constant 0 : i32
        %dma_start3A_128 = arith.constant 0 : i32
        %dma_start3A_129 = tpu.memref_slice %arg11[%dma_start3A_127, %dma_start3A_128] : memref<10240x128xf32, #tpu.memory_space<vmem_shared>> -> memref<10240x128xf32, #tpu.memory_space<vmem_shared>>
        tpu.enqueue_indirect_dma source(%arg10 : memref<128x128xf32, #tpu.memory_space<vmem>>) target(%dma_start3A_129 : memref<10240x128xf32, #tpu.memory_space<vmem_shared>>) offsets(%dma_start3A_126 : memref<128xi32, #tpu.memory_space<vmem>>) semaphore(%run_scoped3A_123 : memref<!tpu.dma_semaphore, #tpu.memory_space<semaphore_mem>>) {add = true}
        %dma_wait3A_130 = arith.constant 0 : i32
        %dma_wait3A_131 = tpu.memref_slice %arg8[%add3A_108, %dma_wait3A_130] : memref<40x128xi32, #tpu.memory_space<vmem>> -> memref<1x128xi32, #tpu.memory_space<vmem>>
        %dma_wait3A_132 = tpu.memref_squeeze %dma_wait3A_131 : memref<1x128xi32, #tpu.memory_space<vmem>> -> memref<128xi32, #tpu.memory_space<vmem>>
        %dma_wait3A_133 = arith.constant 0 : i32
        %dma_wait3A_134 = arith.constant 0 : i32
        %dma_wait3A_135 = tpu.memref_slice %arg11[%dma_wait3A_133, %dma_wait3A_134] : memref<10240x128xf32, #tpu.memory_space<vmem_shared>> -> memref<10240x128xf32, #tpu.memory_space<vmem_shared>>
        tpu.wait_indirect_dma semaphore(%run_scoped3A_123 : memref<!tpu.dma_semaphore, #tpu.memory_space<semaphore_mem>>) src(%arg10 : memref<128x128xf32, #tpu.memory_space<vmem>>) dst(%dma_wait3A_135 : memref<10240x128xf32, #tpu.memory_space<vmem_shared>>)
        tpu.yield
      }) : () -> ()
      %add3A_115 = arith.constant 2 : i32
      %add3A_116 = arith.addi %add3A_108, %add3A_115 : i32
      %dma_start3A_117 = arith.constant 0 : i32
      %dma_start3A_118 = tpu.memref_slice %arg7[%add3A_116, %dma_start3A_117] : memref<40x128xi32, #tpu.memory_space<vmem>> -> memref<1x128xi32, #tpu.memory_space<vmem>>
      %dma_start3A_119 = tpu.memref_squeeze %dma_start3A_118 : memref<1x128xi32, #tpu.memory_space<vmem>> -> memref<128xi32, #tpu.memory_space<vmem>>
      %dma_start3A_120 = arith.constant 0 : i32
      %dma_start3A_121 = arith.constant 0 : i32
      %dma_start3A_122 = tpu.memref_slice %arg2[%dma_start3A_120, %dma_start3A_121] : memref<10240x128xf32, #tpu.memory_space<hbm>> -> memref<10240x128xf32, #tpu.memory_space<hbm>>
      tpu.enqueue_indirect_dma source(%dma_start3A_122 : memref<10240x128xf32, #tpu.memory_space<hbm>>) target(%arg10 : memref<128x128xf32, #tpu.memory_space<vmem>>) offsets(%dma_start3A_119 : memref<128xi32, #tpu.memory_space<vmem>>) semaphore(%arg13 : memref<!tpu.dma_semaphore, #tpu.memory_space<semaphore_mem>>)
    }
    %scan3A_64 = arith.constant 19 : i32
    %dma_wait3A_65 = arith.constant 38 : i32
    %dma_wait3A_66 = arith.constant 0 : i32
    %dma_wait3A_67 = tpu.memref_slice %arg7[%dma_wait3A_65, %dma_wait3A_66] : memref<40x128xi32, #tpu.memory_space<vmem>> -> memref<1x128xi32, #tpu.memory_space<vmem>>
    %dma_wait3A_68 = tpu.memref_squeeze %dma_wait3A_67 : memref<1x128xi32, #tpu.memory_space<vmem>> -> memref<128xi32, #tpu.memory_space<vmem>>
    %dma_wait3A_69 = arith.constant 0 : i32
    %dma_wait3A_70 = arith.constant 0 : i32
    %dma_wait3A_71 = tpu.memref_slice %arg2[%dma_wait3A_69, %dma_wait3A_70] : memref<10240x128xf32, #tpu.memory_space<hbm>> -> memref<10240x128xf32, #tpu.memory_space<hbm>>
    tpu.wait_indirect_dma semaphore(%arg12 : memref<!tpu.dma_semaphore, #tpu.memory_space<semaphore_mem>>) src(%dma_wait3A_71 : memref<10240x128xf32, #tpu.memory_space<hbm>>) dst(%arg9 : memref<128x128xf32, #tpu.memory_space<vmem>>)
    %run_scoped3A_72 = arith.constant 38 : i32
    "tpu.region"() ({
      %run_scoped3A_86 = tpu.sem_alloc : memref<!tpu.dma_semaphore, #tpu.memory_space<semaphore_mem>>
      %dma_start3A_87 = arith.constant 0 : i32
      %dma_start3A_88 = tpu.memref_slice %arg8[%run_scoped3A_72, %dma_start3A_87] : memref<40x128xi32, #tpu.memory_space<vmem>> -> memref<1x128xi32, #tpu.memory_space<vmem>>
      %dma_start3A_89 = tpu.memref_squeeze %dma_start3A_88 : memref<1x128xi32, #tpu.memory_space<vmem>> -> memref<128xi32, #tpu.memory_space<vmem>>
      %dma_start3A_90 = arith.constant 0 : i32
      %dma_start3A_91 = arith.constant 0 : i32
      %dma_start3A_92 = tpu.memref_slice %arg11[%dma_start3A_90, %dma_start3A_91] : memref<10240x128xf32, #tpu.memory_space<vmem_shared>> -> memref<10240x128xf32, #tpu.memory_space<vmem_shared>>
      tpu.enqueue_indirect_dma source(%arg9 : memref<128x128xf32, #tpu.memory_space<vmem>>) target(%dma_start3A_92 : memref<10240x128xf32, #tpu.memory_space<vmem_shared>>) offsets(%dma_start3A_89 : memref<128xi32, #tpu.memory_space<vmem>>) semaphore(%run_scoped3A_86 : memref<!tpu.dma_semaphore, #tpu.memory_space<semaphore_mem>>) {add = true}
      %dma_wait3A_93 = arith.constant 0 : i32
      %dma_wait3A_94 = tpu.memref_slice %arg8[%run_scoped3A_72, %dma_wait3A_93] : memref<40x128xi32, #tpu.memory_space<vmem>> -> memref<1x128xi32, #tpu.memory_space<vmem>>
      %dma_wait3A_95 = tpu.memref_squeeze %dma_wait3A_94 : memref<1x128xi32, #tpu.memory_space<vmem>> -> memref<128xi32, #tpu.memory_space<vmem>>
      %dma_wait3A_96 = arith.constant 0 : i32
      %dma_wait3A_97 = arith.constant 0 : i32
      %dma_wait3A_98 = tpu.memref_slice %arg11[%dma_wait3A_96, %dma_wait3A_97] : memref<10240x128xf32, #tpu.memory_space<vmem_shared>> -> memref<10240x128xf32, #tpu.memory_space<vmem_shared>>
      tpu.wait_indirect_dma semaphore(%run_scoped3A_86 : memref<!tpu.dma_semaphore, #tpu.memory_space<semaphore_mem>>) src(%arg9 : memref<128x128xf32, #tpu.memory_space<vmem>>) dst(%dma_wait3A_98 : memref<10240x128xf32, #tpu.memory_space<vmem_shared>>)
      tpu.yield
    }) : () -> ()
    %dma_wait3A_73 = arith.constant 39 : i32
    %dma_wait3A_74 = arith.constant 0 : i32
    %dma_wait3A_75 = tpu.memref_slice %arg7[%dma_wait3A_73, %dma_wait3A_74] : memref<40x128xi32, #tpu.memory_space<vmem>> -> memref<1x128xi32, #tpu.memory_space<vmem>>
    %dma_wait3A_76 = tpu.memref_squeeze %dma_wait3A_75 : memref<1x128xi32, #tpu.memory_space<vmem>> -> memref<128xi32, #tpu.memory_space<vmem>>
    %dma_wait3A_77 = arith.constant 0 : i32
    %dma_wait3A_78 = arith.constant 0 : i32
    %dma_wait3A_79 = tpu.memref_slice %arg2[%dma_wait3A_77, %dma_wait3A_78] : memref<10240x128xf32, #tpu.memory_space<hbm>> -> memref<10240x128xf32, #tpu.memory_space<hbm>>
    tpu.wait_indirect_dma semaphore(%arg13 : memref<!tpu.dma_semaphore, #tpu.memory_space<semaphore_mem>>) src(%dma_wait3A_79 : memref<10240x128xf32, #tpu.memory_space<hbm>>) dst(%arg10 : memref<128x128xf32, #tpu.memory_space<vmem>>)
    %run_scoped3A_80 = arith.constant 39 : i32
    "tpu.region"() ({
      %run_scoped3A_86 = tpu.sem_alloc : memref<!tpu.dma_semaphore, #tpu.memory_space<semaphore_mem>>
      %dma_start3A_87 = arith.constant 0 : i32
      %dma_start3A_88 = tpu.memref_slice %arg8[%run_scoped3A_80, %dma_start3A_87] : memref<40x128xi32, #tpu.memory_space<vmem>> -> memref<1x128xi32, #tpu.memory_space<vmem>>
      %dma_start3A_89 = tpu.memref_squeeze %dma_start3A_88 : memref<1x128xi32, #tpu.memory_space<vmem>> -> memref<128xi32, #tpu.memory_space<vmem>>
      %dma_start3A_90 = arith.constant 0 : i32
      %dma_start3A_91 = arith.constant 0 : i32
      %dma_start3A_92 = tpu.memref_slice %arg11[%dma_start3A_90, %dma_start3A_91] : memref<10240x128xf32, #tpu.memory_space<vmem_shared>> -> memref<10240x128xf32, #tpu.memory_space<vmem_shared>>
      tpu.enqueue_indirect_dma source(%arg10 : memref<128x128xf32, #tpu.memory_space<vmem>>) target(%dma_start3A_92 : memref<10240x128xf32, #tpu.memory_space<vmem_shared>>) offsets(%dma_start3A_89 : memref<128xi32, #tpu.memory_space<vmem>>) semaphore(%run_scoped3A_86 : memref<!tpu.dma_semaphore, #tpu.memory_space<semaphore_mem>>) {add = true}
      %dma_wait3A_93 = arith.constant 0 : i32
      %dma_wait3A_94 = tpu.memref_slice %arg8[%run_scoped3A_80, %dma_wait3A_93] : memref<40x128xi32, #tpu.memory_space<vmem>> -> memref<1x128xi32, #tpu.memory_space<vmem>>
      %dma_wait3A_95 = tpu.memref_squeeze %dma_wait3A_94 : memref<1x128xi32, #tpu.memory_space<vmem>> -> memref<128xi32, #tpu.memory_space<vmem>>
      %dma_wait3A_96 = arith.constant 0 : i32
      %dma_wait3A_97 = arith.constant 0 : i32
      %dma_wait3A_98 = tpu.memref_slice %arg11[%dma_wait3A_96, %dma_wait3A_97] : memref<10240x128xf32, #tpu.memory_space<vmem_shared>> -> memref<10240x128xf32, #tpu.memory_space<vmem_shared>>
      tpu.wait_indirect_dma semaphore(%run_scoped3A_86 : memref<!tpu.dma_semaphore, #tpu.memory_space<semaphore_mem>>) src(%arg10 : memref<128x128xf32, #tpu.memory_space<vmem>>) dst(%dma_wait3A_98 : memref<10240x128xf32, #tpu.memory_space<vmem_shared>>)
      tpu.yield
    }) : () -> ()
    %barrier3A_81 = arith.constant 0 : index
    tpu.barrier barrier_id(%barrier3A_81)
    %mul3A_82 = arith.constant 640 : i32
    %mul3A_83 = arith.muli %arg1, %mul3A_82 : i32
    %mul3A_84 = arith.constant 640 : i32
    %mul3A_85 = arith.muli %arg1, %mul3A_84 : i32
    "tpu.region"() ({
      %run_scoped3A_86 = tpu.sem_alloc : memref<!tpu.dma_semaphore, #tpu.memory_space<semaphore_mem>>
      %dma_start3A_87 = arith.constant 0 : i32
      %dma_start3A_88 = tpu.memref_slice %arg6[%arg0, %mul3A_85, %dma_start3A_87] : memref<2x10240x128xf32, #tpu.memory_space<hbm>> -> memref<1x640x128xf32, #tpu.memory_space<hbm>>
      %dma_start3A_89 = tpu.memref_squeeze %dma_start3A_88 : memref<1x640x128xf32, #tpu.memory_space<hbm>> -> memref<640x128xf32, #tpu.memory_space<hbm>>
      %dma_start3A_90 = arith.constant 0 : i32
      %dma_start3A_91 = tpu.memref_slice %arg11[%mul3A_83, %dma_start3A_90] : memref<10240x128xf32, #tpu.memory_space<vmem_shared>> -> memref<640x128xf32, #tpu.memory_space<vmem_shared>>
      tpu.enqueue_dma source(%dma_start3A_91 : memref<640x128xf32, #tpu.memory_space<vmem_shared>>) target(%dma_start3A_89 : memref<640x128xf32, #tpu.memory_space<hbm>>) target_semaphore(%run_scoped3A_86 : memref<!tpu.dma_semaphore, #tpu.memory_space<semaphore_mem>>)
      %dma_wait3A_92 = arith.constant 0 : i32
      %dma_wait3A_93 = tpu.memref_slice %arg6[%arg0, %mul3A_85, %dma_wait3A_92] : memref<2x10240x128xf32, #tpu.memory_space<hbm>> -> memref<1x640x128xf32, #tpu.memory_space<hbm>>
      %dma_wait3A_94 = tpu.memref_squeeze %dma_wait3A_93 : memref<1x640x128xf32, #tpu.memory_space<hbm>> -> memref<640x128xf32, #tpu.memory_space<hbm>>
      %dma_wait3A_95 = arith.constant 0 : i32
      %dma_wait3A_96 = tpu.memref_slice %arg11[%mul3A_83, %dma_wait3A_95] : memref<10240x128xf32, #tpu.memory_space<vmem_shared>> -> memref<640x128xf32, #tpu.memory_space<vmem_shared>>
      tpu.wait_dma2 semaphore(%run_scoped3A_86 : memref<!tpu.dma_semaphore, #tpu.memory_space<semaphore_mem>>) src(%dma_wait3A_96 : memref<640x128xf32, #tpu.memory_space<vmem_shared>>) dst(%dma_wait3A_94 : memref<640x128xf32, #tpu.memory_space<hbm>>)
      tpu.yield
    }) : () -> ()
    return
  }
}

#map = affine_map<(d0, d1) -> (0, 0)>
#map1 = affine_map<(d0, d1) -> (0, 0, 0)>
module attributes {stable_mosaic.version = 14 : i64} {
  func.func @_sc_aggregate(%arg0: i32, %arg1: i32, %arg2: memref<10240x128xf32, #tpu.memory_space<hbm>>, %arg3: memref<2560x128xi32, #tpu.memory_space<hbm>>, %arg4: memref<2560x128xi32, #tpu.memory_space<hbm>>, %arg5: memref<640x128xf32, #tpu.memory_space<hbm>>, %arg6: memref<2x10240x128xf32, #tpu.memory_space<hbm>>, %arg7: memref<40x128xi32, #tpu.memory_space<vmem>>, %arg8: memref<40x128xi32, #tpu.memory_space<vmem>>, %arg9: memref<128x128xf32, #tpu.memory_space<vmem>>, %arg10: memref<128x128xf32, #tpu.memory_space<vmem>>, %arg11: memref<10240x128xf32, #tpu.memory_space<vmem_shared>>, %arg12: memref<!tpu.dma_semaphore, #tpu.memory_space<semaphore_mem>>, %arg13: memref<!tpu.dma_semaphore, #tpu.memory_space<semaphore_mem>>) attributes {dimension_semantics = [#tpu.dimension_semantics<core_parallel>, #tpu.dimension_semantics<subcore_parallel>], iteration_bounds = array<i64: 2, 16>, scalar_prefetch = 0 : i64, scratch_operands = 7 : i64, tpu.core_type = #tpu.core_type<sc_vector_subcore>, window_params = [{transform_indices = #map}, {transform_indices = #map}, {transform_indices = #map}, {transform_indices = #map}, {transform_indices = #map1}]} {
    %mul3A = arith.constant 640 : i32
    %mul3A_0 = arith.muli %arg1, %mul3A : i32
    %dma_start3A = arith.constant 0 : i32
    %dma_start3A_1 = tpu.memref_slice %arg11[%mul3A_0, %dma_start3A] : memref<10240x128xf32, #tpu.memory_space<vmem_shared>> -> memref<640x128xf32, #tpu.memory_space<vmem_shared>>
    tpu.enqueue_dma source(%arg5 : memref<640x128xf32, #tpu.memory_space<hbm>>) target(%dma_start3A_1 : memref<640x128xf32, #tpu.memory_space<vmem_shared>>) target_semaphore(%arg12 : memref<!tpu.dma_semaphore, #tpu.memory_space<semaphore_mem>>)
    %mul3A_2 = arith.constant 16 : i32
    %mul3A_3 = arith.muli %arg0, %mul3A_2 : i32
    %add3A = arith.addi %mul3A_3, %arg1 : i32
    %mul3A_4 = arith.constant 80 : i32
    %mul3A_5 = arith.muli %add3A, %mul3A_4 : i32
    "tpu.region"() ({
      %run_scoped3A_86 = tpu.sem_alloc : memref<!tpu.dma_semaphore, #tpu.memory_space<semaphore_mem>>
      %dma_start3A_87 = arith.constant 0 : i32
      %dma_start3A_88 = tpu.memref_slice %arg3[%mul3A_5, %dma_start3A_87] : memref<2560x128xi32, #tpu.memory_space<hbm>> -> memref<40x128xi32, #tpu.memory_space<hbm>>
      %dma_start3A_89 = arith.constant 0 : i32
      %dma_start3A_90 = tpu.memref_slice %arg3[%mul3A_5, %dma_start3A_89] : memref<2560x128xi32, #tpu.memory_space<hbm>> -> memref<40x128xi32, #tpu.memory_space<hbm>>
      tpu.enqueue_dma source(%dma_start3A_90 : memref<40x128xi32, #tpu.memory_space<hbm>>) target(%arg7 : memref<40x128xi32, #tpu.memory_space<vmem>>) target_semaphore(%run_scoped3A_86 : memref<!tpu.dma_semaphore, #tpu.memory_space<semaphore_mem>>)
      %dma_wait3A_91 = arith.constant 0 : i32
      %dma_wait3A_92 = tpu.memref_slice %arg3[%mul3A_5, %dma_wait3A_91] : memref<2560x128xi32, #tpu.memory_space<hbm>> -> memref<40x128xi32, #tpu.memory_space<hbm>>
      %dma_wait3A_93 = arith.constant 0 : i32
      %dma_wait3A_94 = tpu.memref_slice %arg3[%mul3A_5, %dma_wait3A_93] : memref<2560x128xi32, #tpu.memory_space<hbm>> -> memref<40x128xi32, #tpu.memory_space<hbm>>
      tpu.wait_dma2 semaphore(%run_scoped3A_86 : memref<!tpu.dma_semaphore, #tpu.memory_space<semaphore_mem>>) src(%dma_wait3A_94 : memref<40x128xi32, #tpu.memory_space<hbm>>) dst(%arg7 : memref<40x128xi32, #tpu.memory_space<vmem>>)
      tpu.yield
    }) : () -> ()
    "tpu.region"() ({
      %run_scoped3A_86 = tpu.sem_alloc : memref<!tpu.dma_semaphore, #tpu.memory_space<semaphore_mem>>
      %dma_start3A_87 = arith.constant 0 : i32
      %dma_start3A_88 = tpu.memref_slice %arg4[%mul3A_5, %dma_start3A_87] : memref<2560x128xi32, #tpu.memory_space<hbm>> -> memref<40x128xi32, #tpu.memory_space<hbm>>
      %dma_start3A_89 = arith.constant 0 : i32
      %dma_start3A_90 = tpu.memref_slice %arg4[%mul3A_5, %dma_start3A_89] : memref<2560x128xi32, #tpu.memory_space<hbm>> -> memref<40x128xi32, #tpu.memory_space<hbm>>
      tpu.enqueue_dma source(%dma_start3A_90 : memref<40x128xi32, #tpu.memory_space<hbm>>) target(%arg8 : memref<40x128xi32, #tpu.memory_space<vmem>>) target_semaphore(%run_scoped3A_86 : memref<!tpu.dma_semaphore, #tpu.memory_space<semaphore_mem>>)
      %dma_wait3A_91 = arith.constant 0 : i32
      %dma_wait3A_92 = tpu.memref_slice %arg4[%mul3A_5, %dma_wait3A_91] : memref<2560x128xi32, #tpu.memory_space<hbm>> -> memref<40x128xi32, #tpu.memory_space<hbm>>
      %dma_wait3A_93 = arith.constant 0 : i32
      %dma_wait3A_94 = tpu.memref_slice %arg4[%mul3A_5, %dma_wait3A_93] : memref<2560x128xi32, #tpu.memory_space<hbm>> -> memref<40x128xi32, #tpu.memory_space<hbm>>
      tpu.wait_dma2 semaphore(%run_scoped3A_86 : memref<!tpu.dma_semaphore, #tpu.memory_space<semaphore_mem>>) src(%dma_wait3A_94 : memref<40x128xi32, #tpu.memory_space<hbm>>) dst(%arg8 : memref<40x128xi32, #tpu.memory_space<vmem>>)
      tpu.yield
    }) : () -> ()
    %dma_wait3A = arith.constant 0 : i32
    %dma_wait3A_6 = tpu.memref_slice %arg11[%mul3A_0, %dma_wait3A] : memref<10240x128xf32, #tpu.memory_space<vmem_shared>> -> memref<640x128xf32, #tpu.memory_space<vmem_shared>>
    tpu.wait_dma2 semaphore(%arg12 : memref<!tpu.dma_semaphore, #tpu.memory_space<semaphore_mem>>) src(%arg5 : memref<640x128xf32, #tpu.memory_space<hbm>>) dst(%dma_wait3A_6 : memref<640x128xf32, #tpu.memory_space<vmem_shared>>)
    %barrier3A = arith.constant 0 : index
    tpu.barrier barrier_id(%barrier3A)
    %dma_start3A_7 = arith.constant 0 : i32
    %dma_start3A_8 = arith.constant 0 : i32
    %dma_start3A_9 = tpu.memref_slice %arg7[%dma_start3A_7, %dma_start3A_8] : memref<40x128xi32, #tpu.memory_space<vmem>> -> memref<1x128xi32, #tpu.memory_space<vmem>>
    %dma_start3A_10 = tpu.memref_squeeze %dma_start3A_9 : memref<1x128xi32, #tpu.memory_space<vmem>> -> memref<128xi32, #tpu.memory_space<vmem>>
    %dma_start3A_11 = arith.constant 0 : i32
    %dma_start3A_12 = arith.constant 0 : i32
    %dma_start3A_13 = tpu.memref_slice %arg2[%dma_start3A_11, %dma_start3A_12] : memref<10240x128xf32, #tpu.memory_space<hbm>> -> memref<10240x128xf32, #tpu.memory_space<hbm>>
    tpu.enqueue_indirect_dma source(%dma_start3A_13 : memref<10240x128xf32, #tpu.memory_space<hbm>>) target(%arg9 : memref<128x128xf32, #tpu.memory_space<vmem>>) offsets(%dma_start3A_10 : memref<128xi32, #tpu.memory_space<vmem>>) semaphore(%arg12 : memref<!tpu.dma_semaphore, #tpu.memory_space<semaphore_mem>>)
    %dma_start3A_14 = arith.constant 1 : i32
    %dma_start3A_15 = arith.constant 0 : i32
    %dma_start3A_16 = tpu.memref_slice %arg7[%dma_start3A_14, %dma_start3A_15] : memref<40x128xi32, #tpu.memory_space<vmem>> -> memref<1x128xi32, #tpu.memory_space<vmem>>
    %dma_start3A_17 = tpu.memref_squeeze %dma_start3A_16 : memref<1x128xi32, #tpu.memory_space<vmem>> -> memref<128xi32, #tpu.memory_space<vmem>>
    %dma_start3A_18 = arith.constant 0 : i32
    %dma_start3A_19 = arith.constant 0 : i32
    %dma_start3A_20 = tpu.memref_slice %arg2[%dma_start3A_18, %dma_start3A_19] : memref<10240x128xf32, #tpu.memory_space<hbm>> -> memref<10240x128xf32, #tpu.memory_space<hbm>>
    tpu.enqueue_indirect_dma source(%dma_start3A_20 : memref<10240x128xf32, #tpu.memory_space<hbm>>) target(%arg10 : memref<128x128xf32, #tpu.memory_space<vmem>>) offsets(%dma_start3A_17 : memref<128xi32, #tpu.memory_space<vmem>>) semaphore(%arg13 : memref<!tpu.dma_semaphore, #tpu.memory_space<semaphore_mem>>)
    %scan3A = arith.constant 0 : i32
    %scan3A_21 = arith.constant 0 : i32
    %scan3A_22 = arith.constant 19 : i32
    %scan3A_23 = arith.addi %scan3A_21, %scan3A_22 : i32
    %scan3A_24 = arith.constant 1 : i32
    scf.for %scan3A_86 = %scan3A_21 to %scan3A_23 step %scan3A_24  : i32 {
      %mul3A_87 = arith.constant 2 : i32
      %mul3A_88 = arith.muli %mul3A_87, %scan3A_86 : i32
      %add3A_89 = arith.constant 0 : i32
      %add3A_90 = arith.addi %mul3A_88, %add3A_89 : i32
      %dma_wait3A_91 = arith.constant 0 : i32
      %dma_wait3A_92 = tpu.memref_slice %arg7[%add3A_90, %dma_wait3A_91] : memref<40x128xi32, #tpu.memory_space<vmem>> -> memref<1x128xi32, #tpu.memory_space<vmem>>
      %dma_wait3A_93 = tpu.memref_squeeze %dma_wait3A_92 : memref<1x128xi32, #tpu.memory_space<vmem>> -> memref<128xi32, #tpu.memory_space<vmem>>
      %dma_wait3A_94 = arith.constant 0 : i32
      %dma_wait3A_95 = arith.constant 0 : i32
      %dma_wait3A_96 = tpu.memref_slice %arg2[%dma_wait3A_94, %dma_wait3A_95] : memref<10240x128xf32, #tpu.memory_space<hbm>> -> memref<10240x128xf32, #tpu.memory_space<hbm>>
      tpu.wait_indirect_dma semaphore(%arg12 : memref<!tpu.dma_semaphore, #tpu.memory_space<semaphore_mem>>) src(%dma_wait3A_96 : memref<10240x128xf32, #tpu.memory_space<hbm>>) dst(%arg9 : memref<128x128xf32, #tpu.memory_space<vmem>>)
      "tpu.region"() ({
        %run_scoped3A_123 = tpu.sem_alloc : memref<!tpu.dma_semaphore, #tpu.memory_space<semaphore_mem>>
        %dma_start3A_124 = arith.constant 0 : i32
        %dma_start3A_125 = tpu.memref_slice %arg8[%add3A_90, %dma_start3A_124] : memref<40x128xi32, #tpu.memory_space<vmem>> -> memref<1x128xi32, #tpu.memory_space<vmem>>
        %dma_start3A_126 = tpu.memref_squeeze %dma_start3A_125 : memref<1x128xi32, #tpu.memory_space<vmem>> -> memref<128xi32, #tpu.memory_space<vmem>>
        %dma_start3A_127 = arith.constant 0 : i32
        %dma_start3A_128 = arith.constant 0 : i32
        %dma_start3A_129 = tpu.memref_slice %arg11[%dma_start3A_127, %dma_start3A_128] : memref<10240x128xf32, #tpu.memory_space<vmem_shared>> -> memref<10240x128xf32, #tpu.memory_space<vmem_shared>>
        tpu.enqueue_indirect_dma source(%arg9 : memref<128x128xf32, #tpu.memory_space<vmem>>) target(%dma_start3A_129 : memref<10240x128xf32, #tpu.memory_space<vmem_shared>>) offsets(%dma_start3A_126 : memref<128xi32, #tpu.memory_space<vmem>>) semaphore(%run_scoped3A_123 : memref<!tpu.dma_semaphore, #tpu.memory_space<semaphore_mem>>) {add = true}
        %dma_wait3A_130 = arith.constant 0 : i32
        %dma_wait3A_131 = tpu.memref_slice %arg8[%add3A_90, %dma_wait3A_130] : memref<40x128xi32, #tpu.memory_space<vmem>> -> memref<1x128xi32, #tpu.memory_space<vmem>>
        %dma_wait3A_132 = tpu.memref_squeeze %dma_wait3A_131 : memref<1x128xi32, #tpu.memory_space<vmem>> -> memref<128xi32, #tpu.memory_space<vmem>>
        %dma_wait3A_133 = arith.constant 0 : i32
        %dma_wait3A_134 = arith.constant 0 : i32
        %dma_wait3A_135 = tpu.memref_slice %arg11[%dma_wait3A_133, %dma_wait3A_134] : memref<10240x128xf32, #tpu.memory_space<vmem_shared>> -> memref<10240x128xf32, #tpu.memory_space<vmem_shared>>
        tpu.wait_indirect_dma semaphore(%run_scoped3A_123 : memref<!tpu.dma_semaphore, #tpu.memory_space<semaphore_mem>>) src(%arg9 : memref<128x128xf32, #tpu.memory_space<vmem>>) dst(%dma_wait3A_135 : memref<10240x128xf32, #tpu.memory_space<vmem_shared>>)
        tpu.yield
      }) : () -> ()
      %add3A_97 = arith.constant 2 : i32
      %add3A_98 = arith.addi %add3A_90, %add3A_97 : i32
      %dma_start3A_99 = arith.constant 0 : i32
      %dma_start3A_100 = tpu.memref_slice %arg7[%add3A_98, %dma_start3A_99] : memref<40x128xi32, #tpu.memory_space<vmem>> -> memref<1x128xi32, #tpu.memory_space<vmem>>
      %dma_start3A_101 = tpu.memref_squeeze %dma_start3A_100 : memref<1x128xi32, #tpu.memory_space<vmem>> -> memref<128xi32, #tpu.memory_space<vmem>>
      %dma_start3A_102 = arith.constant 0 : i32
      %dma_start3A_103 = arith.constant 0 : i32
      %dma_start3A_104 = tpu.memref_slice %arg2[%dma_start3A_102, %dma_start3A_103] : memref<10240x128xf32, #tpu.memory_space<hbm>> -> memref<10240x128xf32, #tpu.memory_space<hbm>>
      tpu.enqueue_indirect_dma source(%dma_start3A_104 : memref<10240x128xf32, #tpu.memory_space<hbm>>) target(%arg9 : memref<128x128xf32, #tpu.memory_space<vmem>>) offsets(%dma_start3A_101 : memref<128xi32, #tpu.memory_space<vmem>>) semaphore(%arg12 : memref<!tpu.dma_semaphore, #tpu.memory_space<semaphore_mem>>)
      %mul3A_105 = arith.constant 2 : i32
      %mul3A_106 = arith.muli %mul3A_105, %scan3A_86 : i32
      %add3A_107 = arith.constant 1 : i32
      %add3A_108 = arith.addi %mul3A_106, %add3A_107 : i32
      %dma_wait3A_109 = arith.constant 0 : i32
      %dma_wait3A_110 = tpu.memref_slice %arg7[%add3A_108, %dma_wait3A_109] : memref<40x128xi32, #tpu.memory_space<vmem>> -> memref<1x128xi32, #tpu.memory_space<vmem>>
      %dma_wait3A_111 = tpu.memref_squeeze %dma_wait3A_110 : memref<1x128xi32, #tpu.memory_space<vmem>> -> memref<128xi32, #tpu.memory_space<vmem>>
      %dma_wait3A_112 = arith.constant 0 : i32
      %dma_wait3A_113 = arith.constant 0 : i32
      %dma_wait3A_114 = tpu.memref_slice %arg2[%dma_wait3A_112, %dma_wait3A_113] : memref<10240x128xf32, #tpu.memory_space<hbm>> -> memref<10240x128xf32, #tpu.memory_space<hbm>>
      tpu.wait_indirect_dma semaphore(%arg13 : memref<!tpu.dma_semaphore, #tpu.memory_space<semaphore_mem>>) src(%dma_wait3A_114 : memref<10240x128xf32, #tpu.memory_space<hbm>>) dst(%arg10 : memref<128x128xf32, #tpu.memory_space<vmem>>)
      "tpu.region"() ({
        %run_scoped3A_123 = tpu.sem_alloc : memref<!tpu.dma_semaphore, #tpu.memory_space<semaphore_mem>>
        %dma_start3A_124 = arith.constant 0 : i32
        %dma_start3A_125 = tpu.memref_slice %arg8[%add3A_108, %dma_start3A_124] : memref<40x128xi32, #tpu.memory_space<vmem>> -> memref<1x128xi32, #tpu.memory_space<vmem>>
        %dma_start3A_126 = tpu.memref_squeeze %dma_start3A_125 : memref<1x128xi32, #tpu.memory_space<vmem>> -> memref<128xi32, #tpu.memory_space<vmem>>
        %dma_start3A_127 = arith.constant 0 : i32
        %dma_start3A_128 = arith.constant 0 : i32
        %dma_start3A_129 = tpu.memref_slice %arg11[%dma_start3A_127, %dma_start3A_128] : memref<10240x128xf32, #tpu.memory_space<vmem_shared>> -> memref<10240x128xf32, #tpu.memory_space<vmem_shared>>
        tpu.enqueue_indirect_dma source(%arg10 : memref<128x128xf32, #tpu.memory_space<vmem>>) target(%dma_start3A_129 : memref<10240x128xf32, #tpu.memory_space<vmem_shared>>) offsets(%dma_start3A_126 : memref<128xi32, #tpu.memory_space<vmem>>) semaphore(%run_scoped3A_123 : memref<!tpu.dma_semaphore, #tpu.memory_space<semaphore_mem>>) {add = true}
        %dma_wait3A_130 = arith.constant 0 : i32
        %dma_wait3A_131 = tpu.memref_slice %arg8[%add3A_108, %dma_wait3A_130] : memref<40x128xi32, #tpu.memory_space<vmem>> -> memref<1x128xi32, #tpu.memory_space<vmem>>
        %dma_wait3A_132 = tpu.memref_squeeze %dma_wait3A_131 : memref<1x128xi32, #tpu.memory_space<vmem>> -> memref<128xi32, #tpu.memory_space<vmem>>
        %dma_wait3A_133 = arith.constant 0 : i32
        %dma_wait3A_134 = arith.constant 0 : i32
        %dma_wait3A_135 = tpu.memref_slice %arg11[%dma_wait3A_133, %dma_wait3A_134] : memref<10240x128xf32, #tpu.memory_space<vmem_shared>> -> memref<10240x128xf32, #tpu.memory_space<vmem_shared>>
        tpu.wait_indirect_dma semaphore(%run_scoped3A_123 : memref<!tpu.dma_semaphore, #tpu.memory_space<semaphore_mem>>) src(%arg10 : memref<128x128xf32, #tpu.memory_space<vmem>>) dst(%dma_wait3A_135 : memref<10240x128xf32, #tpu.memory_space<vmem_shared>>)
        tpu.yield
      }) : () -> ()
      %add3A_115 = arith.constant 2 : i32
      %add3A_116 = arith.addi %add3A_108, %add3A_115 : i32
      %dma_start3A_117 = arith.constant 0 : i32
      %dma_start3A_118 = tpu.memref_slice %arg7[%add3A_116, %dma_start3A_117] : memref<40x128xi32, #tpu.memory_space<vmem>> -> memref<1x128xi32, #tpu.memory_space<vmem>>
      %dma_start3A_119 = tpu.memref_squeeze %dma_start3A_118 : memref<1x128xi32, #tpu.memory_space<vmem>> -> memref<128xi32, #tpu.memory_space<vmem>>
      %dma_start3A_120 = arith.constant 0 : i32
      %dma_start3A_121 = arith.constant 0 : i32
      %dma_start3A_122 = tpu.memref_slice %arg2[%dma_start3A_120, %dma_start3A_121] : memref<10240x128xf32, #tpu.memory_space<hbm>> -> memref<10240x128xf32, #tpu.memory_space<hbm>>
      tpu.enqueue_indirect_dma source(%dma_start3A_122 : memref<10240x128xf32, #tpu.memory_space<hbm>>) target(%arg10 : memref<128x128xf32, #tpu.memory_space<vmem>>) offsets(%dma_start3A_119 : memref<128xi32, #tpu.memory_space<vmem>>) semaphore(%arg13 : memref<!tpu.dma_semaphore, #tpu.memory_space<semaphore_mem>>)
    }
    %scan3A_25 = arith.constant 19 : i32
    %dma_wait3A_26 = arith.constant 38 : i32
    %dma_wait3A_27 = arith.constant 0 : i32
    %dma_wait3A_28 = tpu.memref_slice %arg7[%dma_wait3A_26, %dma_wait3A_27] : memref<40x128xi32, #tpu.memory_space<vmem>> -> memref<1x128xi32, #tpu.memory_space<vmem>>
    %dma_wait3A_29 = tpu.memref_squeeze %dma_wait3A_28 : memref<1x128xi32, #tpu.memory_space<vmem>> -> memref<128xi32, #tpu.memory_space<vmem>>
    %dma_wait3A_30 = arith.constant 0 : i32
    %dma_wait3A_31 = arith.constant 0 : i32
    %dma_wait3A_32 = tpu.memref_slice %arg2[%dma_wait3A_30, %dma_wait3A_31] : memref<10240x128xf32, #tpu.memory_space<hbm>> -> memref<10240x128xf32, #tpu.memory_space<hbm>>
    tpu.wait_indirect_dma semaphore(%arg12 : memref<!tpu.dma_semaphore, #tpu.memory_space<semaphore_mem>>) src(%dma_wait3A_32 : memref<10240x128xf32, #tpu.memory_space<hbm>>) dst(%arg9 : memref<128x128xf32, #tpu.memory_space<vmem>>)
    %run_scoped3A = arith.constant 38 : i32
    "tpu.region"() ({
      %run_scoped3A_86 = tpu.sem_alloc : memref<!tpu.dma_semaphore, #tpu.memory_space<semaphore_mem>>
      %dma_start3A_87 = arith.constant 0 : i32
      %dma_start3A_88 = tpu.memref_slice %arg8[%run_scoped3A, %dma_start3A_87] : memref<40x128xi32, #tpu.memory_space<vmem>> -> memref<1x128xi32, #tpu.memory_space<vmem>>
      %dma_start3A_89 = tpu.memref_squeeze %dma_start3A_88 : memref<1x128xi32, #tpu.memory_space<vmem>> -> memref<128xi32, #tpu.memory_space<vmem>>
      %dma_start3A_90 = arith.constant 0 : i32
      %dma_start3A_91 = arith.constant 0 : i32
      %dma_start3A_92 = tpu.memref_slice %arg11[%dma_start3A_90, %dma_start3A_91] : memref<10240x128xf32, #tpu.memory_space<vmem_shared>> -> memref<10240x128xf32, #tpu.memory_space<vmem_shared>>
      tpu.enqueue_indirect_dma source(%arg9 : memref<128x128xf32, #tpu.memory_space<vmem>>) target(%dma_start3A_92 : memref<10240x128xf32, #tpu.memory_space<vmem_shared>>) offsets(%dma_start3A_89 : memref<128xi32, #tpu.memory_space<vmem>>) semaphore(%run_scoped3A_86 : memref<!tpu.dma_semaphore, #tpu.memory_space<semaphore_mem>>) {add = true}
      %dma_wait3A_93 = arith.constant 0 : i32
      %dma_wait3A_94 = tpu.memref_slice %arg8[%run_scoped3A, %dma_wait3A_93] : memref<40x128xi32, #tpu.memory_space<vmem>> -> memref<1x128xi32, #tpu.memory_space<vmem>>
      %dma_wait3A_95 = tpu.memref_squeeze %dma_wait3A_94 : memref<1x128xi32, #tpu.memory_space<vmem>> -> memref<128xi32, #tpu.memory_space<vmem>>
      %dma_wait3A_96 = arith.constant 0 : i32
      %dma_wait3A_97 = arith.constant 0 : i32
      %dma_wait3A_98 = tpu.memref_slice %arg11[%dma_wait3A_96, %dma_wait3A_97] : memref<10240x128xf32, #tpu.memory_space<vmem_shared>> -> memref<10240x128xf32, #tpu.memory_space<vmem_shared>>
      tpu.wait_indirect_dma semaphore(%run_scoped3A_86 : memref<!tpu.dma_semaphore, #tpu.memory_space<semaphore_mem>>) src(%arg9 : memref<128x128xf32, #tpu.memory_space<vmem>>) dst(%dma_wait3A_98 : memref<10240x128xf32, #tpu.memory_space<vmem_shared>>)
      tpu.yield
    }) : () -> ()
    %dma_wait3A_33 = arith.constant 39 : i32
    %dma_wait3A_34 = arith.constant 0 : i32
    %dma_wait3A_35 = tpu.memref_slice %arg7[%dma_wait3A_33, %dma_wait3A_34] : memref<40x128xi32, #tpu.memory_space<vmem>> -> memref<1x128xi32, #tpu.memory_space<vmem>>
    %dma_wait3A_36 = tpu.memref_squeeze %dma_wait3A_35 : memref<1x128xi32, #tpu.memory_space<vmem>> -> memref<128xi32, #tpu.memory_space<vmem>>
    %dma_wait3A_37 = arith.constant 0 : i32
    %dma_wait3A_38 = arith.constant 0 : i32
    %dma_wait3A_39 = tpu.memref_slice %arg2[%dma_wait3A_37, %dma_wait3A_38] : memref<10240x128xf32, #tpu.memory_space<hbm>> -> memref<10240x128xf32, #tpu.memory_space<hbm>>
    tpu.wait_indirect_dma semaphore(%arg13 : memref<!tpu.dma_semaphore, #tpu.memory_space<semaphore_mem>>) src(%dma_wait3A_39 : memref<10240x128xf32, #tpu.memory_space<hbm>>) dst(%arg10 : memref<128x128xf32, #tpu.memory_space<vmem>>)
    %run_scoped3A_40 = arith.constant 39 : i32
    "tpu.region"() ({
      %run_scoped3A_86 = tpu.sem_alloc : memref<!tpu.dma_semaphore, #tpu.memory_space<semaphore_mem>>
      %dma_start3A_87 = arith.constant 0 : i32
      %dma_start3A_88 = tpu.memref_slice %arg8[%run_scoped3A_40, %dma_start3A_87] : memref<40x128xi32, #tpu.memory_space<vmem>> -> memref<1x128xi32, #tpu.memory_space<vmem>>
      %dma_start3A_89 = tpu.memref_squeeze %dma_start3A_88 : memref<1x128xi32, #tpu.memory_space<vmem>> -> memref<128xi32, #tpu.memory_space<vmem>>
      %dma_start3A_90 = arith.constant 0 : i32
      %dma_start3A_91 = arith.constant 0 : i32
      %dma_start3A_92 = tpu.memref_slice %arg11[%dma_start3A_90, %dma_start3A_91] : memref<10240x128xf32, #tpu.memory_space<vmem_shared>> -> memref<10240x128xf32, #tpu.memory_space<vmem_shared>>
      tpu.enqueue_indirect_dma source(%arg10 : memref<128x128xf32, #tpu.memory_space<vmem>>) target(%dma_start3A_92 : memref<10240x128xf32, #tpu.memory_space<vmem_shared>>) offsets(%dma_start3A_89 : memref<128xi32, #tpu.memory_space<vmem>>) semaphore(%run_scoped3A_86 : memref<!tpu.dma_semaphore, #tpu.memory_space<semaphore_mem>>) {add = true}
      %dma_wait3A_93 = arith.constant 0 : i32
      %dma_wait3A_94 = tpu.memref_slice %arg8[%run_scoped3A_40, %dma_wait3A_93] : memref<40x128xi32, #tpu.memory_space<vmem>> -> memref<1x128xi32, #tpu.memory_space<vmem>>
      %dma_wait3A_95 = tpu.memref_squeeze %dma_wait3A_94 : memref<1x128xi32, #tpu.memory_space<vmem>> -> memref<128xi32, #tpu.memory_space<vmem>>
      %dma_wait3A_96 = arith.constant 0 : i32
      %dma_wait3A_97 = arith.constant 0 : i32
      %dma_wait3A_98 = tpu.memref_slice %arg11[%dma_wait3A_96, %dma_wait3A_97] : memref<10240x128xf32, #tpu.memory_space<vmem_shared>> -> memref<10240x128xf32, #tpu.memory_space<vmem_shared>>
      tpu.wait_indirect_dma semaphore(%run_scoped3A_86 : memref<!tpu.dma_semaphore, #tpu.memory_space<semaphore_mem>>) src(%arg10 : memref<128x128xf32, #tpu.memory_space<vmem>>) dst(%dma_wait3A_98 : memref<10240x128xf32, #tpu.memory_space<vmem_shared>>)
      tpu.yield
    }) : () -> ()
    %add3A_41 = arith.constant 40 : i32
    %add3A_42 = arith.addi %mul3A_5, %add3A_41 : i32
    "tpu.region"() ({
      %run_scoped3A_86 = tpu.sem_alloc : memref<!tpu.dma_semaphore, #tpu.memory_space<semaphore_mem>>
      %dma_start3A_87 = arith.constant 0 : i32
      %dma_start3A_88 = tpu.memref_slice %arg3[%add3A_42, %dma_start3A_87] : memref<2560x128xi32, #tpu.memory_space<hbm>> -> memref<40x128xi32, #tpu.memory_space<hbm>>
      %dma_start3A_89 = arith.constant 0 : i32
      %dma_start3A_90 = tpu.memref_slice %arg3[%add3A_42, %dma_start3A_89] : memref<2560x128xi32, #tpu.memory_space<hbm>> -> memref<40x128xi32, #tpu.memory_space<hbm>>
      tpu.enqueue_dma source(%dma_start3A_90 : memref<40x128xi32, #tpu.memory_space<hbm>>) target(%arg7 : memref<40x128xi32, #tpu.memory_space<vmem>>) target_semaphore(%run_scoped3A_86 : memref<!tpu.dma_semaphore, #tpu.memory_space<semaphore_mem>>)
      %dma_wait3A_91 = arith.constant 0 : i32
      %dma_wait3A_92 = tpu.memref_slice %arg3[%add3A_42, %dma_wait3A_91] : memref<2560x128xi32, #tpu.memory_space<hbm>> -> memref<40x128xi32, #tpu.memory_space<hbm>>
      %dma_wait3A_93 = arith.constant 0 : i32
      %dma_wait3A_94 = tpu.memref_slice %arg3[%add3A_42, %dma_wait3A_93] : memref<2560x128xi32, #tpu.memory_space<hbm>> -> memref<40x128xi32, #tpu.memory_space<hbm>>
      tpu.wait_dma2 semaphore(%run_scoped3A_86 : memref<!tpu.dma_semaphore, #tpu.memory_space<semaphore_mem>>) src(%dma_wait3A_94 : memref<40x128xi32, #tpu.memory_space<hbm>>) dst(%arg7 : memref<40x128xi32, #tpu.memory_space<vmem>>)
      tpu.yield
    }) : () -> ()
    %add3A_43 = arith.constant 40 : i32
    %add3A_44 = arith.addi %mul3A_5, %add3A_43 : i32
    "tpu.region"() ({
      %run_scoped3A_86 = tpu.sem_alloc : memref<!tpu.dma_semaphore, #tpu.memory_space<semaphore_mem>>
      %dma_start3A_87 = arith.constant 0 : i32
      %dma_start3A_88 = tpu.memref_slice %arg4[%add3A_44, %dma_start3A_87] : memref<2560x128xi32, #tpu.memory_space<hbm>> -> memref<40x128xi32, #tpu.memory_space<hbm>>
      %dma_start3A_89 = arith.constant 0 : i32
      %dma_start3A_90 = tpu.memref_slice %arg4[%add3A_44, %dma_start3A_89] : memref<2560x128xi32, #tpu.memory_space<hbm>> -> memref<40x128xi32, #tpu.memory_space<hbm>>
      tpu.enqueue_dma source(%dma_start3A_90 : memref<40x128xi32, #tpu.memory_space<hbm>>) target(%arg8 : memref<40x128xi32, #tpu.memory_space<vmem>>) target_semaphore(%run_scoped3A_86 : memref<!tpu.dma_semaphore, #tpu.memory_space<semaphore_mem>>)
      %dma_wait3A_91 = arith.constant 0 : i32
      %dma_wait3A_92 = tpu.memref_slice %arg4[%add3A_44, %dma_wait3A_91] : memref<2560x128xi32, #tpu.memory_space<hbm>> -> memref<40x128xi32, #tpu.memory_space<hbm>>
      %dma_wait3A_93 = arith.constant 0 : i32
      %dma_wait3A_94 = tpu.memref_slice %arg4[%add3A_44, %dma_wait3A_93] : memref<2560x128xi32, #tpu.memory_space<hbm>> -> memref<40x128xi32, #tpu.memory_space<hbm>>
      tpu.wait_dma2 semaphore(%run_scoped3A_86 : memref<!tpu.dma_semaphore, #tpu.memory_space<semaphore_mem>>) src(%dma_wait3A_94 : memref<40x128xi32, #tpu.memory_space<hbm>>) dst(%arg8 : memref<40x128xi32, #tpu.memory_space<vmem>>)
      tpu.yield
    }) : () -> ()
    %dma_start3A_45 = arith.constant 0 : i32
    %dma_start3A_46 = arith.constant 0 : i32
    %dma_start3A_47 = tpu.memref_slice %arg7[%dma_start3A_45, %dma_start3A_46] : memref<40x128xi32, #tpu.memory_space<vmem>> -> memref<1x128xi32, #tpu.memory_space<vmem>>
    %dma_start3A_48 = tpu.memref_squeeze %dma_start3A_47 : memref<1x128xi32, #tpu.memory_space<vmem>> -> memref<128xi32, #tpu.memory_space<vmem>>
    %dma_start3A_49 = arith.constant 0 : i32
    %dma_start3A_50 = arith.constant 0 : i32
    %dma_start3A_51 = tpu.memref_slice %arg2[%dma_start3A_49, %dma_start3A_50] : memref<10240x128xf32, #tpu.memory_space<hbm>> -> memref<10240x128xf32, #tpu.memory_space<hbm>>
    tpu.enqueue_indirect_dma source(%dma_start3A_51 : memref<10240x128xf32, #tpu.memory_space<hbm>>) target(%arg9 : memref<128x128xf32, #tpu.memory_space<vmem>>) offsets(%dma_start3A_48 : memref<128xi32, #tpu.memory_space<vmem>>) semaphore(%arg12 : memref<!tpu.dma_semaphore, #tpu.memory_space<semaphore_mem>>)
    %dma_start3A_52 = arith.constant 1 : i32
    %dma_start3A_53 = arith.constant 0 : i32
    %dma_start3A_54 = tpu.memref_slice %arg7[%dma_start3A_52, %dma_start3A_53] : memref<40x128xi32, #tpu.memory_space<vmem>> -> memref<1x128xi32, #tpu.memory_space<vmem>>
    %dma_start3A_55 = tpu.memref_squeeze %dma_start3A_54 : memref<1x128xi32, #tpu.memory_space<vmem>> -> memref<128xi32, #tpu.memory_space<vmem>>
    %dma_start3A_56 = arith.constant 0 : i32
    %dma_start3A_57 = arith.constant 0 : i32
    %dma_start3A_58 = tpu.memref_slice %arg2[%dma_start3A_56, %dma_start3A_57] : memref<10240x128xf32, #tpu.memory_space<hbm>> -> memref<10240x128xf32, #tpu.memory_space<hbm>>
    tpu.enqueue_indirect_dma source(%dma_start3A_58 : memref<10240x128xf32, #tpu.memory_space<hbm>>) target(%arg10 : memref<128x128xf32, #tpu.memory_space<vmem>>) offsets(%dma_start3A_55 : memref<128xi32, #tpu.memory_space<vmem>>) semaphore(%arg13 : memref<!tpu.dma_semaphore, #tpu.memory_space<semaphore_mem>>)
    %scan3A_59 = arith.constant 0 : i32
    %scan3A_60 = arith.constant 0 : i32
    %scan3A_61 = arith.constant 19 : i32
    %scan3A_62 = arith.addi %scan3A_60, %scan3A_61 : i32
    %scan3A_63 = arith.constant 1 : i32
    scf.for %scan3A_86 = %scan3A_60 to %scan3A_62 step %scan3A_63  : i32 {
      %mul3A_87 = arith.constant 2 : i32
      %mul3A_88 = arith.muli %mul3A_87, %scan3A_86 : i32
      %add3A_89 = arith.constant 0 : i32
      %add3A_90 = arith.addi %mul3A_88, %add3A_89 : i32
      %dma_wait3A_91 = arith.constant 0 : i32
      %dma_wait3A_92 = tpu.memref_slice %arg7[%add3A_90, %dma_wait3A_91] : memref<40x128xi32, #tpu.memory_space<vmem>> -> memref<1x128xi32, #tpu.memory_space<vmem>>
      %dma_wait3A_93 = tpu.memref_squeeze %dma_wait3A_92 : memref<1x128xi32, #tpu.memory_space<vmem>> -> memref<128xi32, #tpu.memory_space<vmem>>
      %dma_wait3A_94 = arith.constant 0 : i32
      %dma_wait3A_95 = arith.constant 0 : i32
      %dma_wait3A_96 = tpu.memref_slice %arg2[%dma_wait3A_94, %dma_wait3A_95] : memref<10240x128xf32, #tpu.memory_space<hbm>> -> memref<10240x128xf32, #tpu.memory_space<hbm>>
      tpu.wait_indirect_dma semaphore(%arg12 : memref<!tpu.dma_semaphore, #tpu.memory_space<semaphore_mem>>) src(%dma_wait3A_96 : memref<10240x128xf32, #tpu.memory_space<hbm>>) dst(%arg9 : memref<128x128xf32, #tpu.memory_space<vmem>>)
      "tpu.region"() ({
        %run_scoped3A_123 = tpu.sem_alloc : memref<!tpu.dma_semaphore, #tpu.memory_space<semaphore_mem>>
        %dma_start3A_124 = arith.constant 0 : i32
        %dma_start3A_125 = tpu.memref_slice %arg8[%add3A_90, %dma_start3A_124] : memref<40x128xi32, #tpu.memory_space<vmem>> -> memref<1x128xi32, #tpu.memory_space<vmem>>
        %dma_start3A_126 = tpu.memref_squeeze %dma_start3A_125 : memref<1x128xi32, #tpu.memory_space<vmem>> -> memref<128xi32, #tpu.memory_space<vmem>>
        %dma_start3A_127 = arith.constant 0 : i32
        %dma_start3A_128 = arith.constant 0 : i32
        %dma_start3A_129 = tpu.memref_slice %arg11[%dma_start3A_127, %dma_start3A_128] : memref<10240x128xf32, #tpu.memory_space<vmem_shared>> -> memref<10240x128xf32, #tpu.memory_space<vmem_shared>>
        tpu.enqueue_indirect_dma source(%arg9 : memref<128x128xf32, #tpu.memory_space<vmem>>) target(%dma_start3A_129 : memref<10240x128xf32, #tpu.memory_space<vmem_shared>>) offsets(%dma_start3A_126 : memref<128xi32, #tpu.memory_space<vmem>>) semaphore(%run_scoped3A_123 : memref<!tpu.dma_semaphore, #tpu.memory_space<semaphore_mem>>) {add = true}
        %dma_wait3A_130 = arith.constant 0 : i32
        %dma_wait3A_131 = tpu.memref_slice %arg8[%add3A_90, %dma_wait3A_130] : memref<40x128xi32, #tpu.memory_space<vmem>> -> memref<1x128xi32, #tpu.memory_space<vmem>>
        %dma_wait3A_132 = tpu.memref_squeeze %dma_wait3A_131 : memref<1x128xi32, #tpu.memory_space<vmem>> -> memref<128xi32, #tpu.memory_space<vmem>>
        %dma_wait3A_133 = arith.constant 0 : i32
        %dma_wait3A_134 = arith.constant 0 : i32
        %dma_wait3A_135 = tpu.memref_slice %arg11[%dma_wait3A_133, %dma_wait3A_134] : memref<10240x128xf32, #tpu.memory_space<vmem_shared>> -> memref<10240x128xf32, #tpu.memory_space<vmem_shared>>
        tpu.wait_indirect_dma semaphore(%run_scoped3A_123 : memref<!tpu.dma_semaphore, #tpu.memory_space<semaphore_mem>>) src(%arg9 : memref<128x128xf32, #tpu.memory_space<vmem>>) dst(%dma_wait3A_135 : memref<10240x128xf32, #tpu.memory_space<vmem_shared>>)
        tpu.yield
      }) : () -> ()
      %add3A_97 = arith.constant 2 : i32
      %add3A_98 = arith.addi %add3A_90, %add3A_97 : i32
      %dma_start3A_99 = arith.constant 0 : i32
      %dma_start3A_100 = tpu.memref_slice %arg7[%add3A_98, %dma_start3A_99] : memref<40x128xi32, #tpu.memory_space<vmem>> -> memref<1x128xi32, #tpu.memory_space<vmem>>
      %dma_start3A_101 = tpu.memref_squeeze %dma_start3A_100 : memref<1x128xi32, #tpu.memory_space<vmem>> -> memref<128xi32, #tpu.memory_space<vmem>>
      %dma_start3A_102 = arith.constant 0 : i32
      %dma_start3A_103 = arith.constant 0 : i32
      %dma_start3A_104 = tpu.memref_slice %arg2[%dma_start3A_102, %dma_start3A_103] : memref<10240x128xf32, #tpu.memory_space<hbm>> -> memref<10240x128xf32, #tpu.memory_space<hbm>>
      tpu.enqueue_indirect_dma source(%dma_start3A_104 : memref<10240x128xf32, #tpu.memory_space<hbm>>) target(%arg9 : memref<128x128xf32, #tpu.memory_space<vmem>>) offsets(%dma_start3A_101 : memref<128xi32, #tpu.memory_space<vmem>>) semaphore(%arg12 : memref<!tpu.dma_semaphore, #tpu.memory_space<semaphore_mem>>)
      %mul3A_105 = arith.constant 2 : i32
      %mul3A_106 = arith.muli %mul3A_105, %scan3A_86 : i32
      %add3A_107 = arith.constant 1 : i32
      %add3A_108 = arith.addi %mul3A_106, %add3A_107 : i32
      %dma_wait3A_109 = arith.constant 0 : i32
      %dma_wait3A_110 = tpu.memref_slice %arg7[%add3A_108, %dma_wait3A_109] : memref<40x128xi32, #tpu.memory_space<vmem>> -> memref<1x128xi32, #tpu.memory_space<vmem>>
      %dma_wait3A_111 = tpu.memref_squeeze %dma_wait3A_110 : memref<1x128xi32, #tpu.memory_space<vmem>> -> memref<128xi32, #tpu.memory_space<vmem>>
      %dma_wait3A_112 = arith.constant 0 : i32
      %dma_wait3A_113 = arith.constant 0 : i32
      %dma_wait3A_114 = tpu.memref_slice %arg2[%dma_wait3A_112, %dma_wait3A_113] : memref<10240x128xf32, #tpu.memory_space<hbm>> -> memref<10240x128xf32, #tpu.memory_space<hbm>>
      tpu.wait_indirect_dma semaphore(%arg13 : memref<!tpu.dma_semaphore, #tpu.memory_space<semaphore_mem>>) src(%dma_wait3A_114 : memref<10240x128xf32, #tpu.memory_space<hbm>>) dst(%arg10 : memref<128x128xf32, #tpu.memory_space<vmem>>)
      "tpu.region"() ({
        %run_scoped3A_123 = tpu.sem_alloc : memref<!tpu.dma_semaphore, #tpu.memory_space<semaphore_mem>>
        %dma_start3A_124 = arith.constant 0 : i32
        %dma_start3A_125 = tpu.memref_slice %arg8[%add3A_108, %dma_start3A_124] : memref<40x128xi32, #tpu.memory_space<vmem>> -> memref<1x128xi32, #tpu.memory_space<vmem>>
        %dma_start3A_126 = tpu.memref_squeeze %dma_start3A_125 : memref<1x128xi32, #tpu.memory_space<vmem>> -> memref<128xi32, #tpu.memory_space<vmem>>
        %dma_start3A_127 = arith.constant 0 : i32
        %dma_start3A_128 = arith.constant 0 : i32
        %dma_start3A_129 = tpu.memref_slice %arg11[%dma_start3A_127, %dma_start3A_128] : memref<10240x128xf32, #tpu.memory_space<vmem_shared>> -> memref<10240x128xf32, #tpu.memory_space<vmem_shared>>
        tpu.enqueue_indirect_dma source(%arg10 : memref<128x128xf32, #tpu.memory_space<vmem>>) target(%dma_start3A_129 : memref<10240x128xf32, #tpu.memory_space<vmem_shared>>) offsets(%dma_start3A_126 : memref<128xi32, #tpu.memory_space<vmem>>) semaphore(%run_scoped3A_123 : memref<!tpu.dma_semaphore, #tpu.memory_space<semaphore_mem>>) {add = true}
        %dma_wait3A_130 = arith.constant 0 : i32
        %dma_wait3A_131 = tpu.memref_slice %arg8[%add3A_108, %dma_wait3A_130] : memref<40x128xi32, #tpu.memory_space<vmem>> -> memref<1x128xi32, #tpu.memory_space<vmem>>
        %dma_wait3A_132 = tpu.memref_squeeze %dma_wait3A_131 : memref<1x128xi32, #tpu.memory_space<vmem>> -> memref<128xi32, #tpu.memory_space<vmem>>
        %dma_wait3A_133 = arith.constant 0 : i32
        %dma_wait3A_134 = arith.constant 0 : i32
        %dma_wait3A_135 = tpu.memref_slice %arg11[%dma_wait3A_133, %dma_wait3A_134] : memref<10240x128xf32, #tpu.memory_space<vmem_shared>> -> memref<10240x128xf32, #tpu.memory_space<vmem_shared>>
        tpu.wait_indirect_dma semaphore(%run_scoped3A_123 : memref<!tpu.dma_semaphore, #tpu.memory_space<semaphore_mem>>) src(%arg10 : memref<128x128xf32, #tpu.memory_space<vmem>>) dst(%dma_wait3A_135 : memref<10240x128xf32, #tpu.memory_space<vmem_shared>>)
        tpu.yield
      }) : () -> ()
      %add3A_115 = arith.constant 2 : i32
      %add3A_116 = arith.addi %add3A_108, %add3A_115 : i32
      %dma_start3A_117 = arith.constant 0 : i32
      %dma_start3A_118 = tpu.memref_slice %arg7[%add3A_116, %dma_start3A_117] : memref<40x128xi32, #tpu.memory_space<vmem>> -> memref<1x128xi32, #tpu.memory_space<vmem>>
      %dma_start3A_119 = tpu.memref_squeeze %dma_start3A_118 : memref<1x128xi32, #tpu.memory_space<vmem>> -> memref<128xi32, #tpu.memory_space<vmem>>
      %dma_start3A_120 = arith.constant 0 : i32
      %dma_start3A_121 = arith.constant 0 : i32
      %dma_start3A_122 = tpu.memref_slice %arg2[%dma_start3A_120, %dma_start3A_121] : memref<10240x128xf32, #tpu.memory_space<hbm>> -> memref<10240x128xf32, #tpu.memory_space<hbm>>
      tpu.enqueue_indirect_dma source(%dma_start3A_122 : memref<10240x128xf32, #tpu.memory_space<hbm>>) target(%arg10 : memref<128x128xf32, #tpu.memory_space<vmem>>) offsets(%dma_start3A_119 : memref<128xi32, #tpu.memory_space<vmem>>) semaphore(%arg13 : memref<!tpu.dma_semaphore, #tpu.memory_space<semaphore_mem>>)
    }
    %scan3A_64 = arith.constant 19 : i32
    %dma_wait3A_65 = arith.constant 38 : i32
    %dma_wait3A_66 = arith.constant 0 : i32
    %dma_wait3A_67 = tpu.memref_slice %arg7[%dma_wait3A_65, %dma_wait3A_66] : memref<40x128xi32, #tpu.memory_space<vmem>> -> memref<1x128xi32, #tpu.memory_space<vmem>>
    %dma_wait3A_68 = tpu.memref_squeeze %dma_wait3A_67 : memref<1x128xi32, #tpu.memory_space<vmem>> -> memref<128xi32, #tpu.memory_space<vmem>>
    %dma_wait3A_69 = arith.constant 0 : i32
    %dma_wait3A_70 = arith.constant 0 : i32
    %dma_wait3A_71 = tpu.memref_slice %arg2[%dma_wait3A_69, %dma_wait3A_70] : memref<10240x128xf32, #tpu.memory_space<hbm>> -> memref<10240x128xf32, #tpu.memory_space<hbm>>
    tpu.wait_indirect_dma semaphore(%arg12 : memref<!tpu.dma_semaphore, #tpu.memory_space<semaphore_mem>>) src(%dma_wait3A_71 : memref<10240x128xf32, #tpu.memory_space<hbm>>) dst(%arg9 : memref<128x128xf32, #tpu.memory_space<vmem>>)
    %run_scoped3A_72 = arith.constant 38 : i32
    "tpu.region"() ({
      %run_scoped3A_86 = tpu.sem_alloc : memref<!tpu.dma_semaphore, #tpu.memory_space<semaphore_mem>>
      %dma_start3A_87 = arith.constant 0 : i32
      %dma_start3A_88 = tpu.memref_slice %arg8[%run_scoped3A_72, %dma_start3A_87] : memref<40x128xi32, #tpu.memory_space<vmem>> -> memref<1x128xi32, #tpu.memory_space<vmem>>
      %dma_start3A_89 = tpu.memref_squeeze %dma_start3A_88 : memref<1x128xi32, #tpu.memory_space<vmem>> -> memref<128xi32, #tpu.memory_space<vmem>>
      %dma_start3A_90 = arith.constant 0 : i32
      %dma_start3A_91 = arith.constant 0 : i32
      %dma_start3A_92 = tpu.memref_slice %arg11[%dma_start3A_90, %dma_start3A_91] : memref<10240x128xf32, #tpu.memory_space<vmem_shared>> -> memref<10240x128xf32, #tpu.memory_space<vmem_shared>>
      tpu.enqueue_indirect_dma source(%arg9 : memref<128x128xf32, #tpu.memory_space<vmem>>) target(%dma_start3A_92 : memref<10240x128xf32, #tpu.memory_space<vmem_shared>>) offsets(%dma_start3A_89 : memref<128xi32, #tpu.memory_space<vmem>>) semaphore(%run_scoped3A_86 : memref<!tpu.dma_semaphore, #tpu.memory_space<semaphore_mem>>) {add = true}
      %dma_wait3A_93 = arith.constant 0 : i32
      %dma_wait3A_94 = tpu.memref_slice %arg8[%run_scoped3A_72, %dma_wait3A_93] : memref<40x128xi32, #tpu.memory_space<vmem>> -> memref<1x128xi32, #tpu.memory_space<vmem>>
      %dma_wait3A_95 = tpu.memref_squeeze %dma_wait3A_94 : memref<1x128xi32, #tpu.memory_space<vmem>> -> memref<128xi32, #tpu.memory_space<vmem>>
      %dma_wait3A_96 = arith.constant 0 : i32
      %dma_wait3A_97 = arith.constant 0 : i32
      %dma_wait3A_98 = tpu.memref_slice %arg11[%dma_wait3A_96, %dma_wait3A_97] : memref<10240x128xf32, #tpu.memory_space<vmem_shared>> -> memref<10240x128xf32, #tpu.memory_space<vmem_shared>>
      tpu.wait_indirect_dma semaphore(%run_scoped3A_86 : memref<!tpu.dma_semaphore, #tpu.memory_space<semaphore_mem>>) src(%arg9 : memref<128x128xf32, #tpu.memory_space<vmem>>) dst(%dma_wait3A_98 : memref<10240x128xf32, #tpu.memory_space<vmem_shared>>)
      tpu.yield
    }) : () -> ()
    %dma_wait3A_73 = arith.constant 39 : i32
    %dma_wait3A_74 = arith.constant 0 : i32
    %dma_wait3A_75 = tpu.memref_slice %arg7[%dma_wait3A_73, %dma_wait3A_74] : memref<40x128xi32, #tpu.memory_space<vmem>> -> memref<1x128xi32, #tpu.memory_space<vmem>>
    %dma_wait3A_76 = tpu.memref_squeeze %dma_wait3A_75 : memref<1x128xi32, #tpu.memory_space<vmem>> -> memref<128xi32, #tpu.memory_space<vmem>>
    %dma_wait3A_77 = arith.constant 0 : i32
    %dma_wait3A_78 = arith.constant 0 : i32
    %dma_wait3A_79 = tpu.memref_slice %arg2[%dma_wait3A_77, %dma_wait3A_78] : memref<10240x128xf32, #tpu.memory_space<hbm>> -> memref<10240x128xf32, #tpu.memory_space<hbm>>
    tpu.wait_indirect_dma semaphore(%arg13 : memref<!tpu.dma_semaphore, #tpu.memory_space<semaphore_mem>>) src(%dma_wait3A_79 : memref<10240x128xf32, #tpu.memory_space<hbm>>) dst(%arg10 : memref<128x128xf32, #tpu.memory_space<vmem>>)
    %run_scoped3A_80 = arith.constant 39 : i32
    "tpu.region"() ({
      %run_scoped3A_86 = tpu.sem_alloc : memref<!tpu.dma_semaphore, #tpu.memory_space<semaphore_mem>>
      %dma_start3A_87 = arith.constant 0 : i32
      %dma_start3A_88 = tpu.memref_slice %arg8[%run_scoped3A_80, %dma_start3A_87] : memref<40x128xi32, #tpu.memory_space<vmem>> -> memref<1x128xi32, #tpu.memory_space<vmem>>
      %dma_start3A_89 = tpu.memref_squeeze %dma_start3A_88 : memref<1x128xi32, #tpu.memory_space<vmem>> -> memref<128xi32, #tpu.memory_space<vmem>>
      %dma_start3A_90 = arith.constant 0 : i32
      %dma_start3A_91 = arith.constant 0 : i32
      %dma_start3A_92 = tpu.memref_slice %arg11[%dma_start3A_90, %dma_start3A_91] : memref<10240x128xf32, #tpu.memory_space<vmem_shared>> -> memref<10240x128xf32, #tpu.memory_space<vmem_shared>>
      tpu.enqueue_indirect_dma source(%arg10 : memref<128x128xf32, #tpu.memory_space<vmem>>) target(%dma_start3A_92 : memref<10240x128xf32, #tpu.memory_space<vmem_shared>>) offsets(%dma_start3A_89 : memref<128xi32, #tpu.memory_space<vmem>>) semaphore(%run_scoped3A_86 : memref<!tpu.dma_semaphore, #tpu.memory_space<semaphore_mem>>) {add = true}
      %dma_wait3A_93 = arith.constant 0 : i32
      %dma_wait3A_94 = tpu.memref_slice %arg8[%run_scoped3A_80, %dma_wait3A_93] : memref<40x128xi32, #tpu.memory_space<vmem>> -> memref<1x128xi32, #tpu.memory_space<vmem>>
      %dma_wait3A_95 = tpu.memref_squeeze %dma_wait3A_94 : memref<1x128xi32, #tpu.memory_space<vmem>> -> memref<128xi32, #tpu.memory_space<vmem>>
      %dma_wait3A_96 = arith.constant 0 : i32
      %dma_wait3A_97 = arith.constant 0 : i32
      %dma_wait3A_98 = tpu.memref_slice %arg11[%dma_wait3A_96, %dma_wait3A_97] : memref<10240x128xf32, #tpu.memory_space<vmem_shared>> -> memref<10240x128xf32, #tpu.memory_space<vmem_shared>>
      tpu.wait_indirect_dma semaphore(%run_scoped3A_86 : memref<!tpu.dma_semaphore, #tpu.memory_space<semaphore_mem>>) src(%arg10 : memref<128x128xf32, #tpu.memory_space<vmem>>) dst(%dma_wait3A_98 : memref<10240x128xf32, #tpu.memory_space<vmem_shared>>)
      tpu.yield
    }) : () -> ()
    %barrier3A_81 = arith.constant 0 : index
    tpu.barrier barrier_id(%barrier3A_81)
    %mul3A_82 = arith.constant 640 : i32
    %mul3A_83 = arith.muli %arg1, %mul3A_82 : i32
    %mul3A_84 = arith.constant 640 : i32
    %mul3A_85 = arith.muli %arg1, %mul3A_84 : i32
    "tpu.region"() ({
      %run_scoped3A_86 = tpu.sem_alloc : memref<!tpu.dma_semaphore, #tpu.memory_space<semaphore_mem>>
      %dma_start3A_87 = arith.constant 0 : i32
      %dma_start3A_88 = tpu.memref_slice %arg6[%arg0, %mul3A_85, %dma_start3A_87] : memref<2x10240x128xf32, #tpu.memory_space<hbm>> -> memref<1x640x128xf32, #tpu.memory_space<hbm>>
      %dma_start3A_89 = tpu.memref_squeeze %dma_start3A_88 : memref<1x640x128xf32, #tpu.memory_space<hbm>> -> memref<640x128xf32, #tpu.memory_space<hbm>>
      %dma_start3A_90 = arith.constant 0 : i32
      %dma_start3A_91 = tpu.memref_slice %arg11[%mul3A_83, %dma_start3A_90] : memref<10240x128xf32, #tpu.memory_space<vmem_shared>> -> memref<640x128xf32, #tpu.memory_space<vmem_shared>>
      tpu.enqueue_dma source(%dma_start3A_91 : memref<640x128xf32, #tpu.memory_space<vmem_shared>>) target(%dma_start3A_89 : memref<640x128xf32, #tpu.memory_space<hbm>>) target_semaphore(%run_scoped3A_86 : memref<!tpu.dma_semaphore, #tpu.memory_space<semaphore_mem>>)
      %dma_wait3A_92 = arith.constant 0 : i32
      %dma_wait3A_93 = tpu.memref_slice %arg6[%arg0, %mul3A_85, %dma_wait3A_92] : memref<2x10240x128xf32, #tpu.memory_space<hbm>> -> memref<1x640x128xf32, #tpu.memory_space<hbm>>
      %dma_wait3A_94 = tpu.memref_squeeze %dma_wait3A_93 : memref<1x640x128xf32, #tpu.memory_space<hbm>> -> memref<640x128xf32, #tpu.memory_space<hbm>>
      %dma_wait3A_95 = arith.constant 0 : i32
      %dma_wait3A_96 = tpu.memref_slice %arg11[%mul3A_83, %dma_wait3A_95] : memref<10240x128xf32, #tpu.memory_space<vmem_shared>> -> memref<640x128xf32, #tpu.memory_space<vmem_shared>>
      tpu.wait_dma2 semaphore(%run_scoped3A_86 : memref<!tpu.dma_semaphore, #tpu.memory_space<semaphore_mem>>) src(%dma_wait3A_96 : memref<640x128xf32, #tpu.memory_space<vmem_shared>>) dst(%dma_wait3A_94 : memref<640x128xf32, #tpu.memory_space<hbm>>)
      tpu.yield
    }) : () -> ()
    return
  }
}

#map = affine_map<(d0, d1) -> (0, 0)>
#map1 = affine_map<(d0, d1) -> (0, 0, 0)>
module attributes {stable_mosaic.version = 14 : i64} {
  func.func @_sc_aggregate(%arg0: i32, %arg1: i32, %arg2: memref<10240x128xf32, #tpu.memory_space<hbm>>, %arg3: memref<2560x128xi32, #tpu.memory_space<hbm>>, %arg4: memref<2560x128xi32, #tpu.memory_space<hbm>>, %arg5: memref<640x128xf32, #tpu.memory_space<hbm>>, %arg6: memref<2x10240x128xf32, #tpu.memory_space<hbm>>, %arg7: memref<40x128xi32, #tpu.memory_space<vmem>>, %arg8: memref<40x128xi32, #tpu.memory_space<vmem>>, %arg9: memref<128x128xf32, #tpu.memory_space<vmem>>, %arg10: memref<128x128xf32, #tpu.memory_space<vmem>>, %arg11: memref<10240x128xf32, #tpu.memory_space<vmem_shared>>, %arg12: memref<!tpu.dma_semaphore, #tpu.memory_space<semaphore_mem>>, %arg13: memref<!tpu.dma_semaphore, #tpu.memory_space<semaphore_mem>>) attributes {dimension_semantics = [#tpu.dimension_semantics<core_parallel>, #tpu.dimension_semantics<subcore_parallel>], iteration_bounds = array<i64: 2, 16>, scalar_prefetch = 0 : i64, scratch_operands = 7 : i64, tpu.core_type = #tpu.core_type<sc_vector_subcore>, window_params = [{transform_indices = #map}, {transform_indices = #map}, {transform_indices = #map}, {transform_indices = #map}, {transform_indices = #map1}]} {
    %mul3A = arith.constant 640 : i32
    %mul3A_0 = arith.muli %arg1, %mul3A : i32
    %dma_start3A = arith.constant 0 : i32
    %dma_start3A_1 = tpu.memref_slice %arg11[%mul3A_0, %dma_start3A] : memref<10240x128xf32, #tpu.memory_space<vmem_shared>> -> memref<640x128xf32, #tpu.memory_space<vmem_shared>>
    tpu.enqueue_dma source(%arg5 : memref<640x128xf32, #tpu.memory_space<hbm>>) target(%dma_start3A_1 : memref<640x128xf32, #tpu.memory_space<vmem_shared>>) target_semaphore(%arg12 : memref<!tpu.dma_semaphore, #tpu.memory_space<semaphore_mem>>)
    %mul3A_2 = arith.constant 16 : i32
    %mul3A_3 = arith.muli %arg0, %mul3A_2 : i32
    %add3A = arith.addi %mul3A_3, %arg1 : i32
    %mul3A_4 = arith.constant 80 : i32
    %mul3A_5 = arith.muli %add3A, %mul3A_4 : i32
    "tpu.region"() ({
      %run_scoped3A_86 = tpu.sem_alloc : memref<!tpu.dma_semaphore, #tpu.memory_space<semaphore_mem>>
      %dma_start3A_87 = arith.constant 0 : i32
      %dma_start3A_88 = tpu.memref_slice %arg3[%mul3A_5, %dma_start3A_87] : memref<2560x128xi32, #tpu.memory_space<hbm>> -> memref<40x128xi32, #tpu.memory_space<hbm>>
      %dma_start3A_89 = arith.constant 0 : i32
      %dma_start3A_90 = tpu.memref_slice %arg3[%mul3A_5, %dma_start3A_89] : memref<2560x128xi32, #tpu.memory_space<hbm>> -> memref<40x128xi32, #tpu.memory_space<hbm>>
      tpu.enqueue_dma source(%dma_start3A_90 : memref<40x128xi32, #tpu.memory_space<hbm>>) target(%arg7 : memref<40x128xi32, #tpu.memory_space<vmem>>) target_semaphore(%run_scoped3A_86 : memref<!tpu.dma_semaphore, #tpu.memory_space<semaphore_mem>>)
      %dma_wait3A_91 = arith.constant 0 : i32
      %dma_wait3A_92 = tpu.memref_slice %arg3[%mul3A_5, %dma_wait3A_91] : memref<2560x128xi32, #tpu.memory_space<hbm>> -> memref<40x128xi32, #tpu.memory_space<hbm>>
      %dma_wait3A_93 = arith.constant 0 : i32
      %dma_wait3A_94 = tpu.memref_slice %arg3[%mul3A_5, %dma_wait3A_93] : memref<2560x128xi32, #tpu.memory_space<hbm>> -> memref<40x128xi32, #tpu.memory_space<hbm>>
      tpu.wait_dma2 semaphore(%run_scoped3A_86 : memref<!tpu.dma_semaphore, #tpu.memory_space<semaphore_mem>>) src(%dma_wait3A_94 : memref<40x128xi32, #tpu.memory_space<hbm>>) dst(%arg7 : memref<40x128xi32, #tpu.memory_space<vmem>>)
      tpu.yield
    }) : () -> ()
    "tpu.region"() ({
      %run_scoped3A_86 = tpu.sem_alloc : memref<!tpu.dma_semaphore, #tpu.memory_space<semaphore_mem>>
      %dma_start3A_87 = arith.constant 0 : i32
      %dma_start3A_88 = tpu.memref_slice %arg4[%mul3A_5, %dma_start3A_87] : memref<2560x128xi32, #tpu.memory_space<hbm>> -> memref<40x128xi32, #tpu.memory_space<hbm>>
      %dma_start3A_89 = arith.constant 0 : i32
      %dma_start3A_90 = tpu.memref_slice %arg4[%mul3A_5, %dma_start3A_89] : memref<2560x128xi32, #tpu.memory_space<hbm>> -> memref<40x128xi32, #tpu.memory_space<hbm>>
      tpu.enqueue_dma source(%dma_start3A_90 : memref<40x128xi32, #tpu.memory_space<hbm>>) target(%arg8 : memref<40x128xi32, #tpu.memory_space<vmem>>) target_semaphore(%run_scoped3A_86 : memref<!tpu.dma_semaphore, #tpu.memory_space<semaphore_mem>>)
      %dma_wait3A_91 = arith.constant 0 : i32
      %dma_wait3A_92 = tpu.memref_slice %arg4[%mul3A_5, %dma_wait3A_91] : memref<2560x128xi32, #tpu.memory_space<hbm>> -> memref<40x128xi32, #tpu.memory_space<hbm>>
      %dma_wait3A_93 = arith.constant 0 : i32
      %dma_wait3A_94 = tpu.memref_slice %arg4[%mul3A_5, %dma_wait3A_93] : memref<2560x128xi32, #tpu.memory_space<hbm>> -> memref<40x128xi32, #tpu.memory_space<hbm>>
      tpu.wait_dma2 semaphore(%run_scoped3A_86 : memref<!tpu.dma_semaphore, #tpu.memory_space<semaphore_mem>>) src(%dma_wait3A_94 : memref<40x128xi32, #tpu.memory_space<hbm>>) dst(%arg8 : memref<40x128xi32, #tpu.memory_space<vmem>>)
      tpu.yield
    }) : () -> ()
    %dma_wait3A = arith.constant 0 : i32
    %dma_wait3A_6 = tpu.memref_slice %arg11[%mul3A_0, %dma_wait3A] : memref<10240x128xf32, #tpu.memory_space<vmem_shared>> -> memref<640x128xf32, #tpu.memory_space<vmem_shared>>
    tpu.wait_dma2 semaphore(%arg12 : memref<!tpu.dma_semaphore, #tpu.memory_space<semaphore_mem>>) src(%arg5 : memref<640x128xf32, #tpu.memory_space<hbm>>) dst(%dma_wait3A_6 : memref<640x128xf32, #tpu.memory_space<vmem_shared>>)
    %barrier3A = arith.constant 0 : index
    tpu.barrier barrier_id(%barrier3A)
    %dma_start3A_7 = arith.constant 0 : i32
    %dma_start3A_8 = arith.constant 0 : i32
    %dma_start3A_9 = tpu.memref_slice %arg7[%dma_start3A_7, %dma_start3A_8] : memref<40x128xi32, #tpu.memory_space<vmem>> -> memref<1x128xi32, #tpu.memory_space<vmem>>
    %dma_start3A_10 = tpu.memref_squeeze %dma_start3A_9 : memref<1x128xi32, #tpu.memory_space<vmem>> -> memref<128xi32, #tpu.memory_space<vmem>>
    %dma_start3A_11 = arith.constant 0 : i32
    %dma_start3A_12 = arith.constant 0 : i32
    %dma_start3A_13 = tpu.memref_slice %arg2[%dma_start3A_11, %dma_start3A_12] : memref<10240x128xf32, #tpu.memory_space<hbm>> -> memref<10240x128xf32, #tpu.memory_space<hbm>>
    tpu.enqueue_indirect_dma source(%dma_start3A_13 : memref<10240x128xf32, #tpu.memory_space<hbm>>) target(%arg9 : memref<128x128xf32, #tpu.memory_space<vmem>>) offsets(%dma_start3A_10 : memref<128xi32, #tpu.memory_space<vmem>>) semaphore(%arg12 : memref<!tpu.dma_semaphore, #tpu.memory_space<semaphore_mem>>)
    %dma_start3A_14 = arith.constant 1 : i32
    %dma_start3A_15 = arith.constant 0 : i32
    %dma_start3A_16 = tpu.memref_slice %arg7[%dma_start3A_14, %dma_start3A_15] : memref<40x128xi32, #tpu.memory_space<vmem>> -> memref<1x128xi32, #tpu.memory_space<vmem>>
    %dma_start3A_17 = tpu.memref_squeeze %dma_start3A_16 : memref<1x128xi32, #tpu.memory_space<vmem>> -> memref<128xi32, #tpu.memory_space<vmem>>
    %dma_start3A_18 = arith.constant 0 : i32
    %dma_start3A_19 = arith.constant 0 : i32
    %dma_start3A_20 = tpu.memref_slice %arg2[%dma_start3A_18, %dma_start3A_19] : memref<10240x128xf32, #tpu.memory_space<hbm>> -> memref<10240x128xf32, #tpu.memory_space<hbm>>
    tpu.enqueue_indirect_dma source(%dma_start3A_20 : memref<10240x128xf32, #tpu.memory_space<hbm>>) target(%arg10 : memref<128x128xf32, #tpu.memory_space<vmem>>) offsets(%dma_start3A_17 : memref<128xi32, #tpu.memory_space<vmem>>) semaphore(%arg13 : memref<!tpu.dma_semaphore, #tpu.memory_space<semaphore_mem>>)
    %scan3A = arith.constant 0 : i32
    %scan3A_21 = arith.constant 0 : i32
    %scan3A_22 = arith.constant 19 : i32
    %scan3A_23 = arith.addi %scan3A_21, %scan3A_22 : i32
    %scan3A_24 = arith.constant 1 : i32
    scf.for %scan3A_86 = %scan3A_21 to %scan3A_23 step %scan3A_24  : i32 {
      %mul3A_87 = arith.constant 2 : i32
      %mul3A_88 = arith.muli %mul3A_87, %scan3A_86 : i32
      %add3A_89 = arith.constant 0 : i32
      %add3A_90 = arith.addi %mul3A_88, %add3A_89 : i32
      %dma_wait3A_91 = arith.constant 0 : i32
      %dma_wait3A_92 = tpu.memref_slice %arg7[%add3A_90, %dma_wait3A_91] : memref<40x128xi32, #tpu.memory_space<vmem>> -> memref<1x128xi32, #tpu.memory_space<vmem>>
      %dma_wait3A_93 = tpu.memref_squeeze %dma_wait3A_92 : memref<1x128xi32, #tpu.memory_space<vmem>> -> memref<128xi32, #tpu.memory_space<vmem>>
      %dma_wait3A_94 = arith.constant 0 : i32
      %dma_wait3A_95 = arith.constant 0 : i32
      %dma_wait3A_96 = tpu.memref_slice %arg2[%dma_wait3A_94, %dma_wait3A_95] : memref<10240x128xf32, #tpu.memory_space<hbm>> -> memref<10240x128xf32, #tpu.memory_space<hbm>>
      tpu.wait_indirect_dma semaphore(%arg12 : memref<!tpu.dma_semaphore, #tpu.memory_space<semaphore_mem>>) src(%dma_wait3A_96 : memref<10240x128xf32, #tpu.memory_space<hbm>>) dst(%arg9 : memref<128x128xf32, #tpu.memory_space<vmem>>)
      "tpu.region"() ({
        %run_scoped3A_123 = tpu.sem_alloc : memref<!tpu.dma_semaphore, #tpu.memory_space<semaphore_mem>>
        %dma_start3A_124 = arith.constant 0 : i32
        %dma_start3A_125 = tpu.memref_slice %arg8[%add3A_90, %dma_start3A_124] : memref<40x128xi32, #tpu.memory_space<vmem>> -> memref<1x128xi32, #tpu.memory_space<vmem>>
        %dma_start3A_126 = tpu.memref_squeeze %dma_start3A_125 : memref<1x128xi32, #tpu.memory_space<vmem>> -> memref<128xi32, #tpu.memory_space<vmem>>
        %dma_start3A_127 = arith.constant 0 : i32
        %dma_start3A_128 = arith.constant 0 : i32
        %dma_start3A_129 = tpu.memref_slice %arg11[%dma_start3A_127, %dma_start3A_128] : memref<10240x128xf32, #tpu.memory_space<vmem_shared>> -> memref<10240x128xf32, #tpu.memory_space<vmem_shared>>
        tpu.enqueue_indirect_dma source(%arg9 : memref<128x128xf32, #tpu.memory_space<vmem>>) target(%dma_start3A_129 : memref<10240x128xf32, #tpu.memory_space<vmem_shared>>) offsets(%dma_start3A_126 : memref<128xi32, #tpu.memory_space<vmem>>) semaphore(%run_scoped3A_123 : memref<!tpu.dma_semaphore, #tpu.memory_space<semaphore_mem>>) {add = true}
        %dma_wait3A_130 = arith.constant 0 : i32
        %dma_wait3A_131 = tpu.memref_slice %arg8[%add3A_90, %dma_wait3A_130] : memref<40x128xi32, #tpu.memory_space<vmem>> -> memref<1x128xi32, #tpu.memory_space<vmem>>
        %dma_wait3A_132 = tpu.memref_squeeze %dma_wait3A_131 : memref<1x128xi32, #tpu.memory_space<vmem>> -> memref<128xi32, #tpu.memory_space<vmem>>
        %dma_wait3A_133 = arith.constant 0 : i32
        %dma_wait3A_134 = arith.constant 0 : i32
        %dma_wait3A_135 = tpu.memref_slice %arg11[%dma_wait3A_133, %dma_wait3A_134] : memref<10240x128xf32, #tpu.memory_space<vmem_shared>> -> memref<10240x128xf32, #tpu.memory_space<vmem_shared>>
        tpu.wait_indirect_dma semaphore(%run_scoped3A_123 : memref<!tpu.dma_semaphore, #tpu.memory_space<semaphore_mem>>) src(%arg9 : memref<128x128xf32, #tpu.memory_space<vmem>>) dst(%dma_wait3A_135 : memref<10240x128xf32, #tpu.memory_space<vmem_shared>>)
        tpu.yield
      }) : () -> ()
      %add3A_97 = arith.constant 2 : i32
      %add3A_98 = arith.addi %add3A_90, %add3A_97 : i32
      %dma_start3A_99 = arith.constant 0 : i32
      %dma_start3A_100 = tpu.memref_slice %arg7[%add3A_98, %dma_start3A_99] : memref<40x128xi32, #tpu.memory_space<vmem>> -> memref<1x128xi32, #tpu.memory_space<vmem>>
      %dma_start3A_101 = tpu.memref_squeeze %dma_start3A_100 : memref<1x128xi32, #tpu.memory_space<vmem>> -> memref<128xi32, #tpu.memory_space<vmem>>
      %dma_start3A_102 = arith.constant 0 : i32
      %dma_start3A_103 = arith.constant 0 : i32
      %dma_start3A_104 = tpu.memref_slice %arg2[%dma_start3A_102, %dma_start3A_103] : memref<10240x128xf32, #tpu.memory_space<hbm>> -> memref<10240x128xf32, #tpu.memory_space<hbm>>
      tpu.enqueue_indirect_dma source(%dma_start3A_104 : memref<10240x128xf32, #tpu.memory_space<hbm>>) target(%arg9 : memref<128x128xf32, #tpu.memory_space<vmem>>) offsets(%dma_start3A_101 : memref<128xi32, #tpu.memory_space<vmem>>) semaphore(%arg12 : memref<!tpu.dma_semaphore, #tpu.memory_space<semaphore_mem>>)
      %mul3A_105 = arith.constant 2 : i32
      %mul3A_106 = arith.muli %mul3A_105, %scan3A_86 : i32
      %add3A_107 = arith.constant 1 : i32
      %add3A_108 = arith.addi %mul3A_106, %add3A_107 : i32
      %dma_wait3A_109 = arith.constant 0 : i32
      %dma_wait3A_110 = tpu.memref_slice %arg7[%add3A_108, %dma_wait3A_109] : memref<40x128xi32, #tpu.memory_space<vmem>> -> memref<1x128xi32, #tpu.memory_space<vmem>>
      %dma_wait3A_111 = tpu.memref_squeeze %dma_wait3A_110 : memref<1x128xi32, #tpu.memory_space<vmem>> -> memref<128xi32, #tpu.memory_space<vmem>>
      %dma_wait3A_112 = arith.constant 0 : i32
      %dma_wait3A_113 = arith.constant 0 : i32
      %dma_wait3A_114 = tpu.memref_slice %arg2[%dma_wait3A_112, %dma_wait3A_113] : memref<10240x128xf32, #tpu.memory_space<hbm>> -> memref<10240x128xf32, #tpu.memory_space<hbm>>
      tpu.wait_indirect_dma semaphore(%arg13 : memref<!tpu.dma_semaphore, #tpu.memory_space<semaphore_mem>>) src(%dma_wait3A_114 : memref<10240x128xf32, #tpu.memory_space<hbm>>) dst(%arg10 : memref<128x128xf32, #tpu.memory_space<vmem>>)
      "tpu.region"() ({
        %run_scoped3A_123 = tpu.sem_alloc : memref<!tpu.dma_semaphore, #tpu.memory_space<semaphore_mem>>
        %dma_start3A_124 = arith.constant 0 : i32
        %dma_start3A_125 = tpu.memref_slice %arg8[%add3A_108, %dma_start3A_124] : memref<40x128xi32, #tpu.memory_space<vmem>> -> memref<1x128xi32, #tpu.memory_space<vmem>>
        %dma_start3A_126 = tpu.memref_squeeze %dma_start3A_125 : memref<1x128xi32, #tpu.memory_space<vmem>> -> memref<128xi32, #tpu.memory_space<vmem>>
        %dma_start3A_127 = arith.constant 0 : i32
        %dma_start3A_128 = arith.constant 0 : i32
        %dma_start3A_129 = tpu.memref_slice %arg11[%dma_start3A_127, %dma_start3A_128] : memref<10240x128xf32, #tpu.memory_space<vmem_shared>> -> memref<10240x128xf32, #tpu.memory_space<vmem_shared>>
        tpu.enqueue_indirect_dma source(%arg10 : memref<128x128xf32, #tpu.memory_space<vmem>>) target(%dma_start3A_129 : memref<10240x128xf32, #tpu.memory_space<vmem_shared>>) offsets(%dma_start3A_126 : memref<128xi32, #tpu.memory_space<vmem>>) semaphore(%run_scoped3A_123 : memref<!tpu.dma_semaphore, #tpu.memory_space<semaphore_mem>>) {add = true}
        %dma_wait3A_130 = arith.constant 0 : i32
        %dma_wait3A_131 = tpu.memref_slice %arg8[%add3A_108, %dma_wait3A_130] : memref<40x128xi32, #tpu.memory_space<vmem>> -> memref<1x128xi32, #tpu.memory_space<vmem>>
        %dma_wait3A_132 = tpu.memref_squeeze %dma_wait3A_131 : memref<1x128xi32, #tpu.memory_space<vmem>> -> memref<128xi32, #tpu.memory_space<vmem>>
        %dma_wait3A_133 = arith.constant 0 : i32
        %dma_wait3A_134 = arith.constant 0 : i32
        %dma_wait3A_135 = tpu.memref_slice %arg11[%dma_wait3A_133, %dma_wait3A_134] : memref<10240x128xf32, #tpu.memory_space<vmem_shared>> -> memref<10240x128xf32, #tpu.memory_space<vmem_shared>>
        tpu.wait_indirect_dma semaphore(%run_scoped3A_123 : memref<!tpu.dma_semaphore, #tpu.memory_space<semaphore_mem>>) src(%arg10 : memref<128x128xf32, #tpu.memory_space<vmem>>) dst(%dma_wait3A_135 : memref<10240x128xf32, #tpu.memory_space<vmem_shared>>)
        tpu.yield
      }) : () -> ()
      %add3A_115 = arith.constant 2 : i32
      %add3A_116 = arith.addi %add3A_108, %add3A_115 : i32
      %dma_start3A_117 = arith.constant 0 : i32
      %dma_start3A_118 = tpu.memref_slice %arg7[%add3A_116, %dma_start3A_117] : memref<40x128xi32, #tpu.memory_space<vmem>> -> memref<1x128xi32, #tpu.memory_space<vmem>>
      %dma_start3A_119 = tpu.memref_squeeze %dma_start3A_118 : memref<1x128xi32, #tpu.memory_space<vmem>> -> memref<128xi32, #tpu.memory_space<vmem>>
      %dma_start3A_120 = arith.constant 0 : i32
      %dma_start3A_121 = arith.constant 0 : i32
      %dma_start3A_122 = tpu.memref_slice %arg2[%dma_start3A_120, %dma_start3A_121] : memref<10240x128xf32, #tpu.memory_space<hbm>> -> memref<10240x128xf32, #tpu.memory_space<hbm>>
      tpu.enqueue_indirect_dma source(%dma_start3A_122 : memref<10240x128xf32, #tpu.memory_space<hbm>>) target(%arg10 : memref<128x128xf32, #tpu.memory_space<vmem>>) offsets(%dma_start3A_119 : memref<128xi32, #tpu.memory_space<vmem>>) semaphore(%arg13 : memref<!tpu.dma_semaphore, #tpu.memory_space<semaphore_mem>>)
    }
    %scan3A_25 = arith.constant 19 : i32
    %dma_wait3A_26 = arith.constant 38 : i32
    %dma_wait3A_27 = arith.constant 0 : i32
    %dma_wait3A_28 = tpu.memref_slice %arg7[%dma_wait3A_26, %dma_wait3A_27] : memref<40x128xi32, #tpu.memory_space<vmem>> -> memref<1x128xi32, #tpu.memory_space<vmem>>
    %dma_wait3A_29 = tpu.memref_squeeze %dma_wait3A_28 : memref<1x128xi32, #tpu.memory_space<vmem>> -> memref<128xi32, #tpu.memory_space<vmem>>
    %dma_wait3A_30 = arith.constant 0 : i32
    %dma_wait3A_31 = arith.constant 0 : i32
    %dma_wait3A_32 = tpu.memref_slice %arg2[%dma_wait3A_30, %dma_wait3A_31] : memref<10240x128xf32, #tpu.memory_space<hbm>> -> memref<10240x128xf32, #tpu.memory_space<hbm>>
    tpu.wait_indirect_dma semaphore(%arg12 : memref<!tpu.dma_semaphore, #tpu.memory_space<semaphore_mem>>) src(%dma_wait3A_32 : memref<10240x128xf32, #tpu.memory_space<hbm>>) dst(%arg9 : memref<128x128xf32, #tpu.memory_space<vmem>>)
    %run_scoped3A = arith.constant 38 : i32
    "tpu.region"() ({
      %run_scoped3A_86 = tpu.sem_alloc : memref<!tpu.dma_semaphore, #tpu.memory_space<semaphore_mem>>
      %dma_start3A_87 = arith.constant 0 : i32
      %dma_start3A_88 = tpu.memref_slice %arg8[%run_scoped3A, %dma_start3A_87] : memref<40x128xi32, #tpu.memory_space<vmem>> -> memref<1x128xi32, #tpu.memory_space<vmem>>
      %dma_start3A_89 = tpu.memref_squeeze %dma_start3A_88 : memref<1x128xi32, #tpu.memory_space<vmem>> -> memref<128xi32, #tpu.memory_space<vmem>>
      %dma_start3A_90 = arith.constant 0 : i32
      %dma_start3A_91 = arith.constant 0 : i32
      %dma_start3A_92 = tpu.memref_slice %arg11[%dma_start3A_90, %dma_start3A_91] : memref<10240x128xf32, #tpu.memory_space<vmem_shared>> -> memref<10240x128xf32, #tpu.memory_space<vmem_shared>>
      tpu.enqueue_indirect_dma source(%arg9 : memref<128x128xf32, #tpu.memory_space<vmem>>) target(%dma_start3A_92 : memref<10240x128xf32, #tpu.memory_space<vmem_shared>>) offsets(%dma_start3A_89 : memref<128xi32, #tpu.memory_space<vmem>>) semaphore(%run_scoped3A_86 : memref<!tpu.dma_semaphore, #tpu.memory_space<semaphore_mem>>) {add = true}
      %dma_wait3A_93 = arith.constant 0 : i32
      %dma_wait3A_94 = tpu.memref_slice %arg8[%run_scoped3A, %dma_wait3A_93] : memref<40x128xi32, #tpu.memory_space<vmem>> -> memref<1x128xi32, #tpu.memory_space<vmem>>
      %dma_wait3A_95 = tpu.memref_squeeze %dma_wait3A_94 : memref<1x128xi32, #tpu.memory_space<vmem>> -> memref<128xi32, #tpu.memory_space<vmem>>
      %dma_wait3A_96 = arith.constant 0 : i32
      %dma_wait3A_97 = arith.constant 0 : i32
      %dma_wait3A_98 = tpu.memref_slice %arg11[%dma_wait3A_96, %dma_wait3A_97] : memref<10240x128xf32, #tpu.memory_space<vmem_shared>> -> memref<10240x128xf32, #tpu.memory_space<vmem_shared>>
      tpu.wait_indirect_dma semaphore(%run_scoped3A_86 : memref<!tpu.dma_semaphore, #tpu.memory_space<semaphore_mem>>) src(%arg9 : memref<128x128xf32, #tpu.memory_space<vmem>>) dst(%dma_wait3A_98 : memref<10240x128xf32, #tpu.memory_space<vmem_shared>>)
      tpu.yield
    }) : () -> ()
    %dma_wait3A_33 = arith.constant 39 : i32
    %dma_wait3A_34 = arith.constant 0 : i32
    %dma_wait3A_35 = tpu.memref_slice %arg7[%dma_wait3A_33, %dma_wait3A_34] : memref<40x128xi32, #tpu.memory_space<vmem>> -> memref<1x128xi32, #tpu.memory_space<vmem>>
    %dma_wait3A_36 = tpu.memref_squeeze %dma_wait3A_35 : memref<1x128xi32, #tpu.memory_space<vmem>> -> memref<128xi32, #tpu.memory_space<vmem>>
    %dma_wait3A_37 = arith.constant 0 : i32
    %dma_wait3A_38 = arith.constant 0 : i32
    %dma_wait3A_39 = tpu.memref_slice %arg2[%dma_wait3A_37, %dma_wait3A_38] : memref<10240x128xf32, #tpu.memory_space<hbm>> -> memref<10240x128xf32, #tpu.memory_space<hbm>>
    tpu.wait_indirect_dma semaphore(%arg13 : memref<!tpu.dma_semaphore, #tpu.memory_space<semaphore_mem>>) src(%dma_wait3A_39 : memref<10240x128xf32, #tpu.memory_space<hbm>>) dst(%arg10 : memref<128x128xf32, #tpu.memory_space<vmem>>)
    %run_scoped3A_40 = arith.constant 39 : i32
    "tpu.region"() ({
      %run_scoped3A_86 = tpu.sem_alloc : memref<!tpu.dma_semaphore, #tpu.memory_space<semaphore_mem>>
      %dma_start3A_87 = arith.constant 0 : i32
      %dma_start3A_88 = tpu.memref_slice %arg8[%run_scoped3A_40, %dma_start3A_87] : memref<40x128xi32, #tpu.memory_space<vmem>> -> memref<1x128xi32, #tpu.memory_space<vmem>>
      %dma_start3A_89 = tpu.memref_squeeze %dma_start3A_88 : memref<1x128xi32, #tpu.memory_space<vmem>> -> memref<128xi32, #tpu.memory_space<vmem>>
      %dma_start3A_90 = arith.constant 0 : i32
      %dma_start3A_91 = arith.constant 0 : i32
      %dma_start3A_92 = tpu.memref_slice %arg11[%dma_start3A_90, %dma_start3A_91] : memref<10240x128xf32, #tpu.memory_space<vmem_shared>> -> memref<10240x128xf32, #tpu.memory_space<vmem_shared>>
      tpu.enqueue_indirect_dma source(%arg10 : memref<128x128xf32, #tpu.memory_space<vmem>>) target(%dma_start3A_92 : memref<10240x128xf32, #tpu.memory_space<vmem_shared>>) offsets(%dma_start3A_89 : memref<128xi32, #tpu.memory_space<vmem>>) semaphore(%run_scoped3A_86 : memref<!tpu.dma_semaphore, #tpu.memory_space<semaphore_mem>>) {add = true}
      %dma_wait3A_93 = arith.constant 0 : i32
      %dma_wait3A_94 = tpu.memref_slice %arg8[%run_scoped3A_40, %dma_wait3A_93] : memref<40x128xi32, #tpu.memory_space<vmem>> -> memref<1x128xi32, #tpu.memory_space<vmem>>
      %dma_wait3A_95 = tpu.memref_squeeze %dma_wait3A_94 : memref<1x128xi32, #tpu.memory_space<vmem>> -> memref<128xi32, #tpu.memory_space<vmem>>
      %dma_wait3A_96 = arith.constant 0 : i32
      %dma_wait3A_97 = arith.constant 0 : i32
      %dma_wait3A_98 = tpu.memref_slice %arg11[%dma_wait3A_96, %dma_wait3A_97] : memref<10240x128xf32, #tpu.memory_space<vmem_shared>> -> memref<10240x128xf32, #tpu.memory_space<vmem_shared>>
      tpu.wait_indirect_dma semaphore(%run_scoped3A_86 : memref<!tpu.dma_semaphore, #tpu.memory_space<semaphore_mem>>) src(%arg10 : memref<128x128xf32, #tpu.memory_space<vmem>>) dst(%dma_wait3A_98 : memref<10240x128xf32, #tpu.memory_space<vmem_shared>>)
      tpu.yield
    }) : () -> ()
    %add3A_41 = arith.constant 40 : i32
    %add3A_42 = arith.addi %mul3A_5, %add3A_41 : i32
    "tpu.region"() ({
      %run_scoped3A_86 = tpu.sem_alloc : memref<!tpu.dma_semaphore, #tpu.memory_space<semaphore_mem>>
      %dma_start3A_87 = arith.constant 0 : i32
      %dma_start3A_88 = tpu.memref_slice %arg3[%add3A_42, %dma_start3A_87] : memref<2560x128xi32, #tpu.memory_space<hbm>> -> memref<40x128xi32, #tpu.memory_space<hbm>>
      %dma_start3A_89 = arith.constant 0 : i32
      %dma_start3A_90 = tpu.memref_slice %arg3[%add3A_42, %dma_start3A_89] : memref<2560x128xi32, #tpu.memory_space<hbm>> -> memref<40x128xi32, #tpu.memory_space<hbm>>
      tpu.enqueue_dma source(%dma_start3A_90 : memref<40x128xi32, #tpu.memory_space<hbm>>) target(%arg7 : memref<40x128xi32, #tpu.memory_space<vmem>>) target_semaphore(%run_scoped3A_86 : memref<!tpu.dma_semaphore, #tpu.memory_space<semaphore_mem>>)
      %dma_wait3A_91 = arith.constant 0 : i32
      %dma_wait3A_92 = tpu.memref_slice %arg3[%add3A_42, %dma_wait3A_91] : memref<2560x128xi32, #tpu.memory_space<hbm>> -> memref<40x128xi32, #tpu.memory_space<hbm>>
      %dma_wait3A_93 = arith.constant 0 : i32
      %dma_wait3A_94 = tpu.memref_slice %arg3[%add3A_42, %dma_wait3A_93] : memref<2560x128xi32, #tpu.memory_space<hbm>> -> memref<40x128xi32, #tpu.memory_space<hbm>>
      tpu.wait_dma2 semaphore(%run_scoped3A_86 : memref<!tpu.dma_semaphore, #tpu.memory_space<semaphore_mem>>) src(%dma_wait3A_94 : memref<40x128xi32, #tpu.memory_space<hbm>>) dst(%arg7 : memref<40x128xi32, #tpu.memory_space<vmem>>)
      tpu.yield
    }) : () -> ()
    %add3A_43 = arith.constant 40 : i32
    %add3A_44 = arith.addi %mul3A_5, %add3A_43 : i32
    "tpu.region"() ({
      %run_scoped3A_86 = tpu.sem_alloc : memref<!tpu.dma_semaphore, #tpu.memory_space<semaphore_mem>>
      %dma_start3A_87 = arith.constant 0 : i32
      %dma_start3A_88 = tpu.memref_slice %arg4[%add3A_44, %dma_start3A_87] : memref<2560x128xi32, #tpu.memory_space<hbm>> -> memref<40x128xi32, #tpu.memory_space<hbm>>
      %dma_start3A_89 = arith.constant 0 : i32
      %dma_start3A_90 = tpu.memref_slice %arg4[%add3A_44, %dma_start3A_89] : memref<2560x128xi32, #tpu.memory_space<hbm>> -> memref<40x128xi32, #tpu.memory_space<hbm>>
      tpu.enqueue_dma source(%dma_start3A_90 : memref<40x128xi32, #tpu.memory_space<hbm>>) target(%arg8 : memref<40x128xi32, #tpu.memory_space<vmem>>) target_semaphore(%run_scoped3A_86 : memref<!tpu.dma_semaphore, #tpu.memory_space<semaphore_mem>>)
      %dma_wait3A_91 = arith.constant 0 : i32
      %dma_wait3A_92 = tpu.memref_slice %arg4[%add3A_44, %dma_wait3A_91] : memref<2560x128xi32, #tpu.memory_space<hbm>> -> memref<40x128xi32, #tpu.memory_space<hbm>>
      %dma_wait3A_93 = arith.constant 0 : i32
      %dma_wait3A_94 = tpu.memref_slice %arg4[%add3A_44, %dma_wait3A_93] : memref<2560x128xi32, #tpu.memory_space<hbm>> -> memref<40x128xi32, #tpu.memory_space<hbm>>
      tpu.wait_dma2 semaphore(%run_scoped3A_86 : memref<!tpu.dma_semaphore, #tpu.memory_space<semaphore_mem>>) src(%dma_wait3A_94 : memref<40x128xi32, #tpu.memory_space<hbm>>) dst(%arg8 : memref<40x128xi32, #tpu.memory_space<vmem>>)
      tpu.yield
    }) : () -> ()
    %dma_start3A_45 = arith.constant 0 : i32
    %dma_start3A_46 = arith.constant 0 : i32
    %dma_start3A_47 = tpu.memref_slice %arg7[%dma_start3A_45, %dma_start3A_46] : memref<40x128xi32, #tpu.memory_space<vmem>> -> memref<1x128xi32, #tpu.memory_space<vmem>>
    %dma_start3A_48 = tpu.memref_squeeze %dma_start3A_47 : memref<1x128xi32, #tpu.memory_space<vmem>> -> memref<128xi32, #tpu.memory_space<vmem>>
    %dma_start3A_49 = arith.constant 0 : i32
    %dma_start3A_50 = arith.constant 0 : i32
    %dma_start3A_51 = tpu.memref_slice %arg2[%dma_start3A_49, %dma_start3A_50] : memref<10240x128xf32, #tpu.memory_space<hbm>> -> memref<10240x128xf32, #tpu.memory_space<hbm>>
    tpu.enqueue_indirect_dma source(%dma_start3A_51 : memref<10240x128xf32, #tpu.memory_space<hbm>>) target(%arg9 : memref<128x128xf32, #tpu.memory_space<vmem>>) offsets(%dma_start3A_48 : memref<128xi32, #tpu.memory_space<vmem>>) semaphore(%arg12 : memref<!tpu.dma_semaphore, #tpu.memory_space<semaphore_mem>>)
    %dma_start3A_52 = arith.constant 1 : i32
    %dma_start3A_53 = arith.constant 0 : i32
    %dma_start3A_54 = tpu.memref_slice %arg7[%dma_start3A_52, %dma_start3A_53] : memref<40x128xi32, #tpu.memory_space<vmem>> -> memref<1x128xi32, #tpu.memory_space<vmem>>
    %dma_start3A_55 = tpu.memref_squeeze %dma_start3A_54 : memref<1x128xi32, #tpu.memory_space<vmem>> -> memref<128xi32, #tpu.memory_space<vmem>>
    %dma_start3A_56 = arith.constant 0 : i32
    %dma_start3A_57 = arith.constant 0 : i32
    %dma_start3A_58 = tpu.memref_slice %arg2[%dma_start3A_56, %dma_start3A_57] : memref<10240x128xf32, #tpu.memory_space<hbm>> -> memref<10240x128xf32, #tpu.memory_space<hbm>>
    tpu.enqueue_indirect_dma source(%dma_start3A_58 : memref<10240x128xf32, #tpu.memory_space<hbm>>) target(%arg10 : memref<128x128xf32, #tpu.memory_space<vmem>>) offsets(%dma_start3A_55 : memref<128xi32, #tpu.memory_space<vmem>>) semaphore(%arg13 : memref<!tpu.dma_semaphore, #tpu.memory_space<semaphore_mem>>)
    %scan3A_59 = arith.constant 0 : i32
    %scan3A_60 = arith.constant 0 : i32
    %scan3A_61 = arith.constant 19 : i32
    %scan3A_62 = arith.addi %scan3A_60, %scan3A_61 : i32
    %scan3A_63 = arith.constant 1 : i32
    scf.for %scan3A_86 = %scan3A_60 to %scan3A_62 step %scan3A_63  : i32 {
      %mul3A_87 = arith.constant 2 : i32
      %mul3A_88 = arith.muli %mul3A_87, %scan3A_86 : i32
      %add3A_89 = arith.constant 0 : i32
      %add3A_90 = arith.addi %mul3A_88, %add3A_89 : i32
      %dma_wait3A_91 = arith.constant 0 : i32
      %dma_wait3A_92 = tpu.memref_slice %arg7[%add3A_90, %dma_wait3A_91] : memref<40x128xi32, #tpu.memory_space<vmem>> -> memref<1x128xi32, #tpu.memory_space<vmem>>
      %dma_wait3A_93 = tpu.memref_squeeze %dma_wait3A_92 : memref<1x128xi32, #tpu.memory_space<vmem>> -> memref<128xi32, #tpu.memory_space<vmem>>
      %dma_wait3A_94 = arith.constant 0 : i32
      %dma_wait3A_95 = arith.constant 0 : i32
      %dma_wait3A_96 = tpu.memref_slice %arg2[%dma_wait3A_94, %dma_wait3A_95] : memref<10240x128xf32, #tpu.memory_space<hbm>> -> memref<10240x128xf32, #tpu.memory_space<hbm>>
      tpu.wait_indirect_dma semaphore(%arg12 : memref<!tpu.dma_semaphore, #tpu.memory_space<semaphore_mem>>) src(%dma_wait3A_96 : memref<10240x128xf32, #tpu.memory_space<hbm>>) dst(%arg9 : memref<128x128xf32, #tpu.memory_space<vmem>>)
      "tpu.region"() ({
        %run_scoped3A_123 = tpu.sem_alloc : memref<!tpu.dma_semaphore, #tpu.memory_space<semaphore_mem>>
        %dma_start3A_124 = arith.constant 0 : i32
        %dma_start3A_125 = tpu.memref_slice %arg8[%add3A_90, %dma_start3A_124] : memref<40x128xi32, #tpu.memory_space<vmem>> -> memref<1x128xi32, #tpu.memory_space<vmem>>
        %dma_start3A_126 = tpu.memref_squeeze %dma_start3A_125 : memref<1x128xi32, #tpu.memory_space<vmem>> -> memref<128xi32, #tpu.memory_space<vmem>>
        %dma_start3A_127 = arith.constant 0 : i32
        %dma_start3A_128 = arith.constant 0 : i32
        %dma_start3A_129 = tpu.memref_slice %arg11[%dma_start3A_127, %dma_start3A_128] : memref<10240x128xf32, #tpu.memory_space<vmem_shared>> -> memref<10240x128xf32, #tpu.memory_space<vmem_shared>>
        tpu.enqueue_indirect_dma source(%arg9 : memref<128x128xf32, #tpu.memory_space<vmem>>) target(%dma_start3A_129 : memref<10240x128xf32, #tpu.memory_space<vmem_shared>>) offsets(%dma_start3A_126 : memref<128xi32, #tpu.memory_space<vmem>>) semaphore(%run_scoped3A_123 : memref<!tpu.dma_semaphore, #tpu.memory_space<semaphore_mem>>) {add = true}
        %dma_wait3A_130 = arith.constant 0 : i32
        %dma_wait3A_131 = tpu.memref_slice %arg8[%add3A_90, %dma_wait3A_130] : memref<40x128xi32, #tpu.memory_space<vmem>> -> memref<1x128xi32, #tpu.memory_space<vmem>>
        %dma_wait3A_132 = tpu.memref_squeeze %dma_wait3A_131 : memref<1x128xi32, #tpu.memory_space<vmem>> -> memref<128xi32, #tpu.memory_space<vmem>>
        %dma_wait3A_133 = arith.constant 0 : i32
        %dma_wait3A_134 = arith.constant 0 : i32
        %dma_wait3A_135 = tpu.memref_slice %arg11[%dma_wait3A_133, %dma_wait3A_134] : memref<10240x128xf32, #tpu.memory_space<vmem_shared>> -> memref<10240x128xf32, #tpu.memory_space<vmem_shared>>
        tpu.wait_indirect_dma semaphore(%run_scoped3A_123 : memref<!tpu.dma_semaphore, #tpu.memory_space<semaphore_mem>>) src(%arg9 : memref<128x128xf32, #tpu.memory_space<vmem>>) dst(%dma_wait3A_135 : memref<10240x128xf32, #tpu.memory_space<vmem_shared>>)
        tpu.yield
      }) : () -> ()
      %add3A_97 = arith.constant 2 : i32
      %add3A_98 = arith.addi %add3A_90, %add3A_97 : i32
      %dma_start3A_99 = arith.constant 0 : i32
      %dma_start3A_100 = tpu.memref_slice %arg7[%add3A_98, %dma_start3A_99] : memref<40x128xi32, #tpu.memory_space<vmem>> -> memref<1x128xi32, #tpu.memory_space<vmem>>
      %dma_start3A_101 = tpu.memref_squeeze %dma_start3A_100 : memref<1x128xi32, #tpu.memory_space<vmem>> -> memref<128xi32, #tpu.memory_space<vmem>>
      %dma_start3A_102 = arith.constant 0 : i32
      %dma_start3A_103 = arith.constant 0 : i32
      %dma_start3A_104 = tpu.memref_slice %arg2[%dma_start3A_102, %dma_start3A_103] : memref<10240x128xf32, #tpu.memory_space<hbm>> -> memref<10240x128xf32, #tpu.memory_space<hbm>>
      tpu.enqueue_indirect_dma source(%dma_start3A_104 : memref<10240x128xf32, #tpu.memory_space<hbm>>) target(%arg9 : memref<128x128xf32, #tpu.memory_space<vmem>>) offsets(%dma_start3A_101 : memref<128xi32, #tpu.memory_space<vmem>>) semaphore(%arg12 : memref<!tpu.dma_semaphore, #tpu.memory_space<semaphore_mem>>)
      %mul3A_105 = arith.constant 2 : i32
      %mul3A_106 = arith.muli %mul3A_105, %scan3A_86 : i32
      %add3A_107 = arith.constant 1 : i32
      %add3A_108 = arith.addi %mul3A_106, %add3A_107 : i32
      %dma_wait3A_109 = arith.constant 0 : i32
      %dma_wait3A_110 = tpu.memref_slice %arg7[%add3A_108, %dma_wait3A_109] : memref<40x128xi32, #tpu.memory_space<vmem>> -> memref<1x128xi32, #tpu.memory_space<vmem>>
      %dma_wait3A_111 = tpu.memref_squeeze %dma_wait3A_110 : memref<1x128xi32, #tpu.memory_space<vmem>> -> memref<128xi32, #tpu.memory_space<vmem>>
      %dma_wait3A_112 = arith.constant 0 : i32
      %dma_wait3A_113 = arith.constant 0 : i32
      %dma_wait3A_114 = tpu.memref_slice %arg2[%dma_wait3A_112, %dma_wait3A_113] : memref<10240x128xf32, #tpu.memory_space<hbm>> -> memref<10240x128xf32, #tpu.memory_space<hbm>>
      tpu.wait_indirect_dma semaphore(%arg13 : memref<!tpu.dma_semaphore, #tpu.memory_space<semaphore_mem>>) src(%dma_wait3A_114 : memref<10240x128xf32, #tpu.memory_space<hbm>>) dst(%arg10 : memref<128x128xf32, #tpu.memory_space<vmem>>)
      "tpu.region"() ({
        %run_scoped3A_123 = tpu.sem_alloc : memref<!tpu.dma_semaphore, #tpu.memory_space<semaphore_mem>>
        %dma_start3A_124 = arith.constant 0 : i32
        %dma_start3A_125 = tpu.memref_slice %arg8[%add3A_108, %dma_start3A_124] : memref<40x128xi32, #tpu.memory_space<vmem>> -> memref<1x128xi32, #tpu.memory_space<vmem>>
        %dma_start3A_126 = tpu.memref_squeeze %dma_start3A_125 : memref<1x128xi32, #tpu.memory_space<vmem>> -> memref<128xi32, #tpu.memory_space<vmem>>
        %dma_start3A_127 = arith.constant 0 : i32
        %dma_start3A_128 = arith.constant 0 : i32
        %dma_start3A_129 = tpu.memref_slice %arg11[%dma_start3A_127, %dma_start3A_128] : memref<10240x128xf32, #tpu.memory_space<vmem_shared>> -> memref<10240x128xf32, #tpu.memory_space<vmem_shared>>
        tpu.enqueue_indirect_dma source(%arg10 : memref<128x128xf32, #tpu.memory_space<vmem>>) target(%dma_start3A_129 : memref<10240x128xf32, #tpu.memory_space<vmem_shared>>) offsets(%dma_start3A_126 : memref<128xi32, #tpu.memory_space<vmem>>) semaphore(%run_scoped3A_123 : memref<!tpu.dma_semaphore, #tpu.memory_space<semaphore_mem>>) {add = true}
        %dma_wait3A_130 = arith.constant 0 : i32
        %dma_wait3A_131 = tpu.memref_slice %arg8[%add3A_108, %dma_wait3A_130] : memref<40x128xi32, #tpu.memory_space<vmem>> -> memref<1x128xi32, #tpu.memory_space<vmem>>
        %dma_wait3A_132 = tpu.memref_squeeze %dma_wait3A_131 : memref<1x128xi32, #tpu.memory_space<vmem>> -> memref<128xi32, #tpu.memory_space<vmem>>
        %dma_wait3A_133 = arith.constant 0 : i32
        %dma_wait3A_134 = arith.constant 0 : i32
        %dma_wait3A_135 = tpu.memref_slice %arg11[%dma_wait3A_133, %dma_wait3A_134] : memref<10240x128xf32, #tpu.memory_space<vmem_shared>> -> memref<10240x128xf32, #tpu.memory_space<vmem_shared>>
        tpu.wait_indirect_dma semaphore(%run_scoped3A_123 : memref<!tpu.dma_semaphore, #tpu.memory_space<semaphore_mem>>) src(%arg10 : memref<128x128xf32, #tpu.memory_space<vmem>>) dst(%dma_wait3A_135 : memref<10240x128xf32, #tpu.memory_space<vmem_shared>>)
        tpu.yield
      }) : () -> ()
      %add3A_115 = arith.constant 2 : i32
      %add3A_116 = arith.addi %add3A_108, %add3A_115 : i32
      %dma_start3A_117 = arith.constant 0 : i32
      %dma_start3A_118 = tpu.memref_slice %arg7[%add3A_116, %dma_start3A_117] : memref<40x128xi32, #tpu.memory_space<vmem>> -> memref<1x128xi32, #tpu.memory_space<vmem>>
      %dma_start3A_119 = tpu.memref_squeeze %dma_start3A_118 : memref<1x128xi32, #tpu.memory_space<vmem>> -> memref<128xi32, #tpu.memory_space<vmem>>
      %dma_start3A_120 = arith.constant 0 : i32
      %dma_start3A_121 = arith.constant 0 : i32
      %dma_start3A_122 = tpu.memref_slice %arg2[%dma_start3A_120, %dma_start3A_121] : memref<10240x128xf32, #tpu.memory_space<hbm>> -> memref<10240x128xf32, #tpu.memory_space<hbm>>
      tpu.enqueue_indirect_dma source(%dma_start3A_122 : memref<10240x128xf32, #tpu.memory_space<hbm>>) target(%arg10 : memref<128x128xf32, #tpu.memory_space<vmem>>) offsets(%dma_start3A_119 : memref<128xi32, #tpu.memory_space<vmem>>) semaphore(%arg13 : memref<!tpu.dma_semaphore, #tpu.memory_space<semaphore_mem>>)
    }
    %scan3A_64 = arith.constant 19 : i32
    %dma_wait3A_65 = arith.constant 38 : i32
    %dma_wait3A_66 = arith.constant 0 : i32
    %dma_wait3A_67 = tpu.memref_slice %arg7[%dma_wait3A_65, %dma_wait3A_66] : memref<40x128xi32, #tpu.memory_space<vmem>> -> memref<1x128xi32, #tpu.memory_space<vmem>>
    %dma_wait3A_68 = tpu.memref_squeeze %dma_wait3A_67 : memref<1x128xi32, #tpu.memory_space<vmem>> -> memref<128xi32, #tpu.memory_space<vmem>>
    %dma_wait3A_69 = arith.constant 0 : i32
    %dma_wait3A_70 = arith.constant 0 : i32
    %dma_wait3A_71 = tpu.memref_slice %arg2[%dma_wait3A_69, %dma_wait3A_70] : memref<10240x128xf32, #tpu.memory_space<hbm>> -> memref<10240x128xf32, #tpu.memory_space<hbm>>
    tpu.wait_indirect_dma semaphore(%arg12 : memref<!tpu.dma_semaphore, #tpu.memory_space<semaphore_mem>>) src(%dma_wait3A_71 : memref<10240x128xf32, #tpu.memory_space<hbm>>) dst(%arg9 : memref<128x128xf32, #tpu.memory_space<vmem>>)
    %run_scoped3A_72 = arith.constant 38 : i32
    "tpu.region"() ({
      %run_scoped3A_86 = tpu.sem_alloc : memref<!tpu.dma_semaphore, #tpu.memory_space<semaphore_mem>>
      %dma_start3A_87 = arith.constant 0 : i32
      %dma_start3A_88 = tpu.memref_slice %arg8[%run_scoped3A_72, %dma_start3A_87] : memref<40x128xi32, #tpu.memory_space<vmem>> -> memref<1x128xi32, #tpu.memory_space<vmem>>
      %dma_start3A_89 = tpu.memref_squeeze %dma_start3A_88 : memref<1x128xi32, #tpu.memory_space<vmem>> -> memref<128xi32, #tpu.memory_space<vmem>>
      %dma_start3A_90 = arith.constant 0 : i32
      %dma_start3A_91 = arith.constant 0 : i32
      %dma_start3A_92 = tpu.memref_slice %arg11[%dma_start3A_90, %dma_start3A_91] : memref<10240x128xf32, #tpu.memory_space<vmem_shared>> -> memref<10240x128xf32, #tpu.memory_space<vmem_shared>>
      tpu.enqueue_indirect_dma source(%arg9 : memref<128x128xf32, #tpu.memory_space<vmem>>) target(%dma_start3A_92 : memref<10240x128xf32, #tpu.memory_space<vmem_shared>>) offsets(%dma_start3A_89 : memref<128xi32, #tpu.memory_space<vmem>>) semaphore(%run_scoped3A_86 : memref<!tpu.dma_semaphore, #tpu.memory_space<semaphore_mem>>) {add = true}
      %dma_wait3A_93 = arith.constant 0 : i32
      %dma_wait3A_94 = tpu.memref_slice %arg8[%run_scoped3A_72, %dma_wait3A_93] : memref<40x128xi32, #tpu.memory_space<vmem>> -> memref<1x128xi32, #tpu.memory_space<vmem>>
      %dma_wait3A_95 = tpu.memref_squeeze %dma_wait3A_94 : memref<1x128xi32, #tpu.memory_space<vmem>> -> memref<128xi32, #tpu.memory_space<vmem>>
      %dma_wait3A_96 = arith.constant 0 : i32
      %dma_wait3A_97 = arith.constant 0 : i32
      %dma_wait3A_98 = tpu.memref_slice %arg11[%dma_wait3A_96, %dma_wait3A_97] : memref<10240x128xf32, #tpu.memory_space<vmem_shared>> -> memref<10240x128xf32, #tpu.memory_space<vmem_shared>>
      tpu.wait_indirect_dma semaphore(%run_scoped3A_86 : memref<!tpu.dma_semaphore, #tpu.memory_space<semaphore_mem>>) src(%arg9 : memref<128x128xf32, #tpu.memory_space<vmem>>) dst(%dma_wait3A_98 : memref<10240x128xf32, #tpu.memory_space<vmem_shared>>)
      tpu.yield
    }) : () -> ()
    %dma_wait3A_73 = arith.constant 39 : i32
    %dma_wait3A_74 = arith.constant 0 : i32
    %dma_wait3A_75 = tpu.memref_slice %arg7[%dma_wait3A_73, %dma_wait3A_74] : memref<40x128xi32, #tpu.memory_space<vmem>> -> memref<1x128xi32, #tpu.memory_space<vmem>>
    %dma_wait3A_76 = tpu.memref_squeeze %dma_wait3A_75 : memref<1x128xi32, #tpu.memory_space<vmem>> -> memref<128xi32, #tpu.memory_space<vmem>>
    %dma_wait3A_77 = arith.constant 0 : i32
    %dma_wait3A_78 = arith.constant 0 : i32
    %dma_wait3A_79 = tpu.memref_slice %arg2[%dma_wait3A_77, %dma_wait3A_78] : memref<10240x128xf32, #tpu.memory_space<hbm>> -> memref<10240x128xf32, #tpu.memory_space<hbm>>
    tpu.wait_indirect_dma semaphore(%arg13 : memref<!tpu.dma_semaphore, #tpu.memory_space<semaphore_mem>>) src(%dma_wait3A_79 : memref<10240x128xf32, #tpu.memory_space<hbm>>) dst(%arg10 : memref<128x128xf32, #tpu.memory_space<vmem>>)
    %run_scoped3A_80 = arith.constant 39 : i32
    "tpu.region"() ({
      %run_scoped3A_86 = tpu.sem_alloc : memref<!tpu.dma_semaphore, #tpu.memory_space<semaphore_mem>>
      %dma_start3A_87 = arith.constant 0 : i32
      %dma_start3A_88 = tpu.memref_slice %arg8[%run_scoped3A_80, %dma_start3A_87] : memref<40x128xi32, #tpu.memory_space<vmem>> -> memref<1x128xi32, #tpu.memory_space<vmem>>
      %dma_start3A_89 = tpu.memref_squeeze %dma_start3A_88 : memref<1x128xi32, #tpu.memory_space<vmem>> -> memref<128xi32, #tpu.memory_space<vmem>>
      %dma_start3A_90 = arith.constant 0 : i32
      %dma_start3A_91 = arith.constant 0 : i32
      %dma_start3A_92 = tpu.memref_slice %arg11[%dma_start3A_90, %dma_start3A_91] : memref<10240x128xf32, #tpu.memory_space<vmem_shared>> -> memref<10240x128xf32, #tpu.memory_space<vmem_shared>>
      tpu.enqueue_indirect_dma source(%arg10 : memref<128x128xf32, #tpu.memory_space<vmem>>) target(%dma_start3A_92 : memref<10240x128xf32, #tpu.memory_space<vmem_shared>>) offsets(%dma_start3A_89 : memref<128xi32, #tpu.memory_space<vmem>>) semaphore(%run_scoped3A_86 : memref<!tpu.dma_semaphore, #tpu.memory_space<semaphore_mem>>) {add = true}
      %dma_wait3A_93 = arith.constant 0 : i32
      %dma_wait3A_94 = tpu.memref_slice %arg8[%run_scoped3A_80, %dma_wait3A_93] : memref<40x128xi32, #tpu.memory_space<vmem>> -> memref<1x128xi32, #tpu.memory_space<vmem>>
      %dma_wait3A_95 = tpu.memref_squeeze %dma_wait3A_94 : memref<1x128xi32, #tpu.memory_space<vmem>> -> memref<128xi32, #tpu.memory_space<vmem>>
      %dma_wait3A_96 = arith.constant 0 : i32
      %dma_wait3A_97 = arith.constant 0 : i32
      %dma_wait3A_98 = tpu.memref_slice %arg11[%dma_wait3A_96, %dma_wait3A_97] : memref<10240x128xf32, #tpu.memory_space<vmem_shared>> -> memref<10240x128xf32, #tpu.memory_space<vmem_shared>>
      tpu.wait_indirect_dma semaphore(%run_scoped3A_86 : memref<!tpu.dma_semaphore, #tpu.memory_space<semaphore_mem>>) src(%arg10 : memref<128x128xf32, #tpu.memory_space<vmem>>) dst(%dma_wait3A_98 : memref<10240x128xf32, #tpu.memory_space<vmem_shared>>)
      tpu.yield
    }) : () -> ()
    %barrier3A_81 = arith.constant 0 : index
    tpu.barrier barrier_id(%barrier3A_81)
    %mul3A_82 = arith.constant 640 : i32
    %mul3A_83 = arith.muli %arg1, %mul3A_82 : i32
    %mul3A_84 = arith.constant 640 : i32
    %mul3A_85 = arith.muli %arg1, %mul3A_84 : i32
    "tpu.region"() ({
      %run_scoped3A_86 = tpu.sem_alloc : memref<!tpu.dma_semaphore, #tpu.memory_space<semaphore_mem>>
      %dma_start3A_87 = arith.constant 0 : i32
      %dma_start3A_88 = tpu.memref_slice %arg6[%arg0, %mul3A_85, %dma_start3A_87] : memref<2x10240x128xf32, #tpu.memory_space<hbm>> -> memref<1x640x128xf32, #tpu.memory_space<hbm>>
      %dma_start3A_89 = tpu.memref_squeeze %dma_start3A_88 : memref<1x640x128xf32, #tpu.memory_space<hbm>> -> memref<640x128xf32, #tpu.memory_space<hbm>>
      %dma_start3A_90 = arith.constant 0 : i32
      %dma_start3A_91 = tpu.memref_slice %arg11[%mul3A_83, %dma_start3A_90] : memref<10240x128xf32, #tpu.memory_space<vmem_shared>> -> memref<640x128xf32, #tpu.memory_space<vmem_shared>>
      tpu.enqueue_dma source(%dma_start3A_91 : memref<640x128xf32, #tpu.memory_space<vmem_shared>>) target(%dma_start3A_89 : memref<640x128xf32, #tpu.memory_space<hbm>>) target_semaphore(%run_scoped3A_86 : memref<!tpu.dma_semaphore, #tpu.memory_space<semaphore_mem>>)
      %dma_wait3A_92 = arith.constant 0 : i32
      %dma_wait3A_93 = tpu.memref_slice %arg6[%arg0, %mul3A_85, %dma_wait3A_92] : memref<2x10240x128xf32, #tpu.memory_space<hbm>> -> memref<1x640x128xf32, #tpu.memory_space<hbm>>
      %dma_wait3A_94 = tpu.memref_squeeze %dma_wait3A_93 : memref<1x640x128xf32, #tpu.memory_space<hbm>> -> memref<640x128xf32, #tpu.memory_space<hbm>>
      %dma_wait3A_95 = arith.constant 0 : i32
      %dma_wait3A_96 = tpu.memref_slice %arg11[%mul3A_83, %dma_wait3A_95] : memref<10240x128xf32, #tpu.memory_space<vmem_shared>> -> memref<640x128xf32, #tpu.memory_space<vmem_shared>>
      tpu.wait_dma2 semaphore(%run_scoped3A_86 : memref<!tpu.dma_semaphore, #tpu.memory_space<semaphore_mem>>) src(%dma_wait3A_96 : memref<640x128xf32, #tpu.memory_space<vmem_shared>>) dst(%dma_wait3A_94 : memref<640x128xf32, #tpu.memory_space<hbm>>)
      tpu.yield
    }) : () -> ()
    return
  }
}

module attributes {stable_mosaic.version = 14 : i64} {
  func.func @_tc_pre_body(%arg0: memref<10000x128xf32, #tpu.memory_space<vmem>>, %arg1: memref<2x10240x128xf32, #tpu.memory_space<vmem>>, %arg2: memref<2x10240x128xf32, #tpu.memory_space<vmem>>, %arg3: memref<128x128xf32, #tpu.memory_space<vmem>>, %arg4: memref<10240x128xf32, #tpu.memory_space<vmem>>, %arg5: memref<10000x8xf32, #tpu.memory_space<vmem>>) attributes {dimension_semantics = [], scalar_prefetch = 0 : i64, scratch_operands = 0 : i64, tpu.core_type = #tpu.core_type<tc>} {
    %get3A = arith.constant 0 : index
    %get3A_0 = arith.constant 0 : index
    %get3A_1 = arith.constant 0 : index
    %get3A_2 = vector.load %arg1[%get3A, %get3A_0, %get3A_1] : memref<2x10240x128xf32, #tpu.memory_space<vmem>>, vector<1x10000x1xf32>
    %get3A_3 = vector.shape_cast %get3A_2 : vector<1x10000x1xf32> to vector<10000x1xf32>
    %get3A_4 = arith.constant 1 : index
    %get3A_5 = arith.constant 0 : index
    %get3A_6 = arith.constant 0 : index
    %get3A_7 = vector.load %arg1[%get3A_4, %get3A_5, %get3A_6] : memref<2x10240x128xf32, #tpu.memory_space<vmem>>, vector<1x10000x1xf32>
    %get3A_8 = vector.shape_cast %get3A_7 : vector<1x10000x1xf32> to vector<10000x1xf32>
    %add3A = arith.addf %get3A_3, %get3A_8 : vector<10000x1xf32>
    %get3A_9 = arith.constant 0 : index
    %get3A_10 = arith.constant 0 : index
    %get3A_11 = arith.constant 64 : index
    %get3A_12 = vector.load %arg2[%get3A_9, %get3A_10, %get3A_11] : memref<2x10240x128xf32, #tpu.memory_space<vmem>>, vector<1x10000x1xf32>
    %get3A_13 = vector.shape_cast %get3A_12 : vector<1x10000x1xf32> to vector<10000x1xf32>
    %get3A_14 = arith.constant 1 : index
    %get3A_15 = arith.constant 0 : index
    %get3A_16 = arith.constant 64 : index
    %get3A_17 = vector.load %arg2[%get3A_14, %get3A_15, %get3A_16] : memref<2x10240x128xf32, #tpu.memory_space<vmem>>, vector<1x10000x1xf32>
    %get3A_18 = vector.shape_cast %get3A_17 : vector<1x10000x1xf32> to vector<10000x1xf32>
    %add3A_19 = arith.addf %get3A_13, %get3A_18 : vector<10000x1xf32>
    %max3A = arith.constant 1.000000e+00 : f32
    %max3A_20 = vector.broadcast %max3A : f32 to vector<10000x1xf32>
    %max3A_21 = arith.maximumf %add3A_19, %max3A_20 : vector<10000x1xf32>
    %rsqrt3A = math.rsqrt %max3A_21 : vector<10000x1xf32>
    %max3A_22 = arith.constant 1.000000e+00 : f32
    %max3A_23 = vector.broadcast %max3A_22 : f32 to vector<10000x1xf32>
    %max3A_24 = arith.maximumf %add3A, %max3A_23 : vector<10000x1xf32>
    %rsqrt3A_25 = math.rsqrt %max3A_24 : vector<10000x1xf32>
    %broadcast_in_dim3A = arith.constant 0.000000e+00 : f32
    %broadcast_in_dim3A_26 = vector.broadcast %broadcast_in_dim3A : f32 to vector<10000x6xf32>
    %concatenate3A = tpu.concatenate %rsqrt3A, %rsqrt3A_25, %broadcast_in_dim3A_26 in 1 : vector<10000x1xf32>, vector<10000x1xf32>, vector<10000x6xf32> -> vector<10000x8xf32>
    %swap3A = arith.constant 0 : index
    %swap3A_27 = arith.constant 0 : index
    %swap3A_28 = vector.load %arg5[%swap3A, %swap3A_27] : memref<10000x8xf32, #tpu.memory_space<vmem>>, vector<10000x8xf32>
    tpu.vector_store %arg5[%swap3A, %swap3A_27], %concatenate3A {strides = array<i32>} : memref<10000x8xf32, #tpu.memory_space<vmem>>, vector<10000x8xf32>,
    %get3A_29 = arith.constant 0 : index
    %get3A_30 = arith.constant 0 : index
    %get3A_31 = vector.load %arg0[%get3A_29, %get3A_30] : memref<10000x128xf32, #tpu.memory_space<vmem>>, vector<10000x128xf32>
    %mul3A = vector.broadcast %rsqrt3A : vector<10000x1xf32> to vector<10000x128xf32>
    %mul3A_32 = arith.mulf %get3A_31, %mul3A : vector<10000x128xf32>
    %get3A_33 = arith.constant 0 : index
    %get3A_34 = arith.constant 0 : index
    %get3A_35 = vector.load %arg3[%get3A_33, %get3A_34] : memref<128x128xf32, #tpu.memory_space<vmem>>, vector<128x128xf32>
    %dot_general3A = arith.constant dense<0.000000e+00> : vector<10000x128xf32>
    %dot_general3A_36 = tpu.matmul %mul3A_32, %get3A_35, %dot_general3A {dimension_numbers = #tpu.dot_dimension_numbers<[1], [0], [0], [1], [0, 0, 1, 1], [], []>, transpose_lhs_hint = false} : vector<10000x128xf32>, vector<128x128xf32>, vector<10000x128xf32> -> vector<10000x128xf32>
    %swap3A_37 = arith.constant 0 : index
    %swap3A_38 = arith.constant 0 : index
    %swap3A_39 = vector.load %arg4[%swap3A_37, %swap3A_38] : memref<10240x128xf32, #tpu.memory_space<vmem>>, vector<10000x128xf32>
    tpu.vector_store %arg4[%swap3A_37, %swap3A_38], %dot_general3A_36 {strides = array<i32>} : memref<10240x128xf32, #tpu.memory_space<vmem>>, vector<10000x128xf32>,
    %broadcast_in_dim3A_40 = arith.constant 0.000000e+00 : f32
    %broadcast_in_dim3A_41 = vector.broadcast %broadcast_in_dim3A_40 : f32 to vector<240x128xf32>
    %swap3A_42 = arith.constant 10000 : index
    %swap3A_43 = arith.constant 0 : index
    %swap3A_44 = vector.load %arg4[%swap3A_42, %swap3A_43] : memref<10240x128xf32, #tpu.memory_space<vmem>>, vector<240x128xf32>
    tpu.vector_store %arg4[%swap3A_42, %swap3A_43], %broadcast_in_dim3A_41 {strides = array<i32>} : memref<10240x128xf32, #tpu.memory_space<vmem>>, vector<240x128xf32>,
    return
  }
}

module attributes {stable_mosaic.version = 14 : i64} {
  func.func @_tc_mid_body(%arg0: memref<2x10240x128xf32, #tpu.memory_space<vmem>>, %arg1: memref<10000x8xf32, #tpu.memory_space<vmem>>, %arg2: memref<1x128xf32, #tpu.memory_space<vmem>>, %arg3: memref<128x128xf32, #tpu.memory_space<vmem>>, %arg4: memref<10240x128xf32, #tpu.memory_space<vmem>>) attributes {dimension_semantics = [], scalar_prefetch = 0 : i64, scratch_operands = 0 : i64, tpu.core_type = #tpu.core_type<tc>} {
    %get3A = arith.constant 0 : index
    %get3A_0 = arith.constant 0 : index
    %get3A_1 = vector.load %arg1[%get3A, %get3A_0] : memref<10000x8xf32, #tpu.memory_space<vmem>>, vector<10000x1xf32>
    %get3A_2 = arith.constant 0 : index
    %get3A_3 = arith.constant 1 : index
    %get3A_4 = vector.load %arg1[%get3A_2, %get3A_3] : memref<10000x8xf32, #tpu.memory_space<vmem>>, vector<10000x1xf32>
    %get3A_5 = arith.constant 0 : index
    %get3A_6 = arith.constant 0 : index
    %get3A_7 = arith.constant 0 : index
    %get3A_8 = vector.load %arg0[%get3A_5, %get3A_6, %get3A_7] : memref<2x10240x128xf32, #tpu.memory_space<vmem>>, vector<1x10000x128xf32>
    %get3A_9 = vector.shape_cast %get3A_8 : vector<1x10000x128xf32> to vector<10000x128xf32>
    %get3A_10 = arith.constant 1 : index
    %get3A_11 = arith.constant 0 : index
    %get3A_12 = arith.constant 0 : index
    %get3A_13 = vector.load %arg0[%get3A_10, %get3A_11, %get3A_12] : memref<2x10240x128xf32, #tpu.memory_space<vmem>>, vector<1x10000x128xf32>
    %get3A_14 = vector.shape_cast %get3A_13 : vector<1x10000x128xf32> to vector<10000x128xf32>
    %add3A = arith.addf %get3A_9, %get3A_14 : vector<10000x128xf32>
    %mul3A = vector.broadcast %get3A_4 : vector<10000x1xf32> to vector<10000x128xf32>
    %mul3A_15 = arith.mulf %add3A, %mul3A : vector<10000x128xf32>
    %get3A_16 = arith.constant 0 : index
    %get3A_17 = arith.constant 0 : index
    %get3A_18 = vector.load %arg2[%get3A_16, %get3A_17] : memref<1x128xf32, #tpu.memory_space<vmem>>, vector<1x128xf32>
    %add3A_19 = vector.broadcast %get3A_18 : vector<1x128xf32> to vector<10000x128xf32>
    %add3A_20 = arith.addf %mul3A_15, %add3A_19 : vector<10000x128xf32>
    %max3A = arith.constant 0.000000e+00 : f32
    %max3A_21 = vector.broadcast %max3A : f32 to vector<10000x128xf32>
    %max3A_22 = arith.maximumf %add3A_20, %max3A_21 : vector<10000x128xf32>
    %mul3A_23 = vector.broadcast %get3A_1 : vector<10000x1xf32> to vector<10000x128xf32>
    %mul3A_24 = arith.mulf %max3A_22, %mul3A_23 : vector<10000x128xf32>
    %get3A_25 = arith.constant 0 : index
    %get3A_26 = arith.constant 0 : index
    %get3A_27 = vector.load %arg3[%get3A_25, %get3A_26] : memref<128x128xf32, #tpu.memory_space<vmem>>, vector<128x128xf32>
    %dot_general3A = arith.constant dense<0.000000e+00> : vector<10000x128xf32>
    %dot_general3A_28 = tpu.matmul %mul3A_24, %get3A_27, %dot_general3A {dimension_numbers = #tpu.dot_dimension_numbers<[1], [0], [0], [1], [0, 0, 1, 1], [], []>, transpose_lhs_hint = false} : vector<10000x128xf32>, vector<128x128xf32>, vector<10000x128xf32> -> vector<10000x128xf32>
    %swap3A = arith.constant 0 : index
    %swap3A_29 = arith.constant 0 : index
    %swap3A_30 = vector.load %arg4[%swap3A, %swap3A_29] : memref<10240x128xf32, #tpu.memory_space<vmem>>, vector<10000x128xf32>
    tpu.vector_store %arg4[%swap3A, %swap3A_29], %dot_general3A_28 {strides = array<i32>} : memref<10240x128xf32, #tpu.memory_space<vmem>>, vector<10000x128xf32>,
    %broadcast_in_dim3A = arith.constant 0.000000e+00 : f32
    %broadcast_in_dim3A_31 = vector.broadcast %broadcast_in_dim3A : f32 to vector<240x128xf32>
    %swap3A_32 = arith.constant 10000 : index
    %swap3A_33 = arith.constant 0 : index
    %swap3A_34 = vector.load %arg4[%swap3A_32, %swap3A_33] : memref<10240x128xf32, #tpu.memory_space<vmem>>, vector<240x128xf32>
    tpu.vector_store %arg4[%swap3A_32, %swap3A_33], %broadcast_in_dim3A_31 {strides = array<i32>} : memref<10240x128xf32, #tpu.memory_space<vmem>>, vector<240x128xf32>,
    return
  }
}

module attributes {stable_mosaic.version = 14 : i64} {
  func.func @_tc_fin_body(%arg0: memref<2x10240x128xf32, #tpu.memory_space<vmem>>, %arg1: memref<10000x8xf32, #tpu.memory_space<vmem>>, %arg2: memref<1x128xf32, #tpu.memory_space<vmem>>, %arg3: memref<128x64xf32, #tpu.memory_space<vmem>>, %arg4: memref<1x64xf32, #tpu.memory_space<vmem>>, %arg5: memref<1x64xf32, #tpu.memory_space<vmem>>) attributes {dimension_semantics = [], scalar_prefetch = 0 : i64, scratch_operands = 0 : i64, tpu.core_type = #tpu.core_type<tc>} {
    %get3A = arith.constant 0 : index
    %get3A_0 = arith.constant 1 : index
    %get3A_1 = vector.load %arg1[%get3A, %get3A_0] : memref<10000x8xf32, #tpu.memory_space<vmem>>, vector<10000x1xf32>
    %get3A_2 = arith.constant 0 : index
    %get3A_3 = arith.constant 0 : index
    %get3A_4 = arith.constant 0 : index
    %get3A_5 = vector.load %arg0[%get3A_2, %get3A_3, %get3A_4] : memref<2x10240x128xf32, #tpu.memory_space<vmem>>, vector<1x10000x128xf32>
    %get3A_6 = vector.shape_cast %get3A_5 : vector<1x10000x128xf32> to vector<10000x128xf32>
    %get3A_7 = arith.constant 1 : index
    %get3A_8 = arith.constant 0 : index
    %get3A_9 = arith.constant 0 : index
    %get3A_10 = vector.load %arg0[%get3A_7, %get3A_8, %get3A_9] : memref<2x10240x128xf32, #tpu.memory_space<vmem>>, vector<1x10000x128xf32>
    %get3A_11 = vector.shape_cast %get3A_10 : vector<1x10000x128xf32> to vector<10000x128xf32>
    %add3A = arith.addf %get3A_6, %get3A_11 : vector<10000x128xf32>
    %mul3A = vector.broadcast %get3A_1 : vector<10000x1xf32> to vector<10000x128xf32>
    %mul3A_12 = arith.mulf %add3A, %mul3A : vector<10000x128xf32>
    %get3A_13 = arith.constant 0 : index
    %get3A_14 = arith.constant 0 : index
    %get3A_15 = vector.load %arg2[%get3A_13, %get3A_14] : memref<1x128xf32, #tpu.memory_space<vmem>>, vector<1x128xf32>
    %add3A_16 = vector.broadcast %get3A_15 : vector<1x128xf32> to vector<10000x128xf32>
    %add3A_17 = arith.addf %mul3A_12, %add3A_16 : vector<10000x128xf32>
    %max3A = arith.constant 0.000000e+00 : f32
    %max3A_18 = vector.broadcast %max3A : f32 to vector<10000x128xf32>
    %max3A_19 = arith.maximumf %add3A_17, %max3A_18 : vector<10000x128xf32>
    %reduce_sum3A = arith.constant dense<0.000000e+00> : vector<128xf32>
    %reduce_sum3A_20 = vector.multi_reduction <add>, %max3A_19, %reduce_sum3A [0] : vector<10000x128xf32> to vector<128xf32>
    %broadcast_in_dim3A = vector.shape_cast %reduce_sum3A_20 : vector<128xf32> to vector<1x128xf32>
    %get3A_21 = arith.constant 0 : index
    %get3A_22 = arith.constant 0 : index
    %get3A_23 = vector.load %arg3[%get3A_21, %get3A_22] : memref<128x64xf32, #tpu.memory_space<vmem>>, vector<128x64xf32>
    %dot_general3A = arith.constant dense<0.000000e+00> : vector<1x64xf32>
    %dot_general3A_24 = tpu.matmul %broadcast_in_dim3A, %get3A_23, %dot_general3A {dimension_numbers = #tpu.dot_dimension_numbers<[1], [0], [0], [1], [0, 0, 1, 1], [], []>, transpose_lhs_hint = false} : vector<1x128xf32>, vector<128x64xf32>, vector<1x64xf32> -> vector<1x64xf32>
    %mul3A_25 = arith.constant 9.99999974E-5 : f32
    %mul3A_26 = vector.broadcast %mul3A_25 : f32 to vector<1x64xf32>
    %mul3A_27 = arith.mulf %dot_general3A_24, %mul3A_26 : vector<1x64xf32>
    %get3A_28 = arith.constant 0 : index
    %get3A_29 = arith.constant 0 : index
    %get3A_30 = vector.load %arg4[%get3A_28, %get3A_29] : memref<1x64xf32, #tpu.memory_space<vmem>>, vector<1x64xf32>
    %add3A_31 = arith.addf %mul3A_27, %get3A_30 : vector<1x64xf32>
    %swap3A = arith.constant 0 : index
    %swap3A_32 = arith.constant 0 : index
    %swap3A_33 = vector.load %arg5[%swap3A, %swap3A_32] : memref<1x64xf32, #tpu.memory_space<vmem>>, vector<1x64xf32>
    tpu.vector_store %arg5[%swap3A, %swap3A_32], %add3A_31 {strides = array<i32>} : memref<1x64xf32, #tpu.memory_space<vmem>>, vector<1x64xf32>,
    return
  }
}

</mosaic_0001>

<sc_bundles>
// kernel: kernel.11.cloned.1.call-start
scs
__scs_entry_jumppad:
0x0: {  	(pc) =	sbr.rel $0x88, $3  }
0x1: {  	(tag) =	ssettag $0x0;
	lr =	simm.s32 $0x1  }
0x2: {  	[smem:$0x3F97] =	sst lr;
	_ =	strace $0xD0000000  }
0x3: {  	_ = 	snop  }
0x4: {  	_ = 	snop  }
0x5: {  	_ = 	snop  }
0x6: {  	_ = 	snop  }
0x7: {  	_ = 	snop  }
__scs_overlays_trampoline_lowered:
0x8: {  	[smem:$0x3FA6] =	sst s0  }
0x9: {  	[smem:$0x3FA7] =	sst s1  }
0xa: {  	[smem:$0x3FA8] =	sst s2  }
0xb: {  	[smem:$0x3FA9] =	sst s3  }
0xc: {  	[smem:$0x3FAA] =	sst s4  }
0xd: {  	[smem:$0x3FAB] =	sst s5  }
0xe: {  	[smem:$0x3FAC] =	sst s6  }
0xf: {  	[smem:$0x3FAD] =	sst s7  }
0x10: {  	[smem:$0x3FAE] =	sst s8  }
0x11: {  	[smem:$0x3FAF] =	sst s9;
	s0 =	simm.s32 @!p0 $0x0  }
0x12: {  	s1 =	sld [smem:$0x3F95];
	s0 =	simm.s32 @p0 $0x1  }
0x13: {  	[smem:$0x3FB0] =	sst s0;
	s0 =	simm.s32 @!p1 $0x0  }
0x14: {  	s2 =	sld [smem:$0x3F94];
	s0 =	simm.s32 @p1 $0x1  }
0x15: {  	[smem:$0x3FB1] =	sst s0;
	s0 =	simm.s32 @!p2 $0x0  }
0x16: {  	s3 =	sld [smem:$0x3FDB];
	s0 =	simm.s32 @p2 $0x1  }
0x17: {  	s4 =	simm.s32 $0x1BF5;
	[smem:$0x3FB3] =	sst s0  }
0x18: {  	s0 =	sld [smem:$0x3F96];
	_ =	swait.ge [sflag:s4], $0x0  }
0x19: {  	s7 =	sld [smem:$0x3F97]  }
0x1a: {  	s8 =	sadd.s32 $0xFFFFE003, lr  }
0x1b: {  	s9 =	sadd.s32 $0xFFFFFEF7, lr;
	s5 =	simm.s32 $0xFFFFFFFF;
	p2 =	slt.u32 s8, $0xFFFFF086  }
0x1c: {  	p1 =	slt.u32 s9, $0xF7A;
	s5 =	simm.s32 @!p2 $0x0  }
0x1d: {  	s5 =	simm.s32 @p1 $0x1;
	p0 =	seq.s32 s7, s2  }
0x1e: {  	s7 =	smul.u32 @!p0 $0xF7A, s2;
	p2 =	seq.s32 @!p0 s5, $0x0  }
0x1f: {  	s9 =	smul.u32 $0xF7A, s1;
	s8 =	simm.s32 @!p0 $0x1BF5;
	p2 =	por !p2, p0  }
0x20: {  	[sflag:s8] =	ssyncset.s32 @!p0 $0xFFFFF086;
	s6 =	sadd.s32 @!p0 s3, s7;
	s7 =	simm.s32 @!p0 $0x108  }
0x21: {  	s3 =	sadd.s32 s3, s9;
	s6 =	sadd.s32 @!p0 $0x88, s6;
	s7 =	simm.s32 @p2 $0x1082  }
0x22: {  	[simem:s7], [sflag:s8] =	dma.local @!p0 [hbm:s6], $0xF7A  }
0x23: {  	s9 =	sor.u32 $0xD0000000, s2;
	s6 =	simm.s32 $0x108;
	_ =	swait.ge @!p0 [sflag:s8], $0x0  }
0x24: {  	s3 =	sadd.s32 $0x88, s3;
	s6 =	simm.s32 @!p1 $0x1082;
	[sflag:s4] =	ssyncset.s32 $0xFFFFF086  }
0x25: {  	[simem:s6], [sflag:s4] =	dma.local [hbm:s3], $0xF7A  }
0x26: {  	[smem:$0x3F97] =	sst s1;
	(tag) =	ssettag s2;
	_ =	strace s9  }
0x27: {  	s1 =	sld [smem:$0x3FA7]  }
0x28: {  	s2 =	sld [smem:$0x3FA8]  }
0x29: {  	s4 =	sld [smem:$0x3FAA]  }
0x2a: {  	p0 =	seq.s32 s5, $0x0;
	s5 =	sld [smem:$0x3FAB]  }
0x2b: {  	s6 =	sld [smem:$0x3FAC]  }
0x2c: {  	s7 =	sld [smem:$0x3FAD]  }
0x2d: {  	s3 =	simm.s32 $0x108;
	s8 =	sld [smem:$0x3FAE]  }
0x2e: {  	s3 =	simm.s32 @!p0 $0x1082;
	s9 =	sld [smem:$0x3FAF]  }
0x2f: {  	lr =	sadd.s32 s0, s3;
	s0 =	sld [smem:$0x3FA6]  }
0x30: {  	s3 =	sld [smem:$0x3FA9]  }
0x31: {  	[smem:$0x3FB2] =	sst s10  }
0x32: {  	s10 =	sld [smem:$0x3FB0];
	_ =	sdelay $0x3  }
0x33: {  	p0 =	seq.s32 s10, $0x1;
	s10 =	sld [smem:$0x3FB2];
	_ =	sdelay $0x3  }
0x34: {  	[smem:$0x3FB2] =	sst s10  }
0x35: {  	s10 =	sld [smem:$0x3FB1];
	_ =	sdelay $0x3  }
0x36: {  	p1 =	seq.s32 s10, $0x1;
	s10 =	sld [smem:$0x3FB2];
	_ =	sdelay $0x3  }
0x37: {  	[smem:$0x3FB2] =	sst s10  }
0x38: {  	s10 =	sld [smem:$0x3FB3]  }
0x39: {  	_ = 	snop;
	(pc) =	sbr.ind lr, $3  }
0x3a: {  	_ = 	snop  }
0x3b: {  	_ = 	snop  }
0x3c: {  	p2 =	seq.s32 s10, $0x1;
	s10 =	sld [smem:$0x3FB2]  }
0x3d: {  	_ =	shalt  }
0x3e: {  	_ =	shalt  }
0x3f: {  	_ =	shalt  }
0x40: {  	_ =	shalt  }
0x41: {  	_ =	shalt  }
0x42: {  	_ =	shalt  }
0x43: {  	_ =	shalt  }
0x44: {  	_ =	shalt  }
0x45: {  	_ =	shalt  }
0x46: {  	_ =	shalt  }
0x47: {  	_ =	shalt  }
0x48: {  	_ =	shalt  }
0x49: {  	_ =	shalt  }
0x4a: {  	_ =	shalt  }
0x4b: {  	_ =	shalt  }
0x4c: {  	_ =	shalt  }
0x4d: {  	_ =	shalt  }
0x4e: {  	_ =	shalt  }
0x4f: {  	_ =	shalt  }
0x50: {  	_ =	shalt  }
0x51: {  	_ =	shalt  }
0x52: {  	_ =	shalt  }
0x53: {  	_ =	shalt  }
0x54: {  	_ =	shalt  }
0x55: {  	_ =	shalt  }
0x56: {  	_ =	shalt  }
0x57: {  	_ =	shalt  }
0x58: {  	_ =	shalt  }
0x59: {  	_ =	shalt  }
0x5a: {  	_ =	shalt  }
0x5b: {  	_ =	shalt  }
0x5c: {  	_ =	shalt  }
0x5d: {  	_ =	shalt  }
0x5e: {  	_ =	shalt  }
0x5f: {  	_ =	shalt  }
0x60: {  	_ =	shalt  }
0x61: {  	_ =	shalt  }
0x62: {  	_ =	shalt  }
0x63: {  	_ =	shalt  }
0x64: {  	_ =	shalt  }
0x65: {  	_ =	shalt  }
0x66: {  	_ =	shalt  }
0x67: {  	_ =	shalt  }
0x68: {  	_ =	shalt  }
0x69: {  	_ =	shalt  }
0x6a: {  	_ =	shalt  }
0x6b: {  	_ =	shalt  }
0x6c: {  	_ =	shalt  }
0x6d: {  	_ =	shalt  }
0x6e: {  	_ =	shalt  }
0x6f: {  	_ =	shalt  }
0x70: {  	_ =	shalt  }
0x71: {  	_ =	shalt  }
0x72: {  	_ =	shalt  }
0x73: {  	_ =	shalt  }
0x74: {  	_ =	shalt  }
0x75: {  	_ =	shalt  }
0x76: {  	_ =	shalt  }
0x77: {  	_ =	shalt  }
0x78: {  	_ =	shalt  }
0x79: {  	_ =	shalt  }
0x7a: {  	_ =	shalt  }
0x7b: {  	_ =	shalt  }
0x7c: {  	_ =	shalt  }
0x7d: {  	_ =	shalt  }
0x7e: {  	_ =	shalt  }
0x7f: {  	_ =	shalt  }
0x80: {  	_ =	shalt  }
0x81: {  	_ =	shalt  }
0x82: {  	_ =	shalt  }
0x83: {  	_ =	shalt  }
0x84: {  	_ =	shalt  }
0x85: {  	_ =	shalt  }
0x86: {  	_ =	shalt  }
0x87: {  	_ =	shalt  }
.Lfunc_end0:
.L_simem_size_0:
called_computation_lowered:
.L_overlay_start_0:
0x88: {  	s2 =	sld [smem:$0x3FD9]  }
0x89: {  	s3 =	sld [smem:$0x3FFE];
	_ =	sdelay $0x1  }
0x8a: {  	s1 =	srdreg.scid  }
0x8b: {  	s0 =	sand.u32 $0x1, s1  }
0x8c: {  	s17 =	sshll.u32 s0, $0xA;
	s2 =	sadd.s32 s3, s2  }
0x8d: {  	s2 =	sadd.s32 s2, s17  }
0x8e: {  	[smem:$0x3FBE] =	sst s2  }
0x8f: {  	_ = 	snop  }
0x90: {  	(tm) =	ssettm $0x1  }
0x91: {  	s18 =	sld [smem:$0x3FFB];
	_ =	sdelay $0x3  }
0x92: {  	_ =	strace s18  }
0x93: {  	s2 =	sld [smem:$0x3FFC];
	_ =	sdelay $0x3  }
0x94: {  	_ =	strace s2  }
0x95: {  	s2 =	sld [smem:$0x3FFD];
	_ =	sdelay $0x3  }
0x96: {  	_ =	strace s2  }
0x97: {  	_ =	strace $0x8FFFFFFF  }
0x98: {  	s19 =	sld [smem:$0x3FDB];
	_ =	sdelay $0x1  }
0x99: {  	s20 =	simm.s32 $_scs_section_size  }
0x9a: {  	s4 =	simm.s32 $_size__tile_overlayer_lowered;
	s5 =	simm.s32 $_tile_overlayer_lowered  }
0x9b: {  	s6 =	simm.s32 $0x1BFF;
	s21 =	sshll.u32 s5, $0x1;
	s3 =	sadd.s32 s20, s19  }
0x9c: {  	s22 =	simm.s32 $0x0;
	s4 =	sshll.u32 s4, $0x1;
	s5 =	sadd.s32 s21, s3  }
0x9d: {  	[timem:s22], [sflag:s6] =	dma.local [hbm:s5], s4  }
0x9e: {  	_ =	swait.ge [sflag:s6], s4  }
0x9f: {  	s4 =	ssub.s32 $0x0, s4;
	[sflag:s6] =	ssyncset.done $0x0  }
0xa0: {  	[sflag:s6] =	ssyncadd.s32 s4;
	_ =	sdelay $0x1  }
0xa1: {  	s23 =	simm.s32 $0x1B8B  }
0xa2: {  	_ =	swait.ge [sflag:s23], $0x1  }
0xa3: {  	[sflag:s23] =	ssyncset.done $0x0  }
0xa4: {  	[sflag:s23] =	ssyncadd.s32 $0xFFFFFFFF  }
0xa5: {  	s4 =	sld [smem:$0x0]  }
0xa6: {  	s5 =	sand.u32 $0xFFFFFFFE, s1  }
0xa7: {  	p0 =	sne.s32 s1, s5  }
0xa8: {  	s5 =	sshll.u32 @p0 s5, $0xE  }
0xa9: {  	s5 =	sadd.s32 @p0 $0x11B8D, s5;
	s6 =	sshll.u32 @p0 s4, $0x11  }
0xaa: {  	s5 =	sor.u32 @p0 s6, s5  }
0xab: {  	[sflag:s5] =	ssyncadd.remote.s32 @p0 $0x1;
	_ =	sdelay $0x1  }
0xac: {  	s5 =	simm.s32 @p0 $0x1B8D  }
0xad: {  	_ =	swait.eq @p0 [sflag:s5], $0x1  }
0xae: {  	[sflag:s5] =	ssyncadd.s32 @p0 $0xFFFFFFFF  }
0xaf: {  	s6 =	sshll.u32 @!p0 s1, $0xE  }
0xb0: {  	s6 =	sor.u32 @!p0 $0x4000, s6;
	s5 =	simm.s32 @!p0 $0x1B8D  }
0xb1: {  	s4 =	sshll.u32 @!p0 s4, $0x11;
	s6 =	sadd.s32 @!p0 $0x11B8D, s6;
	_ =	swait.eq @!p0 [sflag:s5], $0x1  }
0xb2: {  	s4 =	sor.u32 @!p0 s4, s6;
	[sflag:s5] =	ssyncadd.s32 @!p0 $0xFFFFFFFF  }
0xb3: {  	s25 =	simm.s32 $0x1B8E;
	s24 =	sld [smem:$0x3FFE];
	[sflag:s4] =	ssyncadd.remote.s32 @!p0 $0x1  }
0xb4: {  	s26 =	simm.s32 $execute0_lowered;
	[smem:$0x3FD2] =	sst s25  }
0xb5: {  	s5 =	sshll.u32 s26, $0x1;
	_ =	strace $0x80000049;
	[dreg:$0x1] =	wrdreg $0xFFFFFFFF  }
0xb6: {  	s28 =	simm.s32 $_size_execute0_lowered;
	s3 =	sadd.s32 s3, s5;
	[dreg:$0x0] =	wrdreg $0x0  }
0xb7: {  	s5 =	sshll.u32 s28, $0x1;
	[dreg:$0x2] =	wrdreg s3  }
0xb8: {  	[dreg:$0x3] =	wrdreg s5  }
0xb9: {  	[dreg:$0x4] =	wrdreg $0xC0  }
0xba: {  	_ =	task [dreg:s22], $0x5FFFF  }
0xbb: {  	[dreg:$0x1] =	wrdreg $0xFFFFFFFF  }
0xbc: {  	[dreg:$0x0] =	wrdreg $0x60  }
0xbd: {  	[dreg:$0x2] =	wrdreg s24  }
0xbe: {  	[dreg:$0x3] =	wrdreg $0xA8000  }
0xbf: {  	[dreg:$0x4] =	wrdreg $0x9  }
0xc0: {  	_ =	task.clear_ibuf [dreg:s22], $0x5FFFF;
	_ =	strace $0x90000049  }
0xc1: {  	s29 =	simm.s32 $0x9;
	_ =	strace $0x8000004B  }
0xc2: {  	_ =	swait.ge [sflag:s29], $0x1  }
0xc3: {  	[sflag:s29] =	ssyncadd.s32 $0xFFFFFFFF  }
0xc4: {  	_ =	strace $0x9000004B  }
0xc5: {  	_ =	sfence  }
0xc6: {  	s30 =	sld [smem:$0x0];
	_ =	sdelay $0x2  }
0xc7: {  	s31 =	sshll.u32 s1, $0xD;
	s1 =	sshrl.u32 s1, $0x2  }
0xc8: {  	s4 =	sand.u32 $0x4000, s31;
	s1 =	sadd.s32 s1, s30  }
0xc9: {  	s0 =	sor.u32 s4, s0;
	s1 =	sshll.u32 s1, $0x11  }
0xca: {  	s0 =	sor.u32 s1, s0  }
0xcb: {  	s0 =	sadd.s32 $0x8F2B, s0  }
0xcc: {  	[sflag:s0] =	ssyncadd.remote.s32 $0x1  }
0xcd: {  	_ =	sfence.sel $0xFFFF  }
0xce: {  	[dreg:$0x0] =	wrdreg $0xFFFFFFFF;
	(pc) =	sbr.abs _section_cstart, $3  }
0xcf: {  	[dreg:$0x1] =	wrdreg $0xFFFFFFFF  }
0xd0: {  	_ =	task.clear_ibuf [dreg:s22], $0x2FFFF;
	_ =	strace $0x9FFFFFFF  }
0xd1: {  	(tm) =	ssettm $0x7FFFFFFF  }
tec
execute0_lowered:
.L_overlay_start_1:
0x0: {  	(tag) =	ssettag $0x1  }
0x1: {  	s6 =	rddreg [dreg:$0x0]  }
0x2: {  	s1 =	rddreg [dreg:$0x1]  }
0x3: {  	s2 =	srdreg.scid;
	s0 =	rddreg [dreg:$0x2]  }
0x4: {  	s3 =	simm.s32 $0x0;
	s17 =	simm.s32 $0x1;
	s18 =	simm.s32 $0x80  }
0x5: {  	s19 =	simm.s32 $0x2800;
	s20 =	simm.s32 $0x6800;
	s21 =	simm.s32 $0x2  }
0x6: {  	s22 =	simm.s32 $0x2700;
	s23 =	simm.s32 $0x2780;
	s24 =	simm.s32 $0x0  }
0x7: {  	s7 =	sand.u32 $0x1, s2;
	s2 =	stileid.u32;
	[smem:$0x7FF] =	sst s3  }
0x8: {  	s4 =	sadd.s32 $0x91C00, s6;
	s10 =	sadd.s32 $0xD400, s6;
	s8 =	smul.u32 $0x140000, s7  }
0x9: {  	s11 =	sadd.s32 $0x3400, s6;
	s5 =	sadd.s32 $0x3F400, s6;
	s9 =	smul.u32 $0x14000, s2  }
0xa: {  	_ =	strace $0x8000004A;
	s25 =	ssub.s32 $0x2, s7;
	s7 =	sshll.u32 s7, $0x4  }
0xb: {  	s13 =	smul.u32 $0x50000, s2;
	s12 =	sshrl.u32 s25, $0x1;
	s7 =	sor.u32 s2, s7  }
0xc: {  	s8 =	sadd.s32 s9, s8;
	s15 =	ssub.s32 s25, s12;
	s26 =	smul.u32 $0x2800, s7  }
0xd: {  	s28 =	sshrl.u32 s13, $0x2;
	s29 =	smul.u32 $0x500, s7;
	s8 =	sshrl.u32 s8, $0x3  }
0xe: {  	s16 =	sadd.s32 s28, s1;
	s13 =	smax.u32 s15, $0x1;
	s15 =	simm.s32 $0x3  }
0xf: {  	s14 =	sadd.s32 s8, s6;
	s6 =	sshll.u32 s2, $0x6;
	s30 =	sshrl.u32 s26, $0x3  }
0x10: {  	s8 =	sadd.s32 s10, s29;
	s9 =	sadd.s32 s11, s29;
	s7 =	sor.u32 $0x1C01, s6  }
0x11: {  	s31 =	sadd.s32 $0x280, s30;
	s12 =	sadd.s32 $0xB9C00, s14;
	s14 =	sshrl.u32 s16, $0x3  }
0x12: {  	s16 =	simm.s32 $0x1400;
	s10 =	sadd.s32 s10, s31;
	s11 =	sadd.s32 s11, s31  }
.LBB2_1:
0x13: {  	[spmem:s14], [sflag:s7] =	dma.local [hbm:s5], $0x2800  }
0x14: {  	[tilespmem:s3], [sflag:$0x3] =	stream.linear.gather [hbm4b:s8+s3], $0x1400, $0x38;
	[tilespmem:$0x1E800] =	vst v63  }
0x15: {  	_ =	swait.ge [sflag:s15], $0x1400  }
0x16: {  	[sflag:s15] =	ssyncset.done $0x0  }
0x17: {  	[sflag:s15] =	ssyncadd.s32 $0xFFFFEC00  }
0x18: {  	[tilespmem:s16], [sflag:$0x3] =	stream.linear.gather [hbm4b:s9+s3], $0x1400, $0x38;
	[tilespmem:$0x1E800] =	vst v63  }
0x19: {  	_ =	swait.ge [sflag:s15], $0x1400  }
0x1a: {  	[sflag:s15] =	ssyncset.done $0x0  }
0x1b: {  	[sflag:s15] =	ssyncadd.s32 $0xFFFFEC00  }
0x1c: {  	_ =	swait.ge [sflag:s17], $0x2800  }
0x1d: {  	[sflag:s17] =	ssyncset.done $0x0  }
0x1e: {  	[sflag:s17] =	ssyncadd.s32 $0xFFFFD800  }
0x1f: {  	[bflag:$0x0] =	sbarrier.arrive $0xFFFF  }
0x20: {  	[tilespmem:s19], [sflag:$0x1] =	stream.indirect.gather [hbm4b:s4+s18], $0x80, s3, s18, $0xb8;
	[tilespmem:$0x1E800] =	vst v63  }
0x21: {  	_ = 	snop  }
0x22: {  	[tilespmem:s20], [sflag:$0x2] =	stream.indirect.gather [hbm4b:s4+s18], $0x80, s18, s18, $0xb8;
	[tilespmem:$0x1E800] =	vst v63  }
0x23: {  	_ =	swait.ge [sflag:s17], $0x4000  }
0x24: {  	[sflag:s17] =	ssyncset.done $0x0  }
0x25: {  	s25 =	simm.s32 $0x1400;
	[sflag:s17] =	ssyncadd.s32 $0xFFFFC000  }
0x26: {  	[spmem:s1] =	stream.indirect.scatter.add.f32 [tilespmem:s19], [sflag:$0x3], $0x80, s25, s18, $0xb8;
	[tilespmem:$0x1E800] =	vst v63  }
0x27: {  	_ =	swait.ge [sflag:s15], $0x4000  }
0x28: {  	[sflag:s15] =	ssyncset.done $0x0  }
0x29: {  	s30 =	simm.s32 $0x100;
	[sflag:s15] =	ssyncadd.s32 $0xFFFFC000  }
0x2a: {  	[tilespmem:s19], [sflag:$0x1] =	stream.indirect.gather [hbm4b:s4+s18], $0x80, s30, s18, $0xb8;
	[tilespmem:$0x1E800] =	vst v63  }
0x2b: {  	_ =	swait.ge [sflag:s21], $0x4000  }
0x2c: {  	[sflag:s21] =	ssyncset.done $0x0  }
0x2d: {  	s31 =	simm.s32 $0x1480;
	[sflag:s21] =	ssyncadd.s32 $0xFFFFC000  }
0x2e: {  	[spmem:s1] =	stream.indirect.scatter.add.f32 [tilespmem:s20], [sflag:$0x3], $0x80, s31, s18, $0xb8;
	[tilespmem:$0x1E800] =	vst v63  }
0x2f: {  	_ =	swait.ge [sflag:s15], $0x4000  }
0x30: {  	[sflag:s15] =	ssyncset.done $0x0  }
0x31: {  	s26 =	simm.s32 $0x180;
	s25 =	simm.s32 $0x400;
	[sflag:s15] =	ssyncadd.s32 $0xFFFFC000  }
.LBB2_2:
0x32: {  	[tilespmem:s20], [sflag:$0x2] =	stream.indirect.gather [hbm4b:s4+s18], $0x80, s26, s18, $0xb8;
	[tilespmem:$0x1E800] =	vst v63  }
0x33: {  	s26 =	smov.u32 s25  }
0x34: {  	p0 =	sne.s32 s25, $0x4800;
	s25 =	sadd.s32 $0x400, s25;
	_ =	swait.ge [sflag:s17], $0x4000  }
0x35: {  	s26 =	sshra.s32 s26, $0x2;
	[sflag:s17] =	ssyncset.done $0x0  }
0x36: {  	s28 =	sadd.s32 $0x1400, s26;
	[sflag:s17] =	ssyncadd.s32 $0xFFFFC000  }
0x37: {  	[spmem:s1] =	stream.indirect.scatter.add.f32 [tilespmem:s19], [sflag:$0x3], $0x80, s28, s18, $0xb8;
	[tilespmem:$0x1E800] =	vst v63  }
0x38: {  	_ =	swait.ge [sflag:s15], $0x4000  }
0x39: {  	[sflag:s15] =	ssyncset.done $0x0  }
0x3a: {  	s28 =	sadd.s32 $0x100, s26;
	[sflag:s15] =	ssyncadd.s32 $0xFFFFC000  }
0x3b: {  	[tilespmem:s19], [sflag:$0x1] =	stream.indirect.gather [hbm4b:s4+s18], $0x80, s28, s18, $0xb8;
	[tilespmem:$0x1E800] =	vst v63  }
0x3c: {  	_ =	swait.ge [sflag:s21], $0x4000  }
0x3d: {  	[sflag:s21] =	ssyncset.done $0x0  }
.Ltmp0:
0x3e: {  	s28 =	sadd.s32 $0x1480, s26;
	[sflag:s21] =	ssyncadd.s32 $0xFFFFC000;
	(pc) =	sbr.rel @p0 .LBB2_2-.Ltmp0, $4  }
0x3f: {  	[spmem:s1] =	stream.indirect.scatter.add.f32 [tilespmem:s20], [sflag:$0x3], $0x80, s28, s18, $0xb8;
	[tilespmem:$0x1E800] =	vst v63  }
0x40: {  	_ =	swait.ge [sflag:s15], $0x4000  }
0x41: {  	[sflag:s15] =	ssyncset.done $0x0  }
0x42: {  	s26 =	sadd.s32 $0x180, s26;
	[sflag:s15] =	ssyncadd.s32 $0xFFFFC000  }
0x43: {  	[tilespmem:s20], [sflag:$0x2] =	stream.indirect.gather [hbm4b:s4+s18], $0x80, s26, s18, $0xb8;
	[tilespmem:$0x1E800] =	vst v63  }
0x44: {  	_ =	swait.ge [sflag:s17], $0x4000  }
0x45: {  	[sflag:s17] =	ssyncset.done $0x0  }
0x46: {  	[sflag:s17] =	ssyncadd.s32 $0xFFFFC000  }
0x47: {  	[spmem:s1] =	stream.indirect.scatter.add.f32 [tilespmem:s19], [sflag:$0x3], $0x80, s22, s18, $0xb8;
	[tilespmem:$0x1E800] =	vst v63  }
0x48: {  	_ =	swait.ge [sflag:s15], $0x4000  }
0x49: {  	[sflag:s15] =	ssyncset.done $0x0  }
0x4a: {  	[sflag:s15] =	ssyncadd.s32 $0xFFFFC000  }
0x4b: {  	_ =	swait.ge [sflag:s21], $0x4000  }
0x4c: {  	[sflag:s21] =	ssyncset.done $0x0  }
0x4d: {  	[sflag:s21] =	ssyncadd.s32 $0xFFFFC000  }
0x4e: {  	[spmem:s1] =	stream.indirect.scatter.add.f32 [tilespmem:s20], [sflag:$0x3], $0x80, s23, s18, $0xb8;
	[tilespmem:$0x1E800] =	vst v63  }
0x4f: {  	_ =	swait.ge [sflag:s15], $0x4000  }
0x50: {  	[sflag:s15] =	ssyncset.done $0x0  }
0x51: {  	s25 =	simm.s32 $0x0;
	[sflag:s15] =	ssyncadd.s32 $0xFFFFC000  }
0x52: {  	[tilespmem:s25], [sflag:$0x3] =	stream.linear.gather [hbm4b:s10+s25], $0x1400, $0x38;
	[tilespmem:$0x1E800] =	vst v63  }
0x53: {  	_ =	swait.ge [sflag:s15], $0x1400  }
0x54: {  	[sflag:s15] =	ssyncset.done $0x0  }
0x55: {  	[sflag:s15] =	ssyncadd.s32 $0xFFFFEC00  }
0x56: {  	[tilespmem:s16], [sflag:$0x3] =	stream.linear.gather [hbm4b:s11+s25], $0x1400, $0x38;
	[tilespmem:$0x1E800] =	vst v63  }
0x57: {  	_ =	swait.ge [sflag:s15], $0x1400  }
0x58: {  	[sflag:s15] =	ssyncset.done $0x0  }
0x59: {  	[sflag:s15] =	ssyncadd.s32 $0xFFFFEC00  }
0x5a: {  	[tilespmem:s19], [sflag:$0x1] =	stream.indirect.gather [hbm4b:s4+s18], $0x80, s25, s18, $0xb8;
	[tilespmem:$0x1E800] =	vst v63  }
0x5b: {  	_ = 	snop  }
0x5c: {  	[tilespmem:s20], [sflag:$0x2] =	stream.indirect.gather [hbm4b:s4+s18], $0x80, s18, s18, $0xb8;
	[tilespmem:$0x1E800] =	vst v63  }
0x5d: {  	_ =	swait.ge [sflag:s17], $0x4000  }
0x5e: {  	[sflag:s17] =	ssyncset.done $0x0  }
0x5f: {  	s29 =	simm.s32 $0x1400;
	[sflag:s17] =	ssyncadd.s32 $0xFFFFC000  }
0x60: {  	[spmem:s1] =	stream.indirect.scatter.add.f32 [tilespmem:s19], [sflag:$0x3], $0x80, s29, s18, $0xb8;
	[tilespmem:$0x1E800] =	vst v63  }
0x61: {  	_ =	swait.ge [sflag:s15], $0x4000  }
0x62: {  	[sflag:s15] =	ssyncset.done $0x0  }
0x63: {  	s30 =	simm.s32 $0x100;
	[sflag:s15] =	ssyncadd.s32 $0xFFFFC000  }
0x64: {  	[tilespmem:s19], [sflag:$0x1] =	stream.indirect.gather [hbm4b:s4+s18], $0x80, s30, s18, $0xb8;
	[tilespmem:$0x1E800] =	vst v63  }
0x65: {  	_ =	swait.ge [sflag:s21], $0x4000  }
0x66: {  	[sflag:s21] =	ssyncset.done $0x0  }
0x67: {  	s31 =	simm.s32 $0x1480;
	[sflag:s21] =	ssyncadd.s32 $0xFFFFC000  }
0x68: {  	[spmem:s1] =	stream.indirect.scatter.add.f32 [tilespmem:s20], [sflag:$0x3], $0x80, s31, s18, $0xb8;
	[tilespmem:$0x1E800] =	vst v63  }
0x69: {  	_ =	swait.ge [sflag:s15], $0x4000  }
0x6a: {  	[sflag:s15] =	ssyncset.done $0x0  }
0x6b: {  	s26 =	simm.s32 $0x180;
	s25 =	simm.s32 $0x400;
	[sflag:s15] =	ssyncadd.s32 $0xFFFFC000  }
.LBB2_4:
0x6c: {  	[tilespmem:s20], [sflag:$0x2] =	stream.indirect.gather [hbm4b:s4+s18], $0x80, s26, s18, $0xb8;
	[tilespmem:$0x1E800] =	vst v63  }
0x6d: {  	s26 =	smov.u32 s25  }
0x6e: {  	p0 =	sne.s32 s25, $0x4800;
	s25 =	sadd.s32 $0x400, s25;
	_ =	swait.ge [sflag:s17], $0x4000  }
0x6f: {  	s26 =	sshra.s32 s26, $0x2;
	[sflag:s17] =	ssyncset.done $0x0  }
0x70: {  	s28 =	sadd.s32 $0x1400, s26;
	[sflag:s17] =	ssyncadd.s32 $0xFFFFC000  }
0x71: {  	[spmem:s1] =	stream.indirect.scatter.add.f32 [tilespmem:s19], [sflag:$0x3], $0x80, s28, s18, $0xb8;
	[tilespmem:$0x1E800] =	vst v63  }
0x72: {  	_ =	swait.ge [sflag:s15], $0x4000  }
0x73: {  	[sflag:s15] =	ssyncset.done $0x0  }
0x74: {  	s28 =	sadd.s32 $0x100, s26;
	[sflag:s15] =	ssyncadd.s32 $0xFFFFC000  }
0x75: {  	[tilespmem:s19], [sflag:$0x1] =	stream.indirect.gather [hbm4b:s4+s18], $0x80, s28, s18, $0xb8;
	[tilespmem:$0x1E800] =	vst v63  }
0x76: {  	_ =	swait.ge [sflag:s21], $0x4000  }
0x77: {  	[sflag:s21] =	ssyncset.done $0x0  }
.Ltmp1:
0x78: {  	s28 =	sadd.s32 $0x1480, s26;
	[sflag:s21] =	ssyncadd.s32 $0xFFFFC000;
	(pc) =	sbr.rel @p0 .LBB2_4-.Ltmp1, $4  }
0x79: {  	[spmem:s1] =	stream.indirect.scatter.add.f32 [tilespmem:s20], [sflag:$0x3], $0x80, s28, s18, $0xb8;
	[tilespmem:$0x1E800] =	vst v63  }
0x7a: {  	_ =	swait.ge [sflag:s15], $0x4000  }
0x7b: {  	[sflag:s15] =	ssyncset.done $0x0  }
0x7c: {  	s26 =	sadd.s32 $0x180, s26;
	[sflag:s15] =	ssyncadd.s32 $0xFFFFC000  }
0x7d: {  	[tilespmem:s20], [sflag:$0x2] =	stream.indirect.gather [hbm4b:s4+s18], $0x80, s26, s18, $0xb8;
	[tilespmem:$0x1E800] =	vst v63  }
0x7e: {  	_ =	swait.ge [sflag:s17], $0x4000  }
0x7f: {  	[sflag:s17] =	ssyncset.done $0x0  }
0x80: {  	[sflag:s17] =	ssyncadd.s32 $0xFFFFC000  }
0x81: {  	[spmem:s1] =	stream.indirect.scatter.add.f32 [tilespmem:s19], [sflag:$0x3], $0x80, s22, s18, $0xb8;
	[tilespmem:$0x1E800] =	vst v63  }
0x82: {  	_ =	swait.ge [sflag:s15], $0x4000  }
0x83: {  	[sflag:s15] =	ssyncset.done $0x0  }
0x84: {  	[sflag:s15] =	ssyncadd.s32 $0xFFFFC000  }
0x85: {  	_ =	swait.ge [sflag:s21], $0x4000  }
0x86: {  	[sflag:s21] =	ssyncset.done $0x0  }
0x87: {  	[sflag:s21] =	ssyncadd.s32 $0xFFFFC000  }
0x88: {  	[spmem:s1] =	stream.indirect.scatter.add.f32 [tilespmem:s20], [sflag:$0x3], $0x80, s23, s18, $0xb8;
	[tilespmem:$0x1E800] =	vst v63  }
0x89: {  	_ =	swait.ge [sflag:s15], $0x4000  }
0x8a: {  	s24 =	sadd.s32 $0x1, s24;
	[sflag:s15] =	ssyncset.done $0x0  }
0x8b: {  	p0 =	sne.s32 s24, s13;
	[sflag:s15] =	ssyncadd.s32 $0xFFFFC000  }
.Ltmp2:
0x8c: {  	s25 =	sor.u32 $0x1C03, s6;
	[bflag:$0x0] =	sbarrier.arrive $0xFFFF;
	(pc) =	sbr.rel @p0 .LBB2_1-.Ltmp2, $4  }
0x8d: {  	[hbm:s12], [sflag:s25] =	dma.local [spmem:s14], $0x2800  }
0x8e: {  	_ =	swait.ge [sflag:s15], $0x2800  }
0x8f: {  	[sflag:s15] =	ssyncset.done $0x0  }
0x90: {  	[sflag:s15] =	ssyncadd.s32 $0xFFFFD800  }
0x91: {  	_ =	sfence.sel $0x180000  }
0x92: {  	[bflag:$0x0] =	sbarrier.arrive $0xFFFF  }
0x93: {  	p0 =	sne.s32 s2, $0x0;
	_ =	strace $0x9000004A  }
0x94: {  	s0 =	sadd.s32 @!p0 $0x100000, s0;
	[bflag:$0x2] =	sbarrier.arrive $0xFFFF  }
0x95: {  	[sflag:s0] =	ssyncadd.tile.s32 @!p0 $0x1;
	_ =	shalt  }
.Lfunc_end2:
_tile_overlayer_lowered:
.L_overlay_start_2:
0x96: {  	(tag) =	ssettag $0x2  }
0x97: {  	s0 =	rddreg [dreg:$0x0];
	s2 =	stileid.u32  }
0x98: {  	s1 =	rddreg [dreg:$0x1];
	p0 =	sne.s32 s2, $0x0  }
0x99: {  	s3 =	rddreg [dreg:$0x2];
	[bflag:$0x3] =	sbarrier.arrive $0xFFFF;
	s2 =	simm.s32 @!p0 $0x1C03  }
0x9a: {  	[timem:s3], [sflag:s2] =	dma.local @!p0 [hbm:s0], s1  }
0x9b: {  	s0 =	simm.s32 @!p0 $0x3  }
0x9c: {  	_ =	swait.ge @!p0 [sflag:s0], s1  }
0x9d: {  	s1 =	ssub.s32 @!p0 $0x0, s1;
	[sflag:s0] =	ssyncset.done @!p0 $0x0  }
0x9e: {  	[sflag:s0] =	ssyncadd.s32 @!p0 s1  }
0x9f: {  	[bflag:$0x3] =	sbarrier.arrive $0xFFFF  }
0xa0: {  	_ =	shalt  }

// kernel: kernel.14.cloned.1.call-start
scs
__scs_entry_jumppad:
0x0: {  	(pc) =	sbr.rel $0x88, $3  }
0x1: {  	(tag) =	ssettag $0x0;
	lr =	simm.s32 $0x1  }
0x2: {  	[smem:$0x3F97] =	sst lr;
	_ =	strace $0xD0000000  }
0x3: {  	_ = 	snop  }
0x4: {  	_ = 	snop  }
0x5: {  	_ = 	snop  }
0x6: {  	_ = 	snop  }
0x7: {  	_ = 	snop  }
__scs_overlays_trampoline_lowered:
0x8: {  	[smem:$0x3FA6] =	sst s0  }
0x9: {  	[smem:$0x3FA7] =	sst s1  }
0xa: {  	[smem:$0x3FA8] =	sst s2  }
0xb: {  	[smem:$0x3FA9] =	sst s3  }
0xc: {  	[smem:$0x3FAA] =	sst s4  }
0xd: {  	[smem:$0x3FAB] =	sst s5  }
0xe: {  	[smem:$0x3FAC] =	sst s6  }
0xf: {  	[smem:$0x3FAD] =	sst s7  }
0x10: {  	[smem:$0x3FAE] =	sst s8  }
0x11: {  	[smem:$0x3FAF] =	sst s9;
	s0 =	simm.s32 @!p0 $0x0  }
0x12: {  	s1 =	sld [smem:$0x3F95];
	s0 =	simm.s32 @p0 $0x1  }
0x13: {  	[smem:$0x3FB0] =	sst s0;
	s0 =	simm.s32 @!p1 $0x0  }
0x14: {  	s2 =	sld [smem:$0x3F94];
	s0 =	simm.s32 @p1 $0x1  }
0x15: {  	[smem:$0x3FB1] =	sst s0;
	s0 =	simm.s32 @!p2 $0x0  }
0x16: {  	s3 =	sld [smem:$0x3FDB];
	s0 =	simm.s32 @p2 $0x1  }
0x17: {  	s4 =	simm.s32 $0x1BF5;
	[smem:$0x3FB3] =	sst s0  }
0x18: {  	s0 =	sld [smem:$0x3F96];
	_ =	swait.ge [sflag:s4], $0x0  }
0x19: {  	s7 =	sld [smem:$0x3F97]  }
0x1a: {  	s8 =	sadd.s32 $0xFFFFE003, lr  }
0x1b: {  	s9 =	sadd.s32 $0xFFFFFEF7, lr;
	s5 =	simm.s32 $0xFFFFFFFF;
	p2 =	slt.u32 s8, $0xFFFFF086  }
0x1c: {  	p1 =	slt.u32 s9, $0xF7A;
	s5 =	simm.s32 @!p2 $0x0  }
0x1d: {  	s5 =	simm.s32 @p1 $0x1;
	p0 =	seq.s32 s7, s2  }
0x1e: {  	s7 =	smul.u32 @!p0 $0xF7A, s2;
	p2 =	seq.s32 @!p0 s5, $0x0  }
0x1f: {  	s9 =	smul.u32 $0xF7A, s1;
	s8 =	simm.s32 @!p0 $0x1BF5;
	p2 =	por !p2, p0  }
0x20: {  	[sflag:s8] =	ssyncset.s32 @!p0 $0xFFFFF086;
	s6 =	sadd.s32 @!p0 s3, s7;
	s7 =	simm.s32 @!p0 $0x108  }
0x21: {  	s3 =	sadd.s32 s3, s9;
	s6 =	sadd.s32 @!p0 $0x88, s6;
	s7 =	simm.s32 @p2 $0x1082  }
0x22: {  	[simem:s7], [sflag:s8] =	dma.local @!p0 [hbm:s6], $0xF7A  }
0x23: {  	s9 =	sor.u32 $0xD0000000, s2;
	s6 =	simm.s32 $0x108;
	_ =	swait.ge @!p0 [sflag:s8], $0x0  }
0x24: {  	s3 =	sadd.s32 $0x88, s3;
	s6 =	simm.s32 @!p1 $0x1082;
	[sflag:s4] =	ssyncset.s32 $0xFFFFF086  }
0x25: {  	[simem:s6], [sflag:s4] =	dma.local [hbm:s3], $0xF7A  }
0x26: {  	[smem:$0x3F97] =	sst s1;
	(tag) =	ssettag s2;
	_ =	strace s9  }
0x27: {  	s1 =	sld [smem:$0x3FA7]  }
0x28: {  	s2 =	sld [smem:$0x3FA8]  }
0x29: {  	s4 =	sld [smem:$0x3FAA]  }
0x2a: {  	p0 =	seq.s32 s5, $0x0;
	s5 =	sld [smem:$0x3FAB]  }
0x2b: {  	s6 =	sld [smem:$0x3FAC]  }
0x2c: {  	s7 =	sld [smem:$0x3FAD]  }
0x2d: {  	s3 =	simm.s32 $0x108;
	s8 =	sld [smem:$0x3FAE]  }
0x2e: {  	s3 =	simm.s32 @!p0 $0x1082;
	s9 =	sld [smem:$0x3FAF]  }
0x2f: {  	lr =	sadd.s32 s0, s3;
	s0 =	sld [smem:$0x3FA6]  }
0x30: {  	s3 =	sld [smem:$0x3FA9]  }
0x31: {  	[smem:$0x3FB2] =	sst s10  }
0x32: {  	s10 =	sld [smem:$0x3FB0];
	_ =	sdelay $0x3  }
0x33: {  	p0 =	seq.s32 s10, $0x1;
	s10 =	sld [smem:$0x3FB2];
	_ =	sdelay $0x3  }
0x34: {  	[smem:$0x3FB2] =	sst s10  }
0x35: {  	s10 =	sld [smem:$0x3FB1];
	_ =	sdelay $0x3  }
0x36: {  	p1 =	seq.s32 s10, $0x1;
	s10 =	sld [smem:$0x3FB2];
	_ =	sdelay $0x3  }
0x37: {  	[smem:$0x3FB2] =	sst s10  }
0x38: {  	s10 =	sld [smem:$0x3FB3]  }
0x39: {  	_ = 	snop;
	(pc) =	sbr.ind lr, $3  }
0x3a: {  	_ = 	snop  }
0x3b: {  	_ = 	snop  }
0x3c: {  	p2 =	seq.s32 s10, $0x1;
	s10 =	sld [smem:$0x3FB2]  }
0x3d: {  	_ =	shalt  }
0x3e: {  	_ =	shalt  }
0x3f: {  	_ =	shalt  }
0x40: {  	_ =	shalt  }
0x41: {  	_ =	shalt  }
0x42: {  	_ =	shalt  }
0x43: {  	_ =	shalt  }
0x44: {  	_ =	shalt  }
0x45: {  	_ =	shalt  }
0x46: {  	_ =	shalt  }
0x47: {  	_ =	shalt  }
0x48: {  	_ =	shalt  }
0x49: {  	_ =	shalt  }
0x4a: {  	_ =	shalt  }
0x4b: {  	_ =	shalt  }
0x4c: {  	_ =	shalt  }
0x4d: {  	_ =	shalt  }
0x4e: {  	_ =	shalt  }
0x4f: {  	_ =	shalt  }
0x50: {  	_ =	shalt  }
0x51: {  	_ =	shalt  }
0x52: {  	_ =	shalt  }
0x53: {  	_ =	shalt  }
0x54: {  	_ =	shalt  }
0x55: {  	_ =	shalt  }
0x56: {  	_ =	shalt  }
0x57: {  	_ =	shalt  }
0x58: {  	_ =	shalt  }
0x59: {  	_ =	shalt  }
0x5a: {  	_ =	shalt  }
0x5b: {  	_ =	shalt  }
0x5c: {  	_ =	shalt  }
0x5d: {  	_ =	shalt  }
0x5e: {  	_ =	shalt  }
0x5f: {  	_ =	shalt  }
0x60: {  	_ =	shalt  }
0x61: {  	_ =	shalt  }
0x62: {  	_ =	shalt  }
0x63: {  	_ =	shalt  }
0x64: {  	_ =	shalt  }
0x65: {  	_ =	shalt  }
0x66: {  	_ =	shalt  }
0x67: {  	_ =	shalt  }
0x68: {  	_ =	shalt  }
0x69: {  	_ =	shalt  }
0x6a: {  	_ =	shalt  }
0x6b: {  	_ =	shalt  }
0x6c: {  	_ =	shalt  }
0x6d: {  	_ =	shalt  }
0x6e: {  	_ =	shalt  }
0x6f: {  	_ =	shalt  }
0x70: {  	_ =	shalt  }
0x71: {  	_ =	shalt  }
0x72: {  	_ =	shalt  }
0x73: {  	_ =	shalt  }
0x74: {  	_ =	shalt  }
0x75: {  	_ =	shalt  }
0x76: {  	_ =	shalt  }
0x77: {  	_ =	shalt  }
0x78: {  	_ =	shalt  }
0x79: {  	_ =	shalt  }
0x7a: {  	_ =	shalt  }
0x7b: {  	_ =	shalt  }
0x7c: {  	_ =	shalt  }
0x7d: {  	_ =	shalt  }
0x7e: {  	_ =	shalt  }
0x7f: {  	_ =	shalt  }
0x80: {  	_ =	shalt  }
0x81: {  	_ =	shalt  }
0x82: {  	_ =	shalt  }
0x83: {  	_ =	shalt  }
0x84: {  	_ =	shalt  }
0x85: {  	_ =	shalt  }
0x86: {  	_ =	shalt  }
0x87: {  	_ =	shalt  }
.Lfunc_end0:
.L_simem_size_0:
called_computation.1_lowered:
.L_overlay_start_0:
0x88: {  	s2 =	sld [smem:$0x3FD9]  }
0x89: {  	s3 =	sld [smem:$0x3FFE];
	_ =	sdelay $0x1  }
0x8a: {  	s1 =	srdreg.scid  }
0x8b: {  	s0 =	sand.u32 $0x1, s1  }
0x8c: {  	s16 =	sshll.u32 s0, $0xA;
	s2 =	sadd.s32 s3, s2  }
0x8d: {  	s2 =	sadd.s32 s2, s16  }
0x8e: {  	[smem:$0x3FBE] =	sst s2  }
0x8f: {  	_ = 	snop  }
0x90: {  	(tm) =	ssettm $0x1  }
0x91: {  	s17 =	sld [smem:$0x3FFB];
	_ =	sdelay $0x3  }
0x92: {  	_ =	strace s17  }
0x93: {  	s2 =	sld [smem:$0x3FFC];
	_ =	sdelay $0x3  }
0x94: {  	_ =	strace s2  }
0x95: {  	s2 =	sld [smem:$0x3FFD];
	_ =	sdelay $0x3  }
0x96: {  	_ =	strace s2  }
0x97: {  	_ =	strace $0x8FFFFFFF  }
0x98: {  	s18 =	sld [smem:$0x3FDB];
	_ =	sdelay $0x1  }
0x99: {  	s19 =	simm.s32 $_scs_section_size  }
0x9a: {  	s4 =	simm.s32 $_size__tile_overlayer_lowered;
	s5 =	simm.s32 $_tile_overlayer_lowered  }
0x9b: {  	s22 =	simm.s32 $0x1BFF;
	s21 =	sshll.u32 s5, $0x1;
	s2 =	sadd.s32 s19, s18  }
0x9c: {  	s6 =	simm.s32 $0x0;
	s20 =	sshll.u32 s4, $0x1;
	s4 =	sadd.s32 s21, s2  }
0x9d: {  	[timem:s6], [sflag:s22] =	dma.local [hbm:s4], s20  }
0x9e: {  	_ =	swait.ge [sflag:s22], s20  }
0x9f: {  	s3 =	ssub.s32 $0x0, s20;
	[sflag:s22] =	ssyncset.done $0x0  }
0xa0: {  	[sflag:s22] =	ssyncadd.s32 s3;
	_ =	sdelay $0x1  }
0xa1: {  	s23 =	simm.s32 $0x1B8B  }
0xa2: {  	_ =	swait.ge [sflag:s23], $0x1  }
0xa3: {  	[sflag:s23] =	ssyncset.done $0x0  }
0xa4: {  	s25 =	simm.s32 $0x1B8E;
	s24 =	sld [smem:$0x3FFE];
	[sflag:s23] =	ssyncadd.s32 $0xFFFFFFFF  }
0xa5: {  	s26 =	simm.s32 $execute0_lowered;
	[smem:$0x3FD2] =	sst s25  }
0xa6: {  	s4 =	sshll.u32 s26, $0x1;
	_ =	strace $0x80000046;
	[dreg:$0x1] =	wrdreg $0xFFFFFFFF  }
0xa7: {  	s28 =	simm.s32 $_size_execute0_lowered;
	s2 =	sadd.s32 s2, s4;
	[dreg:$0x0] =	wrdreg $0x0  }
0xa8: {  	s4 =	sshll.u32 s28, $0x1;
	[dreg:$0x2] =	wrdreg s2  }
0xa9: {  	[dreg:$0x3] =	wrdreg s4  }
0xaa: {  	[dreg:$0x4] =	wrdreg $0xC0  }
0xab: {  	_ =	task [dreg:s6], $0x5FFFF  }
0xac: {  	[dreg:$0x1] =	wrdreg $0xFFFFFFFF  }
0xad: {  	[dreg:$0x0] =	wrdreg $0x60  }
0xae: {  	[dreg:$0x2] =	wrdreg s24  }
0xaf: {  	[dreg:$0x3] =	wrdreg $0xA8000  }
0xb0: {  	[dreg:$0x4] =	wrdreg $0xA  }
0xb1: {  	_ =	task.clear_ibuf [dreg:s6], $0x5FFFF;
	_ =	strace $0x90000046  }
0xb2: {  	s29 =	simm.s32 $0xA;
	_ =	strace $0x80000048  }
0xb3: {  	_ =	swait.ge [sflag:s29], $0x1  }
0xb4: {  	[sflag:s29] =	ssyncadd.s32 $0xFFFFFFFF  }
0xb5: {  	_ =	strace $0x90000048  }
0xb6: {  	_ =	sfence  }
0xb7: {  	s30 =	sld [smem:$0x0];
	_ =	sdelay $0x2  }
0xb8: {  	s31 =	sshll.u32 s1, $0xD;
	s1 =	sshrl.u32 s1, $0x2  }
0xb9: {  	s3 =	sand.u32 $0x4000, s31;
	s1 =	sadd.s32 s1, s30  }
0xba: {  	s0 =	sor.u32 s3, s0;
	s1 =	sshll.u32 s1, $0x11  }
0xbb: {  	s0 =	sor.u32 s1, s0  }
0xbc: {  	s0 =	sadd.s32 $0x8F2B, s0  }
0xbd: {  	[sflag:s0] =	ssyncadd.remote.s32 $0x1  }
0xbe: {  	_ =	sfence.sel $0xFFFF  }
0xbf: {  	[dreg:$0x0] =	wrdreg $0xFFFFFFFF;
	(pc) =	sbr.abs _section_cstart, $3  }
0xc0: {  	[dreg:$0x1] =	wrdreg $0xFFFFFFFF  }
0xc1: {  	_ =	task.clear_ibuf [dreg:s6], $0x2FFFF;
	_ =	strace $0x9FFFFFFF  }
0xc2: {  	(tm) =	ssettm $0x7FFFFFFF  }
0xc3: {  	_ =	shalt  }
tec
execute0_lowered:
.L_overlay_start_1:
0x0: {  	(tag) =	ssettag $0x1  }
0x1: {  	s6 =	rddreg [dreg:$0x0]  }
0x2: {  	s1 =	rddreg [dreg:$0x1]  }
0x3: {  	s2 =	srdreg.scid;
	s0 =	rddreg [dreg:$0x2]  }
0x4: {  	s3 =	simm.s32 $0x0;
	s17 =	simm.s32 $0x1;
	s18 =	simm.s32 $0x80  }
0x5: {  	s19 =	simm.s32 $0x2800;
	s20 =	simm.s32 $0x6800;
	s21 =	simm.s32 $0x2  }
0x6: {  	s22 =	simm.s32 $0x2700;
	s23 =	simm.s32 $0x2780;
	s24 =	simm.s32 $0x0  }
0x7: {  	s7 =	sand.u32 $0x1, s2;
	s2 =	stileid.u32;
	[smem:$0x7FF] =	sst s3  }
0x8: {  	s4 =	sadd.s32 $0x17400, s6;
	s10 =	sadd.s32 $0x3400, s6;
	s8 =	smul.u32 $0x140000, s7  }
0x9: {  	s11 =	sadd.s32 $0xD400, s6;
	s5 =	sadd.s32 $0x3F400, s6;
	s9 =	smul.u32 $0x14000, s2  }
0xa: {  	_ =	strace $0x80000047;
	s25 =	ssub.s32 $0x2, s7;
	s7 =	sshll.u32 s7, $0x4  }
0xb: {  	s13 =	smul.u32 $0x50000, s2;
	s12 =	sshrl.u32 s25, $0x1;
	s7 =	sor.u32 s2, s7  }
0xc: {  	s8 =	sadd.s32 s9, s8;
	s15 =	ssub.s32 s25, s12;
	s26 =	smul.u32 $0x2800, s7  }
0xd: {  	s28 =	sshrl.u32 s13, $0x2;
	s29 =	smul.u32 $0x500, s7;
	s8 =	sshrl.u32 s8, $0x3  }
0xe: {  	s16 =	sadd.s32 s28, s1;
	s13 =	smax.u32 s15, $0x1;
	s15 =	simm.s32 $0x3  }
0xf: {  	s14 =	sadd.s32 s8, s6;
	s6 =	sshll.u32 s2, $0x6;
	s30 =	sshrl.u32 s26, $0x3  }
0x10: {  	s8 =	sadd.s32 s10, s29;
	s9 =	sadd.s32 s11, s29;
	s7 =	sor.u32 $0x1C01, s6  }
0x11: {  	s31 =	sadd.s32 $0x280, s30;
	s12 =	sadd.s32 $0x41C00, s14;
	s14 =	sshrl.u32 s16, $0x3  }
0x12: {  	s16 =	simm.s32 $0x1400;
	s10 =	sadd.s32 s10, s31;
	s11 =	sadd.s32 s11, s31  }
.LBB2_1:
0x13: {  	[spmem:s14], [sflag:s7] =	dma.local [hbm:s5], $0x2800  }
0x14: {  	[tilespmem:s3], [sflag:$0x3] =	stream.linear.gather [hbm4b:s8+s3], $0x1400, $0x38;
	[tilespmem:$0x1E800] =	vst v63  }
0x15: {  	_ =	swait.ge [sflag:s15], $0x1400  }
0x16: {  	[sflag:s15] =	ssyncset.done $0x0  }
0x17: {  	[sflag:s15] =	ssyncadd.s32 $0xFFFFEC00  }
0x18: {  	[tilespmem:s16], [sflag:$0x3] =	stream.linear.gather [hbm4b:s9+s3], $0x1400, $0x38;
	[tilespmem:$0x1E800] =	vst v63  }
0x19: {  	_ =	swait.ge [sflag:s15], $0x1400  }
0x1a: {  	[sflag:s15] =	ssyncset.done $0x0  }
0x1b: {  	[sflag:s15] =	ssyncadd.s32 $0xFFFFEC00  }
0x1c: {  	_ =	swait.ge [sflag:s17], $0x2800  }
0x1d: {  	[sflag:s17] =	ssyncset.done $0x0  }
0x1e: {  	[sflag:s17] =	ssyncadd.s32 $0xFFFFD800  }
0x1f: {  	[bflag:$0x0] =	sbarrier.arrive $0xFFFF  }
0x20: {  	[tilespmem:s19], [sflag:$0x1] =	stream.indirect.gather [hbm4b:s4+s18], $0x80, s3, s18, $0xb8;
	[tilespmem:$0x1E800] =	vst v63  }
0x21: {  	_ = 	snop  }
0x22: {  	[tilespmem:s20], [sflag:$0x2] =	stream.indirect.gather [hbm4b:s4+s18], $0x80, s18, s18, $0xb8;
	[tilespmem:$0x1E800] =	vst v63  }
0x23: {  	_ =	swait.ge [sflag:s17], $0x4000  }
0x24: {  	[sflag:s17] =	ssyncset.done $0x0  }
0x25: {  	s25 =	simm.s32 $0x1400;
	[sflag:s17] =	ssyncadd.s32 $0xFFFFC000  }
0x26: {  	[spmem:s1] =	stream.indirect.scatter.add.f32 [tilespmem:s19], [sflag:$0x3], $0x80, s25, s18, $0xb8;
	[tilespmem:$0x1E800] =	vst v63  }
0x27: {  	_ =	swait.ge [sflag:s15], $0x4000  }
0x28: {  	[sflag:s15] =	ssyncset.done $0x0  }
0x29: {  	s30 =	simm.s32 $0x100;
	[sflag:s15] =	ssyncadd.s32 $0xFFFFC000  }
0x2a: {  	[tilespmem:s19], [sflag:$0x1] =	stream.indirect.gather [hbm4b:s4+s18], $0x80, s30, s18, $0xb8;
	[tilespmem:$0x1E800] =	vst v63  }
0x2b: {  	_ =	swait.ge [sflag:s21], $0x4000  }
0x2c: {  	[sflag:s21] =	ssyncset.done $0x0  }
0x2d: {  	s31 =	simm.s32 $0x1480;
	[sflag:s21] =	ssyncadd.s32 $0xFFFFC000  }
0x2e: {  	[spmem:s1] =	stream.indirect.scatter.add.f32 [tilespmem:s20], [sflag:$0x3], $0x80, s31, s18, $0xb8;
	[tilespmem:$0x1E800] =	vst v63  }
0x2f: {  	_ =	swait.ge [sflag:s15], $0x4000  }
0x30: {  	[sflag:s15] =	ssyncset.done $0x0  }
0x31: {  	s26 =	simm.s32 $0x180;
	s25 =	simm.s32 $0x400;
	[sflag:s15] =	ssyncadd.s32 $0xFFFFC000  }
.LBB2_2:
0x32: {  	[tilespmem:s20], [sflag:$0x2] =	stream.indirect.gather [hbm4b:s4+s18], $0x80, s26, s18, $0xb8;
	[tilespmem:$0x1E800] =	vst v63  }
0x33: {  	s26 =	smov.u32 s25  }
0x34: {  	p0 =	sne.s32 s25, $0x4800;
	s25 =	sadd.s32 $0x400, s25;
	_ =	swait.ge [sflag:s17], $0x4000  }
0x35: {  	s26 =	sshra.s32 s26, $0x2;
	[sflag:s17] =	ssyncset.done $0x0  }
0x36: {  	s28 =	sadd.s32 $0x1400, s26;
	[sflag:s17] =	ssyncadd.s32 $0xFFFFC000  }
0x37: {  	[spmem:s1] =	stream.indirect.scatter.add.f32 [tilespmem:s19], [sflag:$0x3], $0x80, s28, s18, $0xb8;
	[tilespmem:$0x1E800] =	vst v63  }
0x38: {  	_ =	swait.ge [sflag:s15], $0x4000  }
0x39: {  	[sflag:s15] =	ssyncset.done $0x0  }
0x3a: {  	s28 =	sadd.s32 $0x100, s26;
	[sflag:s15] =	ssyncadd.s32 $0xFFFFC000  }
0x3b: {  	[tilespmem:s19], [sflag:$0x1] =	stream.indirect.gather [hbm4b:s4+s18], $0x80, s28, s18, $0xb8;
	[tilespmem:$0x1E800] =	vst v63  }
0x3c: {  	_ =	swait.ge [sflag:s21], $0x4000  }
0x3d: {  	[sflag:s21] =	ssyncset.done $0x0  }
.Ltmp0:
0x3e: {  	s28 =	sadd.s32 $0x1480, s26;
	[sflag:s21] =	ssyncadd.s32 $0xFFFFC000;
	(pc) =	sbr.rel @p0 .LBB2_2-.Ltmp0, $4  }
0x3f: {  	[spmem:s1] =	stream.indirect.scatter.add.f32 [tilespmem:s20], [sflag:$0x3], $0x80, s28, s18, $0xb8;
	[tilespmem:$0x1E800] =	vst v63  }
0x40: {  	_ =	swait.ge [sflag:s15], $0x4000  }
0x41: {  	[sflag:s15] =	ssyncset.done $0x0  }
0x42: {  	s26 =	sadd.s32 $0x180, s26;
	[sflag:s15] =	ssyncadd.s32 $0xFFFFC000  }
0x43: {  	[tilespmem:s20], [sflag:$0x2] =	stream.indirect.gather [hbm4b:s4+s18], $0x80, s26, s18, $0xb8;
	[tilespmem:$0x1E800] =	vst v63  }
0x44: {  	_ =	swait.ge [sflag:s17], $0x4000  }
0x45: {  	[sflag:s17] =	ssyncset.done $0x0  }
0x46: {  	[sflag:s17] =	ssyncadd.s32 $0xFFFFC000  }
0x47: {  	[spmem:s1] =	stream.indirect.scatter.add.f32 [tilespmem:s19], [sflag:$0x3], $0x80, s22, s18, $0xb8;
	[tilespmem:$0x1E800] =	vst v63  }
0x48: {  	_ =	swait.ge [sflag:s15], $0x4000  }
0x49: {  	[sflag:s15] =	ssyncset.done $0x0  }
0x4a: {  	[sflag:s15] =	ssyncadd.s32 $0xFFFFC000  }
0x4b: {  	_ =	swait.ge [sflag:s21], $0x4000  }
0x4c: {  	[sflag:s21] =	ssyncset.done $0x0  }
0x4d: {  	[sflag:s21] =	ssyncadd.s32 $0xFFFFC000  }
0x4e: {  	[spmem:s1] =	stream.indirect.scatter.add.f32 [tilespmem:s20], [sflag:$0x3], $0x80, s23, s18, $0xb8;
	[tilespmem:$0x1E800] =	vst v63  }
0x4f: {  	_ =	swait.ge [sflag:s15], $0x4000  }
0x50: {  	[sflag:s15] =	ssyncset.done $0x0  }
0x51: {  	s25 =	simm.s32 $0x0;
	[sflag:s15] =	ssyncadd.s32 $0xFFFFC000  }
0x52: {  	[tilespmem:s25], [sflag:$0x3] =	stream.linear.gather [hbm4b:s10+s25], $0x1400, $0x38;
	[tilespmem:$0x1E800] =	vst v63  }
0x53: {  	_ =	swait.ge [sflag:s15], $0x1400  }
0x54: {  	[sflag:s15] =	ssyncset.done $0x0  }
0x55: {  	[sflag:s15] =	ssyncadd.s32 $0xFFFFEC00  }
0x56: {  	[tilespmem:s16], [sflag:$0x3] =	stream.linear.gather [hbm4b:s11+s25], $0x1400, $0x38;
	[tilespmem:$0x1E800] =	vst v63  }
0x57: {  	_ =	swait.ge [sflag:s15], $0x1400  }
0x58: {  	[sflag:s15] =	ssyncset.done $0x0  }
0x59: {  	[sflag:s15] =	ssyncadd.s32 $0xFFFFEC00  }
0x5a: {  	[tilespmem:s19], [sflag:$0x1] =	stream.indirect.gather [hbm4b:s4+s18], $0x80, s25, s18, $0xb8;
	[tilespmem:$0x1E800] =	vst v63  }
0x5b: {  	_ = 	snop  }
0x5c: {  	[tilespmem:s20], [sflag:$0x2] =	stream.indirect.gather [hbm4b:s4+s18], $0x80, s18, s18, $0xb8;
	[tilespmem:$0x1E800] =	vst v63  }
0x5d: {  	_ =	swait.ge [sflag:s17], $0x4000  }
0x5e: {  	[sflag:s17] =	ssyncset.done $0x0  }
0x5f: {  	s29 =	simm.s32 $0x1400;
	[sflag:s17] =	ssyncadd.s32 $0xFFFFC000  }
0x60: {  	[spmem:s1] =	stream.indirect.scatter.add.f32 [tilespmem:s19], [sflag:$0x3], $0x80, s29, s18, $0xb8;
	[tilespmem:$0x1E800] =	vst v63  }
0x61: {  	_ =	swait.ge [sflag:s15], $0x4000  }
0x62: {  	[sflag:s15] =	ssyncset.done $0x0  }
0x63: {  	s30 =	simm.s32 $0x100;
	[sflag:s15] =	ssyncadd.s32 $0xFFFFC000  }
0x64: {  	[tilespmem:s19], [sflag:$0x1] =	stream.indirect.gather [hbm4b:s4+s18], $0x80, s30, s18, $0xb8;
	[tilespmem:$0x1E800] =	vst v63  }
0x65: {  	_ =	swait.ge [sflag:s21], $0x4000  }
0x66: {  	[sflag:s21] =	ssyncset.done $0x0  }
0x67: {  	s31 =	simm.s32 $0x1480;
	[sflag:s21] =	ssyncadd.s32 $0xFFFFC000  }
0x68: {  	[spmem:s1] =	stream.indirect.scatter.add.f32 [tilespmem:s20], [sflag:$0x3], $0x80, s31, s18, $0xb8;
	[tilespmem:$0x1E800] =	vst v63  }
0x69: {  	_ =	swait.ge [sflag:s15], $0x4000  }
0x6a: {  	[sflag:s15] =	ssyncset.done $0x0  }
0x6b: {  	s26 =	simm.s32 $0x180;
	s25 =	simm.s32 $0x400;
	[sflag:s15] =	ssyncadd.s32 $0xFFFFC000  }
.LBB2_4:
0x6c: {  	[tilespmem:s20], [sflag:$0x2] =	stream.indirect.gather [hbm4b:s4+s18], $0x80, s26, s18, $0xb8;
	[tilespmem:$0x1E800] =	vst v63  }
0x6d: {  	s26 =	smov.u32 s25  }
0x6e: {  	p0 =	sne.s32 s25, $0x4800;
	s25 =	sadd.s32 $0x400, s25;
	_ =	swait.ge [sflag:s17], $0x4000  }
0x6f: {  	s26 =	sshra.s32 s26, $0x2;
	[sflag:s17] =	ssyncset.done $0x0  }
0x70: {  	s28 =	sadd.s32 $0x1400, s26;
	[sflag:s17] =	ssyncadd.s32 $0xFFFFC000  }
0x71: {  	[spmem:s1] =	stream.indirect.scatter.add.f32 [tilespmem:s19], [sflag:$0x3], $0x80, s28, s18, $0xb8;
	[tilespmem:$0x1E800] =	vst v63  }
0x72: {  	_ =	swait.ge [sflag:s15], $0x4000  }
0x73: {  	[sflag:s15] =	ssyncset.done $0x0  }
0x74: {  	s28 =	sadd.s32 $0x100, s26;
	[sflag:s15] =	ssyncadd.s32 $0xFFFFC000  }
0x75: {  	[tilespmem:s19], [sflag:$0x1] =	stream.indirect.gather [hbm4b:s4+s18], $0x80, s28, s18, $0xb8;
	[tilespmem:$0x1E800] =	vst v63  }
0x76: {  	_ =	swait.ge [sflag:s21], $0x4000  }
0x77: {  	[sflag:s21] =	ssyncset.done $0x0  }
.Ltmp1:
0x78: {  	s28 =	sadd.s32 $0x1480, s26;
	[sflag:s21] =	ssyncadd.s32 $0xFFFFC000;
	(pc) =	sbr.rel @p0 .LBB2_4-.Ltmp1, $4  }
0x79: {  	[spmem:s1] =	stream.indirect.scatter.add.f32 [tilespmem:s20], [sflag:$0x3], $0x80, s28, s18, $0xb8;
	[tilespmem:$0x1E800] =	vst v63  }
0x7a: {  	_ =	swait.ge [sflag:s15], $0x4000  }
0x7b: {  	[sflag:s15] =	ssyncset.done $0x0  }
0x7c: {  	s26 =	sadd.s32 $0x180, s26;
	[sflag:s15] =	ssyncadd.s32 $0xFFFFC000  }
0x7d: {  	[tilespmem:s20], [sflag:$0x2] =	stream.indirect.gather [hbm4b:s4+s18], $0x80, s26, s18, $0xb8;
	[tilespmem:$0x1E800] =	vst v63  }
0x7e: {  	_ =	swait.ge [sflag:s17], $0x4000  }
0x7f: {  	[sflag:s17] =	ssyncset.done $0x0  }
0x80: {  	[sflag:s17] =	ssyncadd.s32 $0xFFFFC000  }
0x81: {  	[spmem:s1] =	stream.indirect.scatter.add.f32 [tilespmem:s19], [sflag:$0x3], $0x80, s22, s18, $0xb8;
	[tilespmem:$0x1E800] =	vst v63  }
0x82: {  	_ =	swait.ge [sflag:s15], $0x4000  }
0x83: {  	[sflag:s15] =	ssyncset.done $0x0  }
0x84: {  	[sflag:s15] =	ssyncadd.s32 $0xFFFFC000  }
0x85: {  	_ =	swait.ge [sflag:s21], $0x4000  }
0x86: {  	[sflag:s21] =	ssyncset.done $0x0  }
0x87: {  	[sflag:s21] =	ssyncadd.s32 $0xFFFFC000  }
0x88: {  	[spmem:s1] =	stream.indirect.scatter.add.f32 [tilespmem:s20], [sflag:$0x3], $0x80, s23, s18, $0xb8;
	[tilespmem:$0x1E800] =	vst v63  }
0x89: {  	_ =	swait.ge [sflag:s15], $0x4000  }
0x8a: {  	s24 =	sadd.s32 $0x1, s24;
	[sflag:s15] =	ssyncset.done $0x0  }
0x8b: {  	p0 =	sne.s32 s24, s13;
	[sflag:s15] =	ssyncadd.s32 $0xFFFFC000  }
.Ltmp2:
0x8c: {  	s25 =	sor.u32 $0x1C03, s6;
	[bflag:$0x0] =	sbarrier.arrive $0xFFFF;
	(pc) =	sbr.rel @p0 .LBB2_1-.Ltmp2, $4  }
0x8d: {  	[hbm:s12], [sflag:s25] =	dma.local [spmem:s14], $0x2800  }
0x8e: {  	_ =	swait.ge [sflag:s15], $0x2800  }
0x8f: {  	[sflag:s15] =	ssyncset.done $0x0  }
0x90: {  	[sflag:s15] =	ssyncadd.s32 $0xFFFFD800  }
0x91: {  	_ =	sfence.sel $0x180000  }
0x92: {  	[bflag:$0x0] =	sbarrier.arrive $0xFFFF  }
0x93: {  	p0 =	sne.s32 s2, $0x0;
	_ =	strace $0x90000047  }
0x94: {  	s0 =	sadd.s32 @!p0 $0x100000, s0;
	[bflag:$0x2] =	sbarrier.arrive $0xFFFF  }
0x95: {  	[sflag:s0] =	ssyncadd.tile.s32 @!p0 $0x1;
	_ =	shalt  }
.Lfunc_end2:
_tile_overlayer_lowered:
.L_overlay_start_2:
0x96: {  	(tag) =	ssettag $0x2  }
0x97: {  	s0 =	rddreg [dreg:$0x0];
	s2 =	stileid.u32  }
0x98: {  	s1 =	rddreg [dreg:$0x1];
	p0 =	sne.s32 s2, $0x0  }
0x99: {  	s3 =	rddreg [dreg:$0x2];
	[bflag:$0x3] =	sbarrier.arrive $0xFFFF;
	s2 =	simm.s32 @!p0 $0x1C03  }
0x9a: {  	[timem:s3], [sflag:s2] =	dma.local @!p0 [hbm:s0], s1  }
0x9b: {  	s0 =	simm.s32 @!p0 $0x3  }
0x9c: {  	_ =	swait.ge @!p0 [sflag:s0], s1  }
0x9d: {  	s1 =	ssub.s32 @!p0 $0x0, s1;
	[sflag:s0] =	ssyncset.done @!p0 $0x0  }
0x9e: {  	[sflag:s0] =	ssyncadd.s32 @!p0 s1  }
0x9f: {  	[bflag:$0x3] =	sbarrier.arrive $0xFFFF  }
0xa0: {  	_ =	shalt  }

// kernel: kernel.17.cloned.1.call-start
scs
__scs_entry_jumppad:
0x0: {  	(pc) =	sbr.rel $0x88, $3  }
0x1: {  	(tag) =	ssettag $0x0;
	lr =	simm.s32 $0x1  }
0x2: {  	[smem:$0x3F97] =	sst lr;
	_ =	strace $0xD0000000  }
0x3: {  	_ = 	snop  }
0x4: {  	_ = 	snop  }
0x5: {  	_ = 	snop  }
0x6: {  	_ = 	snop  }
0x7: {  	_ = 	snop  }
__scs_overlays_trampoline_lowered:
0x8: {  	[smem:$0x3FA6] =	sst s0  }
0x9: {  	[smem:$0x3FA7] =	sst s1  }
0xa: {  	[smem:$0x3FA8] =	sst s2  }
0xb: {  	[smem:$0x3FA9] =	sst s3  }
0xc: {  	[smem:$0x3FAA] =	sst s4  }
0xd: {  	[smem:$0x3FAB] =	sst s5  }
0xe: {  	[smem:$0x3FAC] =	sst s6  }
0xf: {  	[smem:$0x3FAD] =	sst s7  }
0x10: {  	[smem:$0x3FAE] =	sst s8  }
0x11: {  	[smem:$0x3FAF] =	sst s9;
	s0 =	simm.s32 @!p0 $0x0  }
0x12: {  	s1 =	sld [smem:$0x3F95];
	s0 =	simm.s32 @p0 $0x1  }
0x13: {  	[smem:$0x3FB0] =	sst s0;
	s0 =	simm.s32 @!p1 $0x0  }
0x14: {  	s2 =	sld [smem:$0x3F94];
	s0 =	simm.s32 @p1 $0x1  }
0x15: {  	[smem:$0x3FB1] =	sst s0;
	s0 =	simm.s32 @!p2 $0x0  }
0x16: {  	s3 =	sld [smem:$0x3FDB];
	s0 =	simm.s32 @p2 $0x1  }
0x17: {  	s4 =	simm.s32 $0x1BF5;
	[smem:$0x3FB3] =	sst s0  }
0x18: {  	s0 =	sld [smem:$0x3F96];
	_ =	swait.ge [sflag:s4], $0x0  }
0x19: {  	s7 =	sld [smem:$0x3F97]  }
0x1a: {  	s8 =	sadd.s32 $0xFFFFE003, lr  }
0x1b: {  	s9 =	sadd.s32 $0xFFFFFEF7, lr;
	s5 =	simm.s32 $0xFFFFFFFF;
	p2 =	slt.u32 s8, $0xFFFFF086  }
0x1c: {  	p1 =	slt.u32 s9, $0xF7A;
	s5 =	simm.s32 @!p2 $0x0  }
0x1d: {  	s5 =	simm.s32 @p1 $0x1;
	p0 =	seq.s32 s7, s2  }
0x1e: {  	s7 =	smul.u32 @!p0 $0xF7A, s2;
	p2 =	seq.s32 @!p0 s5, $0x0  }
0x1f: {  	s9 =	smul.u32 $0xF7A, s1;
	s8 =	simm.s32 @!p0 $0x1BF5;
	p2 =	por !p2, p0  }
0x20: {  	[sflag:s8] =	ssyncset.s32 @!p0 $0xFFFFF086;
	s6 =	sadd.s32 @!p0 s3, s7;
	s7 =	simm.s32 @!p0 $0x108  }
0x21: {  	s3 =	sadd.s32 s3, s9;
	s6 =	sadd.s32 @!p0 $0x88, s6;
	s7 =	simm.s32 @p2 $0x1082  }
0x22: {  	[simem:s7], [sflag:s8] =	dma.local @!p0 [hbm:s6], $0xF7A  }
0x23: {  	s9 =	sor.u32 $0xD0000000, s2;
	s6 =	simm.s32 $0x108;
	_ =	swait.ge @!p0 [sflag:s8], $0x0  }
0x24: {  	s3 =	sadd.s32 $0x88, s3;
	s6 =	simm.s32 @!p1 $0x1082;
	[sflag:s4] =	ssyncset.s32 $0xFFFFF086  }
0x25: {  	[simem:s6], [sflag:s4] =	dma.local [hbm:s3], $0xF7A  }
0x26: {  	[smem:$0x3F97] =	sst s1;
	(tag) =	ssettag s2;
	_ =	strace s9  }
0x27: {  	s1 =	sld [smem:$0x3FA7]  }
0x28: {  	s2 =	sld [smem:$0x3FA8]  }
0x29: {  	s4 =	sld [smem:$0x3FAA]  }
0x2a: {  	p0 =	seq.s32 s5, $0x0;
	s5 =	sld [smem:$0x3FAB]  }
0x2b: {  	s6 =	sld [smem:$0x3FAC]  }
0x2c: {  	s7 =	sld [smem:$0x3FAD]  }
0x2d: {  	s3 =	simm.s32 $0x108;
	s8 =	sld [smem:$0x3FAE]  }
0x2e: {  	s3 =	simm.s32 @!p0 $0x1082;
	s9 =	sld [smem:$0x3FAF]  }
0x2f: {  	lr =	sadd.s32 s0, s3;
	s0 =	sld [smem:$0x3FA6]  }
0x30: {  	s3 =	sld [smem:$0x3FA9]  }
0x31: {  	[smem:$0x3FB2] =	sst s10  }
0x32: {  	s10 =	sld [smem:$0x3FB0];
	_ =	sdelay $0x3  }
0x33: {  	p0 =	seq.s32 s10, $0x1;
	s10 =	sld [smem:$0x3FB2];
	_ =	sdelay $0x3  }
0x34: {  	[smem:$0x3FB2] =	sst s10  }
0x35: {  	s10 =	sld [smem:$0x3FB1];
	_ =	sdelay $0x3  }
0x36: {  	p1 =	seq.s32 s10, $0x1;
	s10 =	sld [smem:$0x3FB2];
	_ =	sdelay $0x3  }
0x37: {  	[smem:$0x3FB2] =	sst s10  }
0x38: {  	s10 =	sld [smem:$0x3FB3]  }
0x39: {  	_ = 	snop;
	(pc) =	sbr.ind lr, $3  }
0x3a: {  	_ = 	snop  }
0x3b: {  	_ = 	snop  }
0x3c: {  	p2 =	seq.s32 s10, $0x1;
	s10 =	sld [smem:$0x3FB2]  }
0x3d: {  	_ =	shalt  }
0x3e: {  	_ =	shalt  }
0x3f: {  	_ =	shalt  }
0x40: {  	_ =	shalt  }
0x41: {  	_ =	shalt  }
0x42: {  	_ =	shalt  }
0x43: {  	_ =	shalt  }
0x44: {  	_ =	shalt  }
0x45: {  	_ =	shalt  }
0x46: {  	_ =	shalt  }
0x47: {  	_ =	shalt  }
0x48: {  	_ =	shalt  }
0x49: {  	_ =	shalt  }
0x4a: {  	_ =	shalt  }
0x4b: {  	_ =	shalt  }
0x4c: {  	_ =	shalt  }
0x4d: {  	_ =	shalt  }
0x4e: {  	_ =	shalt  }
0x4f: {  	_ =	shalt  }
0x50: {  	_ =	shalt  }
0x51: {  	_ =	shalt  }
0x52: {  	_ =	shalt  }
0x53: {  	_ =	shalt  }
0x54: {  	_ =	shalt  }
0x55: {  	_ =	shalt  }
0x56: {  	_ =	shalt  }
0x57: {  	_ =	shalt  }
0x58: {  	_ =	shalt  }
0x59: {  	_ =	shalt  }
0x5a: {  	_ =	shalt  }
0x5b: {  	_ =	shalt  }
0x5c: {  	_ =	shalt  }
0x5d: {  	_ =	shalt  }
0x5e: {  	_ =	shalt  }
0x5f: {  	_ =	shalt  }
0x60: {  	_ =	shalt  }
0x61: {  	_ =	shalt  }
0x62: {  	_ =	shalt  }
0x63: {  	_ =	shalt  }
0x64: {  	_ =	shalt  }
0x65: {  	_ =	shalt  }
0x66: {  	_ =	shalt  }
0x67: {  	_ =	shalt  }
0x68: {  	_ =	shalt  }
0x69: {  	_ =	shalt  }
0x6a: {  	_ =	shalt  }
0x6b: {  	_ =	shalt  }
0x6c: {  	_ =	shalt  }
0x6d: {  	_ =	shalt  }
0x6e: {  	_ =	shalt  }
0x6f: {  	_ =	shalt  }
0x70: {  	_ =	shalt  }
0x71: {  	_ =	shalt  }
0x72: {  	_ =	shalt  }
0x73: {  	_ =	shalt  }
0x74: {  	_ =	shalt  }
0x75: {  	_ =	shalt  }
0x76: {  	_ =	shalt  }
0x77: {  	_ =	shalt  }
0x78: {  	_ =	shalt  }
0x79: {  	_ =	shalt  }
0x7a: {  	_ =	shalt  }
0x7b: {  	_ =	shalt  }
0x7c: {  	_ =	shalt  }
0x7d: {  	_ =	shalt  }
0x7e: {  	_ =	shalt  }
0x7f: {  	_ =	shalt  }
0x80: {  	_ =	shalt  }
0x81: {  	_ =	shalt  }
0x82: {  	_ =	shalt  }
0x83: {  	_ =	shalt  }
0x84: {  	_ =	shalt  }
0x85: {  	_ =	shalt  }
0x86: {  	_ =	shalt  }
0x87: {  	_ =	shalt  }
.Lfunc_end0:
.L_simem_size_0:
called_computation.2_lowered:
.L_overlay_start_0:
0x88: {  	s2 =	sld [smem:$0x3FD9]  }
0x89: {  	s3 =	sld [smem:$0x3FFE];
	_ =	sdelay $0x1  }
0x8a: {  	s1 =	srdreg.scid  }
0x8b: {  	s0 =	sand.u32 $0x1, s1  }
0x8c: {  	s16 =	sshll.u32 s0, $0xA;
	s2 =	sadd.s32 s3, s2  }
0x8d: {  	s2 =	sadd.s32 s2, s16  }
0x8e: {  	[smem:$0x3FBE] =	sst s2  }
0x8f: {  	_ = 	snop  }
0x90: {  	(tm) =	ssettm $0x1  }
0x91: {  	s17 =	sld [smem:$0x3FFB];
	_ =	sdelay $0x3  }
0x92: {  	_ =	strace s17  }
0x93: {  	s2 =	sld [smem:$0x3FFC];
	_ =	sdelay $0x3  }
0x94: {  	_ =	strace s2  }
0x95: {  	s2 =	sld [smem:$0x3FFD];
	_ =	sdelay $0x3  }
0x96: {  	_ =	strace s2  }
0x97: {  	_ =	strace $0x8FFFFFFF  }
0x98: {  	s18 =	sld [smem:$0x3FDB];
	_ =	sdelay $0x1  }
0x99: {  	s19 =	simm.s32 $_scs_section_size  }
0x9a: {  	s4 =	simm.s32 $_size__tile_overlayer_lowered;
	s5 =	simm.s32 $_tile_overlayer_lowered  }
0x9b: {  	s22 =	simm.s32 $0x1BFF;
	s21 =	sshll.u32 s5, $0x1;
	s2 =	sadd.s32 s19, s18  }
0x9c: {  	s6 =	simm.s32 $0x0;
	s20 =	sshll.u32 s4, $0x1;
	s4 =	sadd.s32 s21, s2  }
0x9d: {  	[timem:s6], [sflag:s22] =	dma.local [hbm:s4], s20  }
0x9e: {  	_ =	swait.ge [sflag:s22], s20  }
0x9f: {  	s3 =	ssub.s32 $0x0, s20;
	[sflag:s22] =	ssyncset.done $0x0  }
0xa0: {  	[sflag:s22] =	ssyncadd.s32 s3;
	_ =	sdelay $0x1  }
0xa1: {  	s23 =	simm.s32 $0x1B8B  }
0xa2: {  	_ =	swait.ge [sflag:s23], $0x1  }
0xa3: {  	[sflag:s23] =	ssyncset.done $0x0  }
0xa4: {  	s25 =	simm.s32 $0x1B8E;
	s24 =	sld [smem:$0x3FFE];
	[sflag:s23] =	ssyncadd.s32 $0xFFFFFFFF  }
0xa5: {  	s26 =	simm.s32 $execute0_lowered;
	[smem:$0x3FD2] =	sst s25  }
0xa6: {  	s4 =	sshll.u32 s26, $0x1;
	_ =	strace $0x8000004C;
	[dreg:$0x1] =	wrdreg $0xFFFFFFFF  }
0xa7: {  	s28 =	simm.s32 $_size_execute0_lowered;
	s2 =	sadd.s32 s2, s4;
	[dreg:$0x0] =	wrdreg $0x0  }
0xa8: {  	s4 =	sshll.u32 s28, $0x1;
	[dreg:$0x2] =	wrdreg s2  }
0xa9: {  	[dreg:$0x3] =	wrdreg s4  }
0xaa: {  	[dreg:$0x4] =	wrdreg $0xC0  }
0xab: {  	_ =	task [dreg:s6], $0x5FFFF  }
0xac: {  	[dreg:$0x1] =	wrdreg $0xFFFFFFFF  }
0xad: {  	[dreg:$0x0] =	wrdreg $0x60  }
0xae: {  	[dreg:$0x2] =	wrdreg s24  }
0xaf: {  	[dreg:$0x3] =	wrdreg $0xA8000  }
0xb0: {  	[dreg:$0x4] =	wrdreg $0x9  }
0xb1: {  	_ =	task.clear_ibuf [dreg:s6], $0x5FFFF;
	_ =	strace $0x9000004C  }
0xb2: {  	s29 =	simm.s32 $0x9;
	_ =	strace $0x8000004E  }
0xb3: {  	_ =	swait.ge [sflag:s29], $0x1  }
0xb4: {  	[sflag:s29] =	ssyncadd.s32 $0xFFFFFFFF  }
0xb5: {  	_ =	strace $0x9000004E  }
0xb6: {  	_ =	sfence  }
0xb7: {  	s30 =	sld [smem:$0x0];
	_ =	sdelay $0x2  }
0xb8: {  	s31 =	sshll.u32 s1, $0xD;
	s1 =	sshrl.u32 s1, $0x2  }
0xb9: {  	s3 =	sand.u32 $0x4000, s31;
	s1 =	sadd.s32 s1, s30  }
0xba: {  	s0 =	sor.u32 s3, s0;
	s1 =	sshll.u32 s1, $0x11  }
0xbb: {  	s0 =	sor.u32 s1, s0  }
0xbc: {  	s0 =	sadd.s32 $0x8F2B, s0  }
0xbd: {  	[sflag:s0] =	ssyncadd.remote.s32 $0x1  }
0xbe: {  	_ =	sfence.sel $0xFFFF  }
0xbf: {  	[dreg:$0x0] =	wrdreg $0xFFFFFFFF;
	(pc) =	sbr.abs _section_cstart, $3  }
0xc0: {  	[dreg:$0x1] =	wrdreg $0xFFFFFFFF  }
0xc1: {  	_ =	task.clear_ibuf [dreg:s6], $0x2FFFF;
	_ =	strace $0x9FFFFFFF  }
0xc2: {  	(tm) =	ssettm $0x7FFFFFFF  }
0xc3: {  	_ =	shalt  }
tec
execute0_lowered:
.L_overlay_start_1:
0x0: {  	(tag) =	ssettag $0x1  }
0x1: {  	s6 =	rddreg [dreg:$0x0]  }
0x2: {  	s1 =	rddreg [dreg:$0x1]  }
0x3: {  	s2 =	srdreg.scid;
	s0 =	rddreg [dreg:$0x2]  }
0x4: {  	s3 =	simm.s32 $0x0;
	s17 =	simm.s32 $0x1;
	s18 =	simm.s32 $0x80  }
0x5: {  	s19 =	simm.s32 $0x2800;
	s20 =	simm.s32 $0x6800;
	s21 =	simm.s32 $0x2  }
0x6: {  	s22 =	simm.s32 $0x2700;
	s23 =	simm.s32 $0x2780;
	s24 =	simm.s32 $0x0  }
0x7: {  	s7 =	sand.u32 $0x1, s2;
	s2 =	stileid.u32;
	[smem:$0x7FF] =	sst s3  }
0x8: {  	s4 =	sadd.s32 $0x17400, s6;
	s10 =	sadd.s32 $0xD400, s6;
	s8 =	smul.u32 $0x140000, s7  }
0x9: {  	s11 =	sadd.s32 $0x3400, s6;
	s5 =	sadd.s32 $0x3F400, s6;
	s9 =	smul.u32 $0x14000, s2  }
0xa: {  	_ =	strace $0x8000004D;
	s25 =	ssub.s32 $0x2, s7;
	s7 =	sshll.u32 s7, $0x4  }
0xb: {  	s13 =	smul.u32 $0x50000, s2;
	s12 =	sshrl.u32 s25, $0x1;
	s7 =	sor.u32 s2, s7  }
0xc: {  	s8 =	sadd.s32 s9, s8;
	s15 =	ssub.s32 s25, s12;
	s26 =	smul.u32 $0x2800, s7  }
0xd: {  	s28 =	sshrl.u32 s13, $0x2;
	s29 =	smul.u32 $0x500, s7;
	s8 =	sshrl.u32 s8, $0x3  }
0xe: {  	s16 =	sadd.s32 s28, s1;
	s13 =	smax.u32 s15, $0x1;
	s15 =	simm.s32 $0x3  }
0xf: {  	s14 =	sadd.s32 s8, s6;
	s6 =	sshll.u32 s2, $0x6;
	s30 =	sshrl.u32 s26, $0x3  }
0x10: {  	s8 =	sadd.s32 s10, s29;
	s9 =	sadd.s32 s11, s29;
	s7 =	sor.u32 $0x1C01, s6  }
0x11: {  	s31 =	sadd.s32 $0x280, s30;
	s12 =	sadd.s32 $0x41C00, s14;
	s14 =	sshrl.u32 s16, $0x3  }
0x12: {  	s16 =	simm.s32 $0x1400;
	s10 =	sadd.s32 s10, s31;
	s11 =	sadd.s32 s11, s31  }
.LBB2_1:
0x13: {  	[spmem:s14], [sflag:s7] =	dma.local [hbm:s5], $0x2800  }
0x14: {  	[tilespmem:s3], [sflag:$0x3] =	stream.linear.gather [hbm4b:s8+s3], $0x1400, $0x38;
	[tilespmem:$0x1E800] =	vst v63  }
0x15: {  	_ =	swait.ge [sflag:s15], $0x1400  }
0x16: {  	[sflag:s15] =	ssyncset.done $0x0  }
0x17: {  	[sflag:s15] =	ssyncadd.s32 $0xFFFFEC00  }
0x18: {  	[tilespmem:s16], [sflag:$0x3] =	stream.linear.gather [hbm4b:s9+s3], $0x1400, $0x38;
	[tilespmem:$0x1E800] =	vst v63  }
0x19: {  	_ =	swait.ge [sflag:s15], $0x1400  }
0x1a: {  	[sflag:s15] =	ssyncset.done $0x0  }
0x1b: {  	[sflag:s15] =	ssyncadd.s32 $0xFFFFEC00  }
0x1c: {  	_ =	swait.ge [sflag:s17], $0x2800  }
0x1d: {  	[sflag:s17] =	ssyncset.done $0x0  }
0x1e: {  	[sflag:s17] =	ssyncadd.s32 $0xFFFFD800  }
0x1f: {  	[bflag:$0x0] =	sbarrier.arrive $0xFFFF  }
0x20: {  	[tilespmem:s19], [sflag:$0x1] =	stream.indirect.gather [hbm4b:s4+s18], $0x80, s3, s18, $0xb8;
	[tilespmem:$0x1E800] =	vst v63  }
0x21: {  	_ = 	snop  }
0x22: {  	[tilespmem:s20], [sflag:$0x2] =	stream.indirect.gather [hbm4b:s4+s18], $0x80, s18, s18, $0xb8;
	[tilespmem:$0x1E800] =	vst v63  }
0x23: {  	_ =	swait.ge [sflag:s17], $0x4000  }
0x24: {  	[sflag:s17] =	ssyncset.done $0x0  }
0x25: {  	s25 =	simm.s32 $0x1400;
	[sflag:s17] =	ssyncadd.s32 $0xFFFFC000  }
0x26: {  	[spmem:s1] =	stream.indirect.scatter.add.f32 [tilespmem:s19], [sflag:$0x3], $0x80, s25, s18, $0xb8;
	[tilespmem:$0x1E800] =	vst v63  }
0x27: {  	_ =	swait.ge [sflag:s15], $0x4000  }
0x28: {  	[sflag:s15] =	ssyncset.done $0x0  }
0x29: {  	s30 =	simm.s32 $0x100;
	[sflag:s15] =	ssyncadd.s32 $0xFFFFC000  }
0x2a: {  	[tilespmem:s19], [sflag:$0x1] =	stream.indirect.gather [hbm4b:s4+s18], $0x80, s30, s18, $0xb8;
	[tilespmem:$0x1E800] =	vst v63  }
0x2b: {  	_ =	swait.ge [sflag:s21], $0x4000  }
0x2c: {  	[sflag:s21] =	ssyncset.done $0x0  }
0x2d: {  	s31 =	simm.s32 $0x1480;
	[sflag:s21] =	ssyncadd.s32 $0xFFFFC000  }
0x2e: {  	[spmem:s1] =	stream.indirect.scatter.add.f32 [tilespmem:s20], [sflag:$0x3], $0x80, s31, s18, $0xb8;
	[tilespmem:$0x1E800] =	vst v63  }
0x2f: {  	_ =	swait.ge [sflag:s15], $0x4000  }
0x30: {  	[sflag:s15] =	ssyncset.done $0x0  }
0x31: {  	s26 =	simm.s32 $0x180;
	s25 =	simm.s32 $0x400;
	[sflag:s15] =	ssyncadd.s32 $0xFFFFC000  }
.LBB2_2:
0x32: {  	[tilespmem:s20], [sflag:$0x2] =	stream.indirect.gather [hbm4b:s4+s18], $0x80, s26, s18, $0xb8;
	[tilespmem:$0x1E800] =	vst v63  }
0x33: {  	s26 =	smov.u32 s25  }
0x34: {  	p0 =	sne.s32 s25, $0x4800;
	s25 =	sadd.s32 $0x400, s25;
	_ =	swait.ge [sflag:s17], $0x4000  }
0x35: {  	s26 =	sshra.s32 s26, $0x2;
	[sflag:s17] =	ssyncset.done $0x0  }
0x36: {  	s28 =	sadd.s32 $0x1400, s26;
	[sflag:s17] =	ssyncadd.s32 $0xFFFFC000  }
0x37: {  	[spmem:s1] =	stream.indirect.scatter.add.f32 [tilespmem:s19], [sflag:$0x3], $0x80, s28, s18, $0xb8;
	[tilespmem:$0x1E800] =	vst v63  }
0x38: {  	_ =	swait.ge [sflag:s15], $0x4000  }
0x39: {  	[sflag:s15] =	ssyncset.done $0x0  }
0x3a: {  	s28 =	sadd.s32 $0x100, s26;
	[sflag:s15] =	ssyncadd.s32 $0xFFFFC000  }
0x3b: {  	[tilespmem:s19], [sflag:$0x1] =	stream.indirect.gather [hbm4b:s4+s18], $0x80, s28, s18, $0xb8;
	[tilespmem:$0x1E800] =	vst v63  }
0x3c: {  	_ =	swait.ge [sflag:s21], $0x4000  }
0x3d: {  	[sflag:s21] =	ssyncset.done $0x0  }
.Ltmp0:
0x3e: {  	s28 =	sadd.s32 $0x1480, s26;
	[sflag:s21] =	ssyncadd.s32 $0xFFFFC000;
	(pc) =	sbr.rel @p0 .LBB2_2-.Ltmp0, $4  }
0x3f: {  	[spmem:s1] =	stream.indirect.scatter.add.f32 [tilespmem:s20], [sflag:$0x3], $0x80, s28, s18, $0xb8;
	[tilespmem:$0x1E800] =	vst v63  }
0x40: {  	_ =	swait.ge [sflag:s15], $0x4000  }
0x41: {  	[sflag:s15] =	ssyncset.done $0x0  }
0x42: {  	s26 =	sadd.s32 $0x180, s26;
	[sflag:s15] =	ssyncadd.s32 $0xFFFFC000  }
0x43: {  	[tilespmem:s20], [sflag:$0x2] =	stream.indirect.gather [hbm4b:s4+s18], $0x80, s26, s18, $0xb8;
	[tilespmem:$0x1E800] =	vst v63  }
0x44: {  	_ =	swait.ge [sflag:s17], $0x4000  }
0x45: {  	[sflag:s17] =	ssyncset.done $0x0  }
0x46: {  	[sflag:s17] =	ssyncadd.s32 $0xFFFFC000  }
0x47: {  	[spmem:s1] =	stream.indirect.scatter.add.f32 [tilespmem:s19], [sflag:$0x3], $0x80, s22, s18, $0xb8;
	[tilespmem:$0x1E800] =	vst v63  }
0x48: {  	_ =	swait.ge [sflag:s15], $0x4000  }
0x49: {  	[sflag:s15] =	ssyncset.done $0x0  }
0x4a: {  	[sflag:s15] =	ssyncadd.s32 $0xFFFFC000  }
0x4b: {  	_ =	swait.ge [sflag:s21], $0x4000  }
0x4c: {  	[sflag:s21] =	ssyncset.done $0x0  }
0x4d: {  	[sflag:s21] =	ssyncadd.s32 $0xFFFFC000  }
0x4e: {  	[spmem:s1] =	stream.indirect.scatter.add.f32 [tilespmem:s20], [sflag:$0x3], $0x80, s23, s18, $0xb8;
	[tilespmem:$0x1E800] =	vst v63  }
0x4f: {  	_ =	swait.ge [sflag:s15], $0x4000  }
0x50: {  	[sflag:s15] =	ssyncset.done $0x0  }
0x51: {  	s25 =	simm.s32 $0x0;
	[sflag:s15] =	ssyncadd.s32 $0xFFFFC000  }
0x52: {  	[tilespmem:s25], [sflag:$0x3] =	stream.linear.gather [hbm4b:s10+s25], $0x1400, $0x38;
	[tilespmem:$0x1E800] =	vst v63  }
0x53: {  	_ =	swait.ge [sflag:s15], $0x1400  }
0x54: {  	[sflag:s15] =	ssyncset.done $0x0  }
0x55: {  	[sflag:s15] =	ssyncadd.s32 $0xFFFFEC00  }
0x56: {  	[tilespmem:s16], [sflag:$0x3] =	stream.linear.gather [hbm4b:s11+s25], $0x1400, $0x38;
	[tilespmem:$0x1E800] =	vst v63  }
0x57: {  	_ =	swait.ge [sflag:s15], $0x1400  }
0x58: {  	[sflag:s15] =	ssyncset.done $0x0  }
0x59: {  	[sflag:s15] =	ssyncadd.s32 $0xFFFFEC00  }
0x5a: {  	[tilespmem:s19], [sflag:$0x1] =	stream.indirect.gather [hbm4b:s4+s18], $0x80, s25, s18, $0xb8;
	[tilespmem:$0x1E800] =	vst v63  }
0x5b: {  	_ = 	snop  }
0x5c: {  	[tilespmem:s20], [sflag:$0x2] =	stream.indirect.gather [hbm4b:s4+s18], $0x80, s18, s18, $0xb8;
	[tilespmem:$0x1E800] =	vst v63  }
0x5d: {  	_ =	swait.ge [sflag:s17], $0x4000  }
0x5e: {  	[sflag:s17] =	ssyncset.done $0x0  }
0x5f: {  	s29 =	simm.s32 $0x1400;
	[sflag:s17] =	ssyncadd.s32 $0xFFFFC000  }
0x60: {  	[spmem:s1] =	stream.indirect.scatter.add.f32 [tilespmem:s19], [sflag:$0x3], $0x80, s29, s18, $0xb8;
	[tilespmem:$0x1E800] =	vst v63  }
0x61: {  	_ =	swait.ge [sflag:s15], $0x4000  }
0x62: {  	[sflag:s15] =	ssyncset.done $0x0  }
0x63: {  	s30 =	simm.s32 $0x100;
	[sflag:s15] =	ssyncadd.s32 $0xFFFFC000  }
0x64: {  	[tilespmem:s19], [sflag:$0x1] =	stream.indirect.gather [hbm4b:s4+s18], $0x80, s30, s18, $0xb8;
	[tilespmem:$0x1E800] =	vst v63  }
0x65: {  	_ =	swait.ge [sflag:s21], $0x4000  }
0x66: {  	[sflag:s21] =	ssyncset.done $0x0  }
0x67: {  	s31 =	simm.s32 $0x1480;
	[sflag:s21] =	ssyncadd.s32 $0xFFFFC000  }
0x68: {  	[spmem:s1] =	stream.indirect.scatter.add.f32 [tilespmem:s20], [sflag:$0x3], $0x80, s31, s18, $0xb8;
	[tilespmem:$0x1E800] =	vst v63  }
0x69: {  	_ =	swait.ge [sflag:s15], $0x4000  }
0x6a: {  	[sflag:s15] =	ssyncset.done $0x0  }
0x6b: {  	s26 =	simm.s32 $0x180;
	s25 =	simm.s32 $0x400;
	[sflag:s15] =	ssyncadd.s32 $0xFFFFC000  }
.LBB2_4:
0x6c: {  	[tilespmem:s20], [sflag:$0x2] =	stream.indirect.gather [hbm4b:s4+s18], $0x80, s26, s18, $0xb8;
	[tilespmem:$0x1E800] =	vst v63  }
0x6d: {  	s26 =	smov.u32 s25  }
0x6e: {  	p0 =	sne.s32 s25, $0x4800;
	s25 =	sadd.s32 $0x400, s25;
	_ =	swait.ge [sflag:s17], $0x4000  }
0x6f: {  	s26 =	sshra.s32 s26, $0x2;
	[sflag:s17] =	ssyncset.done $0x0  }
0x70: {  	s28 =	sadd.s32 $0x1400, s26;
	[sflag:s17] =	ssyncadd.s32 $0xFFFFC000  }
0x71: {  	[spmem:s1] =	stream.indirect.scatter.add.f32 [tilespmem:s19], [sflag:$0x3], $0x80, s28, s18, $0xb8;
	[tilespmem:$0x1E800] =	vst v63  }
0x72: {  	_ =	swait.ge [sflag:s15], $0x4000  }
0x73: {  	[sflag:s15] =	ssyncset.done $0x0  }
0x74: {  	s28 =	sadd.s32 $0x100, s26;
	[sflag:s15] =	ssyncadd.s32 $0xFFFFC000  }
0x75: {  	[tilespmem:s19], [sflag:$0x1] =	stream.indirect.gather [hbm4b:s4+s18], $0x80, s28, s18, $0xb8;
	[tilespmem:$0x1E800] =	vst v63  }
0x76: {  	_ =	swait.ge [sflag:s21], $0x4000  }
0x77: {  	[sflag:s21] =	ssyncset.done $0x0  }
.Ltmp1:
0x78: {  	s28 =	sadd.s32 $0x1480, s26;
	[sflag:s21] =	ssyncadd.s32 $0xFFFFC000;
	(pc) =	sbr.rel @p0 .LBB2_4-.Ltmp1, $4  }
0x79: {  	[spmem:s1] =	stream.indirect.scatter.add.f32 [tilespmem:s20], [sflag:$0x3], $0x80, s28, s18, $0xb8;
	[tilespmem:$0x1E800] =	vst v63  }
0x7a: {  	_ =	swait.ge [sflag:s15], $0x4000  }
0x7b: {  	[sflag:s15] =	ssyncset.done $0x0  }
0x7c: {  	s26 =	sadd.s32 $0x180, s26;
	[sflag:s15] =	ssyncadd.s32 $0xFFFFC000  }
0x7d: {  	[tilespmem:s20], [sflag:$0x2] =	stream.indirect.gather [hbm4b:s4+s18], $0x80, s26, s18, $0xb8;
	[tilespmem:$0x1E800] =	vst v63  }
0x7e: {  	_ =	swait.ge [sflag:s17], $0x4000  }
0x7f: {  	[sflag:s17] =	ssyncset.done $0x0  }
0x80: {  	[sflag:s17] =	ssyncadd.s32 $0xFFFFC000  }
0x81: {  	[spmem:s1] =	stream.indirect.scatter.add.f32 [tilespmem:s19], [sflag:$0x3], $0x80, s22, s18, $0xb8;
	[tilespmem:$0x1E800] =	vst v63  }
0x82: {  	_ =	swait.ge [sflag:s15], $0x4000  }
0x83: {  	[sflag:s15] =	ssyncset.done $0x0  }
0x84: {  	[sflag:s15] =	ssyncadd.s32 $0xFFFFC000  }
0x85: {  	_ =	swait.ge [sflag:s21], $0x4000  }
0x86: {  	[sflag:s21] =	ssyncset.done $0x0  }
0x87: {  	[sflag:s21] =	ssyncadd.s32 $0xFFFFC000  }
0x88: {  	[spmem:s1] =	stream.indirect.scatter.add.f32 [tilespmem:s20], [sflag:$0x3], $0x80, s23, s18, $0xb8;
	[tilespmem:$0x1E800] =	vst v63  }
0x89: {  	_ =	swait.ge [sflag:s15], $0x4000  }
0x8a: {  	s24 =	sadd.s32 $0x1, s24;
	[sflag:s15] =	ssyncset.done $0x0  }
0x8b: {  	p0 =	sne.s32 s24, s13;
	[sflag:s15] =	ssyncadd.s32 $0xFFFFC000  }
.Ltmp2:
0x8c: {  	s25 =	sor.u32 $0x1C03, s6;
	[bflag:$0x0] =	sbarrier.arrive $0xFFFF;
	(pc) =	sbr.rel @p0 .LBB2_1-.Ltmp2, $4  }
0x8d: {  	[hbm:s12], [sflag:s25] =	dma.local [spmem:s14], $0x2800  }
0x8e: {  	_ =	swait.ge [sflag:s15], $0x2800  }
0x8f: {  	[sflag:s15] =	ssyncset.done $0x0  }
0x90: {  	[sflag:s15] =	ssyncadd.s32 $0xFFFFD800  }
0x91: {  	_ =	sfence.sel $0x180000  }
0x92: {  	[bflag:$0x0] =	sbarrier.arrive $0xFFFF  }
0x93: {  	p0 =	sne.s32 s2, $0x0;
	_ =	strace $0x9000004D  }
0x94: {  	s0 =	sadd.s32 @!p0 $0x100000, s0;
	[bflag:$0x2] =	sbarrier.arrive $0xFFFF  }
0x95: {  	[sflag:s0] =	ssyncadd.tile.s32 @!p0 $0x1;
	_ =	shalt  }
.Lfunc_end2:
_tile_overlayer_lowered:
.L_overlay_start_2:
0x96: {  	(tag) =	ssettag $0x2  }
0x97: {  	s0 =	rddreg [dreg:$0x0];
	s2 =	stileid.u32  }
0x98: {  	s1 =	rddreg [dreg:$0x1];
	p0 =	sne.s32 s2, $0x0  }
0x99: {  	s3 =	rddreg [dreg:$0x2];
	[bflag:$0x3] =	sbarrier.arrive $0xFFFF;
	s2 =	simm.s32 @!p0 $0x1C03  }
0x9a: {  	[timem:s3], [sflag:s2] =	dma.local @!p0 [hbm:s0], s1  }
0x9b: {  	s0 =	simm.s32 @!p0 $0x3  }
0x9c: {  	_ =	swait.ge @!p0 [sflag:s0], s1  }
0x9d: {  	s1 =	ssub.s32 @!p0 $0x0, s1;
	[sflag:s0] =	ssyncset.done @!p0 $0x0  }
0x9e: {  	[sflag:s0] =	ssyncadd.s32 @!p0 s1  }
0x9f: {  	[bflag:$0x3] =	sbarrier.arrive $0xFFFF  }
0xa0: {  	_ =	shalt  }

// kernel: kernel.20.cloned.1.call-start
scs
__scs_entry_jumppad:
0x0: {  	(pc) =	sbr.rel $0x88, $3  }
0x1: {  	(tag) =	ssettag $0x0;
	lr =	simm.s32 $0x1  }
0x2: {  	[smem:$0x3F97] =	sst lr;
	_ =	strace $0xD0000000  }
0x3: {  	_ = 	snop  }
0x4: {  	_ = 	snop  }
0x5: {  	_ = 	snop  }
0x6: {  	_ = 	snop  }
0x7: {  	_ = 	snop  }
__scs_overlays_trampoline_lowered:
0x8: {  	[smem:$0x3FA6] =	sst s0  }
0x9: {  	[smem:$0x3FA7] =	sst s1  }
0xa: {  	[smem:$0x3FA8] =	sst s2  }
0xb: {  	[smem:$0x3FA9] =	sst s3  }
0xc: {  	[smem:$0x3FAA] =	sst s4  }
0xd: {  	[smem:$0x3FAB] =	sst s5  }
0xe: {  	[smem:$0x3FAC] =	sst s6  }
0xf: {  	[smem:$0x3FAD] =	sst s7  }
0x10: {  	[smem:$0x3FAE] =	sst s8  }
0x11: {  	[smem:$0x3FAF] =	sst s9;
	s0 =	simm.s32 @!p0 $0x0  }
0x12: {  	s1 =	sld [smem:$0x3F95];
	s0 =	simm.s32 @p0 $0x1  }
0x13: {  	[smem:$0x3FB0] =	sst s0;
	s0 =	simm.s32 @!p1 $0x0  }
0x14: {  	s2 =	sld [smem:$0x3F94];
	s0 =	simm.s32 @p1 $0x1  }
0x15: {  	[smem:$0x3FB1] =	sst s0;
	s0 =	simm.s32 @!p2 $0x0  }
0x16: {  	s3 =	sld [smem:$0x3FDB];
	s0 =	simm.s32 @p2 $0x1  }
0x17: {  	s4 =	simm.s32 $0x1BF5;
	[smem:$0x3FB3] =	sst s0  }
0x18: {  	s0 =	sld [smem:$0x3F96];
	_ =	swait.ge [sflag:s4], $0x0  }
0x19: {  	s7 =	sld [smem:$0x3F97]  }
0x1a: {  	s8 =	sadd.s32 $0xFFFFE003, lr  }
0x1b: {  	s9 =	sadd.s32 $0xFFFFFEF7, lr;
	s5 =	simm.s32 $0xFFFFFFFF;
	p2 =	slt.u32 s8, $0xFFFFF086  }
0x1c: {  	p1 =	slt.u32 s9, $0xF7A;
	s5 =	simm.s32 @!p2 $0x0  }
0x1d: {  	s5 =	simm.s32 @p1 $0x1;
	p0 =	seq.s32 s7, s2  }
0x1e: {  	s7 =	smul.u32 @!p0 $0xF7A, s2;
	p2 =	seq.s32 @!p0 s5, $0x0  }
0x1f: {  	s9 =	smul.u32 $0xF7A, s1;
	s8 =	simm.s32 @!p0 $0x1BF5;
	p2 =	por !p2, p0  }
0x20: {  	[sflag:s8] =	ssyncset.s32 @!p0 $0xFFFFF086;
	s6 =	sadd.s32 @!p0 s3, s7;
	s7 =	simm.s32 @!p0 $0x108  }
0x21: {  	s3 =	sadd.s32 s3, s9;
	s6 =	sadd.s32 @!p0 $0x88, s6;
	s7 =	simm.s32 @p2 $0x1082  }
0x22: {  	[simem:s7], [sflag:s8] =	dma.local @!p0 [hbm:s6], $0xF7A  }
0x23: {  	s9 =	sor.u32 $0xD0000000, s2;
	s6 =	simm.s32 $0x108;
	_ =	swait.ge @!p0 [sflag:s8], $0x0  }
0x24: {  	s3 =	sadd.s32 $0x88, s3;
	s6 =	simm.s32 @!p1 $0x1082;
	[sflag:s4] =	ssyncset.s32 $0xFFFFF086  }
0x25: {  	[simem:s6], [sflag:s4] =	dma.local [hbm:s3], $0xF7A  }
0x26: {  	[smem:$0x3F97] =	sst s1;
	(tag) =	ssettag s2;
	_ =	strace s9  }
0x27: {  	s1 =	sld [smem:$0x3FA7]  }
0x28: {  	s2 =	sld [smem:$0x3FA8]  }
0x29: {  	s4 =	sld [smem:$0x3FAA]  }
0x2a: {  	p0 =	seq.s32 s5, $0x0;
	s5 =	sld [smem:$0x3FAB]  }
0x2b: {  	s6 =	sld [smem:$0x3FAC]  }
0x2c: {  	s7 =	sld [smem:$0x3FAD]  }
0x2d: {  	s3 =	simm.s32 $0x108;
	s8 =	sld [smem:$0x3FAE]  }
0x2e: {  	s3 =	simm.s32 @!p0 $0x1082;
	s9 =	sld [smem:$0x3FAF]  }
0x2f: {  	lr =	sadd.s32 s0, s3;
	s0 =	sld [smem:$0x3FA6]  }
0x30: {  	s3 =	sld [smem:$0x3FA9]  }
0x31: {  	[smem:$0x3FB2] =	sst s10  }
0x32: {  	s10 =	sld [smem:$0x3FB0];
	_ =	sdelay $0x3  }
0x33: {  	p0 =	seq.s32 s10, $0x1;
	s10 =	sld [smem:$0x3FB2];
	_ =	sdelay $0x3  }
0x34: {  	[smem:$0x3FB2] =	sst s10  }
0x35: {  	s10 =	sld [smem:$0x3FB1];
	_ =	sdelay $0x3  }
0x36: {  	p1 =	seq.s32 s10, $0x1;
	s10 =	sld [smem:$0x3FB2];
	_ =	sdelay $0x3  }
0x37: {  	[smem:$0x3FB2] =	sst s10  }
0x38: {  	s10 =	sld [smem:$0x3FB3]  }
0x39: {  	_ = 	snop;
	(pc) =	sbr.ind lr, $3  }
0x3a: {  	_ = 	snop  }
0x3b: {  	_ = 	snop  }
0x3c: {  	p2 =	seq.s32 s10, $0x1;
	s10 =	sld [smem:$0x3FB2]  }
0x3d: {  	_ =	shalt  }
0x3e: {  	_ =	shalt  }
0x3f: {  	_ =	shalt  }
0x40: {  	_ =	shalt  }
0x41: {  	_ =	shalt  }
0x42: {  	_ =	shalt  }
0x43: {  	_ =	shalt  }
0x44: {  	_ =	shalt  }
0x45: {  	_ =	shalt  }
0x46: {  	_ =	shalt  }
0x47: {  	_ =	shalt  }
0x48: {  	_ =	shalt  }
0x49: {  	_ =	shalt  }
0x4a: {  	_ =	shalt  }
0x4b: {  	_ =	shalt  }
0x4c: {  	_ =	shalt  }
0x4d: {  	_ =	shalt  }
0x4e: {  	_ =	shalt  }
0x4f: {  	_ =	shalt  }
0x50: {  	_ =	shalt  }
0x51: {  	_ =	shalt  }
0x52: {  	_ =	shalt  }
0x53: {  	_ =	shalt  }
0x54: {  	_ =	shalt  }
0x55: {  	_ =	shalt  }
0x56: {  	_ =	shalt  }
0x57: {  	_ =	shalt  }
0x58: {  	_ =	shalt  }
0x59: {  	_ =	shalt  }
0x5a: {  	_ =	shalt  }
0x5b: {  	_ =	shalt  }
0x5c: {  	_ =	shalt  }
0x5d: {  	_ =	shalt  }
0x5e: {  	_ =	shalt  }
0x5f: {  	_ =	shalt  }
0x60: {  	_ =	shalt  }
0x61: {  	_ =	shalt  }
0x62: {  	_ =	shalt  }
0x63: {  	_ =	shalt  }
0x64: {  	_ =	shalt  }
0x65: {  	_ =	shalt  }
0x66: {  	_ =	shalt  }
0x67: {  	_ =	shalt  }
0x68: {  	_ =	shalt  }
0x69: {  	_ =	shalt  }
0x6a: {  	_ =	shalt  }
0x6b: {  	_ =	shalt  }
0x6c: {  	_ =	shalt  }
0x6d: {  	_ =	shalt  }
0x6e: {  	_ =	shalt  }
0x6f: {  	_ =	shalt  }
0x70: {  	_ =	shalt  }
0x71: {  	_ =	shalt  }
0x72: {  	_ =	shalt  }
0x73: {  	_ =	shalt  }
0x74: {  	_ =	shalt  }
0x75: {  	_ =	shalt  }
0x76: {  	_ =	shalt  }
0x77: {  	_ =	shalt  }
0x78: {  	_ =	shalt  }
0x79: {  	_ =	shalt  }
0x7a: {  	_ =	shalt  }
0x7b: {  	_ =	shalt  }
0x7c: {  	_ =	shalt  }
0x7d: {  	_ =	shalt  }
0x7e: {  	_ =	shalt  }
0x7f: {  	_ =	shalt  }
0x80: {  	_ =	shalt  }
0x81: {  	_ =	shalt  }
0x82: {  	_ =	shalt  }
0x83: {  	_ =	shalt  }
0x84: {  	_ =	shalt  }
0x85: {  	_ =	shalt  }
0x86: {  	_ =	shalt  }
0x87: {  	_ =	shalt  }
.Lfunc_end0:
.L_simem_size_0:
called_computation.3_lowered:
.L_overlay_start_0:
0x88: {  	s2 =	sld [smem:$0x3FD9]  }
0x89: {  	s3 =	sld [smem:$0x3FFE];
	_ =	sdelay $0x1  }
0x8a: {  	s1 =	srdreg.scid  }
0x8b: {  	s0 =	sand.u32 $0x1, s1  }
0x8c: {  	s16 =	sshll.u32 s0, $0xA;
	s2 =	sadd.s32 s3, s2  }
0x8d: {  	s2 =	sadd.s32 s2, s16  }
0x8e: {  	[smem:$0x3FBE] =	sst s2  }
0x8f: {  	_ = 	snop  }
0x90: {  	(tm) =	ssettm $0x1  }
0x91: {  	s17 =	sld [smem:$0x3FFB];
	_ =	sdelay $0x3  }
0x92: {  	_ =	strace s17  }
0x93: {  	s2 =	sld [smem:$0x3FFC];
	_ =	sdelay $0x3  }
0x94: {  	_ =	strace s2  }
0x95: {  	s2 =	sld [smem:$0x3FFD];
	_ =	sdelay $0x3  }
0x96: {  	_ =	strace s2  }
0x97: {  	_ =	strace $0x8FFFFFFF  }
0x98: {  	s18 =	sld [smem:$0x3FDB];
	_ =	sdelay $0x1  }
0x99: {  	s19 =	simm.s32 $_scs_section_size  }
0x9a: {  	s4 =	simm.s32 $_size__tile_overlayer_lowered;
	s5 =	simm.s32 $_tile_overlayer_lowered  }
0x9b: {  	s22 =	simm.s32 $0x1BFF;
	s21 =	sshll.u32 s5, $0x1;
	s2 =	sadd.s32 s19, s18  }
0x9c: {  	s6 =	simm.s32 $0x0;
	s20 =	sshll.u32 s4, $0x1;
	s4 =	sadd.s32 s21, s2  }
0x9d: {  	[timem:s6], [sflag:s22] =	dma.local [hbm:s4], s20  }
0x9e: {  	_ =	swait.ge [sflag:s22], s20  }
0x9f: {  	s3 =	ssub.s32 $0x0, s20;
	[sflag:s22] =	ssyncset.done $0x0  }
0xa0: {  	[sflag:s22] =	ssyncadd.s32 s3;
	_ =	sdelay $0x1  }
0xa1: {  	s23 =	simm.s32 $0x1B8B  }
0xa2: {  	_ =	swait.ge [sflag:s23], $0x1  }
0xa3: {  	[sflag:s23] =	ssyncset.done $0x0  }
0xa4: {  	s25 =	simm.s32 $0x1B8E;
	s24 =	sld [smem:$0x3FFE];
	[sflag:s23] =	ssyncadd.s32 $0xFFFFFFFF  }
0xa5: {  	s26 =	simm.s32 $execute0_lowered;
	[smem:$0x3FD2] =	sst s25  }
0xa6: {  	s4 =	sshll.u32 s26, $0x1;
	_ =	strace $0x8000004F;
	[dreg:$0x1] =	wrdreg $0xFFFFFFFF  }
0xa7: {  	s28 =	simm.s32 $_size_execute0_lowered;
	s2 =	sadd.s32 s2, s4;
	[dreg:$0x0] =	wrdreg $0x0  }
0xa8: {  	s4 =	sshll.u32 s28, $0x1;
	[dreg:$0x2] =	wrdreg s2  }
0xa9: {  	[dreg:$0x3] =	wrdreg s4  }
0xaa: {  	[dreg:$0x4] =	wrdreg $0xC0  }
0xab: {  	_ =	task [dreg:s6], $0x5FFFF  }
0xac: {  	[dreg:$0x1] =	wrdreg $0xFFFFFFFF  }
0xad: {  	[dreg:$0x0] =	wrdreg $0x60  }
0xae: {  	[dreg:$0x2] =	wrdreg s24  }
0xaf: {  	[dreg:$0x3] =	wrdreg $0xA8000  }
0xb0: {  	[dreg:$0x4] =	wrdreg $0x9  }
0xb1: {  	_ =	task.clear_ibuf [dreg:s6], $0x5FFFF;
	_ =	strace $0x9000004F  }
0xb2: {  	s29 =	simm.s32 $0x9;
	_ =	strace $0x80000051  }
0xb3: {  	_ =	swait.ge [sflag:s29], $0x1  }
0xb4: {  	[sflag:s29] =	ssyncadd.s32 $0xFFFFFFFF  }
0xb5: {  	_ =	strace $0x90000051  }
0xb6: {  	_ =	sfence  }
0xb7: {  	s30 =	sld [smem:$0x0];
	_ =	sdelay $0x2  }
0xb8: {  	s31 =	sshll.u32 s1, $0xD;
	s1 =	sshrl.u32 s1, $0x2  }
0xb9: {  	s3 =	sand.u32 $0x4000, s31;
	s1 =	sadd.s32 s1, s30  }
0xba: {  	s0 =	sor.u32 s3, s0;
	s1 =	sshll.u32 s1, $0x11  }
0xbb: {  	s0 =	sor.u32 s1, s0  }
0xbc: {  	s0 =	sadd.s32 $0x8F2B, s0  }
0xbd: {  	[sflag:s0] =	ssyncadd.remote.s32 $0x1  }
0xbe: {  	_ =	sfence.sel $0xFFFF  }
0xbf: {  	[dreg:$0x0] =	wrdreg $0xFFFFFFFF;
	(pc) =	sbr.abs _section_cstart, $3  }
0xc0: {  	[dreg:$0x1] =	wrdreg $0xFFFFFFFF  }
0xc1: {  	_ =	task.clear_ibuf [dreg:s6], $0x2FFFF;
	_ =	strace $0x9FFFFFFF  }
0xc2: {  	(tm) =	ssettm $0x7FFFFFFF  }
0xc3: {  	_ =	shalt  }
tec
execute0_lowered:
.L_overlay_start_1:
0x0: {  	(tag) =	ssettag $0x1  }
0x1: {  	s6 =	rddreg [dreg:$0x0]  }
0x2: {  	s1 =	rddreg [dreg:$0x1]  }
0x3: {  	s2 =	srdreg.scid;
	s0 =	rddreg [dreg:$0x2]  }
0x4: {  	s3 =	simm.s32 $0x0;
	s17 =	simm.s32 $0x1;
	s18 =	simm.s32 $0x80  }
0x5: {  	s19 =	simm.s32 $0x2800;
	s20 =	simm.s32 $0x6800;
	s21 =	simm.s32 $0x2  }
0x6: {  	s22 =	simm.s32 $0x2700;
	s23 =	simm.s32 $0x2780;
	s24 =	simm.s32 $0x0  }
0x7: {  	s7 =	sand.u32 $0x1, s2;
	s2 =	stileid.u32;
	[smem:$0x7FF] =	sst s3  }
0x8: {  	s4 =	sadd.s32 $0x17400, s6;
	s10 =	sadd.s32 $0xD400, s6;
	s8 =	smul.u32 $0x140000, s7  }
0x9: {  	s11 =	sadd.s32 $0x3400, s6;
	s5 =	sadd.s32 $0x3F400, s6;
	s9 =	smul.u32 $0x14000, s2  }
0xa: {  	_ =	strace $0x80000050;
	s25 =	ssub.s32 $0x2, s7;
	s7 =	sshll.u32 s7, $0x4  }
0xb: {  	s13 =	smul.u32 $0x50000, s2;
	s12 =	sshrl.u32 s25, $0x1;
	s7 =	sor.u32 s2, s7  }
0xc: {  	s8 =	sadd.s32 s9, s8;
	s15 =	ssub.s32 s25, s12;
	s26 =	smul.u32 $0x2800, s7  }
0xd: {  	s28 =	sshrl.u32 s13, $0x2;
	s29 =	smul.u32 $0x500, s7;
	s8 =	sshrl.u32 s8, $0x3  }
0xe: {  	s16 =	sadd.s32 s28, s1;
	s13 =	smax.u32 s15, $0x1;
	s15 =	simm.s32 $0x3  }
0xf: {  	s14 =	sadd.s32 s8, s6;
	s6 =	sshll.u32 s2, $0x6;
	s30 =	sshrl.u32 s26, $0x3  }
0x10: {  	s8 =	sadd.s32 s10, s29;
	s9 =	sadd.s32 s11, s29;
	s7 =	sor.u32 $0x1C01, s6  }
0x11: {  	s31 =	sadd.s32 $0x280, s30;
	s12 =	sadd.s32 $0x41C00, s14;
	s14 =	sshrl.u32 s16, $0x3  }
0x12: {  	s16 =	simm.s32 $0x1400;
	s10 =	sadd.s32 s10, s31;
	s11 =	sadd.s32 s11, s31  }
.LBB2_1:
0x13: {  	[spmem:s14], [sflag:s7] =	dma.local [hbm:s5], $0x2800  }
0x14: {  	[tilespmem:s3], [sflag:$0x3] =	stream.linear.gather [hbm4b:s8+s3], $0x1400, $0x38;
	[tilespmem:$0x1E800] =	vst v63  }
0x15: {  	_ =	swait.ge [sflag:s15], $0x1400  }
0x16: {  	[sflag:s15] =	ssyncset.done $0x0  }
0x17: {  	[sflag:s15] =	ssyncadd.s32 $0xFFFFEC00  }
0x18: {  	[tilespmem:s16], [sflag:$0x3] =	stream.linear.gather [hbm4b:s9+s3], $0x1400, $0x38;
	[tilespmem:$0x1E800] =	vst v63  }
0x19: {  	_ =	swait.ge [sflag:s15], $0x1400  }
0x1a: {  	[sflag:s15] =	ssyncset.done $0x0  }
0x1b: {  	[sflag:s15] =	ssyncadd.s32 $0xFFFFEC00  }
0x1c: {  	_ =	swait.ge [sflag:s17], $0x2800  }
0x1d: {  	[sflag:s17] =	ssyncset.done $0x0  }
0x1e: {  	[sflag:s17] =	ssyncadd.s32 $0xFFFFD800  }
0x1f: {  	[bflag:$0x0] =	sbarrier.arrive $0xFFFF  }
0x20: {  	[tilespmem:s19], [sflag:$0x1] =	stream.indirect.gather [hbm4b:s4+s18], $0x80, s3, s18, $0xb8;
	[tilespmem:$0x1E800] =	vst v63  }
0x21: {  	_ = 	snop  }
0x22: {  	[tilespmem:s20], [sflag:$0x2] =	stream.indirect.gather [hbm4b:s4+s18], $0x80, s18, s18, $0xb8;
	[tilespmem:$0x1E800] =	vst v63  }
0x23: {  	_ =	swait.ge [sflag:s17], $0x4000  }
0x24: {  	[sflag:s17] =	ssyncset.done $0x0  }
0x25: {  	s25 =	simm.s32 $0x1400;
	[sflag:s17] =	ssyncadd.s32 $0xFFFFC000  }
0x26: {  	[spmem:s1] =	stream.indirect.scatter.add.f32 [tilespmem:s19], [sflag:$0x3], $0x80, s25, s18, $0xb8;
	[tilespmem:$0x1E800] =	vst v63  }
0x27: {  	_ =	swait.ge [sflag:s15], $0x4000  }
0x28: {  	[sflag:s15] =	ssyncset.done $0x0  }
0x29: {  	s30 =	simm.s32 $0x100;
	[sflag:s15] =	ssyncadd.s32 $0xFFFFC000  }
0x2a: {  	[tilespmem:s19], [sflag:$0x1] =	stream.indirect.gather [hbm4b:s4+s18], $0x80, s30, s18, $0xb8;
	[tilespmem:$0x1E800] =	vst v63  }
0x2b: {  	_ =	swait.ge [sflag:s21], $0x4000  }
0x2c: {  	[sflag:s21] =	ssyncset.done $0x0  }
0x2d: {  	s31 =	simm.s32 $0x1480;
	[sflag:s21] =	ssyncadd.s32 $0xFFFFC000  }
0x2e: {  	[spmem:s1] =	stream.indirect.scatter.add.f32 [tilespmem:s20], [sflag:$0x3], $0x80, s31, s18, $0xb8;
	[tilespmem:$0x1E800] =	vst v63  }
0x2f: {  	_ =	swait.ge [sflag:s15], $0x4000  }
0x30: {  	[sflag:s15] =	ssyncset.done $0x0  }
0x31: {  	s26 =	simm.s32 $0x180;
	s25 =	simm.s32 $0x400;
	[sflag:s15] =	ssyncadd.s32 $0xFFFFC000  }
.LBB2_2:
0x32: {  	[tilespmem:s20], [sflag:$0x2] =	stream.indirect.gather [hbm4b:s4+s18], $0x80, s26, s18, $0xb8;
	[tilespmem:$0x1E800] =	vst v63  }
0x33: {  	s26 =	smov.u32 s25  }
0x34: {  	p0 =	sne.s32 s25, $0x4800;
	s25 =	sadd.s32 $0x400, s25;
	_ =	swait.ge [sflag:s17], $0x4000  }
0x35: {  	s26 =	sshra.s32 s26, $0x2;
	[sflag:s17] =	ssyncset.done $0x0  }
0x36: {  	s28 =	sadd.s32 $0x1400, s26;
	[sflag:s17] =	ssyncadd.s32 $0xFFFFC000  }
0x37: {  	[spmem:s1] =	stream.indirect.scatter.add.f32 [tilespmem:s19], [sflag:$0x3], $0x80, s28, s18, $0xb8;
	[tilespmem:$0x1E800] =	vst v63  }
0x38: {  	_ =	swait.ge [sflag:s15], $0x4000  }
0x39: {  	[sflag:s15] =	ssyncset.done $0x0  }
0x3a: {  	s28 =	sadd.s32 $0x100, s26;
	[sflag:s15] =	ssyncadd.s32 $0xFFFFC000  }
0x3b: {  	[tilespmem:s19], [sflag:$0x1] =	stream.indirect.gather [hbm4b:s4+s18], $0x80, s28, s18, $0xb8;
	[tilespmem:$0x1E800] =	vst v63  }
0x3c: {  	_ =	swait.ge [sflag:s21], $0x4000  }
0x3d: {  	[sflag:s21] =	ssyncset.done $0x0  }
.Ltmp0:
0x3e: {  	s28 =	sadd.s32 $0x1480, s26;
	[sflag:s21] =	ssyncadd.s32 $0xFFFFC000;
	(pc) =	sbr.rel @p0 .LBB2_2-.Ltmp0, $4  }
0x3f: {  	[spmem:s1] =	stream.indirect.scatter.add.f32 [tilespmem:s20], [sflag:$0x3], $0x80, s28, s18, $0xb8;
	[tilespmem:$0x1E800] =	vst v63  }
0x40: {  	_ =	swait.ge [sflag:s15], $0x4000  }
0x41: {  	[sflag:s15] =	ssyncset.done $0x0  }
0x42: {  	s26 =	sadd.s32 $0x180, s26;
	[sflag:s15] =	ssyncadd.s32 $0xFFFFC000  }
0x43: {  	[tilespmem:s20], [sflag:$0x2] =	stream.indirect.gather [hbm4b:s4+s18], $0x80, s26, s18, $0xb8;
	[tilespmem:$0x1E800] =	vst v63  }
0x44: {  	_ =	swait.ge [sflag:s17], $0x4000  }
0x45: {  	[sflag:s17] =	ssyncset.done $0x0  }
0x46: {  	[sflag:s17] =	ssyncadd.s32 $0xFFFFC000  }
0x47: {  	[spmem:s1] =	stream.indirect.scatter.add.f32 [tilespmem:s19], [sflag:$0x3], $0x80, s22, s18, $0xb8;
	[tilespmem:$0x1E800] =	vst v63  }
0x48: {  	_ =	swait.ge [sflag:s15], $0x4000  }
0x49: {  	[sflag:s15] =	ssyncset.done $0x0  }
0x4a: {  	[sflag:s15] =	ssyncadd.s32 $0xFFFFC000  }
0x4b: {  	_ =	swait.ge [sflag:s21], $0x4000  }
0x4c: {  	[sflag:s21] =	ssyncset.done $0x0  }
0x4d: {  	[sflag:s21] =	ssyncadd.s32 $0xFFFFC000  }
0x4e: {  	[spmem:s1] =	stream.indirect.scatter.add.f32 [tilespmem:s20], [sflag:$0x3], $0x80, s23, s18, $0xb8;
	[tilespmem:$0x1E800] =	vst v63  }
0x4f: {  	_ =	swait.ge [sflag:s15], $0x4000  }
0x50: {  	[sflag:s15] =	ssyncset.done $0x0  }
0x51: {  	s25 =	simm.s32 $0x0;
	[sflag:s15] =	ssyncadd.s32 $0xFFFFC000  }
0x52: {  	[tilespmem:s25], [sflag:$0x3] =	stream.linear.gather [hbm4b:s10+s25], $0x1400, $0x38;
	[tilespmem:$0x1E800] =	vst v63  }
0x53: {  	_ =	swait.ge [sflag:s15], $0x1400  }
0x54: {  	[sflag:s15] =	ssyncset.done $0x0  }
0x55: {  	[sflag:s15] =	ssyncadd.s32 $0xFFFFEC00  }
0x56: {  	[tilespmem:s16], [sflag:$0x3] =	stream.linear.gather [hbm4b:s11+s25], $0x1400, $0x38;
	[tilespmem:$0x1E800] =	vst v63  }
0x57: {  	_ =	swait.ge [sflag:s15], $0x1400  }
0x58: {  	[sflag:s15] =	ssyncset.done $0x0  }
0x59: {  	[sflag:s15] =	ssyncadd.s32 $0xFFFFEC00  }
0x5a: {  	[tilespmem:s19], [sflag:$0x1] =	stream.indirect.gather [hbm4b:s4+s18], $0x80, s25, s18, $0xb8;
	[tilespmem:$0x1E800] =	vst v63  }
0x5b: {  	_ = 	snop  }
0x5c: {  	[tilespmem:s20], [sflag:$0x2] =	stream.indirect.gather [hbm4b:s4+s18], $0x80, s18, s18, $0xb8;
	[tilespmem:$0x1E800] =	vst v63  }
0x5d: {  	_ =	swait.ge [sflag:s17], $0x4000  }
0x5e: {  	[sflag:s17] =	ssyncset.done $0x0  }
0x5f: {  	s29 =	simm.s32 $0x1400;
	[sflag:s17] =	ssyncadd.s32 $0xFFFFC000  }
0x60: {  	[spmem:s1] =	stream.indirect.scatter.add.f32 [tilespmem:s19], [sflag:$0x3], $0x80, s29, s18, $0xb8;
	[tilespmem:$0x1E800] =	vst v63  }
0x61: {  	_ =	swait.ge [sflag:s15], $0x4000  }
0x62: {  	[sflag:s15] =	ssyncset.done $0x0  }
0x63: {  	s30 =	simm.s32 $0x100;
	[sflag:s15] =	ssyncadd.s32 $0xFFFFC000  }
0x64: {  	[tilespmem:s19], [sflag:$0x1] =	stream.indirect.gather [hbm4b:s4+s18], $0x80, s30, s18, $0xb8;
	[tilespmem:$0x1E800] =	vst v63  }
0x65: {  	_ =	swait.ge [sflag:s21], $0x4000  }
0x66: {  	[sflag:s21] =	ssyncset.done $0x0  }
0x67: {  	s31 =	simm.s32 $0x1480;
	[sflag:s21] =	ssyncadd.s32 $0xFFFFC000  }
0x68: {  	[spmem:s1] =	stream.indirect.scatter.add.f32 [tilespmem:s20], [sflag:$0x3], $0x80, s31, s18, $0xb8;
	[tilespmem:$0x1E800] =	vst v63  }
0x69: {  	_ =	swait.ge [sflag:s15], $0x4000  }
0x6a: {  	[sflag:s15] =	ssyncset.done $0x0  }
0x6b: {  	s26 =	simm.s32 $0x180;
	s25 =	simm.s32 $0x400;
	[sflag:s15] =	ssyncadd.s32 $0xFFFFC000  }
.LBB2_4:
0x6c: {  	[tilespmem:s20], [sflag:$0x2] =	stream.indirect.gather [hbm4b:s4+s18], $0x80, s26, s18, $0xb8;
	[tilespmem:$0x1E800] =	vst v63  }
0x6d: {  	s26 =	smov.u32 s25  }
0x6e: {  	p0 =	sne.s32 s25, $0x4800;
	s25 =	sadd.s32 $0x400, s25;
	_ =	swait.ge [sflag:s17], $0x4000  }
0x6f: {  	s26 =	sshra.s32 s26, $0x2;
	[sflag:s17] =	ssyncset.done $0x0  }
0x70: {  	s28 =	sadd.s32 $0x1400, s26;
	[sflag:s17] =	ssyncadd.s32 $0xFFFFC000  }
0x71: {  	[spmem:s1] =	stream.indirect.scatter.add.f32 [tilespmem:s19], [sflag:$0x3], $0x80, s28, s18, $0xb8;
	[tilespmem:$0x1E800] =	vst v63  }
0x72: {  	_ =	swait.ge [sflag:s15], $0x4000  }
0x73: {  	[sflag:s15] =	ssyncset.done $0x0  }
0x74: {  	s28 =	sadd.s32 $0x100, s26;
	[sflag:s15] =	ssyncadd.s32 $0xFFFFC000  }
0x75: {  	[tilespmem:s19], [sflag:$0x1] =	stream.indirect.gather [hbm4b:s4+s18], $0x80, s28, s18, $0xb8;
	[tilespmem:$0x1E800] =	vst v63  }
0x76: {  	_ =	swait.ge [sflag:s21], $0x4000  }
0x77: {  	[sflag:s21] =	ssyncset.done $0x0  }
.Ltmp1:
0x78: {  	s28 =	sadd.s32 $0x1480, s26;
	[sflag:s21] =	ssyncadd.s32 $0xFFFFC000;
	(pc) =	sbr.rel @p0 .LBB2_4-.Ltmp1, $4  }
0x79: {  	[spmem:s1] =	stream.indirect.scatter.add.f32 [tilespmem:s20], [sflag:$0x3], $0x80, s28, s18, $0xb8;
	[tilespmem:$0x1E800] =	vst v63  }
0x7a: {  	_ =	swait.ge [sflag:s15], $0x4000  }
0x7b: {  	[sflag:s15] =	ssyncset.done $0x0  }
0x7c: {  	s26 =	sadd.s32 $0x180, s26;
	[sflag:s15] =	ssyncadd.s32 $0xFFFFC000  }
0x7d: {  	[tilespmem:s20], [sflag:$0x2] =	stream.indirect.gather [hbm4b:s4+s18], $0x80, s26, s18, $0xb8;
	[tilespmem:$0x1E800] =	vst v63  }
0x7e: {  	_ =	swait.ge [sflag:s17], $0x4000  }
0x7f: {  	[sflag:s17] =	ssyncset.done $0x0  }
0x80: {  	[sflag:s17] =	ssyncadd.s32 $0xFFFFC000  }
0x81: {  	[spmem:s1] =	stream.indirect.scatter.add.f32 [tilespmem:s19], [sflag:$0x3], $0x80, s22, s18, $0xb8;
	[tilespmem:$0x1E800] =	vst v63  }
0x82: {  	_ =	swait.ge [sflag:s15], $0x4000  }
0x83: {  	[sflag:s15] =	ssyncset.done $0x0  }
0x84: {  	[sflag:s15] =	ssyncadd.s32 $0xFFFFC000  }
0x85: {  	_ =	swait.ge [sflag:s21], $0x4000  }
0x86: {  	[sflag:s21] =	ssyncset.done $0x0  }
0x87: {  	[sflag:s21] =	ssyncadd.s32 $0xFFFFC000  }
0x88: {  	[spmem:s1] =	stream.indirect.scatter.add.f32 [tilespmem:s20], [sflag:$0x3], $0x80, s23, s18, $0xb8;
	[tilespmem:$0x1E800] =	vst v63  }
0x89: {  	_ =	swait.ge [sflag:s15], $0x4000  }
0x8a: {  	s24 =	sadd.s32 $0x1, s24;
	[sflag:s15] =	ssyncset.done $0x0  }
0x8b: {  	p0 =	sne.s32 s24, s13;
	[sflag:s15] =	ssyncadd.s32 $0xFFFFC000  }
.Ltmp2:
0x8c: {  	s25 =	sor.u32 $0x1C03, s6;
	[bflag:$0x0] =	sbarrier.arrive $0xFFFF;
	(pc) =	sbr.rel @p0 .LBB2_1-.Ltmp2, $4  }
0x8d: {  	[hbm:s12], [sflag:s25] =	dma.local [spmem:s14], $0x2800  }
0x8e: {  	_ =	swait.ge [sflag:s15], $0x2800  }
0x8f: {  	[sflag:s15] =	ssyncset.done $0x0  }
0x90: {  	[sflag:s15] =	ssyncadd.s32 $0xFFFFD800  }
0x91: {  	_ =	sfence.sel $0x180000  }
0x92: {  	[bflag:$0x0] =	sbarrier.arrive $0xFFFF  }
0x93: {  	p0 =	sne.s32 s2, $0x0;
	_ =	strace $0x90000050  }
0x94: {  	s0 =	sadd.s32 @!p0 $0x100000, s0;
	[bflag:$0x2] =	sbarrier.arrive $0xFFFF  }
0x95: {  	[sflag:s0] =	ssyncadd.tile.s32 @!p0 $0x1;
	_ =	shalt  }
.Lfunc_end2:
_tile_overlayer_lowered:
.L_overlay_start_2:
0x96: {  	(tag) =	ssettag $0x2  }
0x97: {  	s0 =	rddreg [dreg:$0x0];
	s2 =	stileid.u32  }
0x98: {  	s1 =	rddreg [dreg:$0x1];
	p0 =	sne.s32 s2, $0x0  }
0x99: {  	s3 =	rddreg [dreg:$0x2];
	[bflag:$0x3] =	sbarrier.arrive $0xFFFF;
	s2 =	simm.s32 @!p0 $0x1C03  }
0x9a: {  	[timem:s3], [sflag:s2] =	dma.local @!p0 [hbm:s0], s1  }
0x9b: {  	s0 =	simm.s32 @!p0 $0x3  }
0x9c: {  	_ =	swait.ge @!p0 [sflag:s0], s1  }
0x9d: {  	s1 =	ssub.s32 @!p0 $0x0, s1;
	[sflag:s0] =	ssyncset.done @!p0 $0x0  }
0x9e: {  	[sflag:s0] =	ssyncadd.s32 @!p0 s1  }
0x9f: {  	[bflag:$0x3] =	sbarrier.arrive $0xFFFF  }
0xa0: {  	_ =	shalt  }

// kernel: kernel.23.cloned.1.call-start
scs
__scs_entry_jumppad:
0x0: {  	(pc) =	sbr.rel $0x88, $3  }
0x1: {  	(tag) =	ssettag $0x0;
	lr =	simm.s32 $0x1  }
0x2: {  	[smem:$0x3F97] =	sst lr;
	_ =	strace $0xD0000000  }
0x3: {  	_ = 	snop  }
0x4: {  	_ = 	snop  }
0x5: {  	_ = 	snop  }
0x6: {  	_ = 	snop  }
0x7: {  	_ = 	snop  }
__scs_overlays_trampoline_lowered:
0x8: {  	[smem:$0x3FA6] =	sst s0  }
0x9: {  	[smem:$0x3FA7] =	sst s1  }
0xa: {  	[smem:$0x3FA8] =	sst s2  }
0xb: {  	[smem:$0x3FA9] =	sst s3  }
0xc: {  	[smem:$0x3FAA] =	sst s4  }
0xd: {  	[smem:$0x3FAB] =	sst s5  }
0xe: {  	[smem:$0x3FAC] =	sst s6  }
0xf: {  	[smem:$0x3FAD] =	sst s7  }
0x10: {  	[smem:$0x3FAE] =	sst s8  }
0x11: {  	[smem:$0x3FAF] =	sst s9;
	s0 =	simm.s32 @!p0 $0x0  }
0x12: {  	s1 =	sld [smem:$0x3F95];
	s0 =	simm.s32 @p0 $0x1  }
0x13: {  	[smem:$0x3FB0] =	sst s0;
	s0 =	simm.s32 @!p1 $0x0  }
0x14: {  	s2 =	sld [smem:$0x3F94];
	s0 =	simm.s32 @p1 $0x1  }
0x15: {  	[smem:$0x3FB1] =	sst s0;
	s0 =	simm.s32 @!p2 $0x0  }
0x16: {  	s3 =	sld [smem:$0x3FDB];
	s0 =	simm.s32 @p2 $0x1  }
0x17: {  	s4 =	simm.s32 $0x1BF5;
	[smem:$0x3FB3] =	sst s0  }
0x18: {  	s0 =	sld [smem:$0x3F96];
	_ =	swait.ge [sflag:s4], $0x0  }
0x19: {  	s7 =	sld [smem:$0x3F97]  }
0x1a: {  	s8 =	sadd.s32 $0xFFFFE003, lr  }
0x1b: {  	s9 =	sadd.s32 $0xFFFFFEF7, lr;
	s5 =	simm.s32 $0xFFFFFFFF;
	p2 =	slt.u32 s8, $0xFFFFF086  }
0x1c: {  	p1 =	slt.u32 s9, $0xF7A;
	s5 =	simm.s32 @!p2 $0x0  }
0x1d: {  	s5 =	simm.s32 @p1 $0x1;
	p0 =	seq.s32 s7, s2  }
0x1e: {  	s7 =	smul.u32 @!p0 $0xF7A, s2;
	p2 =	seq.s32 @!p0 s5, $0x0  }
0x1f: {  	s9 =	smul.u32 $0xF7A, s1;
	s8 =	simm.s32 @!p0 $0x1BF5;
	p2 =	por !p2, p0  }
0x20: {  	[sflag:s8] =	ssyncset.s32 @!p0 $0xFFFFF086;
	s6 =	sadd.s32 @!p0 s3, s7;
	s7 =	simm.s32 @!p0 $0x108  }
0x21: {  	s3 =	sadd.s32 s3, s9;
	s6 =	sadd.s32 @!p0 $0x88, s6;
	s7 =	simm.s32 @p2 $0x1082  }
0x22: {  	[simem:s7], [sflag:s8] =	dma.local @!p0 [hbm:s6], $0xF7A  }
0x23: {  	s9 =	sor.u32 $0xD0000000, s2;
	s6 =	simm.s32 $0x108;
	_ =	swait.ge @!p0 [sflag:s8], $0x0  }
0x24: {  	s3 =	sadd.s32 $0x88, s3;
	s6 =	simm.s32 @!p1 $0x1082;
	[sflag:s4] =	ssyncset.s32 $0xFFFFF086  }
0x25: {  	[simem:s6], [sflag:s4] =	dma.local [hbm:s3], $0xF7A  }
0x26: {  	[smem:$0x3F97] =	sst s1;
	(tag) =	ssettag s2;
	_ =	strace s9  }
0x27: {  	s1 =	sld [smem:$0x3FA7]  }
0x28: {  	s2 =	sld [smem:$0x3FA8]  }
0x29: {  	s4 =	sld [smem:$0x3FAA]  }
0x2a: {  	p0 =	seq.s32 s5, $0x0;
	s5 =	sld [smem:$0x3FAB]  }
0x2b: {  	s6 =	sld [smem:$0x3FAC]  }
0x2c: {  	s7 =	sld [smem:$0x3FAD]  }
0x2d: {  	s3 =	simm.s32 $0x108;
	s8 =	sld [smem:$0x3FAE]  }
0x2e: {  	s3 =	simm.s32 @!p0 $0x1082;
	s9 =	sld [smem:$0x3FAF]  }
0x2f: {  	lr =	sadd.s32 s0, s3;
	s0 =	sld [smem:$0x3FA6]  }
0x30: {  	s3 =	sld [smem:$0x3FA9]  }
0x31: {  	[smem:$0x3FB2] =	sst s10  }
0x32: {  	s10 =	sld [smem:$0x3FB0];
	_ =	sdelay $0x3  }
0x33: {  	p0 =	seq.s32 s10, $0x1;
	s10 =	sld [smem:$0x3FB2];
	_ =	sdelay $0x3  }
0x34: {  	[smem:$0x3FB2] =	sst s10  }
0x35: {  	s10 =	sld [smem:$0x3FB1];
	_ =	sdelay $0x3  }
0x36: {  	p1 =	seq.s32 s10, $0x1;
	s10 =	sld [smem:$0x3FB2];
	_ =	sdelay $0x3  }
0x37: {  	[smem:$0x3FB2] =	sst s10  }
0x38: {  	s10 =	sld [smem:$0x3FB3]  }
0x39: {  	_ = 	snop;
	(pc) =	sbr.ind lr, $3  }
0x3a: {  	_ = 	snop  }
0x3b: {  	_ = 	snop  }
0x3c: {  	p2 =	seq.s32 s10, $0x1;
	s10 =	sld [smem:$0x3FB2]  }
0x3d: {  	_ =	shalt  }
0x3e: {  	_ =	shalt  }
0x3f: {  	_ =	shalt  }
0x40: {  	_ =	shalt  }
0x41: {  	_ =	shalt  }
0x42: {  	_ =	shalt  }
0x43: {  	_ =	shalt  }
0x44: {  	_ =	shalt  }
0x45: {  	_ =	shalt  }
0x46: {  	_ =	shalt  }
0x47: {  	_ =	shalt  }
0x48: {  	_ =	shalt  }
0x49: {  	_ =	shalt  }
0x4a: {  	_ =	shalt  }
0x4b: {  	_ =	shalt  }
0x4c: {  	_ =	shalt  }
0x4d: {  	_ =	shalt  }
0x4e: {  	_ =	shalt  }
0x4f: {  	_ =	shalt  }
0x50: {  	_ =	shalt  }
0x51: {  	_ =	shalt  }
0x52: {  	_ =	shalt  }
0x53: {  	_ =	shalt  }
0x54: {  	_ =	shalt  }
0x55: {  	_ =	shalt  }
0x56: {  	_ =	shalt  }
0x57: {  	_ =	shalt  }
0x58: {  	_ =	shalt  }
0x59: {  	_ =	shalt  }
0x5a: {  	_ =	shalt  }
0x5b: {  	_ =	shalt  }
0x5c: {  	_ =	shalt  }
0x5d: {  	_ =	shalt  }
0x5e: {  	_ =	shalt  }
0x5f: {  	_ =	shalt  }
0x60: {  	_ =	shalt  }
0x61: {  	_ =	shalt  }
0x62: {  	_ =	shalt  }
0x63: {  	_ =	shalt  }
0x64: {  	_ =	shalt  }
0x65: {  	_ =	shalt  }
0x66: {  	_ =	shalt  }
0x67: {  	_ =	shalt  }
0x68: {  	_ =	shalt  }
0x69: {  	_ =	shalt  }
0x6a: {  	_ =	shalt  }
0x6b: {  	_ =	shalt  }
0x6c: {  	_ =	shalt  }
0x6d: {  	_ =	shalt  }
0x6e: {  	_ =	shalt  }
0x6f: {  	_ =	shalt  }
0x70: {  	_ =	shalt  }
0x71: {  	_ =	shalt  }
0x72: {  	_ =	shalt  }
0x73: {  	_ =	shalt  }
0x74: {  	_ =	shalt  }
0x75: {  	_ =	shalt  }
0x76: {  	_ =	shalt  }
0x77: {  	_ =	shalt  }
0x78: {  	_ =	shalt  }
0x79: {  	_ =	shalt  }
0x7a: {  	_ =	shalt  }
0x7b: {  	_ =	shalt  }
0x7c: {  	_ =	shalt  }
0x7d: {  	_ =	shalt  }
0x7e: {  	_ =	shalt  }
0x7f: {  	_ =	shalt  }
0x80: {  	_ =	shalt  }
0x81: {  	_ =	shalt  }
0x82: {  	_ =	shalt  }
0x83: {  	_ =	shalt  }
0x84: {  	_ =	shalt  }
0x85: {  	_ =	shalt  }
0x86: {  	_ =	shalt  }
0x87: {  	_ =	shalt  }
.Lfunc_end0:
.L_simem_size_0:
called_computation.4_lowered:
.L_overlay_start_0:
0x88: {  	s2 =	sld [smem:$0x3FD9]  }
0x89: {  	s3 =	sld [smem:$0x3FFE];
	_ =	sdelay $0x1  }
0x8a: {  	s1 =	srdreg.scid  }
0x8b: {  	s0 =	sand.u32 $0x1, s1  }
0x8c: {  	s16 =	sshll.u32 s0, $0xA;
	s2 =	sadd.s32 s3, s2  }
0x8d: {  	s2 =	sadd.s32 s2, s16  }
0x8e: {  	[smem:$0x3FBE] =	sst s2  }
0x8f: {  	_ = 	snop  }
0x90: {  	(tm) =	ssettm $0x1  }
0x91: {  	s17 =	sld [smem:$0x3FFB];
	_ =	sdelay $0x3  }
0x92: {  	_ =	strace s17  }
0x93: {  	s2 =	sld [smem:$0x3FFC];
	_ =	sdelay $0x3  }
0x94: {  	_ =	strace s2  }
0x95: {  	s2 =	sld [smem:$0x3FFD];
	_ =	sdelay $0x3  }
0x96: {  	_ =	strace s2  }
0x97: {  	_ =	strace $0x8FFFFFFF  }
0x98: {  	s18 =	sld [smem:$0x3FDB];
	_ =	sdelay $0x1  }
0x99: {  	s19 =	simm.s32 $_scs_section_size  }
0x9a: {  	s4 =	simm.s32 $_size__tile_overlayer_lowered;
	s5 =	simm.s32 $_tile_overlayer_lowered  }
0x9b: {  	s22 =	simm.s32 $0x1BFF;
	s21 =	sshll.u32 s5, $0x1;
	s2 =	sadd.s32 s19, s18  }
0x9c: {  	s6 =	simm.s32 $0x0;
	s20 =	sshll.u32 s4, $0x1;
	s4 =	sadd.s32 s21, s2  }
0x9d: {  	[timem:s6], [sflag:s22] =	dma.local [hbm:s4], s20  }
0x9e: {  	_ =	swait.ge [sflag:s22], s20  }
0x9f: {  	s3 =	ssub.s32 $0x0, s20;
	[sflag:s22] =	ssyncset.done $0x0  }
0xa0: {  	[sflag:s22] =	ssyncadd.s32 s3;
	_ =	sdelay $0x1  }
0xa1: {  	s23 =	simm.s32 $0x1B8B  }
0xa2: {  	_ =	swait.ge [sflag:s23], $0x1  }
0xa3: {  	[sflag:s23] =	ssyncset.done $0x0  }
0xa4: {  	s25 =	simm.s32 $0x1B8E;
	s24 =	sld [smem:$0x3FFE];
	[sflag:s23] =	ssyncadd.s32 $0xFFFFFFFF  }
0xa5: {  	s26 =	simm.s32 $execute0_lowered;
	[smem:$0x3FD2] =	sst s25  }
0xa6: {  	s4 =	sshll.u32 s26, $0x1;
	_ =	strace $0x80000052;
	[dreg:$0x1] =	wrdreg $0xFFFFFFFF  }
0xa7: {  	s28 =	simm.s32 $_size_execute0_lowered;
	s2 =	sadd.s32 s2, s4;
	[dreg:$0x0] =	wrdreg $0x0  }
0xa8: {  	s4 =	sshll.u32 s28, $0x1;
	[dreg:$0x2] =	wrdreg s2  }
0xa9: {  	[dreg:$0x3] =	wrdreg s4  }
0xaa: {  	[dreg:$0x4] =	wrdreg $0xC0  }
0xab: {  	_ =	task [dreg:s6], $0x5FFFF  }
0xac: {  	[dreg:$0x1] =	wrdreg $0xFFFFFFFF  }
0xad: {  	[dreg:$0x0] =	wrdreg $0x60  }
0xae: {  	[dreg:$0x2] =	wrdreg s24  }
0xaf: {  	[dreg:$0x3] =	wrdreg $0xA8000  }
0xb0: {  	[dreg:$0x4] =	wrdreg $0x9  }
0xb1: {  	_ =	task.clear_ibuf [dreg:s6], $0x5FFFF;
	_ =	strace $0x90000052  }
0xb2: {  	s29 =	simm.s32 $0x9;
	_ =	strace $0x80000054  }
0xb3: {  	_ =	swait.ge [sflag:s29], $0x1  }
0xb4: {  	[sflag:s29] =	ssyncadd.s32 $0xFFFFFFFF  }
0xb5: {  	_ =	strace $0x90000054  }
0xb6: {  	_ =	sfence  }
0xb7: {  	s30 =	sld [smem:$0x0];
	_ =	sdelay $0x2  }
0xb8: {  	s31 =	sshll.u32 s1, $0xD;
	s1 =	sshrl.u32 s1, $0x2  }
0xb9: {  	s3 =	sand.u32 $0x4000, s31;
	s1 =	sadd.s32 s1, s30  }
0xba: {  	s0 =	sor.u32 s3, s0;
	s1 =	sshll.u32 s1, $0x11  }
0xbb: {  	s0 =	sor.u32 s1, s0  }
0xbc: {  	s0 =	sadd.s32 $0x8F2B, s0  }
0xbd: {  	[sflag:s0] =	ssyncadd.remote.s32 $0x1  }
0xbe: {  	_ =	sfence.sel $0xFFFF  }
0xbf: {  	[dreg:$0x0] =	wrdreg $0xFFFFFFFF;
	(pc) =	sbr.abs _section_cstart, $3  }
0xc0: {  	[dreg:$0x1] =	wrdreg $0xFFFFFFFF  }
0xc1: {  	_ =	task.clear_ibuf [dreg:s6], $0x2FFFF;
	_ =	strace $0x9FFFFFFF  }
0xc2: {  	(tm) =	ssettm $0x7FFFFFFF  }
0xc3: {  	_ =	shalt  }
tec
execute0_lowered:
.L_overlay_start_1:
0x0: {  	(tag) =	ssettag $0x1  }
0x1: {  	s6 =	rddreg [dreg:$0x0]  }
0x2: {  	s1 =	rddreg [dreg:$0x1]  }
0x3: {  	s2 =	srdreg.scid;
	s0 =	rddreg [dreg:$0x2]  }
0x4: {  	s3 =	simm.s32 $0x0;
	s17 =	simm.s32 $0x1;
	s18 =	simm.s32 $0x80  }
0x5: {  	s19 =	simm.s32 $0x2800;
	s20 =	simm.s32 $0x6800;
	s21 =	simm.s32 $0x2  }
0x6: {  	s22 =	simm.s32 $0x2700;
	s23 =	simm.s32 $0x2780;
	s24 =	simm.s32 $0x0  }
0x7: {  	s7 =	sand.u32 $0x1, s2;
	s2 =	stileid.u32;
	[smem:$0x7FF] =	sst s3  }
0x8: {  	s4 =	sadd.s32 $0x17400, s6;
	s10 =	sadd.s32 $0xD400, s6;
	s8 =	smul.u32 $0x140000, s7  }
0x9: {  	s11 =	sadd.s32 $0x3400, s6;
	s5 =	sadd.s32 $0x3F400, s6;
	s9 =	smul.u32 $0x14000, s2  }
0xa: {  	_ =	strace $0x80000053;
	s25 =	ssub.s32 $0x2, s7;
	s7 =	sshll.u32 s7, $0x4  }
0xb: {  	s13 =	smul.u32 $0x50000, s2;
	s12 =	sshrl.u32 s25, $0x1;
	s7 =	sor.u32 s2, s7  }
0xc: {  	s8 =	sadd.s32 s9, s8;
	s15 =	ssub.s32 s25, s12;
	s26 =	smul.u32 $0x2800, s7  }
0xd: {  	s28 =	sshrl.u32 s13, $0x2;
	s29 =	smul.u32 $0x500, s7;
	s8 =	sshrl.u32 s8, $0x3  }
0xe: {  	s16 =	sadd.s32 s28, s1;
	s13 =	smax.u32 s15, $0x1;
	s15 =	simm.s32 $0x3  }
0xf: {  	s14 =	sadd.s32 s8, s6;
	s6 =	sshll.u32 s2, $0x6;
	s30 =	sshrl.u32 s26, $0x3  }
0x10: {  	s8 =	sadd.s32 s10, s29;
	s9 =	sadd.s32 s11, s29;
	s7 =	sor.u32 $0x1C01, s6  }
0x11: {  	s31 =	sadd.s32 $0x280, s30;
	s12 =	sadd.s32 $0x41C00, s14;
	s14 =	sshrl.u32 s16, $0x3  }
0x12: {  	s16 =	simm.s32 $0x1400;
	s10 =	sadd.s32 s10, s31;
	s11 =	sadd.s32 s11, s31  }
.LBB2_1:
0x13: {  	[spmem:s14], [sflag:s7] =	dma.local [hbm:s5], $0x2800  }
0x14: {  	[tilespmem:s3], [sflag:$0x3] =	stream.linear.gather [hbm4b:s8+s3], $0x1400, $0x38;
	[tilespmem:$0x1E800] =	vst v63  }
0x15: {  	_ =	swait.ge [sflag:s15], $0x1400  }
0x16: {  	[sflag:s15] =	ssyncset.done $0x0  }
0x17: {  	[sflag:s15] =	ssyncadd.s32 $0xFFFFEC00  }
0x18: {  	[tilespmem:s16], [sflag:$0x3] =	stream.linear.gather [hbm4b:s9+s3], $0x1400, $0x38;
	[tilespmem:$0x1E800] =	vst v63  }
0x19: {  	_ =	swait.ge [sflag:s15], $0x1400  }
0x1a: {  	[sflag:s15] =	ssyncset.done $0x0  }
0x1b: {  	[sflag:s15] =	ssyncadd.s32 $0xFFFFEC00  }
0x1c: {  	_ =	swait.ge [sflag:s17], $0x2800  }
0x1d: {  	[sflag:s17] =	ssyncset.done $0x0  }
0x1e: {  	[sflag:s17] =	ssyncadd.s32 $0xFFFFD800  }
0x1f: {  	[bflag:$0x0] =	sbarrier.arrive $0xFFFF  }
0x20: {  	[tilespmem:s19], [sflag:$0x1] =	stream.indirect.gather [hbm4b:s4+s18], $0x80, s3, s18, $0xb8;
	[tilespmem:$0x1E800] =	vst v63  }
0x21: {  	_ = 	snop  }
0x22: {  	[tilespmem:s20], [sflag:$0x2] =	stream.indirect.gather [hbm4b:s4+s18], $0x80, s18, s18, $0xb8;
	[tilespmem:$0x1E800] =	vst v63  }
0x23: {  	_ =	swait.ge [sflag:s17], $0x4000  }
0x24: {  	[sflag:s17] =	ssyncset.done $0x0  }
0x25: {  	s25 =	simm.s32 $0x1400;
	[sflag:s17] =	ssyncadd.s32 $0xFFFFC000  }
0x26: {  	[spmem:s1] =	stream.indirect.scatter.add.f32 [tilespmem:s19], [sflag:$0x3], $0x80, s25, s18, $0xb8;
	[tilespmem:$0x1E800] =	vst v63  }
0x27: {  	_ =	swait.ge [sflag:s15], $0x4000  }
0x28: {  	[sflag:s15] =	ssyncset.done $0x0  }
0x29: {  	s30 =	simm.s32 $0x100;
	[sflag:s15] =	ssyncadd.s32 $0xFFFFC000  }
0x2a: {  	[tilespmem:s19], [sflag:$0x1] =	stream.indirect.gather [hbm4b:s4+s18], $0x80, s30, s18, $0xb8;
	[tilespmem:$0x1E800] =	vst v63  }
0x2b: {  	_ =	swait.ge [sflag:s21], $0x4000  }
0x2c: {  	[sflag:s21] =	ssyncset.done $0x0  }
0x2d: {  	s31 =	simm.s32 $0x1480;
	[sflag:s21] =	ssyncadd.s32 $0xFFFFC000  }
0x2e: {  	[spmem:s1] =	stream.indirect.scatter.add.f32 [tilespmem:s20], [sflag:$0x3], $0x80, s31, s18, $0xb8;
	[tilespmem:$0x1E800] =	vst v63  }
0x2f: {  	_ =	swait.ge [sflag:s15], $0x4000  }
0x30: {  	[sflag:s15] =	ssyncset.done $0x0  }
0x31: {  	s26 =	simm.s32 $0x180;
	s25 =	simm.s32 $0x400;
	[sflag:s15] =	ssyncadd.s32 $0xFFFFC000  }
.LBB2_2:
0x32: {  	[tilespmem:s20], [sflag:$0x2] =	stream.indirect.gather [hbm4b:s4+s18], $0x80, s26, s18, $0xb8;
	[tilespmem:$0x1E800] =	vst v63  }
0x33: {  	s26 =	smov.u32 s25  }
0x34: {  	p0 =	sne.s32 s25, $0x4800;
	s25 =	sadd.s32 $0x400, s25;
	_ =	swait.ge [sflag:s17], $0x4000  }
0x35: {  	s26 =	sshra.s32 s26, $0x2;
	[sflag:s17] =	ssyncset.done $0x0  }
0x36: {  	s28 =	sadd.s32 $0x1400, s26;
	[sflag:s17] =	ssyncadd.s32 $0xFFFFC000  }
0x37: {  	[spmem:s1] =	stream.indirect.scatter.add.f32 [tilespmem:s19], [sflag:$0x3], $0x80, s28, s18, $0xb8;
	[tilespmem:$0x1E800] =	vst v63  }
0x38: {  	_ =	swait.ge [sflag:s15], $0x4000  }
0x39: {  	[sflag:s15] =	ssyncset.done $0x0  }
0x3a: {  	s28 =	sadd.s32 $0x100, s26;
	[sflag:s15] =	ssyncadd.s32 $0xFFFFC000  }
0x3b: {  	[tilespmem:s19], [sflag:$0x1] =	stream.indirect.gather [hbm4b:s4+s18], $0x80, s28, s18, $0xb8;
	[tilespmem:$0x1E800] =	vst v63  }
0x3c: {  	_ =	swait.ge [sflag:s21], $0x4000  }
0x3d: {  	[sflag:s21] =	ssyncset.done $0x0  }
.Ltmp0:
0x3e: {  	s28 =	sadd.s32 $0x1480, s26;
	[sflag:s21] =	ssyncadd.s32 $0xFFFFC000;
	(pc) =	sbr.rel @p0 .LBB2_2-.Ltmp0, $4  }
0x3f: {  	[spmem:s1] =	stream.indirect.scatter.add.f32 [tilespmem:s20], [sflag:$0x3], $0x80, s28, s18, $0xb8;
	[tilespmem:$0x1E800] =	vst v63  }
0x40: {  	_ =	swait.ge [sflag:s15], $0x4000  }
0x41: {  	[sflag:s15] =	ssyncset.done $0x0  }
0x42: {  	s26 =	sadd.s32 $0x180, s26;
	[sflag:s15] =	ssyncadd.s32 $0xFFFFC000  }
0x43: {  	[tilespmem:s20], [sflag:$0x2] =	stream.indirect.gather [hbm4b:s4+s18], $0x80, s26, s18, $0xb8;
	[tilespmem:$0x1E800] =	vst v63  }
0x44: {  	_ =	swait.ge [sflag:s17], $0x4000  }
0x45: {  	[sflag:s17] =	ssyncset.done $0x0  }
0x46: {  	[sflag:s17] =	ssyncadd.s32 $0xFFFFC000  }
0x47: {  	[spmem:s1] =	stream.indirect.scatter.add.f32 [tilespmem:s19], [sflag:$0x3], $0x80, s22, s18, $0xb8;
	[tilespmem:$0x1E800] =	vst v63  }
0x48: {  	_ =	swait.ge [sflag:s15], $0x4000  }
0x49: {  	[sflag:s15] =	ssyncset.done $0x0  }
0x4a: {  	[sflag:s15] =	ssyncadd.s32 $0xFFFFC000  }
0x4b: {  	_ =	swait.ge [sflag:s21], $0x4000  }
0x4c: {  	[sflag:s21] =	ssyncset.done $0x0  }
0x4d: {  	[sflag:s21] =	ssyncadd.s32 $0xFFFFC000  }
0x4e: {  	[spmem:s1] =	stream.indirect.scatter.add.f32 [tilespmem:s20], [sflag:$0x3], $0x80, s23, s18, $0xb8;
	[tilespmem:$0x1E800] =	vst v63  }
0x4f: {  	_ =	swait.ge [sflag:s15], $0x4000  }
0x50: {  	[sflag:s15] =	ssyncset.done $0x0  }
0x51: {  	s25 =	simm.s32 $0x0;
	[sflag:s15] =	ssyncadd.s32 $0xFFFFC000  }
0x52: {  	[tilespmem:s25], [sflag:$0x3] =	stream.linear.gather [hbm4b:s10+s25], $0x1400, $0x38;
	[tilespmem:$0x1E800] =	vst v63  }
0x53: {  	_ =	swait.ge [sflag:s15], $0x1400  }
0x54: {  	[sflag:s15] =	ssyncset.done $0x0  }
0x55: {  	[sflag:s15] =	ssyncadd.s32 $0xFFFFEC00  }
0x56: {  	[tilespmem:s16], [sflag:$0x3] =	stream.linear.gather [hbm4b:s11+s25], $0x1400, $0x38;
	[tilespmem:$0x1E800] =	vst v63  }
0x57: {  	_ =	swait.ge [sflag:s15], $0x1400  }
0x58: {  	[sflag:s15] =	ssyncset.done $0x0  }
0x59: {  	[sflag:s15] =	ssyncadd.s32 $0xFFFFEC00  }
0x5a: {  	[tilespmem:s19], [sflag:$0x1] =	stream.indirect.gather [hbm4b:s4+s18], $0x80, s25, s18, $0xb8;
	[tilespmem:$0x1E800] =	vst v63  }
0x5b: {  	_ = 	snop  }
0x5c: {  	[tilespmem:s20], [sflag:$0x2] =	stream.indirect.gather [hbm4b:s4+s18], $0x80, s18, s18, $0xb8;
	[tilespmem:$0x1E800] =	vst v63  }
0x5d: {  	_ =	swait.ge [sflag:s17], $0x4000  }
0x5e: {  	[sflag:s17] =	ssyncset.done $0x0  }
0x5f: {  	s29 =	simm.s32 $0x1400;
	[sflag:s17] =	ssyncadd.s32 $0xFFFFC000  }
0x60: {  	[spmem:s1] =	stream.indirect.scatter.add.f32 [tilespmem:s19], [sflag:$0x3], $0x80, s29, s18, $0xb8;
	[tilespmem:$0x1E800] =	vst v63  }
0x61: {  	_ =	swait.ge [sflag:s15], $0x4000  }
0x62: {  	[sflag:s15] =	ssyncset.done $0x0  }
0x63: {  	s30 =	simm.s32 $0x100;
	[sflag:s15] =	ssyncadd.s32 $0xFFFFC000  }
0x64: {  	[tilespmem:s19], [sflag:$0x1] =	stream.indirect.gather [hbm4b:s4+s18], $0x80, s30, s18, $0xb8;
	[tilespmem:$0x1E800] =	vst v63  }
0x65: {  	_ =	swait.ge [sflag:s21], $0x4000  }
0x66: {  	[sflag:s21] =	ssyncset.done $0x0  }
0x67: {  	s31 =	simm.s32 $0x1480;
	[sflag:s21] =	ssyncadd.s32 $0xFFFFC000  }
0x68: {  	[spmem:s1] =	stream.indirect.scatter.add.f32 [tilespmem:s20], [sflag:$0x3], $0x80, s31, s18, $0xb8;
	[tilespmem:$0x1E800] =	vst v63  }
0x69: {  	_ =	swait.ge [sflag:s15], $0x4000  }
0x6a: {  	[sflag:s15] =	ssyncset.done $0x0  }
0x6b: {  	s26 =	simm.s32 $0x180;
	s25 =	simm.s32 $0x400;
	[sflag:s15] =	ssyncadd.s32 $0xFFFFC000  }
.LBB2_4:
0x6c: {  	[tilespmem:s20], [sflag:$0x2] =	stream.indirect.gather [hbm4b:s4+s18], $0x80, s26, s18, $0xb8;
	[tilespmem:$0x1E800] =	vst v63  }
0x6d: {  	s26 =	smov.u32 s25  }
0x6e: {  	p0 =	sne.s32 s25, $0x4800;
	s25 =	sadd.s32 $0x400, s25;
	_ =	swait.ge [sflag:s17], $0x4000  }
0x6f: {  	s26 =	sshra.s32 s26, $0x2;
	[sflag:s17] =	ssyncset.done $0x0  }
0x70: {  	s28 =	sadd.s32 $0x1400, s26;
	[sflag:s17] =	ssyncadd.s32 $0xFFFFC000  }
0x71: {  	[spmem:s1] =	stream.indirect.scatter.add.f32 [tilespmem:s19], [sflag:$0x3], $0x80, s28, s18, $0xb8;
	[tilespmem:$0x1E800] =	vst v63  }
0x72: {  	_ =	swait.ge [sflag:s15], $0x4000  }
0x73: {  	[sflag:s15] =	ssyncset.done $0x0  }
0x74: {  	s28 =	sadd.s32 $0x100, s26;
	[sflag:s15] =	ssyncadd.s32 $0xFFFFC000  }
0x75: {  	[tilespmem:s19], [sflag:$0x1] =	stream.indirect.gather [hbm4b:s4+s18], $0x80, s28, s18, $0xb8;
	[tilespmem:$0x1E800] =	vst v63  }
0x76: {  	_ =	swait.ge [sflag:s21], $0x4000  }
0x77: {  	[sflag:s21] =	ssyncset.done $0x0  }
.Ltmp1:
0x78: {  	s28 =	sadd.s32 $0x1480, s26;
	[sflag:s21] =	ssyncadd.s32 $0xFFFFC000;
	(pc) =	sbr.rel @p0 .LBB2_4-.Ltmp1, $4  }
0x79: {  	[spmem:s1] =	stream.indirect.scatter.add.f32 [tilespmem:s20], [sflag:$0x3], $0x80, s28, s18, $0xb8;
	[tilespmem:$0x1E800] =	vst v63  }
0x7a: {  	_ =	swait.ge [sflag:s15], $0x4000  }
0x7b: {  	[sflag:s15] =	ssyncset.done $0x0  }
0x7c: {  	s26 =	sadd.s32 $0x180, s26;
	[sflag:s15] =	ssyncadd.s32 $0xFFFFC000  }
0x7d: {  	[tilespmem:s20], [sflag:$0x2] =	stream.indirect.gather [hbm4b:s4+s18], $0x80, s26, s18, $0xb8;
	[tilespmem:$0x1E800] =	vst v63  }
0x7e: {  	_ =	swait.ge [sflag:s17], $0x4000  }
0x7f: {  	[sflag:s17] =	ssyncset.done $0x0  }
0x80: {  	[sflag:s17] =	ssyncadd.s32 $0xFFFFC000  }
0x81: {  	[spmem:s1] =	stream.indirect.scatter.add.f32 [tilespmem:s19], [sflag:$0x3], $0x80, s22, s18, $0xb8;
	[tilespmem:$0x1E800] =	vst v63  }
0x82: {  	_ =	swait.ge [sflag:s15], $0x4000  }
0x83: {  	[sflag:s15] =	ssyncset.done $0x0  }
0x84: {  	[sflag:s15] =	ssyncadd.s32 $0xFFFFC000  }
0x85: {  	_ =	swait.ge [sflag:s21], $0x4000  }
0x86: {  	[sflag:s21] =	ssyncset.done $0x0  }
0x87: {  	[sflag:s21] =	ssyncadd.s32 $0xFFFFC000  }
0x88: {  	[spmem:s1] =	stream.indirect.scatter.add.f32 [tilespmem:s20], [sflag:$0x3], $0x80, s23, s18, $0xb8;
	[tilespmem:$0x1E800] =	vst v63  }
0x89: {  	_ =	swait.ge [sflag:s15], $0x4000  }
0x8a: {  	s24 =	sadd.s32 $0x1, s24;
	[sflag:s15] =	ssyncset.done $0x0  }
0x8b: {  	p0 =	sne.s32 s24, s13;
	[sflag:s15] =	ssyncadd.s32 $0xFFFFC000  }
.Ltmp2:
0x8c: {  	s25 =	sor.u32 $0x1C03, s6;
	[bflag:$0x0] =	sbarrier.arrive $0xFFFF;
	(pc) =	sbr.rel @p0 .LBB2_1-.Ltmp2, $4  }
0x8d: {  	[hbm:s12], [sflag:s25] =	dma.local [spmem:s14], $0x2800  }
0x8e: {  	_ =	swait.ge [sflag:s15], $0x2800  }
0x8f: {  	[sflag:s15] =	ssyncset.done $0x0  }
0x90: {  	[sflag:s15] =	ssyncadd.s32 $0xFFFFD800  }
0x91: {  	_ =	sfence.sel $0x180000  }
0x92: {  	[bflag:$0x0] =	sbarrier.arrive $0xFFFF  }
0x93: {  	p0 =	sne.s32 s2, $0x0;
	_ =	strace $0x90000053  }
0x94: {  	s0 =	sadd.s32 @!p0 $0x100000, s0;
	[bflag:$0x2] =	sbarrier.arrive $0xFFFF  }
0x95: {  	[sflag:s0] =	ssyncadd.tile.s32 @!p0 $0x1;
	_ =	shalt  }
.Lfunc_end2:
_tile_overlayer_lowered:
.L_overlay_start_2:
0x96: {  	(tag) =	ssettag $0x2  }
0x97: {  	s0 =	rddreg [dreg:$0x0];
	s2 =	stileid.u32  }
0x98: {  	s1 =	rddreg [dreg:$0x1];
	p0 =	sne.s32 s2, $0x0  }
0x99: {  	s3 =	rddreg [dreg:$0x2];
	[bflag:$0x3] =	sbarrier.arrive $0xFFFF;
	s2 =	simm.s32 @!p0 $0x1C03  }
0x9a: {  	[timem:s3], [sflag:s2] =	dma.local @!p0 [hbm:s0], s1  }
0x9b: {  	s0 =	simm.s32 @!p0 $0x3  }
0x9c: {  	_ =	swait.ge @!p0 [sflag:s0], s1  }
0x9d: {  	s1 =	ssub.s32 @!p0 $0x0, s1;
	[sflag:s0] =	ssyncset.done @!p0 $0x0  }
0x9e: {  	[sflag:s0] =	ssyncadd.s32 @!p0 s1  }
0x9f: {  	[bflag:$0x3] =	sbarrier.arrive $0xFFFF  }
0xa0: {  	_ =	shalt  }

</sc_bundles>
